<compile_context>
chip_gen: v7x
topology: tpu7x:2x2x1
jax: 0.10.2.dev20260603
libtpu: 0.0.44.dev20260713+nightly
codegen_flags: <defaults>
</compile_context>

<pallas_src>
import jax
import jax.numpy as jnp
from jax import lax
from jax.experimental import pallas as pl
from jax.experimental.pallas import tpu as pltpu
from jax.experimental.pallas import tpu_sc as plsc

_N = 10000
_E = 320000
_DH = 128
_NCLS = 40
_D2P = 48
_DDEG = 8
_CHUNK = 128
_NW = 32
_NTILE = 16
_RPT = 624
_TAIL0 = _RPT * _NTILE
_TAIL = _N - _TAIL0
_BR = 1000
_NJ = 80
_EPAD = _NW * _NJ * _CHUNK
_NDUMMY = 16
_NZ = _N + _NDUMMY
_SC_PARAMS = pltpu.CompilerParams(use_tc_tiling_on_sc=False)


def _pad_edges(src, dst):
    pad = _EPAD - _E
    fill = (jnp.arange(pad, dtype=jnp.int32) % _NDUMMY)
    src_p = jnp.concatenate([src, fill])
    dst_p = jnp.concatenate([dst, fill + _N])
    return src_p, dst_p


def _acc_zero_prologue(zeros_hbm, acc, sid):
    r0 = sid * _RPT
    pltpu.sync_copy(zeros_hbm.at[pl.ds(r0, _RPT)], acc.at[pl.ds(r0, _RPT)])

    @pl.when(sid == _NTILE - 1)
    def _():
        pltpu.sync_copy(zeros_hbm.at[pl.ds(_TAIL0, _NZ - _TAIL0)],
                        acc.at[pl.ds(_TAIL0, _NZ - _TAIL0)])


def _acc_flush_epilogue(acc, out_hbm, cid, sid):
    r0 = sid * _RPT
    pltpu.sync_copy(acc.at[pl.ds(r0, _RPT)], out_hbm.at[cid, pl.ds(r0, _RPT)])

    @pl.when(sid == _NTILE - 1)
    def _():
        pltpu.sync_copy(acc.at[pl.ds(_TAIL0, _TAIL)],
                        out_hbm.at[cid, pl.ds(_TAIL0, _TAIL)])


def _edge_loop(table, idx_s, idx_d, rows, gsems, ssems, acc, ng, k):

    def group(i, carry):
        gh = []
        for b in range(k):
            j = i * k + b

            @pl.when(i > 0)
            def _(b=b):
                pltpu.make_async_copy(
                    rows.at[b], acc.at[idx_d.at[0]], ssems.at[b]).wait()

            gh.append(pltpu.async_copy(
                table.at[idx_s.at[j]], rows.at[b], gsems.at[b]))
        for b in range(k):
            j = i * k + b
            gh[b].wait()
            pltpu.async_copy(rows.at[b], acc.at[idx_d.at[j]], ssems.at[b],
                             add=True)
        return carry

    lax.fori_loop(0, ng, group, 0)
    for b in range(k):
        pltpu.make_async_copy(rows.at[b], acc.at[idx_d.at[0]],
                              ssems.at[b]).wait()


_NJ_BIG = 88
_NJ_SMALL = 72


def _sc_scatter_add(vals, srcp, dstp, d, dtype=jnp.float32):
    mesh = plsc.VectorSubcoreMesh(core_axis_name="c", subcore_axis_name="s")
    zeros = jnp.zeros((_NZ, d), dtype)
    stage = d <= _D2P
    k = 8
    nj_buf = _NJ if stage else _NJ_BIG

    def body(vals_hbm, src_hbm, dst_hbm, zeros_hbm, out_hbm,
             idx_s, idx_d, rows, gsems, ssems, acc, *maybe_sp):
        cid = lax.axis_index("c")
        sid = lax.axis_index("s")
        _acc_zero_prologue(zeros_hbm, acc, sid)
        if stage:
            wid = sid * 2 + cid
            pltpu.sync_copy(src_hbm.at[wid], idx_s)
            pltpu.sync_copy(dst_hbm.at[wid], idx_d)
            vals_sp = maybe_sp[0]
            r0 = sid * _RPT
            pltpu.sync_copy(vals_hbm.at[pl.ds(r0, _RPT)],
                            vals_sp.at[pl.ds(r0, _RPT)])

            @pl.when(sid == _NTILE - 1)
            def _():
                pltpu.sync_copy(vals_hbm.at[pl.ds(_TAIL0, _TAIL)],
                                vals_sp.at[pl.ds(_TAIL0, _TAIL)])

            table = vals_sp
            ng = _NJ // k
        else:
            @pl.when(cid == 0)
            def _():
                s0 = sid * _NJ_BIG
                pltpu.sync_copy(src_hbm.at[pl.ds(s0, _NJ_BIG)], idx_s)
                pltpu.sync_copy(dst_hbm.at[pl.ds(s0, _NJ_BIG)], idx_d)

            @pl.when(cid == 1)
            def _():
                s0 = _NTILE * _NJ_BIG + sid * _NJ_SMALL
                pltpu.sync_copy(src_hbm.at[pl.ds(s0, _NJ_SMALL)],
                                idx_s.at[pl.ds(0, _NJ_SMALL)])
                pltpu.sync_copy(dst_hbm.at[pl.ds(s0, _NJ_SMALL)],
                                idx_d.at[pl.ds(0, _NJ_SMALL)])

            table = vals_hbm
            ng = jnp.where(cid == 0, _NJ_BIG // k, _NJ_SMALL // k)
        plsc.subcore_barrier()
        _edge_loop(table, idx_s, idx_d, rows, gsems, ssems, acc, ng, k)
        plsc.subcore_barrier()
        _acc_flush_epilogue(acc, out_hbm, cid, sid)

    scratch = [
        pltpu.VMEM((nj_buf, _CHUNK), jnp.int32),
        pltpu.VMEM((nj_buf, _CHUNK), jnp.int32),
        pltpu.VMEM((k, _CHUNK, d), dtype),
        pltpu.SemaphoreType.DMA((k,)),
        pltpu.SemaphoreType.DMA((k,)),
        pltpu.VMEM_SHARED((_NZ, d), dtype),
    ]
    if stage:
        scratch.append(pltpu.VMEM_SHARED((_N, d), dtype))
    f = pl.kernel(
        body,
        mesh=mesh,
        out_type=jax.ShapeDtypeStruct((2, _N, d), dtype),
        scratch_types=scratch,
        compiler_params=_SC_PARAMS,
    )
    return f(vals, srcp, dstp, zeros)


def _sc_degree(dstp):
    mesh = plsc.VectorSubcoreMesh(core_axis_name="c", subcore_axis_name="s")
    d = _DDEG
    zeros = jnp.zeros((_NZ, d), jnp.float32)
    ones = jnp.ones((_CHUNK, d), jnp.float32)

    def body(ones_hbm, dst_hbm, zeros_hbm, out_hbm, idx_d, ones_v, sem, acc):
        cid = lax.axis_index("c")
        sid = lax.axis_index("s")
        wid = sid * 2 + cid
        _acc_zero_prologue(zeros_hbm, acc, sid)
        pltpu.sync_copy(ones_hbm, ones_v)
        pltpu.sync_copy(dst_hbm.at[wid], idx_d)
        plsc.subcore_barrier()

        def step(j, carry):
            pltpu.async_copy(ones_v, acc.at[idx_d.at[j]], sem, add=True)
            return carry

        lax.fori_loop(0, _NJ, step, 0)

        def drain(j, carry):
            pltpu.make_async_copy(ones_v, acc.at[idx_d.at[0]], sem).wait()
            return carry

        lax.fori_loop(0, _NJ, drain, 0)
        plsc.subcore_barrier()
        _acc_flush_epilogue(acc, out_hbm, cid, sid)

    f = pl.kernel(
        body,
        mesh=mesh,
        out_type=jax.ShapeDtypeStruct((2, _N, d), jnp.float32),
        scratch_types=[
            pltpu.VMEM((_NJ, _CHUNK), jnp.int32),
            pltpu.VMEM((_CHUNK, d), jnp.float32),
            pltpu.SemaphoreType.DMA,
            pltpu.VMEM_SHARED((_NZ, d), jnp.float32),
        ],
        compiler_params=_SC_PARAMS,
    )
    return f(ones, dstp, zeros)


def _tc_layer1f(x, W1, degp):
    grid = (_N // _BR,)

    def body(x_ref, w_ref, dg_ref, hb_ref, dv_ref):
        dg = dg_ref[...]
        deg = dg[0, :, 0:1] + dg[1, :, 0:1] + 1.0
        dinv = lax.rsqrt(jnp.maximum(deg, 1.0))
        h = jnp.dot(x_ref[...], w_ref[...], preferred_element_type=jnp.float32)
        hb_ref[...] = (h * dinv).astype(jnp.bfloat16)
        dv_ref[...] = jnp.broadcast_to(dinv, (_BR, _DDEG))

    return pl.pallas_call(
        body,
        grid=grid,
        in_specs=[
            pl.BlockSpec((_BR, _DH), lambda i: (i, 0)),
            pl.BlockSpec((_DH, _DH), lambda i: (0, 0)),
            pl.BlockSpec((2, _BR, _DDEG), lambda i: (0, i, 0)),
        ],
        out_specs=[
            pl.BlockSpec((_BR, _DH), lambda i: (i, 0)),
            pl.BlockSpec((_BR, _DDEG), lambda i: (i, 0)),
        ],
        out_shape=[
            jax.ShapeDtypeStruct((_N, _DH), jnp.bfloat16),
            jax.ShapeDtypeStruct((_N, _DDEG), jnp.float32),
        ],
    )(x, W1, degp)


def _tc_layer2(agg1, h1p, dinv8, b1, W2p):
    grid = (_N // _BR,)

    def body(agg_ref, h_ref, dv_ref, b_ref, w_ref, out_ref):
        dinv = dv_ref[...][:, 0:1]
        agg = agg_ref[...].astype(jnp.float32)
        h = h_ref[...].astype(jnp.float32)
        o1 = dinv * (agg[0] + agg[1] + h) + b_ref[...]
        x2 = jnp.maximum(o1, 0.0)
        u = jnp.dot(x2, w_ref[...], preferred_element_type=jnp.float32)
        out_ref[...] = (u * dinv).astype(jnp.bfloat16)

    return pl.pallas_call(
        body,
        grid=grid,
        in_specs=[
            pl.BlockSpec((2, _BR, _DH), lambda i: (0, i, 0)),
            pl.BlockSpec((_BR, _DH), lambda i: (i, 0)),
            pl.BlockSpec((_BR, _DDEG), lambda i: (i, 0)),
            pl.BlockSpec((1, _DH), lambda i: (0, 0)),
            pl.BlockSpec((_DH, _D2P), lambda i: (0, 0)),
        ],
        out_specs=pl.BlockSpec((_BR, _D2P), lambda i: (i, 0)),
        out_shape=jax.ShapeDtypeStruct((_N, _D2P), jnp.bfloat16),
    )(agg1, h1p, dinv8, b1, W2p)


def _tc_layer3(agg2, up, dinv8, b2p):
    grid = (_N // _BR,)

    def body(agg_ref, u_ref, dv_ref, b_ref, out_ref):
        dinv = dv_ref[...][:, 0:1]
        agg = agg_ref[...].astype(jnp.float32)
        u = u_ref[...].astype(jnp.float32)
        o2 = dinv * (agg[0] + agg[1] + u) + b_ref[...]
        col = lax.broadcasted_iota(jnp.int32, (_BR, _D2P), 1)
        real = col < _NCLS
        m = jnp.max(jnp.where(real, o2, -jnp.inf), axis=1, keepdims=True)
        e = jnp.where(real, jnp.exp(o2 - m), 0.0)
        s = jnp.sum(e, axis=1, keepdims=True)
        out_ref[...] = (o2 - m - jnp.log(s))[:, :_NCLS]

    return pl.pallas_call(
        body,
        grid=grid,
        in_specs=[
            pl.BlockSpec((2, _BR, _D2P), lambda i: (0, i, 0)),
            pl.BlockSpec((_BR, _D2P), lambda i: (i, 0)),
            pl.BlockSpec((_BR, _DDEG), lambda i: (i, 0)),
            pl.BlockSpec((1, _D2P), lambda i: (0, 0)),
        ],
        out_specs=pl.BlockSpec((_BR, _NCLS), lambda i: (i, 0)),
        out_shape=jax.ShapeDtypeStruct((_N, _NCLS), jnp.float32),
    )(agg2, up, dinv8, b2p)


def kernel(x, edge_index, W1, b1, W2, b2):
    ei = edge_index.astype(jnp.int32)
    src_f, dst_f = _pad_edges(ei[0], ei[1])
    srcp = src_f.reshape(_NW, _NJ, _CHUNK)
    dstp = dst_f.reshape(_NW, _NJ, _CHUNK)

    degp = _sc_degree(dstp)
    h1b, dinv8 = _tc_layer1f(x, W1, degp)
    srcc = src_f.reshape(_EPAD // _CHUNK, _CHUNK)
    dstc = dst_f.reshape(_EPAD // _CHUNK, _CHUNK)
    agg1 = _sc_scatter_add(h1b, srcc, dstc, _DH, jnp.bfloat16)

    W2p = jnp.pad(W2, ((0, 0), (0, _D2P - _NCLS)))
    up = _tc_layer2(agg1, h1b, dinv8, b1.reshape(1, _DH), W2p)
    agg2 = _sc_scatter_add(up, srcp, dstp, _D2P, jnp.bfloat16)

    b2p = jnp.concatenate(
        [b2, jnp.full((_D2P - _NCLS,), -1e30, jnp.float32)]).reshape(1, _D2P)
    return _tc_layer3(agg2, up, dinv8, b2p)

# --- scband reference (transcript-rebuilt; emitter-appended) ---
"""Pipeline reference for scband-gnn-21174188769778 (READ-ONLY COPY).

The authoritative reference and input builder live on the scoring server;
editing this copy changes nothing except your own understanding.
"""

import jax, jax.numpy as jnp
import numpy as np

N_NODES = 10000
D_FEAT = 128
D_HIDDEN = 128
N_CLASSES = 40
N_EDGES = 320000


def gcn_conv(x, edge_index, W, b):
    # Faithful GCNConv: add self-loops, symmetric degree normalization,
    # linear transform, scatter-add aggregation, bias.
    N = x.shape[0]
    src = edge_index[0]
    dst = edge_index[1]
    loop = jnp.arange(N, dtype=src.dtype)
    src = jnp.concatenate([src, loop])
    dst = jnp.concatenate([dst, loop])
    deg = jnp.zeros((N,), dtype=x.dtype).at[dst].add(1.0)
    dinv = 1.0 / jnp.sqrt(jnp.clip(deg, 1.0))
    norm = dinv[src] * dinv[dst]
    h = x @ W
    msg = h[src] * norm[:, None]
    out = jnp.zeros((N, W.shape[1]), dtype=x.dtype).at[dst].add(msg)
    return out + b


def setup_inputs(seed: int = 0) -> dict:
    key = jax.random.key(seed)
    k_x, k_ei, k_w1, k_b1, k_w2, k_b2 = jax.random.split(key, 6)
    x = jax.random.normal(k_x, (N_NODES, D_FEAT), dtype=jnp.float32)
    edge_index = jax.random.randint(k_ei, (2, N_EDGES), 0, N_NODES, dtype=jnp.int64)
    s1 = 1.0 / np.sqrt(D_FEAT)
    s2 = 1.0 / np.sqrt(D_HIDDEN)
    W1 = jax.random.uniform(k_w1, (D_FEAT, D_HIDDEN), dtype=jnp.float32, minval=-s1, maxval=s1)
    b1 = jax.random.uniform(k_b1, (D_HIDDEN,), dtype=jnp.float32, minval=-s1, maxval=s1)
    W2 = jax.random.uniform(k_w2, (D_HIDDEN, N_CLASSES), dtype=jnp.float32, minval=-s2, maxval=s2)
    b2 = jax.random.uniform(k_b2, (N_CLASSES,), dtype=jnp.float32, minval=-s2, maxval=s2)
    return {"x": x, "edge_index": edge_index, "W1": W1, "b1": b1, "W2": W2, "b2": b2}


def reference(x, edge_index, W1, b1, W2, b2):
    h = gcn_conv(x, edge_index, W1, b1)
    h = jax.nn.relu(h)
    h = gcn_conv(h, edge_index, W2, b2)
    return jax.nn.log_softmax(h, axis=1)

if __name__ == "__main__":
    import jax
    _d = setup_inputs()
    print(jax.jit(kernel)(*tuple(_d.values())))

</pallas_src>

<mosaic_0001>
#map = affine_map<(d0, d1) -> (0, 0)>
#map1 = affine_map<(d0, d1) -> (0, 0, 0)>
module attributes {stable_mosaic.version = 14 : i64} {
  func.func @body(%arg0: i32, %arg1: i32, %arg2: memref<128x8xf32, #tpu.memory_space<hbm>>, %arg3: memref<32x80x128xi32, #tpu.memory_space<hbm>>, %arg4: memref<10016x8xf32, #tpu.memory_space<hbm>>, %arg5: memref<2x10000x8xf32, #tpu.memory_space<hbm>>, %arg6: memref<80x128xi32, #tpu.memory_space<vmem>>, %arg7: memref<128x8xf32, #tpu.memory_space<vmem>>, %arg8: memref<!tpu.dma_semaphore, #tpu.memory_space<semaphore_mem>>, %arg9: memref<10016x8xf32, #tpu.memory_space<vmem_shared>>) attributes {dimension_semantics = [#tpu.dimension_semantics<core_parallel>, #tpu.dimension_semantics<subcore_parallel>], iteration_bounds = array<i64: 2, 16>, scalar_prefetch = 0 : i64, scratch_operands = 4 : i64, tpu.core_type = #tpu.core_type<sc_vector_subcore>, window_params = [{transform_indices = #map}, {transform_indices = #map1}, {transform_indices = #map}, {transform_indices = #map1}]} {
    %mul3A = arith.constant 2 : i32
    %mul3A_0 = arith.muli %arg1, %mul3A : i32
    %add3A = arith.addi %mul3A_0, %arg0 : i32
    %mul3A_1 = arith.constant 624 : i32
    %mul3A_2 = arith.muli %arg1, %mul3A_1 : i32
    "tpu.region"() ({
      %run_scoped3A = tpu.sem_alloc : memref<!tpu.dma_semaphore, #tpu.memory_space<semaphore_mem>>
      %dma_start3A = arith.constant 0 : i32
      %dma_start3A_24 = tpu.memref_slice %arg9[%mul3A_2, %dma_start3A] : memref<10016x8xf32, #tpu.memory_space<vmem_shared>> -> memref<624x8xf32, #tpu.memory_space<vmem_shared>>
      %dma_start3A_25 = arith.constant 0 : i32
      %dma_start3A_26 = tpu.memref_slice %arg4[%mul3A_2, %dma_start3A_25] : memref<10016x8xf32, #tpu.memory_space<hbm>> -> memref<624x8xf32, #tpu.memory_space<hbm>>
      tpu.enqueue_dma source(%dma_start3A_26 : memref<624x8xf32, #tpu.memory_space<hbm>>) target(%dma_start3A_24 : memref<624x8xf32, #tpu.memory_space<vmem_shared>>) target_semaphore(%run_scoped3A : memref<!tpu.dma_semaphore, #tpu.memory_space<semaphore_mem>>)
      %dma_wait3A = arith.constant 0 : i32
      %dma_wait3A_27 = tpu.memref_slice %arg9[%mul3A_2, %dma_wait3A] : memref<10016x8xf32, #tpu.memory_space<vmem_shared>> -> memref<624x8xf32, #tpu.memory_space<vmem_shared>>
      %dma_wait3A_28 = arith.constant 0 : i32
      %dma_wait3A_29 = tpu.memref_slice %arg4[%mul3A_2, %dma_wait3A_28] : memref<10016x8xf32, #tpu.memory_space<hbm>> -> memref<624x8xf32, #tpu.memory_space<hbm>>
      tpu.wait_dma2 semaphore(%run_scoped3A : memref<!tpu.dma_semaphore, #tpu.memory_space<semaphore_mem>>) src(%dma_wait3A_29 : memref<624x8xf32, #tpu.memory_space<hbm>>) dst(%dma_wait3A_27 : memref<624x8xf32, #tpu.memory_space<vmem_shared>>)
      tpu.yield
    }) : () -> ()
    %eq3A = arith.constant 15 : i32
    %eq3A_3 = arith.cmpi eq, %arg1, %eq3A : i32
    %convert_element_type3A = arith.extui %eq3A_3 : i1 to i32
    %cond3A = arith.constant 0 : i32
    %cond3A_4 = arith.cmpi ne, %convert_element_type3A, %cond3A : i32
    scf.if %cond3A_4 {
      "tpu.region"() ({
        %run_scoped3A = tpu.sem_alloc : memref<!tpu.dma_semaphore, #tpu.memory_space<semaphore_mem>>
        %dma_start3A = arith.constant 9984 : i32
        %dma_start3A_24 = arith.constant 0 : i32
        %dma_start3A_25 = tpu.memref_slice %arg9[%dma_start3A, %dma_start3A_24] : memref<10016x8xf32, #tpu.memory_space<vmem_shared>> -> memref<32x8xf32, #tpu.memory_space<vmem_shared>>
        %dma_start3A_26 = arith.constant 9984 : i32
        %dma_start3A_27 = arith.constant 0 : i32
        %dma_start3A_28 = tpu.memref_slice %arg4[%dma_start3A_26, %dma_start3A_27] : memref<10016x8xf32, #tpu.memory_space<hbm>> -> memref<32x8xf32, #tpu.memory_space<hbm>>
        tpu.enqueue_dma source(%dma_start3A_28 : memref<32x8xf32, #tpu.memory_space<hbm>>) target(%dma_start3A_25 : memref<32x8xf32, #tpu.memory_space<vmem_shared>>) target_semaphore(%run_scoped3A : memref<!tpu.dma_semaphore, #tpu.memory_space<semaphore_mem>>)
        %dma_wait3A = arith.constant 9984 : i32
        %dma_wait3A_29 = arith.constant 0 : i32
        %dma_wait3A_30 = tpu.memref_slice %arg9[%dma_wait3A, %dma_wait3A_29] : memref<10016x8xf32, #tpu.memory_space<vmem_shared>> -> memref<32x8xf32, #tpu.memory_space<vmem_shared>>
        %dma_wait3A_31 = arith.constant 9984 : i32
        %dma_wait3A_32 = arith.constant 0 : i32
        %dma_wait3A_33 = tpu.memref_slice %arg4[%dma_wait3A_31, %dma_wait3A_32] : memref<10016x8xf32, #tpu.memory_space<hbm>> -> memref<32x8xf32, #tpu.memory_space<hbm>>
        tpu.wait_dma2 semaphore(%run_scoped3A : memref<!tpu.dma_semaphore, #tpu.memory_space<semaphore_mem>>) src(%dma_wait3A_33 : memref<32x8xf32, #tpu.memory_space<hbm>>) dst(%dma_wait3A_30 : memref<32x8xf32, #tpu.memory_space<vmem_shared>>)
        tpu.yield
      }) : () -> ()
    } else {
    }
    "tpu.region"() ({
      %run_scoped3A = tpu.sem_alloc : memref<!tpu.dma_semaphore, #tpu.memory_space<semaphore_mem>>
      tpu.enqueue_dma source(%arg2 : memref<128x8xf32, #tpu.memory_space<hbm>>) target(%arg7 : memref<128x8xf32, #tpu.memory_space<vmem>>) target_semaphore(%run_scoped3A : memref<!tpu.dma_semaphore, #tpu.memory_space<semaphore_mem>>)
      tpu.wait_dma2 semaphore(%run_scoped3A : memref<!tpu.dma_semaphore, #tpu.memory_space<semaphore_mem>>) src(%arg2 : memref<128x8xf32, #tpu.memory_space<hbm>>) dst(%arg7 : memref<128x8xf32, #tpu.memory_space<vmem>>)
      tpu.yield
    }) : () -> ()
    "tpu.region"() ({
      %run_scoped3A = tpu.sem_alloc : memref<!tpu.dma_semaphore, #tpu.memory_space<semaphore_mem>>
      %dma_start3A = arith.constant 0 : i32
      %dma_start3A_24 = arith.constant 0 : i32
      %dma_start3A_25 = tpu.memref_slice %arg3[%add3A, %dma_start3A, %dma_start3A_24] : memref<32x80x128xi32, #tpu.memory_space<hbm>> -> memref<1x80x128xi32, #tpu.memory_space<hbm>>
      %dma_start3A_26 = tpu.memref_squeeze %dma_start3A_25 : memref<1x80x128xi32, #tpu.memory_space<hbm>> -> memref<80x128xi32, #tpu.memory_space<hbm>>
      %dma_start3A_27 = arith.constant 0 : i32
      %dma_start3A_28 = arith.constant 0 : i32
      %dma_start3A_29 = tpu.memref_slice %arg3[%add3A, %dma_start3A_27, %dma_start3A_28] : memref<32x80x128xi32, #tpu.memory_space<hbm>> -> memref<1x80x128xi32, #tpu.memory_space<hbm>>
      %dma_start3A_30 = tpu.memref_squeeze %dma_start3A_29 : memref<1x80x128xi32, #tpu.memory_space<hbm>> -> memref<80x128xi32, #tpu.memory_space<hbm>>
      tpu.enqueue_dma source(%dma_start3A_30 : memref<80x128xi32, #tpu.memory_space<hbm>>) target(%arg6 : memref<80x128xi32, #tpu.memory_space<vmem>>) target_semaphore(%run_scoped3A : memref<!tpu.dma_semaphore, #tpu.memory_space<semaphore_mem>>)
      %dma_wait3A = arith.constant 0 : i32
      %dma_wait3A_31 = arith.constant 0 : i32
      %dma_wait3A_32 = tpu.memref_slice %arg3[%add3A, %dma_wait3A, %dma_wait3A_31] : memref<32x80x128xi32, #tpu.memory_space<hbm>> -> memref<1x80x128xi32, #tpu.memory_space<hbm>>
      %dma_wait3A_33 = tpu.memref_squeeze %dma_wait3A_32 : memref<1x80x128xi32, #tpu.memory_space<hbm>> -> memref<80x128xi32, #tpu.memory_space<hbm>>
      %dma_wait3A_34 = arith.constant 0 : i32
      %dma_wait3A_35 = arith.constant 0 : i32
      %dma_wait3A_36 = tpu.memref_slice %arg3[%add3A, %dma_wait3A_34, %dma_wait3A_35] : memref<32x80x128xi32, #tpu.memory_space<hbm>> -> memref<1x80x128xi32, #tpu.memory_space<hbm>>
      %dma_wait3A_37 = tpu.memref_squeeze %dma_wait3A_36 : memref<1x80x128xi32, #tpu.memory_space<hbm>> -> memref<80x128xi32, #tpu.memory_space<hbm>>
      tpu.wait_dma2 semaphore(%run_scoped3A : memref<!tpu.dma_semaphore, #tpu.memory_space<semaphore_mem>>) src(%dma_wait3A_37 : memref<80x128xi32, #tpu.memory_space<hbm>>) dst(%arg6 : memref<80x128xi32, #tpu.memory_space<vmem>>)
      tpu.yield
    }) : () -> ()
    %barrier3A = arith.constant 0 : index
    tpu.barrier barrier_id(%barrier3A)
    %scan3A = arith.constant 0 : i32
    %scan3A_5 = arith.constant 0 : i32
    %scan3A_6 = arith.constant 80 : i32
    %scan3A_7 = arith.addi %scan3A_5, %scan3A_6 : i32
    %scan3A_8 = arith.constant 1 : i32
    scf.for %scan3A_24 = %scan3A_5 to %scan3A_7 step %scan3A_8  : i32 {
      %dma_start3A = arith.constant 0 : i32
      %dma_start3A_25 = tpu.memref_slice %arg6[%scan3A_24, %dma_start3A] : memref<80x128xi32, #tpu.memory_space<vmem>> -> memref<1x128xi32, #tpu.memory_space<vmem>>
      %dma_start3A_26 = tpu.memref_squeeze %dma_start3A_25 : memref<1x128xi32, #tpu.memory_space<vmem>> -> memref<128xi32, #tpu.memory_space<vmem>>
      %dma_start3A_27 = arith.constant 0 : i32
      %dma_start3A_28 = arith.constant 0 : i32
      %dma_start3A_29 = tpu.memref_slice %arg9[%dma_start3A_27, %dma_start3A_28] : memref<10016x8xf32, #tpu.memory_space<vmem_shared>> -> memref<10016x8xf32, #tpu.memory_space<vmem_shared>>
      tpu.enqueue_indirect_dma source(%arg7 : memref<128x8xf32, #tpu.memory_space<vmem>>) target(%dma_start3A_29 : memref<10016x8xf32, #tpu.memory_space<vmem_shared>>) offsets(%dma_start3A_26 : memref<128xi32, #tpu.memory_space<vmem>>) semaphore(%arg8 : memref<!tpu.dma_semaphore, #tpu.memory_space<semaphore_mem>>) {add = true}
    }
    %scan3A_9 = arith.constant 80 : i32
    %scan3A_10 = arith.constant 0 : i32
    %scan3A_11 = arith.constant 0 : i32
    %scan3A_12 = arith.constant 80 : i32
    %scan3A_13 = arith.addi %scan3A_11, %scan3A_12 : i32
    %scan3A_14 = arith.constant 1 : i32
    scf.for %scan3A_24 = %scan3A_11 to %scan3A_13 step %scan3A_14  : i32 {
      %dma_wait3A = arith.constant 0 : i32
      %dma_wait3A_25 = arith.constant 0 : i32
      %dma_wait3A_26 = tpu.memref_slice %arg6[%dma_wait3A, %dma_wait3A_25] : memref<80x128xi32, #tpu.memory_space<vmem>> -> memref<1x128xi32, #tpu.memory_space<vmem>>
      %dma_wait3A_27 = tpu.memref_squeeze %dma_wait3A_26 : memref<1x128xi32, #tpu.memory_space<vmem>> -> memref<128xi32, #tpu.memory_space<vmem>>
      %dma_wait3A_28 = arith.constant 0 : i32
      %dma_wait3A_29 = arith.constant 0 : i32
      %dma_wait3A_30 = tpu.memref_slice %arg9[%dma_wait3A_28, %dma_wait3A_29] : memref<10016x8xf32, #tpu.memory_space<vmem_shared>> -> memref<10016x8xf32, #tpu.memory_space<vmem_shared>>
      tpu.wait_indirect_dma semaphore(%arg8 : memref<!tpu.dma_semaphore, #tpu.memory_space<semaphore_mem>>) src(%arg7 : memref<128x8xf32, #tpu.memory_space<vmem>>) dst(%dma_wait3A_30 : memref<10016x8xf32, #tpu.memory_space<vmem_shared>>)
    }
    %scan3A_15 = arith.constant 80 : i32
    %barrier3A_16 = arith.constant 0 : index
    tpu.barrier barrier_id(%barrier3A_16)
    %mul3A_17 = arith.constant 624 : i32
    %mul3A_18 = arith.muli %arg1, %mul3A_17 : i32
    "tpu.region"() ({
      %run_scoped3A = tpu.sem_alloc : memref<!tpu.dma_semaphore, #tpu.memory_space<semaphore_mem>>
      %dma_start3A = arith.constant 0 : i32
      %dma_start3A_24 = tpu.memref_slice %arg5[%arg0, %mul3A_18, %dma_start3A] : memref<2x10000x8xf32, #tpu.memory_space<hbm>> -> memref<1x624x8xf32, #tpu.memory_space<hbm>>
      %dma_start3A_25 = tpu.memref_squeeze %dma_start3A_24 : memref<1x624x8xf32, #tpu.memory_space<hbm>> -> memref<624x8xf32, #tpu.memory_space<hbm>>
      %dma_start3A_26 = arith.constant 0 : i32
      %dma_start3A_27 = tpu.memref_slice %arg9[%mul3A_18, %dma_start3A_26] : memref<10016x8xf32, #tpu.memory_space<vmem_shared>> -> memref<624x8xf32, #tpu.memory_space<vmem_shared>>
      tpu.enqueue_dma source(%dma_start3A_27 : memref<624x8xf32, #tpu.memory_space<vmem_shared>>) target(%dma_start3A_25 : memref<624x8xf32, #tpu.memory_space<hbm>>) target_semaphore(%run_scoped3A : memref<!tpu.dma_semaphore, #tpu.memory_space<semaphore_mem>>)
      %dma_wait3A = arith.constant 0 : i32
      %dma_wait3A_28 = tpu.memref_slice %arg5[%arg0, %mul3A_18, %dma_wait3A] : memref<2x10000x8xf32, #tpu.memory_space<hbm>> -> memref<1x624x8xf32, #tpu.memory_space<hbm>>
      %dma_wait3A_29 = tpu.memref_squeeze %dma_wait3A_28 : memref<1x624x8xf32, #tpu.memory_space<hbm>> -> memref<624x8xf32, #tpu.memory_space<hbm>>
      %dma_wait3A_30 = arith.constant 0 : i32
      %dma_wait3A_31 = tpu.memref_slice %arg9[%mul3A_18, %dma_wait3A_30] : memref<10016x8xf32, #tpu.memory_space<vmem_shared>> -> memref<624x8xf32, #tpu.memory_space<vmem_shared>>
      tpu.wait_dma2 semaphore(%run_scoped3A : memref<!tpu.dma_semaphore, #tpu.memory_space<semaphore_mem>>) src(%dma_wait3A_31 : memref<624x8xf32, #tpu.memory_space<vmem_shared>>) dst(%dma_wait3A_29 : memref<624x8xf32, #tpu.memory_space<hbm>>)
      tpu.yield
    }) : () -> ()
    %eq3A_19 = arith.constant 15 : i32
    %eq3A_20 = arith.cmpi eq, %arg1, %eq3A_19 : i32
    %convert_element_type3A_21 = arith.extui %eq3A_20 : i1 to i32
    %cond3A_22 = arith.constant 0 : i32
    %cond3A_23 = arith.cmpi ne, %convert_element_type3A_21, %cond3A_22 : i32
    scf.if %cond3A_23 {
      "tpu.region"() ({
        %run_scoped3A = tpu.sem_alloc : memref<!tpu.dma_semaphore, #tpu.memory_space<semaphore_mem>>
        %dma_start3A = arith.constant 9984 : i32
        %dma_start3A_24 = arith.constant 0 : i32
        %dma_start3A_25 = tpu.memref_slice %arg5[%arg0, %dma_start3A, %dma_start3A_24] : memref<2x10000x8xf32, #tpu.memory_space<hbm>> -> memref<1x16x8xf32, #tpu.memory_space<hbm>>
        %dma_start3A_26 = tpu.memref_squeeze %dma_start3A_25 : memref<1x16x8xf32, #tpu.memory_space<hbm>> -> memref<16x8xf32, #tpu.memory_space<hbm>>
        %dma_start3A_27 = arith.constant 9984 : i32
        %dma_start3A_28 = arith.constant 0 : i32
        %dma_start3A_29 = tpu.memref_slice %arg9[%dma_start3A_27, %dma_start3A_28] : memref<10016x8xf32, #tpu.memory_space<vmem_shared>> -> memref<16x8xf32, #tpu.memory_space<vmem_shared>>
        tpu.enqueue_dma source(%dma_start3A_29 : memref<16x8xf32, #tpu.memory_space<vmem_shared>>) target(%dma_start3A_26 : memref<16x8xf32, #tpu.memory_space<hbm>>) target_semaphore(%run_scoped3A : memref<!tpu.dma_semaphore, #tpu.memory_space<semaphore_mem>>)
        %dma_wait3A = arith.constant 9984 : i32
        %dma_wait3A_30 = arith.constant 0 : i32
        %dma_wait3A_31 = tpu.memref_slice %arg5[%arg0, %dma_wait3A, %dma_wait3A_30] : memref<2x10000x8xf32, #tpu.memory_space<hbm>> -> memref<1x16x8xf32, #tpu.memory_space<hbm>>
        %dma_wait3A_32 = tpu.memref_squeeze %dma_wait3A_31 : memref<1x16x8xf32, #tpu.memory_space<hbm>> -> memref<16x8xf32, #tpu.memory_space<hbm>>
        %dma_wait3A_33 = arith.constant 9984 : i32
        %dma_wait3A_34 = arith.constant 0 : i32
        %dma_wait3A_35 = tpu.memref_slice %arg9[%dma_wait3A_33, %dma_wait3A_34] : memref<10016x8xf32, #tpu.memory_space<vmem_shared>> -> memref<16x8xf32, #tpu.memory_space<vmem_shared>>
        tpu.wait_dma2 semaphore(%run_scoped3A : memref<!tpu.dma_semaphore, #tpu.memory_space<semaphore_mem>>) src(%dma_wait3A_35 : memref<16x8xf32, #tpu.memory_space<vmem_shared>>) dst(%dma_wait3A_32 : memref<16x8xf32, #tpu.memory_space<hbm>>)
        tpu.yield
      }) : () -> ()
    } else {
    }
    return
  }
}

#map = affine_map<(d0, d1) -> (0, 0)>
#map1 = affine_map<(d0, d1) -> (0, 0, 0)>
module attributes {stable_mosaic.version = 14 : i64} {
  func.func @body(%arg0: i32, %arg1: i32, %arg2: memref<10000x128xbf16, #tpu.memory_space<hbm>>, %arg3: memref<2560x128xi32, #tpu.memory_space<hbm>>, %arg4: memref<2560x128xi32, #tpu.memory_space<hbm>>, %arg5: memref<10016x128xbf16, #tpu.memory_space<hbm>>, %arg6: memref<2x10000x128xbf16, #tpu.memory_space<hbm>>, %arg7: memref<88x128xi32, #tpu.memory_space<vmem>>, %arg8: memref<88x128xi32, #tpu.memory_space<vmem>>, %arg9: memref<8x128x128xbf16, #tpu.memory_space<vmem>>, %arg10: memref<8x!tpu.dma_semaphore, #tpu.memory_space<semaphore_mem>>, %arg11: memref<8x!tpu.dma_semaphore, #tpu.memory_space<semaphore_mem>>, %arg12: memref<10016x128xbf16, #tpu.memory_space<vmem_shared>>) attributes {dimension_semantics = [#tpu.dimension_semantics<core_parallel>, #tpu.dimension_semantics<subcore_parallel>], iteration_bounds = array<i64: 2, 16>, scalar_prefetch = 0 : i64, scratch_operands = 6 : i64, tpu.core_type = #tpu.core_type<sc_vector_subcore>, window_params = [{transform_indices = #map}, {transform_indices = #map}, {transform_indices = #map}, {transform_indices = #map}, {transform_indices = #map1}]} {
    %mul3A = arith.constant 624 : i32
    %mul3A_0 = arith.muli %arg1, %mul3A : i32
    "tpu.region"() ({
      %run_scoped3A = tpu.sem_alloc : memref<!tpu.dma_semaphore, #tpu.memory_space<semaphore_mem>>
      %dma_start3A = arith.constant 0 : i32
      %dma_start3A_152 = tpu.memref_slice %arg12[%mul3A_0, %dma_start3A] : memref<10016x128xbf16, #tpu.memory_space<vmem_shared>> -> memref<624x128xbf16, #tpu.memory_space<vmem_shared>>
      %dma_start3A_153 = arith.constant 0 : i32
      %dma_start3A_154 = tpu.memref_slice %arg5[%mul3A_0, %dma_start3A_153] : memref<10016x128xbf16, #tpu.memory_space<hbm>> -> memref<624x128xbf16, #tpu.memory_space<hbm>>
      tpu.enqueue_dma source(%dma_start3A_154 : memref<624x128xbf16, #tpu.memory_space<hbm>>) target(%dma_start3A_152 : memref<624x128xbf16, #tpu.memory_space<vmem_shared>>) target_semaphore(%run_scoped3A : memref<!tpu.dma_semaphore, #tpu.memory_space<semaphore_mem>>)
      %dma_wait3A_155 = arith.constant 0 : i32
      %dma_wait3A_156 = tpu.memref_slice %arg12[%mul3A_0, %dma_wait3A_155] : memref<10016x128xbf16, #tpu.memory_space<vmem_shared>> -> memref<624x128xbf16, #tpu.memory_space<vmem_shared>>
      %dma_wait3A_157 = arith.constant 0 : i32
      %dma_wait3A_158 = tpu.memref_slice %arg5[%mul3A_0, %dma_wait3A_157] : memref<10016x128xbf16, #tpu.memory_space<hbm>> -> memref<624x128xbf16, #tpu.memory_space<hbm>>
      tpu.wait_dma2 semaphore(%run_scoped3A : memref<!tpu.dma_semaphore, #tpu.memory_space<semaphore_mem>>) src(%dma_wait3A_158 : memref<624x128xbf16, #tpu.memory_space<hbm>>) dst(%dma_wait3A_156 : memref<624x128xbf16, #tpu.memory_space<vmem_shared>>)
      tpu.yield
    }) : () -> ()
    %eq3A = arith.constant 15 : i32
    %eq3A_1 = arith.cmpi eq, %arg1, %eq3A : i32
    %convert_element_type3A = arith.extui %eq3A_1 : i1 to i32
    %cond3A = arith.constant 0 : i32
    %cond3A_2 = arith.cmpi ne, %convert_element_type3A, %cond3A : i32
    scf.if %cond3A_2 {
      "tpu.region"() ({
        %run_scoped3A = tpu.sem_alloc : memref<!tpu.dma_semaphore, #tpu.memory_space<semaphore_mem>>
        %dma_start3A = arith.constant 9984 : i32
        %dma_start3A_152 = arith.constant 0 : i32
        %dma_start3A_153 = tpu.memref_slice %arg12[%dma_start3A, %dma_start3A_152] : memref<10016x128xbf16, #tpu.memory_space<vmem_shared>> -> memref<32x128xbf16, #tpu.memory_space<vmem_shared>>
        %dma_start3A_154 = arith.constant 9984 : i32
        %dma_start3A_155 = arith.constant 0 : i32
        %dma_start3A_156 = tpu.memref_slice %arg5[%dma_start3A_154, %dma_start3A_155] : memref<10016x128xbf16, #tpu.memory_space<hbm>> -> memref<32x128xbf16, #tpu.memory_space<hbm>>
        tpu.enqueue_dma source(%dma_start3A_156 : memref<32x128xbf16, #tpu.memory_space<hbm>>) target(%dma_start3A_153 : memref<32x128xbf16, #tpu.memory_space<vmem_shared>>) target_semaphore(%run_scoped3A : memref<!tpu.dma_semaphore, #tpu.memory_space<semaphore_mem>>)
        %dma_wait3A_157 = arith.constant 9984 : i32
        %dma_wait3A_158 = arith.constant 0 : i32
        %dma_wait3A_159 = tpu.memref_slice %arg12[%dma_wait3A_157, %dma_wait3A_158] : memref<10016x128xbf16, #tpu.memory_space<vmem_shared>> -> memref<32x128xbf16, #tpu.memory_space<vmem_shared>>
        %dma_wait3A_160 = arith.constant 9984 : i32
        %dma_wait3A_161 = arith.constant 0 : i32
        %dma_wait3A_162 = tpu.memref_slice %arg5[%dma_wait3A_160, %dma_wait3A_161] : memref<10016x128xbf16, #tpu.memory_space<hbm>> -> memref<32x128xbf16, #tpu.memory_space<hbm>>
        tpu.wait_dma2 semaphore(%run_scoped3A : memref<!tpu.dma_semaphore, #tpu.memory_space<semaphore_mem>>) src(%dma_wait3A_162 : memref<32x128xbf16, #tpu.memory_space<hbm>>) dst(%dma_wait3A_159 : memref<32x128xbf16, #tpu.memory_space<vmem_shared>>)
        tpu.yield
      }) : () -> ()
    } else {
    }
    %eq3A_3 = arith.constant 0 : i32
    %eq3A_4 = arith.cmpi eq, %arg0, %eq3A_3 : i32
    %convert_element_type3A_5 = arith.extui %eq3A_4 : i1 to i32
    %cond3A_6 = arith.constant 0 : i32
    %cond3A_7 = arith.cmpi ne, %convert_element_type3A_5, %cond3A_6 : i32
    scf.if %cond3A_7 {
      %mul3A_152 = arith.constant 88 : i32
      %mul3A_153 = arith.muli %arg1, %mul3A_152 : i32
      "tpu.region"() ({
        %run_scoped3A = tpu.sem_alloc : memref<!tpu.dma_semaphore, #tpu.memory_space<semaphore_mem>>
        %dma_start3A = arith.constant 0 : i32
        %dma_start3A_154 = tpu.memref_slice %arg3[%mul3A_153, %dma_start3A] : memref<2560x128xi32, #tpu.memory_space<hbm>> -> memref<88x128xi32, #tpu.memory_space<hbm>>
        %dma_start3A_155 = arith.constant 0 : i32
        %dma_start3A_156 = tpu.memref_slice %arg3[%mul3A_153, %dma_start3A_155] : memref<2560x128xi32, #tpu.memory_space<hbm>> -> memref<88x128xi32, #tpu.memory_space<hbm>>
        tpu.enqueue_dma source(%dma_start3A_156 : memref<88x128xi32, #tpu.memory_space<hbm>>) target(%arg7 : memref<88x128xi32, #tpu.memory_space<vmem>>) target_semaphore(%run_scoped3A : memref<!tpu.dma_semaphore, #tpu.memory_space<semaphore_mem>>)
        %dma_wait3A_157 = arith.constant 0 : i32
        %dma_wait3A_158 = tpu.memref_slice %arg3[%mul3A_153, %dma_wait3A_157] : memref<2560x128xi32, #tpu.memory_space<hbm>> -> memref<88x128xi32, #tpu.memory_space<hbm>>
        %dma_wait3A_159 = arith.constant 0 : i32
        %dma_wait3A_160 = tpu.memref_slice %arg3[%mul3A_153, %dma_wait3A_159] : memref<2560x128xi32, #tpu.memory_space<hbm>> -> memref<88x128xi32, #tpu.memory_space<hbm>>
        tpu.wait_dma2 semaphore(%run_scoped3A : memref<!tpu.dma_semaphore, #tpu.memory_space<semaphore_mem>>) src(%dma_wait3A_160 : memref<88x128xi32, #tpu.memory_space<hbm>>) dst(%arg7 : memref<88x128xi32, #tpu.memory_space<vmem>>)
        tpu.yield
      }) : () -> ()
      "tpu.region"() ({
        %run_scoped3A = tpu.sem_alloc : memref<!tpu.dma_semaphore, #tpu.memory_space<semaphore_mem>>
        %dma_start3A = arith.constant 0 : i32
        %dma_start3A_154 = tpu.memref_slice %arg4[%mul3A_153, %dma_start3A] : memref<2560x128xi32, #tpu.memory_space<hbm>> -> memref<88x128xi32, #tpu.memory_space<hbm>>
        %dma_start3A_155 = arith.constant 0 : i32
        %dma_start3A_156 = tpu.memref_slice %arg4[%mul3A_153, %dma_start3A_155] : memref<2560x128xi32, #tpu.memory_space<hbm>> -> memref<88x128xi32, #tpu.memory_space<hbm>>
        tpu.enqueue_dma source(%dma_start3A_156 : memref<88x128xi32, #tpu.memory_space<hbm>>) target(%arg8 : memref<88x128xi32, #tpu.memory_space<vmem>>) target_semaphore(%run_scoped3A : memref<!tpu.dma_semaphore, #tpu.memory_space<semaphore_mem>>)
        %dma_wait3A_157 = arith.constant 0 : i32
        %dma_wait3A_158 = tpu.memref_slice %arg4[%mul3A_153, %dma_wait3A_157] : memref<2560x128xi32, #tpu.memory_space<hbm>> -> memref<88x128xi32, #tpu.memory_space<hbm>>
        %dma_wait3A_159 = arith.constant 0 : i32
        %dma_wait3A_160 = tpu.memref_slice %arg4[%mul3A_153, %dma_wait3A_159] : memref<2560x128xi32, #tpu.memory_space<hbm>> -> memref<88x128xi32, #tpu.memory_space<hbm>>
        tpu.wait_dma2 semaphore(%run_scoped3A : memref<!tpu.dma_semaphore, #tpu.memory_space<semaphore_mem>>) src(%dma_wait3A_160 : memref<88x128xi32, #tpu.memory_space<hbm>>) dst(%arg8 : memref<88x128xi32, #tpu.memory_space<vmem>>)
        tpu.yield
      }) : () -> ()
    } else {
    }
    %eq3A_8 = arith.constant 1 : i32
    %eq3A_9 = arith.cmpi eq, %arg0, %eq3A_8 : i32
    %convert_element_type3A_10 = arith.extui %eq3A_9 : i1 to i32
    %cond3A_11 = arith.constant 0 : i32
    %cond3A_12 = arith.cmpi ne, %convert_element_type3A_10, %cond3A_11 : i32
    scf.if %cond3A_12 {
      %mul3A_152 = arith.constant 72 : i32
      %mul3A_153 = arith.muli %arg1, %mul3A_152 : i32
      %add3A = arith.constant 1408 : i32
      %add3A_154 = arith.addi %add3A, %mul3A_153 : i32
      "tpu.region"() ({
        %run_scoped3A = tpu.sem_alloc : memref<!tpu.dma_semaphore, #tpu.memory_space<semaphore_mem>>
        %dma_start3A = arith.constant 0 : i32
        %dma_start3A_155 = arith.constant 0 : i32
        %dma_start3A_156 = tpu.memref_slice %arg7[%dma_start3A, %dma_start3A_155] : memref<88x128xi32, #tpu.memory_space<vmem>> -> memref<72x128xi32, #tpu.memory_space<vmem>>
        %dma_start3A_157 = arith.constant 0 : i32
        %dma_start3A_158 = tpu.memref_slice %arg3[%add3A_154, %dma_start3A_157] : memref<2560x128xi32, #tpu.memory_space<hbm>> -> memref<72x128xi32, #tpu.memory_space<hbm>>
        %dma_start3A_159 = arith.constant 0 : i32
        %dma_start3A_160 = arith.constant 0 : i32
        %dma_start3A_161 = tpu.memref_slice %arg7[%dma_start3A_159, %dma_start3A_160] : memref<88x128xi32, #tpu.memory_space<vmem>> -> memref<72x128xi32, #tpu.memory_space<vmem>>
        %dma_start3A_162 = arith.constant 0 : i32
        %dma_start3A_163 = tpu.memref_slice %arg3[%add3A_154, %dma_start3A_162] : memref<2560x128xi32, #tpu.memory_space<hbm>> -> memref<72x128xi32, #tpu.memory_space<hbm>>
        tpu.enqueue_dma source(%dma_start3A_163 : memref<72x128xi32, #tpu.memory_space<hbm>>) target(%dma_start3A_161 : memref<72x128xi32, #tpu.memory_space<vmem>>) target_semaphore(%run_scoped3A : memref<!tpu.dma_semaphore, #tpu.memory_space<semaphore_mem>>)
        %dma_wait3A_164 = arith.constant 0 : i32
        %dma_wait3A_165 = arith.constant 0 : i32
        %dma_wait3A_166 = tpu.memref_slice %arg7[%dma_wait3A_164, %dma_wait3A_165] : memref<88x128xi32, #tpu.memory_space<vmem>> -> memref<72x128xi32, #tpu.memory_space<vmem>>
        %dma_wait3A_167 = arith.constant 0 : i32
        %dma_wait3A_168 = tpu.memref_slice %arg3[%add3A_154, %dma_wait3A_167] : memref<2560x128xi32, #tpu.memory_space<hbm>> -> memref<72x128xi32, #tpu.memory_space<hbm>>
        %dma_wait3A_169 = arith.constant 0 : i32
        %dma_wait3A_170 = arith.constant 0 : i32
        %dma_wait3A_171 = tpu.memref_slice %arg7[%dma_wait3A_169, %dma_wait3A_170] : memref<88x128xi32, #tpu.memory_space<vmem>> -> memref<72x128xi32, #tpu.memory_space<vmem>>
        %dma_wait3A_172 = arith.constant 0 : i32
        %dma_wait3A_173 = tpu.memref_slice %arg3[%add3A_154, %dma_wait3A_172] : memref<2560x128xi32, #tpu.memory_space<hbm>> -> memref<72x128xi32, #tpu.memory_space<hbm>>
        tpu.wait_dma2 semaphore(%run_scoped3A : memref<!tpu.dma_semaphore, #tpu.memory_space<semaphore_mem>>) src(%dma_wait3A_173 : memref<72x128xi32, #tpu.memory_space<hbm>>) dst(%dma_wait3A_171 : memref<72x128xi32, #tpu.memory_space<vmem>>)
        tpu.yield
      }) : () -> ()
      "tpu.region"() ({
        %run_scoped3A = tpu.sem_alloc : memref<!tpu.dma_semaphore, #tpu.memory_space<semaphore_mem>>
        %dma_start3A = arith.constant 0 : i32
        %dma_start3A_155 = arith.constant 0 : i32
        %dma_start3A_156 = tpu.memref_slice %arg8[%dma_start3A, %dma_start3A_155] : memref<88x128xi32, #tpu.memory_space<vmem>> -> memref<72x128xi32, #tpu.memory_space<vmem>>
        %dma_start3A_157 = arith.constant 0 : i32
        %dma_start3A_158 = tpu.memref_slice %arg4[%add3A_154, %dma_start3A_157] : memref<2560x128xi32, #tpu.memory_space<hbm>> -> memref<72x128xi32, #tpu.memory_space<hbm>>
        %dma_start3A_159 = arith.constant 0 : i32
        %dma_start3A_160 = arith.constant 0 : i32
        %dma_start3A_161 = tpu.memref_slice %arg8[%dma_start3A_159, %dma_start3A_160] : memref<88x128xi32, #tpu.memory_space<vmem>> -> memref<72x128xi32, #tpu.memory_space<vmem>>
        %dma_start3A_162 = arith.constant 0 : i32
        %dma_start3A_163 = tpu.memref_slice %arg4[%add3A_154, %dma_start3A_162] : memref<2560x128xi32, #tpu.memory_space<hbm>> -> memref<72x128xi32, #tpu.memory_space<hbm>>
        tpu.enqueue_dma source(%dma_start3A_163 : memref<72x128xi32, #tpu.memory_space<hbm>>) target(%dma_start3A_161 : memref<72x128xi32, #tpu.memory_space<vmem>>) target_semaphore(%run_scoped3A : memref<!tpu.dma_semaphore, #tpu.memory_space<semaphore_mem>>)
        %dma_wait3A_164 = arith.constant 0 : i32
        %dma_wait3A_165 = arith.constant 0 : i32
        %dma_wait3A_166 = tpu.memref_slice %arg8[%dma_wait3A_164, %dma_wait3A_165] : memref<88x128xi32, #tpu.memory_space<vmem>> -> memref<72x128xi32, #tpu.memory_space<vmem>>
        %dma_wait3A_167 = arith.constant 0 : i32
        %dma_wait3A_168 = tpu.memref_slice %arg4[%add3A_154, %dma_wait3A_167] : memref<2560x128xi32, #tpu.memory_space<hbm>> -> memref<72x128xi32, #tpu.memory_space<hbm>>
        %dma_wait3A_169 = arith.constant 0 : i32
        %dma_wait3A_170 = arith.constant 0 : i32
        %dma_wait3A_171 = tpu.memref_slice %arg8[%dma_wait3A_169, %dma_wait3A_170] : memref<88x128xi32, #tpu.memory_space<vmem>> -> memref<72x128xi32, #tpu.memory_space<vmem>>
        %dma_wait3A_172 = arith.constant 0 : i32
        %dma_wait3A_173 = tpu.memref_slice %arg4[%add3A_154, %dma_wait3A_172] : memref<2560x128xi32, #tpu.memory_space<hbm>> -> memref<72x128xi32, #tpu.memory_space<hbm>>
        tpu.wait_dma2 semaphore(%run_scoped3A : memref<!tpu.dma_semaphore, #tpu.memory_space<semaphore_mem>>) src(%dma_wait3A_173 : memref<72x128xi32, #tpu.memory_space<hbm>>) dst(%dma_wait3A_171 : memref<72x128xi32, #tpu.memory_space<vmem>>)
        tpu.yield
      }) : () -> ()
    } else {
    }
    %eq3A_13 = arith.constant 0 : i32
    %eq3A_14 = arith.cmpi eq, %arg0, %eq3A_13 : i32
    %jit3A = arith.constant 11 : i32
    %jit3A_15 = arith.constant 9 : i32
    %select_n3A = arith.select %eq3A_14, %jit3A, %jit3A_15 : i32
    %barrier3A = arith.constant 0 : index
    tpu.barrier barrier_id(%barrier3A)
    %while3A = arith.constant 0 : i32
    %while3A_16 = arith.constant 0 : i32
    %while3A_17 = arith.subi %select_n3A, %while3A_16 : i32
    %while3A_18 = arith.addi %while3A_16, %while3A_17 : i32
    %while3A_19 = arith.constant 1 : i32
    %while3A_20 = arith.divsi %while3A_17, %while3A_19 : i32
    %while3A_21 = arith.muli %while3A_20, %while3A_19 : i32
    %while3A_22 = arith.addi %while3A_16, %while3A_21 : i32
    %while3A_23 = arith.constant 1 : i32
    scf.for %while3A_152 = %while3A_16 to %while3A_22 step %while3A_23  : i32 {
      %mul3A_153 = arith.constant 8 : i32
      %mul3A_154 = arith.muli %while3A_152, %mul3A_153 : i32
      %add3A = arith.constant 0 : i32
      %add3A_155 = arith.addi %mul3A_154, %add3A : i32
      %gt3A = arith.constant 0 : i32
      %gt3A_156 = arith.cmpi sgt, %while3A_152, %gt3A : i32
      %convert_element_type3A_157 = arith.extui %gt3A_156 : i1 to i32
      %cond3A_158 = arith.constant 0 : i32
      %cond3A_159 = arith.cmpi ne, %convert_element_type3A_157, %cond3A_158 : i32
      scf.if %cond3A_159 {
        %dma_wait3A_590 = arith.constant 0 : i32
        %dma_wait3A_591 = arith.constant 0 : i32
        %dma_wait3A_592 = arith.constant 0 : i32
        %dma_wait3A_593 = arith.constant 0 : i32
        %dma_wait3A_594 = arith.constant 0 : i32
        %dma_wait3A_595 = tpu.memref_slice %arg9[%dma_wait3A_590, %dma_wait3A_593, %dma_wait3A_594] : memref<8x128x128xbf16, #tpu.memory_space<vmem>> -> memref<1x128x128xbf16, #tpu.memory_space<vmem>>
        %dma_wait3A_596 = tpu.memref_squeeze %dma_wait3A_595 : memref<1x128x128xbf16, #tpu.memory_space<vmem>> -> memref<128x128xbf16, #tpu.memory_space<vmem>>
        %dma_wait3A_597 = arith.constant 0 : i32
        %dma_wait3A_598 = tpu.memref_slice %arg8[%dma_wait3A_591, %dma_wait3A_597] : memref<88x128xi32, #tpu.memory_space<vmem>> -> memref<1x128xi32, #tpu.memory_space<vmem>>
        %dma_wait3A_599 = tpu.memref_squeeze %dma_wait3A_598 : memref<1x128xi32, #tpu.memory_space<vmem>> -> memref<128xi32, #tpu.memory_space<vmem>>
        %dma_wait3A_600 = arith.constant 0 : i32
        %dma_wait3A_601 = arith.constant 0 : i32
        %dma_wait3A_602 = tpu.memref_slice %arg12[%dma_wait3A_600, %dma_wait3A_601] : memref<10016x128xbf16, #tpu.memory_space<vmem_shared>> -> memref<10016x128xbf16, #tpu.memory_space<vmem_shared>>
        %dma_wait3A_603 = tpu.memref_slice %arg11[%dma_wait3A_592] : memref<8x!tpu.dma_semaphore, #tpu.memory_space<semaphore_mem>> -> memref<1x!tpu.dma_semaphore, #tpu.memory_space<semaphore_mem>>
        %dma_wait3A_604 = tpu.memref_squeeze %dma_wait3A_603 : memref<1x!tpu.dma_semaphore, #tpu.memory_space<semaphore_mem>> -> memref<!tpu.dma_semaphore, #tpu.memory_space<semaphore_mem>>
        tpu.wait_indirect_dma semaphore(%dma_wait3A_604 : memref<!tpu.dma_semaphore, #tpu.memory_space<semaphore_mem>>) src(%dma_wait3A_596 : memref<128x128xbf16, #tpu.memory_space<vmem>>) dst(%dma_wait3A_602 : memref<10016x128xbf16, #tpu.memory_space<vmem_shared>>)
      } else {
      }
      %dma_start3A = arith.constant 0 : i32
      %dma_start3A_160 = arith.constant 0 : i32
      %dma_start3A_161 = arith.constant 0 : i32
      %dma_start3A_162 = arith.constant 0 : i32
      %dma_start3A_163 = tpu.memref_slice %arg9[%dma_start3A, %dma_start3A_161, %dma_start3A_162] : memref<8x128x128xbf16, #tpu.memory_space<vmem>> -> memref<1x128x128xbf16, #tpu.memory_space<vmem>>
      %dma_start3A_164 = tpu.memref_squeeze %dma_start3A_163 : memref<1x128x128xbf16, #tpu.memory_space<vmem>> -> memref<128x128xbf16, #tpu.memory_space<vmem>>
      %dma_start3A_165 = arith.constant 0 : i32
      %dma_start3A_166 = tpu.memref_slice %arg7[%add3A_155, %dma_start3A_165] : memref<88x128xi32, #tpu.memory_space<vmem>> -> memref<1x128xi32, #tpu.memory_space<vmem>>
      %dma_start3A_167 = tpu.memref_squeeze %dma_start3A_166 : memref<1x128xi32, #tpu.memory_space<vmem>> -> memref<128xi32, #tpu.memory_space<vmem>>
      %dma_start3A_168 = arith.constant 0 : i32
      %dma_start3A_169 = arith.constant 0 : i32
      %dma_start3A_170 = tpu.memref_slice %arg2[%dma_start3A_168, %dma_start3A_169] : memref<10000x128xbf16, #tpu.memory_space<hbm>> -> memref<10000x128xbf16, #tpu.memory_space<hbm>>
      %dma_start3A_171 = tpu.memref_slice %arg10[%dma_start3A_160] : memref<8x!tpu.dma_semaphore, #tpu.memory_space<semaphore_mem>> -> memref<1x!tpu.dma_semaphore, #tpu.memory_space<semaphore_mem>>
      %dma_start3A_172 = tpu.memref_squeeze %dma_start3A_171 : memref<1x!tpu.dma_semaphore, #tpu.memory_space<semaphore_mem>> -> memref<!tpu.dma_semaphore, #tpu.memory_space<semaphore_mem>>
      tpu.enqueue_indirect_dma source(%dma_start3A_170 : memref<10000x128xbf16, #tpu.memory_space<hbm>>) target(%dma_start3A_164 : memref<128x128xbf16, #tpu.memory_space<vmem>>) offsets(%dma_start3A_167 : memref<128xi32, #tpu.memory_space<vmem>>) semaphore(%dma_start3A_172 : memref<!tpu.dma_semaphore, #tpu.memory_space<semaphore_mem>>)
      %mul3A_173 = arith.constant 8 : i32
      %mul3A_174 = arith.muli %while3A_152, %mul3A_173 : i32
      %add3A_175 = arith.constant 1 : i32
      %add3A_176 = arith.addi %mul3A_174, %add3A_175 : i32
      %gt3A_177 = arith.constant 0 : i32
      %gt3A_178 = arith.cmpi sgt, %while3A_152, %gt3A_177 : i32
      %convert_element_type3A_179 = arith.extui %gt3A_178 : i1 to i32
      %cond3A_180 = arith.constant 0 : i32
      %cond3A_181 = arith.cmpi ne, %convert_element_type3A_179, %cond3A_180 : i32
      scf.if %cond3A_181 {
        %dma_wait3A_590 = arith.constant 1 : i32
        %dma_wait3A_591 = arith.constant 0 : i32
        %dma_wait3A_592 = arith.constant 1 : i32
        %dma_wait3A_593 = arith.constant 0 : i32
        %dma_wait3A_594 = arith.constant 0 : i32
        %dma_wait3A_595 = tpu.memref_slice %arg9[%dma_wait3A_590, %dma_wait3A_593, %dma_wait3A_594] : memref<8x128x128xbf16, #tpu.memory_space<vmem>> -> memref<1x128x128xbf16, #tpu.memory_space<vmem>>
        %dma_wait3A_596 = tpu.memref_squeeze %dma_wait3A_595 : memref<1x128x128xbf16, #tpu.memory_space<vmem>> -> memref<128x128xbf16, #tpu.memory_space<vmem>>
        %dma_wait3A_597 = arith.constant 0 : i32
        %dma_wait3A_598 = tpu.memref_slice %arg8[%dma_wait3A_591, %dma_wait3A_597] : memref<88x128xi32, #tpu.memory_space<vmem>> -> memref<1x128xi32, #tpu.memory_space<vmem>>
        %dma_wait3A_599 = tpu.memref_squeeze %dma_wait3A_598 : memref<1x128xi32, #tpu.memory_space<vmem>> -> memref<128xi32, #tpu.memory_space<vmem>>
        %dma_wait3A_600 = arith.constant 0 : i32
        %dma_wait3A_601 = arith.constant 0 : i32
        %dma_wait3A_602 = tpu.memref_slice %arg12[%dma_wait3A_600, %dma_wait3A_601] : memref<10016x128xbf16, #tpu.memory_space<vmem_shared>> -> memref<10016x128xbf16, #tpu.memory_space<vmem_shared>>
        %dma_wait3A_603 = tpu.memref_slice %arg11[%dma_wait3A_592] : memref<8x!tpu.dma_semaphore, #tpu.memory_space<semaphore_mem>> -> memref<1x!tpu.dma_semaphore, #tpu.memory_space<semaphore_mem>>
        %dma_wait3A_604 = tpu.memref_squeeze %dma_wait3A_603 : memref<1x!tpu.dma_semaphore, #tpu.memory_space<semaphore_mem>> -> memref<!tpu.dma_semaphore, #tpu.memory_space<semaphore_mem>>
        tpu.wait_indirect_dma semaphore(%dma_wait3A_604 : memref<!tpu.dma_semaphore, #tpu.memory_space<semaphore_mem>>) src(%dma_wait3A_596 : memref<128x128xbf16, #tpu.memory_space<vmem>>) dst(%dma_wait3A_602 : memref<10016x128xbf16, #tpu.memory_space<vmem_shared>>)
      } else {
      }
      %dma_start3A_182 = arith.constant 1 : i32
      %dma_start3A_183 = arith.constant 1 : i32
      %dma_start3A_184 = arith.constant 0 : i32
      %dma_start3A_185 = arith.constant 0 : i32
      %dma_start3A_186 = tpu.memref_slice %arg9[%dma_start3A_182, %dma_start3A_184, %dma_start3A_185] : memref<8x128x128xbf16, #tpu.memory_space<vmem>> -> memref<1x128x128xbf16, #tpu.memory_space<vmem>>
      %dma_start3A_187 = tpu.memref_squeeze %dma_start3A_186 : memref<1x128x128xbf16, #tpu.memory_space<vmem>> -> memref<128x128xbf16, #tpu.memory_space<vmem>>
      %dma_start3A_188 = arith.constant 0 : i32
      %dma_start3A_189 = tpu.memref_slice %arg7[%add3A_176, %dma_start3A_188] : memref<88x128xi32, #tpu.memory_space<vmem>> -> memref<1x128xi32, #tpu.memory_space<vmem>>
      %dma_start3A_190 = tpu.memref_squeeze %dma_start3A_189 : memref<1x128xi32, #tpu.memory_space<vmem>> -> memref<128xi32, #tpu.memory_space<vmem>>
      %dma_start3A_191 = arith.constant 0 : i32
      %dma_start3A_192 = arith.constant 0 : i32
      %dma_start3A_193 = tpu.memref_slice %arg2[%dma_start3A_191, %dma_start3A_192] : memref<10000x128xbf16, #tpu.memory_space<hbm>> -> memref<10000x128xbf16, #tpu.memory_space<hbm>>
      %dma_start3A_194 = tpu.memref_slice %arg10[%dma_start3A_183] : memref<8x!tpu.dma_semaphore, #tpu.memory_space<semaphore_mem>> -> memref<1x!tpu.dma_semaphore, #tpu.memory_space<semaphore_mem>>
      %dma_start3A_195 = tpu.memref_squeeze %dma_start3A_194 : memref<1x!tpu.dma_semaphore, #tpu.memory_space<semaphore_mem>> -> memref<!tpu.dma_semaphore, #tpu.memory_space<semaphore_mem>>
      tpu.enqueue_indirect_dma source(%dma_start3A_193 : memref<10000x128xbf16, #tpu.memory_space<hbm>>) target(%dma_start3A_187 : memref<128x128xbf16, #tpu.memory_space<vmem>>) offsets(%dma_start3A_190 : memref<128xi32, #tpu.memory_space<vmem>>) semaphore(%dma_start3A_195 : memref<!tpu.dma_semaphore, #tpu.memory_space<semaphore_mem>>)
      %mul3A_196 = arith.constant 8 : i32
      %mul3A_197 = arith.muli %while3A_152, %mul3A_196 : i32
      %add3A_198 = arith.constant 2 : i32
      %add3A_199 = arith.addi %mul3A_197, %add3A_198 : i32
      %gt3A_200 = arith.constant 0 : i32
      %gt3A_201 = arith.cmpi sgt, %while3A_152, %gt3A_200 : i32
      %convert_element_type3A_202 = arith.extui %gt3A_201 : i1 to i32
      %cond3A_203 = arith.constant 0 : i32
      %cond3A_204 = arith.cmpi ne, %convert_element_type3A_202, %cond3A_203 : i32
      scf.if %cond3A_204 {
        %dma_wait3A_590 = arith.constant 2 : i32
        %dma_wait3A_591 = arith.constant 0 : i32
        %dma_wait3A_592 = arith.constant 2 : i32
        %dma_wait3A_593 = arith.constant 0 : i32
        %dma_wait3A_594 = arith.constant 0 : i32
        %dma_wait3A_595 = tpu.memref_slice %arg9[%dma_wait3A_590, %dma_wait3A_593, %dma_wait3A_594] : memref<8x128x128xbf16, #tpu.memory_space<vmem>> -> memref<1x128x128xbf16, #tpu.memory_space<vmem>>
        %dma_wait3A_596 = tpu.memref_squeeze %dma_wait3A_595 : memref<1x128x128xbf16, #tpu.memory_space<vmem>> -> memref<128x128xbf16, #tpu.memory_space<vmem>>
        %dma_wait3A_597 = arith.constant 0 : i32
        %dma_wait3A_598 = tpu.memref_slice %arg8[%dma_wait3A_591, %dma_wait3A_597] : memref<88x128xi32, #tpu.memory_space<vmem>> -> memref<1x128xi32, #tpu.memory_space<vmem>>
        %dma_wait3A_599 = tpu.memref_squeeze %dma_wait3A_598 : memref<1x128xi32, #tpu.memory_space<vmem>> -> memref<128xi32, #tpu.memory_space<vmem>>
        %dma_wait3A_600 = arith.constant 0 : i32
        %dma_wait3A_601 = arith.constant 0 : i32
        %dma_wait3A_602 = tpu.memref_slice %arg12[%dma_wait3A_600, %dma_wait3A_601] : memref<10016x128xbf16, #tpu.memory_space<vmem_shared>> -> memref<10016x128xbf16, #tpu.memory_space<vmem_shared>>
        %dma_wait3A_603 = tpu.memref_slice %arg11[%dma_wait3A_592] : memref<8x!tpu.dma_semaphore, #tpu.memory_space<semaphore_mem>> -> memref<1x!tpu.dma_semaphore, #tpu.memory_space<semaphore_mem>>
        %dma_wait3A_604 = tpu.memref_squeeze %dma_wait3A_603 : memref<1x!tpu.dma_semaphore, #tpu.memory_space<semaphore_mem>> -> memref<!tpu.dma_semaphore, #tpu.memory_space<semaphore_mem>>
        tpu.wait_indirect_dma semaphore(%dma_wait3A_604 : memref<!tpu.dma_semaphore, #tpu.memory_space<semaphore_mem>>) src(%dma_wait3A_596 : memref<128x128xbf16, #tpu.memory_space<vmem>>) dst(%dma_wait3A_602 : memref<10016x128xbf16, #tpu.memory_space<vmem_shared>>)
      } else {
      }
      %dma_start3A_205 = arith.constant 2 : i32
      %dma_start3A_206 = arith.constant 2 : i32
      %dma_start3A_207 = arith.constant 0 : i32
      %dma_start3A_208 = arith.constant 0 : i32
      %dma_start3A_209 = tpu.memref_slice %arg9[%dma_start3A_205, %dma_start3A_207, %dma_start3A_208] : memref<8x128x128xbf16, #tpu.memory_space<vmem>> -> memref<1x128x128xbf16, #tpu.memory_space<vmem>>
      %dma_start3A_210 = tpu.memref_squeeze %dma_start3A_209 : memref<1x128x128xbf16, #tpu.memory_space<vmem>> -> memref<128x128xbf16, #tpu.memory_space<vmem>>
      %dma_start3A_211 = arith.constant 0 : i32
      %dma_start3A_212 = tpu.memref_slice %arg7[%add3A_199, %dma_start3A_211] : memref<88x128xi32, #tpu.memory_space<vmem>> -> memref<1x128xi32, #tpu.memory_space<vmem>>
      %dma_start3A_213 = tpu.memref_squeeze %dma_start3A_212 : memref<1x128xi32, #tpu.memory_space<vmem>> -> memref<128xi32, #tpu.memory_space<vmem>>
      %dma_start3A_214 = arith.constant 0 : i32
      %dma_start3A_215 = arith.constant 0 : i32
      %dma_start3A_216 = tpu.memref_slice %arg2[%dma_start3A_214, %dma_start3A_215] : memref<10000x128xbf16, #tpu.memory_space<hbm>> -> memref<10000x128xbf16, #tpu.memory_space<hbm>>
      %dma_start3A_217 = tpu.memref_slice %arg10[%dma_start3A_206] : memref<8x!tpu.dma_semaphore, #tpu.memory_space<semaphore_mem>> -> memref<1x!tpu.dma_semaphore, #tpu.memory_space<semaphore_mem>>
      %dma_start3A_218 = tpu.memref_squeeze %dma_start3A_217 : memref<1x!tpu.dma_semaphore, #tpu.memory_space<semaphore_mem>> -> memref<!tpu.dma_semaphore, #tpu.memory_space<semaphore_mem>>
      tpu.enqueue_indirect_dma source(%dma_start3A_216 : memref<10000x128xbf16, #tpu.memory_space<hbm>>) target(%dma_start3A_210 : memref<128x128xbf16, #tpu.memory_space<vmem>>) offsets(%dma_start3A_213 : memref<128xi32, #tpu.memory_space<vmem>>) semaphore(%dma_start3A_218 : memref<!tpu.dma_semaphore, #tpu.memory_space<semaphore_mem>>)
      %mul3A_219 = arith.constant 8 : i32
      %mul3A_220 = arith.muli %while3A_152, %mul3A_219 : i32
      %add3A_221 = arith.constant 3 : i32
      %add3A_222 = arith.addi %mul3A_220, %add3A_221 : i32
      %gt3A_223 = arith.constant 0 : i32
      %gt3A_224 = arith.cmpi sgt, %while3A_152, %gt3A_223 : i32
      %convert_element_type3A_225 = arith.extui %gt3A_224 : i1 to i32
      %cond3A_226 = arith.constant 0 : i32
      %cond3A_227 = arith.cmpi ne, %convert_element_type3A_225, %cond3A_226 : i32
      scf.if %cond3A_227 {
        %dma_wait3A_590 = arith.constant 3 : i32
        %dma_wait3A_591 = arith.constant 0 : i32
        %dma_wait3A_592 = arith.constant 3 : i32
        %dma_wait3A_593 = arith.constant 0 : i32
        %dma_wait3A_594 = arith.constant 0 : i32
        %dma_wait3A_595 = tpu.memref_slice %arg9[%dma_wait3A_590, %dma_wait3A_593, %dma_wait3A_594] : memref<8x128x128xbf16, #tpu.memory_space<vmem>> -> memref<1x128x128xbf16, #tpu.memory_space<vmem>>
        %dma_wait3A_596 = tpu.memref_squeeze %dma_wait3A_595 : memref<1x128x128xbf16, #tpu.memory_space<vmem>> -> memref<128x128xbf16, #tpu.memory_space<vmem>>
        %dma_wait3A_597 = arith.constant 0 : i32
        %dma_wait3A_598 = tpu.memref_slice %arg8[%dma_wait3A_591, %dma_wait3A_597] : memref<88x128xi32, #tpu.memory_space<vmem>> -> memref<1x128xi32, #tpu.memory_space<vmem>>
        %dma_wait3A_599 = tpu.memref_squeeze %dma_wait3A_598 : memref<1x128xi32, #tpu.memory_space<vmem>> -> memref<128xi32, #tpu.memory_space<vmem>>
        %dma_wait3A_600 = arith.constant 0 : i32
        %dma_wait3A_601 = arith.constant 0 : i32
        %dma_wait3A_602 = tpu.memref_slice %arg12[%dma_wait3A_600, %dma_wait3A_601] : memref<10016x128xbf16, #tpu.memory_space<vmem_shared>> -> memref<10016x128xbf16, #tpu.memory_space<vmem_shared>>
        %dma_wait3A_603 = tpu.memref_slice %arg11[%dma_wait3A_592] : memref<8x!tpu.dma_semaphore, #tpu.memory_space<semaphore_mem>> -> memref<1x!tpu.dma_semaphore, #tpu.memory_space<semaphore_mem>>
        %dma_wait3A_604 = tpu.memref_squeeze %dma_wait3A_603 : memref<1x!tpu.dma_semaphore, #tpu.memory_space<semaphore_mem>> -> memref<!tpu.dma_semaphore, #tpu.memory_space<semaphore_mem>>
        tpu.wait_indirect_dma semaphore(%dma_wait3A_604 : memref<!tpu.dma_semaphore, #tpu.memory_space<semaphore_mem>>) src(%dma_wait3A_596 : memref<128x128xbf16, #tpu.memory_space<vmem>>) dst(%dma_wait3A_602 : memref<10016x128xbf16, #tpu.memory_space<vmem_shared>>)
      } else {
      }
      %dma_start3A_228 = arith.constant 3 : i32
      %dma_start3A_229 = arith.constant 3 : i32
      %dma_start3A_230 = arith.constant 0 : i32
      %dma_start3A_231 = arith.constant 0 : i32
      %dma_start3A_232 = tpu.memref_slice %arg9[%dma_start3A_228, %dma_start3A_230, %dma_start3A_231] : memref<8x128x128xbf16, #tpu.memory_space<vmem>> -> memref<1x128x128xbf16, #tpu.memory_space<vmem>>
      %dma_start3A_233 = tpu.memref_squeeze %dma_start3A_232 : memref<1x128x128xbf16, #tpu.memory_space<vmem>> -> memref<128x128xbf16, #tpu.memory_space<vmem>>
      %dma_start3A_234 = arith.constant 0 : i32
      %dma_start3A_235 = tpu.memref_slice %arg7[%add3A_222, %dma_start3A_234] : memref<88x128xi32, #tpu.memory_space<vmem>> -> memref<1x128xi32, #tpu.memory_space<vmem>>
      %dma_start3A_236 = tpu.memref_squeeze %dma_start3A_235 : memref<1x128xi32, #tpu.memory_space<vmem>> -> memref<128xi32, #tpu.memory_space<vmem>>
      %dma_start3A_237 = arith.constant 0 : i32
      %dma_start3A_238 = arith.constant 0 : i32
      %dma_start3A_239 = tpu.memref_slice %arg2[%dma_start3A_237, %dma_start3A_238] : memref<10000x128xbf16, #tpu.memory_space<hbm>> -> memref<10000x128xbf16, #tpu.memory_space<hbm>>
      %dma_start3A_240 = tpu.memref_slice %arg10[%dma_start3A_229] : memref<8x!tpu.dma_semaphore, #tpu.memory_space<semaphore_mem>> -> memref<1x!tpu.dma_semaphore, #tpu.memory_space<semaphore_mem>>
      %dma_start3A_241 = tpu.memref_squeeze %dma_start3A_240 : memref<1x!tpu.dma_semaphore, #tpu.memory_space<semaphore_mem>> -> memref<!tpu.dma_semaphore, #tpu.memory_space<semaphore_mem>>
      tpu.enqueue_indirect_dma source(%dma_start3A_239 : memref<10000x128xbf16, #tpu.memory_space<hbm>>) target(%dma_start3A_233 : memref<128x128xbf16, #tpu.memory_space<vmem>>) offsets(%dma_start3A_236 : memref<128xi32, #tpu.memory_space<vmem>>) semaphore(%dma_start3A_241 : memref<!tpu.dma_semaphore, #tpu.memory_space<semaphore_mem>>)
      %mul3A_242 = arith.constant 8 : i32
      %mul3A_243 = arith.muli %while3A_152, %mul3A_242 : i32
      %add3A_244 = arith.constant 4 : i32
      %add3A_245 = arith.addi %mul3A_243, %add3A_244 : i32
      %gt3A_246 = arith.constant 0 : i32
      %gt3A_247 = arith.cmpi sgt, %while3A_152, %gt3A_246 : i32
      %convert_element_type3A_248 = arith.extui %gt3A_247 : i1 to i32
      %cond3A_249 = arith.constant 0 : i32
      %cond3A_250 = arith.cmpi ne, %convert_element_type3A_248, %cond3A_249 : i32
      scf.if %cond3A_250 {
        %dma_wait3A_590 = arith.constant 4 : i32
        %dma_wait3A_591 = arith.constant 0 : i32
        %dma_wait3A_592 = arith.constant 4 : i32
        %dma_wait3A_593 = arith.constant 0 : i32
        %dma_wait3A_594 = arith.constant 0 : i32
        %dma_wait3A_595 = tpu.memref_slice %arg9[%dma_wait3A_590, %dma_wait3A_593, %dma_wait3A_594] : memref<8x128x128xbf16, #tpu.memory_space<vmem>> -> memref<1x128x128xbf16, #tpu.memory_space<vmem>>
        %dma_wait3A_596 = tpu.memref_squeeze %dma_wait3A_595 : memref<1x128x128xbf16, #tpu.memory_space<vmem>> -> memref<128x128xbf16, #tpu.memory_space<vmem>>
        %dma_wait3A_597 = arith.constant 0 : i32
        %dma_wait3A_598 = tpu.memref_slice %arg8[%dma_wait3A_591, %dma_wait3A_597] : memref<88x128xi32, #tpu.memory_space<vmem>> -> memref<1x128xi32, #tpu.memory_space<vmem>>
        %dma_wait3A_599 = tpu.memref_squeeze %dma_wait3A_598 : memref<1x128xi32, #tpu.memory_space<vmem>> -> memref<128xi32, #tpu.memory_space<vmem>>
        %dma_wait3A_600 = arith.constant 0 : i32
        %dma_wait3A_601 = arith.constant 0 : i32
        %dma_wait3A_602 = tpu.memref_slice %arg12[%dma_wait3A_600, %dma_wait3A_601] : memref<10016x128xbf16, #tpu.memory_space<vmem_shared>> -> memref<10016x128xbf16, #tpu.memory_space<vmem_shared>>
        %dma_wait3A_603 = tpu.memref_slice %arg11[%dma_wait3A_592] : memref<8x!tpu.dma_semaphore, #tpu.memory_space<semaphore_mem>> -> memref<1x!tpu.dma_semaphore, #tpu.memory_space<semaphore_mem>>
        %dma_wait3A_604 = tpu.memref_squeeze %dma_wait3A_603 : memref<1x!tpu.dma_semaphore, #tpu.memory_space<semaphore_mem>> -> memref<!tpu.dma_semaphore, #tpu.memory_space<semaphore_mem>>
        tpu.wait_indirect_dma semaphore(%dma_wait3A_604 : memref<!tpu.dma_semaphore, #tpu.memory_space<semaphore_mem>>) src(%dma_wait3A_596 : memref<128x128xbf16, #tpu.memory_space<vmem>>) dst(%dma_wait3A_602 : memref<10016x128xbf16, #tpu.memory_space<vmem_shared>>)
      } else {
      }
      %dma_start3A_251 = arith.constant 4 : i32
      %dma_start3A_252 = arith.constant 4 : i32
      %dma_start3A_253 = arith.constant 0 : i32
      %dma_start3A_254 = arith.constant 0 : i32
      %dma_start3A_255 = tpu.memref_slice %arg9[%dma_start3A_251, %dma_start3A_253, %dma_start3A_254] : memref<8x128x128xbf16, #tpu.memory_space<vmem>> -> memref<1x128x128xbf16, #tpu.memory_space<vmem>>
      %dma_start3A_256 = tpu.memref_squeeze %dma_start3A_255 : memref<1x128x128xbf16, #tpu.memory_space<vmem>> -> memref<128x128xbf16, #tpu.memory_space<vmem>>
      %dma_start3A_257 = arith.constant 0 : i32
      %dma_start3A_258 = tpu.memref_slice %arg7[%add3A_245, %dma_start3A_257] : memref<88x128xi32, #tpu.memory_space<vmem>> -> memref<1x128xi32, #tpu.memory_space<vmem>>
      %dma_start3A_259 = tpu.memref_squeeze %dma_start3A_258 : memref<1x128xi32, #tpu.memory_space<vmem>> -> memref<128xi32, #tpu.memory_space<vmem>>
      %dma_start3A_260 = arith.constant 0 : i32
      %dma_start3A_261 = arith.constant 0 : i32
      %dma_start3A_262 = tpu.memref_slice %arg2[%dma_start3A_260, %dma_start3A_261] : memref<10000x128xbf16, #tpu.memory_space<hbm>> -> memref<10000x128xbf16, #tpu.memory_space<hbm>>
      %dma_start3A_263 = tpu.memref_slice %arg10[%dma_start3A_252] : memref<8x!tpu.dma_semaphore, #tpu.memory_space<semaphore_mem>> -> memref<1x!tpu.dma_semaphore, #tpu.memory_space<semaphore_mem>>
      %dma_start3A_264 = tpu.memref_squeeze %dma_start3A_263 : memref<1x!tpu.dma_semaphore, #tpu.memory_space<semaphore_mem>> -> memref<!tpu.dma_semaphore, #tpu.memory_space<semaphore_mem>>
      tpu.enqueue_indirect_dma source(%dma_start3A_262 : memref<10000x128xbf16, #tpu.memory_space<hbm>>) target(%dma_start3A_256 : memref<128x128xbf16, #tpu.memory_space<vmem>>) offsets(%dma_start3A_259 : memref<128xi32, #tpu.memory_space<vmem>>) semaphore(%dma_start3A_264 : memref<!tpu.dma_semaphore, #tpu.memory_space<semaphore_mem>>)
      %mul3A_265 = arith.constant 8 : i32
      %mul3A_266 = arith.muli %while3A_152, %mul3A_265 : i32
      %add3A_267 = arith.constant 5 : i32
      %add3A_268 = arith.addi %mul3A_266, %add3A_267 : i32
      %gt3A_269 = arith.constant 0 : i32
      %gt3A_270 = arith.cmpi sgt, %while3A_152, %gt3A_269 : i32
      %convert_element_type3A_271 = arith.extui %gt3A_270 : i1 to i32
      %cond3A_272 = arith.constant 0 : i32
      %cond3A_273 = arith.cmpi ne, %convert_element_type3A_271, %cond3A_272 : i32
      scf.if %cond3A_273 {
        %dma_wait3A_590 = arith.constant 5 : i32
        %dma_wait3A_591 = arith.constant 0 : i32
        %dma_wait3A_592 = arith.constant 5 : i32
        %dma_wait3A_593 = arith.constant 0 : i32
        %dma_wait3A_594 = arith.constant 0 : i32
        %dma_wait3A_595 = tpu.memref_slice %arg9[%dma_wait3A_590, %dma_wait3A_593, %dma_wait3A_594] : memref<8x128x128xbf16, #tpu.memory_space<vmem>> -> memref<1x128x128xbf16, #tpu.memory_space<vmem>>
        %dma_wait3A_596 = tpu.memref_squeeze %dma_wait3A_595 : memref<1x128x128xbf16, #tpu.memory_space<vmem>> -> memref<128x128xbf16, #tpu.memory_space<vmem>>
        %dma_wait3A_597 = arith.constant 0 : i32
        %dma_wait3A_598 = tpu.memref_slice %arg8[%dma_wait3A_591, %dma_wait3A_597] : memref<88x128xi32, #tpu.memory_space<vmem>> -> memref<1x128xi32, #tpu.memory_space<vmem>>
        %dma_wait3A_599 = tpu.memref_squeeze %dma_wait3A_598 : memref<1x128xi32, #tpu.memory_space<vmem>> -> memref<128xi32, #tpu.memory_space<vmem>>
        %dma_wait3A_600 = arith.constant 0 : i32
        %dma_wait3A_601 = arith.constant 0 : i32
        %dma_wait3A_602 = tpu.memref_slice %arg12[%dma_wait3A_600, %dma_wait3A_601] : memref<10016x128xbf16, #tpu.memory_space<vmem_shared>> -> memref<10016x128xbf16, #tpu.memory_space<vmem_shared>>
        %dma_wait3A_603 = tpu.memref_slice %arg11[%dma_wait3A_592] : memref<8x!tpu.dma_semaphore, #tpu.memory_space<semaphore_mem>> -> memref<1x!tpu.dma_semaphore, #tpu.memory_space<semaphore_mem>>
        %dma_wait3A_604 = tpu.memref_squeeze %dma_wait3A_603 : memref<1x!tpu.dma_semaphore, #tpu.memory_space<semaphore_mem>> -> memref<!tpu.dma_semaphore, #tpu.memory_space<semaphore_mem>>
        tpu.wait_indirect_dma semaphore(%dma_wait3A_604 : memref<!tpu.dma_semaphore, #tpu.memory_space<semaphore_mem>>) src(%dma_wait3A_596 : memref<128x128xbf16, #tpu.memory_space<vmem>>) dst(%dma_wait3A_602 : memref<10016x128xbf16, #tpu.memory_space<vmem_shared>>)
      } else {
      }
      %dma_start3A_274 = arith.constant 5 : i32
      %dma_start3A_275 = arith.constant 5 : i32
      %dma_start3A_276 = arith.constant 0 : i32
      %dma_start3A_277 = arith.constant 0 : i32
      %dma_start3A_278 = tpu.memref_slice %arg9[%dma_start3A_274, %dma_start3A_276, %dma_start3A_277] : memref<8x128x128xbf16, #tpu.memory_space<vmem>> -> memref<1x128x128xbf16, #tpu.memory_space<vmem>>
      %dma_start3A_279 = tpu.memref_squeeze %dma_start3A_278 : memref<1x128x128xbf16, #tpu.memory_space<vmem>> -> memref<128x128xbf16, #tpu.memory_space<vmem>>
      %dma_start3A_280 = arith.constant 0 : i32
      %dma_start3A_281 = tpu.memref_slice %arg7[%add3A_268, %dma_start3A_280] : memref<88x128xi32, #tpu.memory_space<vmem>> -> memref<1x128xi32, #tpu.memory_space<vmem>>
      %dma_start3A_282 = tpu.memref_squeeze %dma_start3A_281 : memref<1x128xi32, #tpu.memory_space<vmem>> -> memref<128xi32, #tpu.memory_space<vmem>>
      %dma_start3A_283 = arith.constant 0 : i32
      %dma_start3A_284 = arith.constant 0 : i32
      %dma_start3A_285 = tpu.memref_slice %arg2[%dma_start3A_283, %dma_start3A_284] : memref<10000x128xbf16, #tpu.memory_space<hbm>> -> memref<10000x128xbf16, #tpu.memory_space<hbm>>
      %dma_start3A_286 = tpu.memref_slice %arg10[%dma_start3A_275] : memref<8x!tpu.dma_semaphore, #tpu.memory_space<semaphore_mem>> -> memref<1x!tpu.dma_semaphore, #tpu.memory_space<semaphore_mem>>
      %dma_start3A_287 = tpu.memref_squeeze %dma_start3A_286 : memref<1x!tpu.dma_semaphore, #tpu.memory_space<semaphore_mem>> -> memref<!tpu.dma_semaphore, #tpu.memory_space<semaphore_mem>>
      tpu.enqueue_indirect_dma source(%dma_start3A_285 : memref<10000x128xbf16, #tpu.memory_space<hbm>>) target(%dma_start3A_279 : memref<128x128xbf16, #tpu.memory_space<vmem>>) offsets(%dma_start3A_282 : memref<128xi32, #tpu.memory_space<vmem>>) semaphore(%dma_start3A_287 : memref<!tpu.dma_semaphore, #tpu.memory_space<semaphore_mem>>)
      %mul3A_288 = arith.constant 8 : i32
      %mul3A_289 = arith.muli %while3A_152, %mul3A_288 : i32
      %add3A_290 = arith.constant 6 : i32
      %add3A_291 = arith.addi %mul3A_289, %add3A_290 : i32
      %gt3A_292 = arith.constant 0 : i32
      %gt3A_293 = arith.cmpi sgt, %while3A_152, %gt3A_292 : i32
      %convert_element_type3A_294 = arith.extui %gt3A_293 : i1 to i32
      %cond3A_295 = arith.constant 0 : i32
      %cond3A_296 = arith.cmpi ne, %convert_element_type3A_294, %cond3A_295 : i32
      scf.if %cond3A_296 {
        %dma_wait3A_590 = arith.constant 6 : i32
        %dma_wait3A_591 = arith.constant 0 : i32
        %dma_wait3A_592 = arith.constant 6 : i32
        %dma_wait3A_593 = arith.constant 0 : i32
        %dma_wait3A_594 = arith.constant 0 : i32
        %dma_wait3A_595 = tpu.memref_slice %arg9[%dma_wait3A_590, %dma_wait3A_593, %dma_wait3A_594] : memref<8x128x128xbf16, #tpu.memory_space<vmem>> -> memref<1x128x128xbf16, #tpu.memory_space<vmem>>
        %dma_wait3A_596 = tpu.memref_squeeze %dma_wait3A_595 : memref<1x128x128xbf16, #tpu.memory_space<vmem>> -> memref<128x128xbf16, #tpu.memory_space<vmem>>
        %dma_wait3A_597 = arith.constant 0 : i32
        %dma_wait3A_598 = tpu.memref_slice %arg8[%dma_wait3A_591, %dma_wait3A_597] : memref<88x128xi32, #tpu.memory_space<vmem>> -> memref<1x128xi32, #tpu.memory_space<vmem>>
        %dma_wait3A_599 = tpu.memref_squeeze %dma_wait3A_598 : memref<1x128xi32, #tpu.memory_space<vmem>> -> memref<128xi32, #tpu.memory_space<vmem>>
        %dma_wait3A_600 = arith.constant 0 : i32
        %dma_wait3A_601 = arith.constant 0 : i32
        %dma_wait3A_602 = tpu.memref_slice %arg12[%dma_wait3A_600, %dma_wait3A_601] : memref<10016x128xbf16, #tpu.memory_space<vmem_shared>> -> memref<10016x128xbf16, #tpu.memory_space<vmem_shared>>
        %dma_wait3A_603 = tpu.memref_slice %arg11[%dma_wait3A_592] : memref<8x!tpu.dma_semaphore, #tpu.memory_space<semaphore_mem>> -> memref<1x!tpu.dma_semaphore, #tpu.memory_space<semaphore_mem>>
        %dma_wait3A_604 = tpu.memref_squeeze %dma_wait3A_603 : memref<1x!tpu.dma_semaphore, #tpu.memory_space<semaphore_mem>> -> memref<!tpu.dma_semaphore, #tpu.memory_space<semaphore_mem>>
        tpu.wait_indirect_dma semaphore(%dma_wait3A_604 : memref<!tpu.dma_semaphore, #tpu.memory_space<semaphore_mem>>) src(%dma_wait3A_596 : memref<128x128xbf16, #tpu.memory_space<vmem>>) dst(%dma_wait3A_602 : memref<10016x128xbf16, #tpu.memory_space<vmem_shared>>)
      } else {
      }
      %dma_start3A_297 = arith.constant 6 : i32
      %dma_start3A_298 = arith.constant 6 : i32
      %dma_start3A_299 = arith.constant 0 : i32
      %dma_start3A_300 = arith.constant 0 : i32
      %dma_start3A_301 = tpu.memref_slice %arg9[%dma_start3A_297, %dma_start3A_299, %dma_start3A_300] : memref<8x128x128xbf16, #tpu.memory_space<vmem>> -> memref<1x128x128xbf16, #tpu.memory_space<vmem>>
      %dma_start3A_302 = tpu.memref_squeeze %dma_start3A_301 : memref<1x128x128xbf16, #tpu.memory_space<vmem>> -> memref<128x128xbf16, #tpu.memory_space<vmem>>
      %dma_start3A_303 = arith.constant 0 : i32
      %dma_start3A_304 = tpu.memref_slice %arg7[%add3A_291, %dma_start3A_303] : memref<88x128xi32, #tpu.memory_space<vmem>> -> memref<1x128xi32, #tpu.memory_space<vmem>>
      %dma_start3A_305 = tpu.memref_squeeze %dma_start3A_304 : memref<1x128xi32, #tpu.memory_space<vmem>> -> memref<128xi32, #tpu.memory_space<vmem>>
      %dma_start3A_306 = arith.constant 0 : i32
      %dma_start3A_307 = arith.constant 0 : i32
      %dma_start3A_308 = tpu.memref_slice %arg2[%dma_start3A_306, %dma_start3A_307] : memref<10000x128xbf16, #tpu.memory_space<hbm>> -> memref<10000x128xbf16, #tpu.memory_space<hbm>>
      %dma_start3A_309 = tpu.memref_slice %arg10[%dma_start3A_298] : memref<8x!tpu.dma_semaphore, #tpu.memory_space<semaphore_mem>> -> memref<1x!tpu.dma_semaphore, #tpu.memory_space<semaphore_mem>>
      %dma_start3A_310 = tpu.memref_squeeze %dma_start3A_309 : memref<1x!tpu.dma_semaphore, #tpu.memory_space<semaphore_mem>> -> memref<!tpu.dma_semaphore, #tpu.memory_space<semaphore_mem>>
      tpu.enqueue_indirect_dma source(%dma_start3A_308 : memref<10000x128xbf16, #tpu.memory_space<hbm>>) target(%dma_start3A_302 : memref<128x128xbf16, #tpu.memory_space<vmem>>) offsets(%dma_start3A_305 : memref<128xi32, #tpu.memory_space<vmem>>) semaphore(%dma_start3A_310 : memref<!tpu.dma_semaphore, #tpu.memory_space<semaphore_mem>>)
      %mul3A_311 = arith.constant 8 : i32
      %mul3A_312 = arith.muli %while3A_152, %mul3A_311 : i32
      %add3A_313 = arith.constant 7 : i32
      %add3A_314 = arith.addi %mul3A_312, %add3A_313 : i32
      %gt3A_315 = arith.constant 0 : i32
      %gt3A_316 = arith.cmpi sgt, %while3A_152, %gt3A_315 : i32
      %convert_element_type3A_317 = arith.extui %gt3A_316 : i1 to i32
      %cond3A_318 = arith.constant 0 : i32
      %cond3A_319 = arith.cmpi ne, %convert_element_type3A_317, %cond3A_318 : i32
      scf.if %cond3A_319 {
        %dma_wait3A_590 = arith.constant 7 : i32
        %dma_wait3A_591 = arith.constant 0 : i32
        %dma_wait3A_592 = arith.constant 7 : i32
        %dma_wait3A_593 = arith.constant 0 : i32
        %dma_wait3A_594 = arith.constant 0 : i32
        %dma_wait3A_595 = tpu.memref_slice %arg9[%dma_wait3A_590, %dma_wait3A_593, %dma_wait3A_594] : memref<8x128x128xbf16, #tpu.memory_space<vmem>> -> memref<1x128x128xbf16, #tpu.memory_space<vmem>>
        %dma_wait3A_596 = tpu.memref_squeeze %dma_wait3A_595 : memref<1x128x128xbf16, #tpu.memory_space<vmem>> -> memref<128x128xbf16, #tpu.memory_space<vmem>>
        %dma_wait3A_597 = arith.constant 0 : i32
        %dma_wait3A_598 = tpu.memref_slice %arg8[%dma_wait3A_591, %dma_wait3A_597] : memref<88x128xi32, #tpu.memory_space<vmem>> -> memref<1x128xi32, #tpu.memory_space<vmem>>
        %dma_wait3A_599 = tpu.memref_squeeze %dma_wait3A_598 : memref<1x128xi32, #tpu.memory_space<vmem>> -> memref<128xi32, #tpu.memory_space<vmem>>
        %dma_wait3A_600 = arith.constant 0 : i32
        %dma_wait3A_601 = arith.constant 0 : i32
        %dma_wait3A_602 = tpu.memref_slice %arg12[%dma_wait3A_600, %dma_wait3A_601] : memref<10016x128xbf16, #tpu.memory_space<vmem_shared>> -> memref<10016x128xbf16, #tpu.memory_space<vmem_shared>>
        %dma_wait3A_603 = tpu.memref_slice %arg11[%dma_wait3A_592] : memref<8x!tpu.dma_semaphore, #tpu.memory_space<semaphore_mem>> -> memref<1x!tpu.dma_semaphore, #tpu.memory_space<semaphore_mem>>
        %dma_wait3A_604 = tpu.memref_squeeze %dma_wait3A_603 : memref<1x!tpu.dma_semaphore, #tpu.memory_space<semaphore_mem>> -> memref<!tpu.dma_semaphore, #tpu.memory_space<semaphore_mem>>
        tpu.wait_indirect_dma semaphore(%dma_wait3A_604 : memref<!tpu.dma_semaphore, #tpu.memory_space<semaphore_mem>>) src(%dma_wait3A_596 : memref<128x128xbf16, #tpu.memory_space<vmem>>) dst(%dma_wait3A_602 : memref<10016x128xbf16, #tpu.memory_space<vmem_shared>>)
      } else {
      }
      %dma_start3A_320 = arith.constant 7 : i32
      %dma_start3A_321 = arith.constant 7 : i32
      %dma_start3A_322 = arith.constant 0 : i32
      %dma_start3A_323 = arith.constant 0 : i32
      %dma_start3A_324 = tpu.memref_slice %arg9[%dma_start3A_320, %dma_start3A_322, %dma_start3A_323] : memref<8x128x128xbf16, #tpu.memory_space<vmem>> -> memref<1x128x128xbf16, #tpu.memory_space<vmem>>
      %dma_start3A_325 = tpu.memref_squeeze %dma_start3A_324 : memref<1x128x128xbf16, #tpu.memory_space<vmem>> -> memref<128x128xbf16, #tpu.memory_space<vmem>>
      %dma_start3A_326 = arith.constant 0 : i32
      %dma_start3A_327 = tpu.memref_slice %arg7[%add3A_314, %dma_start3A_326] : memref<88x128xi32, #tpu.memory_space<vmem>> -> memref<1x128xi32, #tpu.memory_space<vmem>>
      %dma_start3A_328 = tpu.memref_squeeze %dma_start3A_327 : memref<1x128xi32, #tpu.memory_space<vmem>> -> memref<128xi32, #tpu.memory_space<vmem>>
      %dma_start3A_329 = arith.constant 0 : i32
      %dma_start3A_330 = arith.constant 0 : i32
      %dma_start3A_331 = tpu.memref_slice %arg2[%dma_start3A_329, %dma_start3A_330] : memref<10000x128xbf16, #tpu.memory_space<hbm>> -> memref<10000x128xbf16, #tpu.memory_space<hbm>>
      %dma_start3A_332 = tpu.memref_slice %arg10[%dma_start3A_321] : memref<8x!tpu.dma_semaphore, #tpu.memory_space<semaphore_mem>> -> memref<1x!tpu.dma_semaphore, #tpu.memory_space<semaphore_mem>>
      %dma_start3A_333 = tpu.memref_squeeze %dma_start3A_332 : memref<1x!tpu.dma_semaphore, #tpu.memory_space<semaphore_mem>> -> memref<!tpu.dma_semaphore, #tpu.memory_space<semaphore_mem>>
      tpu.enqueue_indirect_dma source(%dma_start3A_331 : memref<10000x128xbf16, #tpu.memory_space<hbm>>) target(%dma_start3A_325 : memref<128x128xbf16, #tpu.memory_space<vmem>>) offsets(%dma_start3A_328 : memref<128xi32, #tpu.memory_space<vmem>>) semaphore(%dma_start3A_333 : memref<!tpu.dma_semaphore, #tpu.memory_space<semaphore_mem>>)
      %mul3A_334 = arith.constant 8 : i32
      %mul3A_335 = arith.muli %while3A_152, %mul3A_334 : i32
      %add3A_336 = arith.constant 0 : i32
      %add3A_337 = arith.addi %mul3A_335, %add3A_336 : i32
      %dma_wait3A_338 = arith.constant 0 : i32
      %dma_wait3A_339 = arith.constant 0 : i32
      %dma_wait3A_340 = arith.constant 0 : i32
      %dma_wait3A_341 = arith.constant 0 : i32
      %dma_wait3A_342 = tpu.memref_slice %arg9[%dma_wait3A_338, %dma_wait3A_340, %dma_wait3A_341] : memref<8x128x128xbf16, #tpu.memory_space<vmem>> -> memref<1x128x128xbf16, #tpu.memory_space<vmem>>
      %dma_wait3A_343 = tpu.memref_squeeze %dma_wait3A_342 : memref<1x128x128xbf16, #tpu.memory_space<vmem>> -> memref<128x128xbf16, #tpu.memory_space<vmem>>
      %dma_wait3A_344 = arith.constant 0 : i32
      %dma_wait3A_345 = tpu.memref_slice %arg7[%add3A_155, %dma_wait3A_344] : memref<88x128xi32, #tpu.memory_space<vmem>> -> memref<1x128xi32, #tpu.memory_space<vmem>>
      %dma_wait3A_346 = tpu.memref_squeeze %dma_wait3A_345 : memref<1x128xi32, #tpu.memory_space<vmem>> -> memref<128xi32, #tpu.memory_space<vmem>>
      %dma_wait3A_347 = arith.constant 0 : i32
      %dma_wait3A_348 = arith.constant 0 : i32
      %dma_wait3A_349 = tpu.memref_slice %arg2[%dma_wait3A_347, %dma_wait3A_348] : memref<10000x128xbf16, #tpu.memory_space<hbm>> -> memref<10000x128xbf16, #tpu.memory_space<hbm>>
      %dma_wait3A_350 = tpu.memref_slice %arg10[%dma_wait3A_339] : memref<8x!tpu.dma_semaphore, #tpu.memory_space<semaphore_mem>> -> memref<1x!tpu.dma_semaphore, #tpu.memory_space<semaphore_mem>>
      %dma_wait3A_351 = tpu.memref_squeeze %dma_wait3A_350 : memref<1x!tpu.dma_semaphore, #tpu.memory_space<semaphore_mem>> -> memref<!tpu.dma_semaphore, #tpu.memory_space<semaphore_mem>>
      tpu.wait_indirect_dma semaphore(%dma_wait3A_351 : memref<!tpu.dma_semaphore, #tpu.memory_space<semaphore_mem>>) src(%dma_wait3A_349 : memref<10000x128xbf16, #tpu.memory_space<hbm>>) dst(%dma_wait3A_343 : memref<128x128xbf16, #tpu.memory_space<vmem>>)
      %dma_start3A_352 = arith.constant 0 : i32
      %dma_start3A_353 = arith.constant 0 : i32
      %dma_start3A_354 = arith.constant 0 : i32
      %dma_start3A_355 = arith.constant 0 : i32
      %dma_start3A_356 = tpu.memref_slice %arg9[%dma_start3A_352, %dma_start3A_354, %dma_start3A_355] : memref<8x128x128xbf16, #tpu.memory_space<vmem>> -> memref<1x128x128xbf16, #tpu.memory_space<vmem>>
      %dma_start3A_357 = tpu.memref_squeeze %dma_start3A_356 : memref<1x128x128xbf16, #tpu.memory_space<vmem>> -> memref<128x128xbf16, #tpu.memory_space<vmem>>
      %dma_start3A_358 = arith.constant 0 : i32
      %dma_start3A_359 = tpu.memref_slice %arg8[%add3A_337, %dma_start3A_358] : memref<88x128xi32, #tpu.memory_space<vmem>> -> memref<1x128xi32, #tpu.memory_space<vmem>>
      %dma_start3A_360 = tpu.memref_squeeze %dma_start3A_359 : memref<1x128xi32, #tpu.memory_space<vmem>> -> memref<128xi32, #tpu.memory_space<vmem>>
      %dma_start3A_361 = arith.constant 0 : i32
      %dma_start3A_362 = arith.constant 0 : i32
      %dma_start3A_363 = tpu.memref_slice %arg12[%dma_start3A_361, %dma_start3A_362] : memref<10016x128xbf16, #tpu.memory_space<vmem_shared>> -> memref<10016x128xbf16, #tpu.memory_space<vmem_shared>>
      %dma_start3A_364 = tpu.memref_slice %arg11[%dma_start3A_353] : memref<8x!tpu.dma_semaphore, #tpu.memory_space<semaphore_mem>> -> memref<1x!tpu.dma_semaphore, #tpu.memory_space<semaphore_mem>>
      %dma_start3A_365 = tpu.memref_squeeze %dma_start3A_364 : memref<1x!tpu.dma_semaphore, #tpu.memory_space<semaphore_mem>> -> memref<!tpu.dma_semaphore, #tpu.memory_space<semaphore_mem>>
      tpu.enqueue_indirect_dma source(%dma_start3A_357 : memref<128x128xbf16, #tpu.memory_space<vmem>>) target(%dma_start3A_363 : memref<10016x128xbf16, #tpu.memory_space<vmem_shared>>) offsets(%dma_start3A_360 : memref<128xi32, #tpu.memory_space<vmem>>) semaphore(%dma_start3A_365 : memref<!tpu.dma_semaphore, #tpu.memory_space<semaphore_mem>>) {add = true}
      %mul3A_366 = arith.constant 8 : i32
      %mul3A_367 = arith.muli %while3A_152, %mul3A_366 : i32
      %add3A_368 = arith.constant 1 : i32
      %add3A_369 = arith.addi %mul3A_367, %add3A_368 : i32
      %dma_wait3A_370 = arith.constant 1 : i32
      %dma_wait3A_371 = arith.constant 1 : i32
      %dma_wait3A_372 = arith.constant 0 : i32
      %dma_wait3A_373 = arith.constant 0 : i32
      %dma_wait3A_374 = tpu.memref_slice %arg9[%dma_wait3A_370, %dma_wait3A_372, %dma_wait3A_373] : memref<8x128x128xbf16, #tpu.memory_space<vmem>> -> memref<1x128x128xbf16, #tpu.memory_space<vmem>>
      %dma_wait3A_375 = tpu.memref_squeeze %dma_wait3A_374 : memref<1x128x128xbf16, #tpu.memory_space<vmem>> -> memref<128x128xbf16, #tpu.memory_space<vmem>>
      %dma_wait3A_376 = arith.constant 0 : i32
      %dma_wait3A_377 = tpu.memref_slice %arg7[%add3A_176, %dma_wait3A_376] : memref<88x128xi32, #tpu.memory_space<vmem>> -> memref<1x128xi32, #tpu.memory_space<vmem>>
      %dma_wait3A_378 = tpu.memref_squeeze %dma_wait3A_377 : memref<1x128xi32, #tpu.memory_space<vmem>> -> memref<128xi32, #tpu.memory_space<vmem>>
      %dma_wait3A_379 = arith.constant 0 : i32
      %dma_wait3A_380 = arith.constant 0 : i32
      %dma_wait3A_381 = tpu.memref_slice %arg2[%dma_wait3A_379, %dma_wait3A_380] : memref<10000x128xbf16, #tpu.memory_space<hbm>> -> memref<10000x128xbf16, #tpu.memory_space<hbm>>
      %dma_wait3A_382 = tpu.memref_slice %arg10[%dma_wait3A_371] : memref<8x!tpu.dma_semaphore, #tpu.memory_space<semaphore_mem>> -> memref<1x!tpu.dma_semaphore, #tpu.memory_space<semaphore_mem>>
      %dma_wait3A_383 = tpu.memref_squeeze %dma_wait3A_382 : memref<1x!tpu.dma_semaphore, #tpu.memory_space<semaphore_mem>> -> memref<!tpu.dma_semaphore, #tpu.memory_space<semaphore_mem>>
      tpu.wait_indirect_dma semaphore(%dma_wait3A_383 : memref<!tpu.dma_semaphore, #tpu.memory_space<semaphore_mem>>) src(%dma_wait3A_381 : memref<10000x128xbf16, #tpu.memory_space<hbm>>) dst(%dma_wait3A_375 : memref<128x128xbf16, #tpu.memory_space<vmem>>)
      %dma_start3A_384 = arith.constant 1 : i32
      %dma_start3A_385 = arith.constant 1 : i32
      %dma_start3A_386 = arith.constant 0 : i32
      %dma_start3A_387 = arith.constant 0 : i32
      %dma_start3A_388 = tpu.memref_slice %arg9[%dma_start3A_384, %dma_start3A_386, %dma_start3A_387] : memref<8x128x128xbf16, #tpu.memory_space<vmem>> -> memref<1x128x128xbf16, #tpu.memory_space<vmem>>
      %dma_start3A_389 = tpu.memref_squeeze %dma_start3A_388 : memref<1x128x128xbf16, #tpu.memory_space<vmem>> -> memref<128x128xbf16, #tpu.memory_space<vmem>>
      %dma_start3A_390 = arith.constant 0 : i32
      %dma_start3A_391 = tpu.memref_slice %arg8[%add3A_369, %dma_start3A_390] : memref<88x128xi32, #tpu.memory_space<vmem>> -> memref<1x128xi32, #tpu.memory_space<vmem>>
      %dma_start3A_392 = tpu.memref_squeeze %dma_start3A_391 : memref<1x128xi32, #tpu.memory_space<vmem>> -> memref<128xi32, #tpu.memory_space<vmem>>
      %dma_start3A_393 = arith.constant 0 : i32
      %dma_start3A_394 = arith.constant 0 : i32
      %dma_start3A_395 = tpu.memref_slice %arg12[%dma_start3A_393, %dma_start3A_394] : memref<10016x128xbf16, #tpu.memory_space<vmem_shared>> -> memref<10016x128xbf16, #tpu.memory_space<vmem_shared>>
      %dma_start3A_396 = tpu.memref_slice %arg11[%dma_start3A_385] : memref<8x!tpu.dma_semaphore, #tpu.memory_space<semaphore_mem>> -> memref<1x!tpu.dma_semaphore, #tpu.memory_space<semaphore_mem>>
      %dma_start3A_397 = tpu.memref_squeeze %dma_start3A_396 : memref<1x!tpu.dma_semaphore, #tpu.memory_space<semaphore_mem>> -> memref<!tpu.dma_semaphore, #tpu.memory_space<semaphore_mem>>
      tpu.enqueue_indirect_dma source(%dma_start3A_389 : memref<128x128xbf16, #tpu.memory_space<vmem>>) target(%dma_start3A_395 : memref<10016x128xbf16, #tpu.memory_space<vmem_shared>>) offsets(%dma_start3A_392 : memref<128xi32, #tpu.memory_space<vmem>>) semaphore(%dma_start3A_397 : memref<!tpu.dma_semaphore, #tpu.memory_space<semaphore_mem>>) {add = true}
      %mul3A_398 = arith.constant 8 : i32
      %mul3A_399 = arith.muli %while3A_152, %mul3A_398 : i32
      %add3A_400 = arith.constant 2 : i32
      %add3A_401 = arith.addi %mul3A_399, %add3A_400 : i32
      %dma_wait3A_402 = arith.constant 2 : i32
      %dma_wait3A_403 = arith.constant 2 : i32
      %dma_wait3A_404 = arith.constant 0 : i32
      %dma_wait3A_405 = arith.constant 0 : i32
      %dma_wait3A_406 = tpu.memref_slice %arg9[%dma_wait3A_402, %dma_wait3A_404, %dma_wait3A_405] : memref<8x128x128xbf16, #tpu.memory_space<vmem>> -> memref<1x128x128xbf16, #tpu.memory_space<vmem>>
      %dma_wait3A_407 = tpu.memref_squeeze %dma_wait3A_406 : memref<1x128x128xbf16, #tpu.memory_space<vmem>> -> memref<128x128xbf16, #tpu.memory_space<vmem>>
      %dma_wait3A_408 = arith.constant 0 : i32
      %dma_wait3A_409 = tpu.memref_slice %arg7[%add3A_199, %dma_wait3A_408] : memref<88x128xi32, #tpu.memory_space<vmem>> -> memref<1x128xi32, #tpu.memory_space<vmem>>
      %dma_wait3A_410 = tpu.memref_squeeze %dma_wait3A_409 : memref<1x128xi32, #tpu.memory_space<vmem>> -> memref<128xi32, #tpu.memory_space<vmem>>
      %dma_wait3A_411 = arith.constant 0 : i32
      %dma_wait3A_412 = arith.constant 0 : i32
      %dma_wait3A_413 = tpu.memref_slice %arg2[%dma_wait3A_411, %dma_wait3A_412] : memref<10000x128xbf16, #tpu.memory_space<hbm>> -> memref<10000x128xbf16, #tpu.memory_space<hbm>>
      %dma_wait3A_414 = tpu.memref_slice %arg10[%dma_wait3A_403] : memref<8x!tpu.dma_semaphore, #tpu.memory_space<semaphore_mem>> -> memref<1x!tpu.dma_semaphore, #tpu.memory_space<semaphore_mem>>
      %dma_wait3A_415 = tpu.memref_squeeze %dma_wait3A_414 : memref<1x!tpu.dma_semaphore, #tpu.memory_space<semaphore_mem>> -> memref<!tpu.dma_semaphore, #tpu.memory_space<semaphore_mem>>
      tpu.wait_indirect_dma semaphore(%dma_wait3A_415 : memref<!tpu.dma_semaphore, #tpu.memory_space<semaphore_mem>>) src(%dma_wait3A_413 : memref<10000x128xbf16, #tpu.memory_space<hbm>>) dst(%dma_wait3A_407 : memref<128x128xbf16, #tpu.memory_space<vmem>>)
      %dma_start3A_416 = arith.constant 2 : i32
      %dma_start3A_417 = arith.constant 2 : i32
      %dma_start3A_418 = arith.constant 0 : i32
      %dma_start3A_419 = arith.constant 0 : i32
      %dma_start3A_420 = tpu.memref_slice %arg9[%dma_start3A_416, %dma_start3A_418, %dma_start3A_419] : memref<8x128x128xbf16, #tpu.memory_space<vmem>> -> memref<1x128x128xbf16, #tpu.memory_space<vmem>>
      %dma_start3A_421 = tpu.memref_squeeze %dma_start3A_420 : memref<1x128x128xbf16, #tpu.memory_space<vmem>> -> memref<128x128xbf16, #tpu.memory_space<vmem>>
      %dma_start3A_422 = arith.constant 0 : i32
      %dma_start3A_423 = tpu.memref_slice %arg8[%add3A_401, %dma_start3A_422] : memref<88x128xi32, #tpu.memory_space<vmem>> -> memref<1x128xi32, #tpu.memory_space<vmem>>
      %dma_start3A_424 = tpu.memref_squeeze %dma_start3A_423 : memref<1x128xi32, #tpu.memory_space<vmem>> -> memref<128xi32, #tpu.memory_space<vmem>>
      %dma_start3A_425 = arith.constant 0 : i32
      %dma_start3A_426 = arith.constant 0 : i32
      %dma_start3A_427 = tpu.memref_slice %arg12[%dma_start3A_425, %dma_start3A_426] : memref<10016x128xbf16, #tpu.memory_space<vmem_shared>> -> memref<10016x128xbf16, #tpu.memory_space<vmem_shared>>
      %dma_start3A_428 = tpu.memref_slice %arg11[%dma_start3A_417] : memref<8x!tpu.dma_semaphore, #tpu.memory_space<semaphore_mem>> -> memref<1x!tpu.dma_semaphore, #tpu.memory_space<semaphore_mem>>
      %dma_start3A_429 = tpu.memref_squeeze %dma_start3A_428 : memref<1x!tpu.dma_semaphore, #tpu.memory_space<semaphore_mem>> -> memref<!tpu.dma_semaphore, #tpu.memory_space<semaphore_mem>>
      tpu.enqueue_indirect_dma source(%dma_start3A_421 : memref<128x128xbf16, #tpu.memory_space<vmem>>) target(%dma_start3A_427 : memref<10016x128xbf16, #tpu.memory_space<vmem_shared>>) offsets(%dma_start3A_424 : memref<128xi32, #tpu.memory_space<vmem>>) semaphore(%dma_start3A_429 : memref<!tpu.dma_semaphore, #tpu.memory_space<semaphore_mem>>) {add = true}
      %mul3A_430 = arith.constant 8 : i32
      %mul3A_431 = arith.muli %while3A_152, %mul3A_430 : i32
      %add3A_432 = arith.constant 3 : i32
      %add3A_433 = arith.addi %mul3A_431, %add3A_432 : i32
      %dma_wait3A_434 = arith.constant 3 : i32
      %dma_wait3A_435 = arith.constant 3 : i32
      %dma_wait3A_436 = arith.constant 0 : i32
      %dma_wait3A_437 = arith.constant 0 : i32
      %dma_wait3A_438 = tpu.memref_slice %arg9[%dma_wait3A_434, %dma_wait3A_436, %dma_wait3A_437] : memref<8x128x128xbf16, #tpu.memory_space<vmem>> -> memref<1x128x128xbf16, #tpu.memory_space<vmem>>
      %dma_wait3A_439 = tpu.memref_squeeze %dma_wait3A_438 : memref<1x128x128xbf16, #tpu.memory_space<vmem>> -> memref<128x128xbf16, #tpu.memory_space<vmem>>
      %dma_wait3A_440 = arith.constant 0 : i32
      %dma_wait3A_441 = tpu.memref_slice %arg7[%add3A_222, %dma_wait3A_440] : memref<88x128xi32, #tpu.memory_space<vmem>> -> memref<1x128xi32, #tpu.memory_space<vmem>>
      %dma_wait3A_442 = tpu.memref_squeeze %dma_wait3A_441 : memref<1x128xi32, #tpu.memory_space<vmem>> -> memref<128xi32, #tpu.memory_space<vmem>>
      %dma_wait3A_443 = arith.constant 0 : i32
      %dma_wait3A_444 = arith.constant 0 : i32
      %dma_wait3A_445 = tpu.memref_slice %arg2[%dma_wait3A_443, %dma_wait3A_444] : memref<10000x128xbf16, #tpu.memory_space<hbm>> -> memref<10000x128xbf16, #tpu.memory_space<hbm>>
      %dma_wait3A_446 = tpu.memref_slice %arg10[%dma_wait3A_435] : memref<8x!tpu.dma_semaphore, #tpu.memory_space<semaphore_mem>> -> memref<1x!tpu.dma_semaphore, #tpu.memory_space<semaphore_mem>>
      %dma_wait3A_447 = tpu.memref_squeeze %dma_wait3A_446 : memref<1x!tpu.dma_semaphore, #tpu.memory_space<semaphore_mem>> -> memref<!tpu.dma_semaphore, #tpu.memory_space<semaphore_mem>>
      tpu.wait_indirect_dma semaphore(%dma_wait3A_447 : memref<!tpu.dma_semaphore, #tpu.memory_space<semaphore_mem>>) src(%dma_wait3A_445 : memref<10000x128xbf16, #tpu.memory_space<hbm>>) dst(%dma_wait3A_439 : memref<128x128xbf16, #tpu.memory_space<vmem>>)
      %dma_start3A_448 = arith.constant 3 : i32
      %dma_start3A_449 = arith.constant 3 : i32
      %dma_start3A_450 = arith.constant 0 : i32
      %dma_start3A_451 = arith.constant 0 : i32
      %dma_start3A_452 = tpu.memref_slice %arg9[%dma_start3A_448, %dma_start3A_450, %dma_start3A_451] : memref<8x128x128xbf16, #tpu.memory_space<vmem>> -> memref<1x128x128xbf16, #tpu.memory_space<vmem>>
      %dma_start3A_453 = tpu.memref_squeeze %dma_start3A_452 : memref<1x128x128xbf16, #tpu.memory_space<vmem>> -> memref<128x128xbf16, #tpu.memory_space<vmem>>
      %dma_start3A_454 = arith.constant 0 : i32
      %dma_start3A_455 = tpu.memref_slice %arg8[%add3A_433, %dma_start3A_454] : memref<88x128xi32, #tpu.memory_space<vmem>> -> memref<1x128xi32, #tpu.memory_space<vmem>>
      %dma_start3A_456 = tpu.memref_squeeze %dma_start3A_455 : memref<1x128xi32, #tpu.memory_space<vmem>> -> memref<128xi32, #tpu.memory_space<vmem>>
      %dma_start3A_457 = arith.constant 0 : i32
      %dma_start3A_458 = arith.constant 0 : i32
      %dma_start3A_459 = tpu.memref_slice %arg12[%dma_start3A_457, %dma_start3A_458] : memref<10016x128xbf16, #tpu.memory_space<vmem_shared>> -> memref<10016x128xbf16, #tpu.memory_space<vmem_shared>>
      %dma_start3A_460 = tpu.memref_slice %arg11[%dma_start3A_449] : memref<8x!tpu.dma_semaphore, #tpu.memory_space<semaphore_mem>> -> memref<1x!tpu.dma_semaphore, #tpu.memory_space<semaphore_mem>>
      %dma_start3A_461 = tpu.memref_squeeze %dma_start3A_460 : memref<1x!tpu.dma_semaphore, #tpu.memory_space<semaphore_mem>> -> memref<!tpu.dma_semaphore, #tpu.memory_space<semaphore_mem>>
      tpu.enqueue_indirect_dma source(%dma_start3A_453 : memref<128x128xbf16, #tpu.memory_space<vmem>>) target(%dma_start3A_459 : memref<10016x128xbf16, #tpu.memory_space<vmem_shared>>) offsets(%dma_start3A_456 : memref<128xi32, #tpu.memory_space<vmem>>) semaphore(%dma_start3A_461 : memref<!tpu.dma_semaphore, #tpu.memory_space<semaphore_mem>>) {add = true}
      %mul3A_462 = arith.constant 8 : i32
      %mul3A_463 = arith.muli %while3A_152, %mul3A_462 : i32
      %add3A_464 = arith.constant 4 : i32
      %add3A_465 = arith.addi %mul3A_463, %add3A_464 : i32
      %dma_wait3A_466 = arith.constant 4 : i32
      %dma_wait3A_467 = arith.constant 4 : i32
      %dma_wait3A_468 = arith.constant 0 : i32
      %dma_wait3A_469 = arith.constant 0 : i32
      %dma_wait3A_470 = tpu.memref_slice %arg9[%dma_wait3A_466, %dma_wait3A_468, %dma_wait3A_469] : memref<8x128x128xbf16, #tpu.memory_space<vmem>> -> memref<1x128x128xbf16, #tpu.memory_space<vmem>>
      %dma_wait3A_471 = tpu.memref_squeeze %dma_wait3A_470 : memref<1x128x128xbf16, #tpu.memory_space<vmem>> -> memref<128x128xbf16, #tpu.memory_space<vmem>>
      %dma_wait3A_472 = arith.constant 0 : i32
      %dma_wait3A_473 = tpu.memref_slice %arg7[%add3A_245, %dma_wait3A_472] : memref<88x128xi32, #tpu.memory_space<vmem>> -> memref<1x128xi32, #tpu.memory_space<vmem>>
      %dma_wait3A_474 = tpu.memref_squeeze %dma_wait3A_473 : memref<1x128xi32, #tpu.memory_space<vmem>> -> memref<128xi32, #tpu.memory_space<vmem>>
      %dma_wait3A_475 = arith.constant 0 : i32
      %dma_wait3A_476 = arith.constant 0 : i32
      %dma_wait3A_477 = tpu.memref_slice %arg2[%dma_wait3A_475, %dma_wait3A_476] : memref<10000x128xbf16, #tpu.memory_space<hbm>> -> memref<10000x128xbf16, #tpu.memory_space<hbm>>
      %dma_wait3A_478 = tpu.memref_slice %arg10[%dma_wait3A_467] : memref<8x!tpu.dma_semaphore, #tpu.memory_space<semaphore_mem>> -> memref<1x!tpu.dma_semaphore, #tpu.memory_space<semaphore_mem>>
      %dma_wait3A_479 = tpu.memref_squeeze %dma_wait3A_478 : memref<1x!tpu.dma_semaphore, #tpu.memory_space<semaphore_mem>> -> memref<!tpu.dma_semaphore, #tpu.memory_space<semaphore_mem>>
      tpu.wait_indirect_dma semaphore(%dma_wait3A_479 : memref<!tpu.dma_semaphore, #tpu.memory_space<semaphore_mem>>) src(%dma_wait3A_477 : memref<10000x128xbf16, #tpu.memory_space<hbm>>) dst(%dma_wait3A_471 : memref<128x128xbf16, #tpu.memory_space<vmem>>)
      %dma_start3A_480 = arith.constant 4 : i32
      %dma_start3A_481 = arith.constant 4 : i32
      %dma_start3A_482 = arith.constant 0 : i32
      %dma_start3A_483 = arith.constant 0 : i32
      %dma_start3A_484 = tpu.memref_slice %arg9[%dma_start3A_480, %dma_start3A_482, %dma_start3A_483] : memref<8x128x128xbf16, #tpu.memory_space<vmem>> -> memref<1x128x128xbf16, #tpu.memory_space<vmem>>
      %dma_start3A_485 = tpu.memref_squeeze %dma_start3A_484 : memref<1x128x128xbf16, #tpu.memory_space<vmem>> -> memref<128x128xbf16, #tpu.memory_space<vmem>>
      %dma_start3A_486 = arith.constant 0 : i32
      %dma_start3A_487 = tpu.memref_slice %arg8[%add3A_465, %dma_start3A_486] : memref<88x128xi32, #tpu.memory_space<vmem>> -> memref<1x128xi32, #tpu.memory_space<vmem>>
      %dma_start3A_488 = tpu.memref_squeeze %dma_start3A_487 : memref<1x128xi32, #tpu.memory_space<vmem>> -> memref<128xi32, #tpu.memory_space<vmem>>
      %dma_start3A_489 = arith.constant 0 : i32
      %dma_start3A_490 = arith.constant 0 : i32
      %dma_start3A_491 = tpu.memref_slice %arg12[%dma_start3A_489, %dma_start3A_490] : memref<10016x128xbf16, #tpu.memory_space<vmem_shared>> -> memref<10016x128xbf16, #tpu.memory_space<vmem_shared>>
      %dma_start3A_492 = tpu.memref_slice %arg11[%dma_start3A_481] : memref<8x!tpu.dma_semaphore, #tpu.memory_space<semaphore_mem>> -> memref<1x!tpu.dma_semaphore, #tpu.memory_space<semaphore_mem>>
      %dma_start3A_493 = tpu.memref_squeeze %dma_start3A_492 : memref<1x!tpu.dma_semaphore, #tpu.memory_space<semaphore_mem>> -> memref<!tpu.dma_semaphore, #tpu.memory_space<semaphore_mem>>
      tpu.enqueue_indirect_dma source(%dma_start3A_485 : memref<128x128xbf16, #tpu.memory_space<vmem>>) target(%dma_start3A_491 : memref<10016x128xbf16, #tpu.memory_space<vmem_shared>>) offsets(%dma_start3A_488 : memref<128xi32, #tpu.memory_space<vmem>>) semaphore(%dma_start3A_493 : memref<!tpu.dma_semaphore, #tpu.memory_space<semaphore_mem>>) {add = true}
      %mul3A_494 = arith.constant 8 : i32
      %mul3A_495 = arith.muli %while3A_152, %mul3A_494 : i32
      %add3A_496 = arith.constant 5 : i32
      %add3A_497 = arith.addi %mul3A_495, %add3A_496 : i32
      %dma_wait3A_498 = arith.constant 5 : i32
      %dma_wait3A_499 = arith.constant 5 : i32
      %dma_wait3A_500 = arith.constant 0 : i32
      %dma_wait3A_501 = arith.constant 0 : i32
      %dma_wait3A_502 = tpu.memref_slice %arg9[%dma_wait3A_498, %dma_wait3A_500, %dma_wait3A_501] : memref<8x128x128xbf16, #tpu.memory_space<vmem>> -> memref<1x128x128xbf16, #tpu.memory_space<vmem>>
      %dma_wait3A_503 = tpu.memref_squeeze %dma_wait3A_502 : memref<1x128x128xbf16, #tpu.memory_space<vmem>> -> memref<128x128xbf16, #tpu.memory_space<vmem>>
      %dma_wait3A_504 = arith.constant 0 : i32
      %dma_wait3A_505 = tpu.memref_slice %arg7[%add3A_268, %dma_wait3A_504] : memref<88x128xi32, #tpu.memory_space<vmem>> -> memref<1x128xi32, #tpu.memory_space<vmem>>
      %dma_wait3A_506 = tpu.memref_squeeze %dma_wait3A_505 : memref<1x128xi32, #tpu.memory_space<vmem>> -> memref<128xi32, #tpu.memory_space<vmem>>
      %dma_wait3A_507 = arith.constant 0 : i32
      %dma_wait3A_508 = arith.constant 0 : i32
      %dma_wait3A_509 = tpu.memref_slice %arg2[%dma_wait3A_507, %dma_wait3A_508] : memref<10000x128xbf16, #tpu.memory_space<hbm>> -> memref<10000x128xbf16, #tpu.memory_space<hbm>>
      %dma_wait3A_510 = tpu.memref_slice %arg10[%dma_wait3A_499] : memref<8x!tpu.dma_semaphore, #tpu.memory_space<semaphore_mem>> -> memref<1x!tpu.dma_semaphore, #tpu.memory_space<semaphore_mem>>
      %dma_wait3A_511 = tpu.memref_squeeze %dma_wait3A_510 : memref<1x!tpu.dma_semaphore, #tpu.memory_space<semaphore_mem>> -> memref<!tpu.dma_semaphore, #tpu.memory_space<semaphore_mem>>
      tpu.wait_indirect_dma semaphore(%dma_wait3A_511 : memref<!tpu.dma_semaphore, #tpu.memory_space<semaphore_mem>>) src(%dma_wait3A_509 : memref<10000x128xbf16, #tpu.memory_space<hbm>>) dst(%dma_wait3A_503 : memref<128x128xbf16, #tpu.memory_space<vmem>>)
      %dma_start3A_512 = arith.constant 5 : i32
      %dma_start3A_513 = arith.constant 5 : i32
      %dma_start3A_514 = arith.constant 0 : i32
      %dma_start3A_515 = arith.constant 0 : i32
      %dma_start3A_516 = tpu.memref_slice %arg9[%dma_start3A_512, %dma_start3A_514, %dma_start3A_515] : memref<8x128x128xbf16, #tpu.memory_space<vmem>> -> memref<1x128x128xbf16, #tpu.memory_space<vmem>>
      %dma_start3A_517 = tpu.memref_squeeze %dma_start3A_516 : memref<1x128x128xbf16, #tpu.memory_space<vmem>> -> memref<128x128xbf16, #tpu.memory_space<vmem>>
      %dma_start3A_518 = arith.constant 0 : i32
      %dma_start3A_519 = tpu.memref_slice %arg8[%add3A_497, %dma_start3A_518] : memref<88x128xi32, #tpu.memory_space<vmem>> -> memref<1x128xi32, #tpu.memory_space<vmem>>
      %dma_start3A_520 = tpu.memref_squeeze %dma_start3A_519 : memref<1x128xi32, #tpu.memory_space<vmem>> -> memref<128xi32, #tpu.memory_space<vmem>>
      %dma_start3A_521 = arith.constant 0 : i32
      %dma_start3A_522 = arith.constant 0 : i32
      %dma_start3A_523 = tpu.memref_slice %arg12[%dma_start3A_521, %dma_start3A_522] : memref<10016x128xbf16, #tpu.memory_space<vmem_shared>> -> memref<10016x128xbf16, #tpu.memory_space<vmem_shared>>
      %dma_start3A_524 = tpu.memref_slice %arg11[%dma_start3A_513] : memref<8x!tpu.dma_semaphore, #tpu.memory_space<semaphore_mem>> -> memref<1x!tpu.dma_semaphore, #tpu.memory_space<semaphore_mem>>
      %dma_start3A_525 = tpu.memref_squeeze %dma_start3A_524 : memref<1x!tpu.dma_semaphore, #tpu.memory_space<semaphore_mem>> -> memref<!tpu.dma_semaphore, #tpu.memory_space<semaphore_mem>>
      tpu.enqueue_indirect_dma source(%dma_start3A_517 : memref<128x128xbf16, #tpu.memory_space<vmem>>) target(%dma_start3A_523 : memref<10016x128xbf16, #tpu.memory_space<vmem_shared>>) offsets(%dma_start3A_520 : memref<128xi32, #tpu.memory_space<vmem>>) semaphore(%dma_start3A_525 : memref<!tpu.dma_semaphore, #tpu.memory_space<semaphore_mem>>) {add = true}
      %mul3A_526 = arith.constant 8 : i32
      %mul3A_527 = arith.muli %while3A_152, %mul3A_526 : i32
      %add3A_528 = arith.constant 6 : i32
      %add3A_529 = arith.addi %mul3A_527, %add3A_528 : i32
      %dma_wait3A_530 = arith.constant 6 : i32
      %dma_wait3A_531 = arith.constant 6 : i32
      %dma_wait3A_532 = arith.constant 0 : i32
      %dma_wait3A_533 = arith.constant 0 : i32
      %dma_wait3A_534 = tpu.memref_slice %arg9[%dma_wait3A_530, %dma_wait3A_532, %dma_wait3A_533] : memref<8x128x128xbf16, #tpu.memory_space<vmem>> -> memref<1x128x128xbf16, #tpu.memory_space<vmem>>
      %dma_wait3A_535 = tpu.memref_squeeze %dma_wait3A_534 : memref<1x128x128xbf16, #tpu.memory_space<vmem>> -> memref<128x128xbf16, #tpu.memory_space<vmem>>
      %dma_wait3A_536 = arith.constant 0 : i32
      %dma_wait3A_537 = tpu.memref_slice %arg7[%add3A_291, %dma_wait3A_536] : memref<88x128xi32, #tpu.memory_space<vmem>> -> memref<1x128xi32, #tpu.memory_space<vmem>>
      %dma_wait3A_538 = tpu.memref_squeeze %dma_wait3A_537 : memref<1x128xi32, #tpu.memory_space<vmem>> -> memref<128xi32, #tpu.memory_space<vmem>>
      %dma_wait3A_539 = arith.constant 0 : i32
      %dma_wait3A_540 = arith.constant 0 : i32
      %dma_wait3A_541 = tpu.memref_slice %arg2[%dma_wait3A_539, %dma_wait3A_540] : memref<10000x128xbf16, #tpu.memory_space<hbm>> -> memref<10000x128xbf16, #tpu.memory_space<hbm>>
      %dma_wait3A_542 = tpu.memref_slice %arg10[%dma_wait3A_531] : memref<8x!tpu.dma_semaphore, #tpu.memory_space<semaphore_mem>> -> memref<1x!tpu.dma_semaphore, #tpu.memory_space<semaphore_mem>>
      %dma_wait3A_543 = tpu.memref_squeeze %dma_wait3A_542 : memref<1x!tpu.dma_semaphore, #tpu.memory_space<semaphore_mem>> -> memref<!tpu.dma_semaphore, #tpu.memory_space<semaphore_mem>>
      tpu.wait_indirect_dma semaphore(%dma_wait3A_543 : memref<!tpu.dma_semaphore, #tpu.memory_space<semaphore_mem>>) src(%dma_wait3A_541 : memref<10000x128xbf16, #tpu.memory_space<hbm>>) dst(%dma_wait3A_535 : memref<128x128xbf16, #tpu.memory_space<vmem>>)
      %dma_start3A_544 = arith.constant 6 : i32
      %dma_start3A_545 = arith.constant 6 : i32
      %dma_start3A_546 = arith.constant 0 : i32
      %dma_start3A_547 = arith.constant 0 : i32
      %dma_start3A_548 = tpu.memref_slice %arg9[%dma_start3A_544, %dma_start3A_546, %dma_start3A_547] : memref<8x128x128xbf16, #tpu.memory_space<vmem>> -> memref<1x128x128xbf16, #tpu.memory_space<vmem>>
      %dma_start3A_549 = tpu.memref_squeeze %dma_start3A_548 : memref<1x128x128xbf16, #tpu.memory_space<vmem>> -> memref<128x128xbf16, #tpu.memory_space<vmem>>
      %dma_start3A_550 = arith.constant 0 : i32
      %dma_start3A_551 = tpu.memref_slice %arg8[%add3A_529, %dma_start3A_550] : memref<88x128xi32, #tpu.memory_space<vmem>> -> memref<1x128xi32, #tpu.memory_space<vmem>>
      %dma_start3A_552 = tpu.memref_squeeze %dma_start3A_551 : memref<1x128xi32, #tpu.memory_space<vmem>> -> memref<128xi32, #tpu.memory_space<vmem>>
      %dma_start3A_553 = arith.constant 0 : i32
      %dma_start3A_554 = arith.constant 0 : i32
      %dma_start3A_555 = tpu.memref_slice %arg12[%dma_start3A_553, %dma_start3A_554] : memref<10016x128xbf16, #tpu.memory_space<vmem_shared>> -> memref<10016x128xbf16, #tpu.memory_space<vmem_shared>>
      %dma_start3A_556 = tpu.memref_slice %arg11[%dma_start3A_545] : memref<8x!tpu.dma_semaphore, #tpu.memory_space<semaphore_mem>> -> memref<1x!tpu.dma_semaphore, #tpu.memory_space<semaphore_mem>>
      %dma_start3A_557 = tpu.memref_squeeze %dma_start3A_556 : memref<1x!tpu.dma_semaphore, #tpu.memory_space<semaphore_mem>> -> memref<!tpu.dma_semaphore, #tpu.memory_space<semaphore_mem>>
      tpu.enqueue_indirect_dma source(%dma_start3A_549 : memref<128x128xbf16, #tpu.memory_space<vmem>>) target(%dma_start3A_555 : memref<10016x128xbf16, #tpu.memory_space<vmem_shared>>) offsets(%dma_start3A_552 : memref<128xi32, #tpu.memory_space<vmem>>) semaphore(%dma_start3A_557 : memref<!tpu.dma_semaphore, #tpu.memory_space<semaphore_mem>>) {add = true}
      %mul3A_558 = arith.constant 8 : i32
      %mul3A_559 = arith.muli %while3A_152, %mul3A_558 : i32
      %add3A_560 = arith.constant 7 : i32
      %add3A_561 = arith.addi %mul3A_559, %add3A_560 : i32
      %dma_wait3A_562 = arith.constant 7 : i32
      %dma_wait3A_563 = arith.constant 7 : i32
      %dma_wait3A_564 = arith.constant 0 : i32
      %dma_wait3A_565 = arith.constant 0 : i32
      %dma_wait3A_566 = tpu.memref_slice %arg9[%dma_wait3A_562, %dma_wait3A_564, %dma_wait3A_565] : memref<8x128x128xbf16, #tpu.memory_space<vmem>> -> memref<1x128x128xbf16, #tpu.memory_space<vmem>>
      %dma_wait3A_567 = tpu.memref_squeeze %dma_wait3A_566 : memref<1x128x128xbf16, #tpu.memory_space<vmem>> -> memref<128x128xbf16, #tpu.memory_space<vmem>>
      %dma_wait3A_568 = arith.constant 0 : i32
      %dma_wait3A_569 = tpu.memref_slice %arg7[%add3A_314, %dma_wait3A_568] : memref<88x128xi32, #tpu.memory_space<vmem>> -> memref<1x128xi32, #tpu.memory_space<vmem>>
      %dma_wait3A_570 = tpu.memref_squeeze %dma_wait3A_569 : memref<1x128xi32, #tpu.memory_space<vmem>> -> memref<128xi32, #tpu.memory_space<vmem>>
      %dma_wait3A_571 = arith.constant 0 : i32
      %dma_wait3A_572 = arith.constant 0 : i32
      %dma_wait3A_573 = tpu.memref_slice %arg2[%dma_wait3A_571, %dma_wait3A_572] : memref<10000x128xbf16, #tpu.memory_space<hbm>> -> memref<10000x128xbf16, #tpu.memory_space<hbm>>
      %dma_wait3A_574 = tpu.memref_slice %arg10[%dma_wait3A_563] : memref<8x!tpu.dma_semaphore, #tpu.memory_space<semaphore_mem>> -> memref<1x!tpu.dma_semaphore, #tpu.memory_space<semaphore_mem>>
      %dma_wait3A_575 = tpu.memref_squeeze %dma_wait3A_574 : memref<1x!tpu.dma_semaphore, #tpu.memory_space<semaphore_mem>> -> memref<!tpu.dma_semaphore, #tpu.memory_space<semaphore_mem>>
      tpu.wait_indirect_dma semaphore(%dma_wait3A_575 : memref<!tpu.dma_semaphore, #tpu.memory_space<semaphore_mem>>) src(%dma_wait3A_573 : memref<10000x128xbf16, #tpu.memory_space<hbm>>) dst(%dma_wait3A_567 : memref<128x128xbf16, #tpu.memory_space<vmem>>)
      %dma_start3A_576 = arith.constant 7 : i32
      %dma_start3A_577 = arith.constant 7 : i32
      %dma_start3A_578 = arith.constant 0 : i32
      %dma_start3A_579 = arith.constant 0 : i32
      %dma_start3A_580 = tpu.memref_slice %arg9[%dma_start3A_576, %dma_start3A_578, %dma_start3A_579] : memref<8x128x128xbf16, #tpu.memory_space<vmem>> -> memref<1x128x128xbf16, #tpu.memory_space<vmem>>
      %dma_start3A_581 = tpu.memref_squeeze %dma_start3A_580 : memref<1x128x128xbf16, #tpu.memory_space<vmem>> -> memref<128x128xbf16, #tpu.memory_space<vmem>>
      %dma_start3A_582 = arith.constant 0 : i32
      %dma_start3A_583 = tpu.memref_slice %arg8[%add3A_561, %dma_start3A_582] : memref<88x128xi32, #tpu.memory_space<vmem>> -> memref<1x128xi32, #tpu.memory_space<vmem>>
      %dma_start3A_584 = tpu.memref_squeeze %dma_start3A_583 : memref<1x128xi32, #tpu.memory_space<vmem>> -> memref<128xi32, #tpu.memory_space<vmem>>
      %dma_start3A_585 = arith.constant 0 : i32
      %dma_start3A_586 = arith.constant 0 : i32
      %dma_start3A_587 = tpu.memref_slice %arg12[%dma_start3A_585, %dma_start3A_586] : memref<10016x128xbf16, #tpu.memory_space<vmem_shared>> -> memref<10016x128xbf16, #tpu.memory_space<vmem_shared>>
      %dma_start3A_588 = tpu.memref_slice %arg11[%dma_start3A_577] : memref<8x!tpu.dma_semaphore, #tpu.memory_space<semaphore_mem>> -> memref<1x!tpu.dma_semaphore, #tpu.memory_space<semaphore_mem>>
      %dma_start3A_589 = tpu.memref_squeeze %dma_start3A_588 : memref<1x!tpu.dma_semaphore, #tpu.memory_space<semaphore_mem>> -> memref<!tpu.dma_semaphore, #tpu.memory_space<semaphore_mem>>
      tpu.enqueue_indirect_dma source(%dma_start3A_581 : memref<128x128xbf16, #tpu.memory_space<vmem>>) target(%dma_start3A_587 : memref<10016x128xbf16, #tpu.memory_space<vmem_shared>>) offsets(%dma_start3A_584 : memref<128xi32, #tpu.memory_space<vmem>>) semaphore(%dma_start3A_589 : memref<!tpu.dma_semaphore, #tpu.memory_space<semaphore_mem>>) {add = true}
    }
    %while3A_24 = arith.constant 1 : i32
    scf.for %while3A_152 = %while3A_22 to %while3A_18 step %while3A_24  : i32 {
      %mul3A_153 = arith.constant 8 : i32
      %mul3A_154 = arith.muli %while3A_152, %mul3A_153 : i32
      %add3A = arith.constant 0 : i32
      %add3A_155 = arith.addi %mul3A_154, %add3A : i32
      %gt3A = arith.constant 0 : i32
      %gt3A_156 = arith.cmpi sgt, %while3A_152, %gt3A : i32
      %convert_element_type3A_157 = arith.extui %gt3A_156 : i1 to i32
      %cond3A_158 = arith.constant 0 : i32
      %cond3A_159 = arith.cmpi ne, %convert_element_type3A_157, %cond3A_158 : i32
      scf.if %cond3A_159 {
        %dma_wait3A_590 = arith.constant 0 : i32
        %dma_wait3A_591 = arith.constant 0 : i32
        %dma_wait3A_592 = arith.constant 0 : i32
        %dma_wait3A_593 = arith.constant 0 : i32
        %dma_wait3A_594 = arith.constant 0 : i32
        %dma_wait3A_595 = tpu.memref_slice %arg9[%dma_wait3A_590, %dma_wait3A_593, %dma_wait3A_594] : memref<8x128x128xbf16, #tpu.memory_space<vmem>> -> memref<1x128x128xbf16, #tpu.memory_space<vmem>>
        %dma_wait3A_596 = tpu.memref_squeeze %dma_wait3A_595 : memref<1x128x128xbf16, #tpu.memory_space<vmem>> -> memref<128x128xbf16, #tpu.memory_space<vmem>>
        %dma_wait3A_597 = arith.constant 0 : i32
        %dma_wait3A_598 = tpu.memref_slice %arg8[%dma_wait3A_591, %dma_wait3A_597] : memref<88x128xi32, #tpu.memory_space<vmem>> -> memref<1x128xi32, #tpu.memory_space<vmem>>
        %dma_wait3A_599 = tpu.memref_squeeze %dma_wait3A_598 : memref<1x128xi32, #tpu.memory_space<vmem>> -> memref<128xi32, #tpu.memory_space<vmem>>
        %dma_wait3A_600 = arith.constant 0 : i32
        %dma_wait3A_601 = arith.constant 0 : i32
        %dma_wait3A_602 = tpu.memref_slice %arg12[%dma_wait3A_600, %dma_wait3A_601] : memref<10016x128xbf16, #tpu.memory_space<vmem_shared>> -> memref<10016x128xbf16, #tpu.memory_space<vmem_shared>>
        %dma_wait3A_603 = tpu.memref_slice %arg11[%dma_wait3A_592] : memref<8x!tpu.dma_semaphore, #tpu.memory_space<semaphore_mem>> -> memref<1x!tpu.dma_semaphore, #tpu.memory_space<semaphore_mem>>
        %dma_wait3A_604 = tpu.memref_squeeze %dma_wait3A_603 : memref<1x!tpu.dma_semaphore, #tpu.memory_space<semaphore_mem>> -> memref<!tpu.dma_semaphore, #tpu.memory_space<semaphore_mem>>
        tpu.wait_indirect_dma semaphore(%dma_wait3A_604 : memref<!tpu.dma_semaphore, #tpu.memory_space<semaphore_mem>>) src(%dma_wait3A_596 : memref<128x128xbf16, #tpu.memory_space<vmem>>) dst(%dma_wait3A_602 : memref<10016x128xbf16, #tpu.memory_space<vmem_shared>>)
      } else {
      }
      %dma_start3A = arith.constant 0 : i32
      %dma_start3A_160 = arith.constant 0 : i32
      %dma_start3A_161 = arith.constant 0 : i32
      %dma_start3A_162 = arith.constant 0 : i32
      %dma_start3A_163 = tpu.memref_slice %arg9[%dma_start3A, %dma_start3A_161, %dma_start3A_162] : memref<8x128x128xbf16, #tpu.memory_space<vmem>> -> memref<1x128x128xbf16, #tpu.memory_space<vmem>>
      %dma_start3A_164 = tpu.memref_squeeze %dma_start3A_163 : memref<1x128x128xbf16, #tpu.memory_space<vmem>> -> memref<128x128xbf16, #tpu.memory_space<vmem>>
      %dma_start3A_165 = arith.constant 0 : i32
      %dma_start3A_166 = tpu.memref_slice %arg7[%add3A_155, %dma_start3A_165] : memref<88x128xi32, #tpu.memory_space<vmem>> -> memref<1x128xi32, #tpu.memory_space<vmem>>
      %dma_start3A_167 = tpu.memref_squeeze %dma_start3A_166 : memref<1x128xi32, #tpu.memory_space<vmem>> -> memref<128xi32, #tpu.memory_space<vmem>>
      %dma_start3A_168 = arith.constant 0 : i32
      %dma_start3A_169 = arith.constant 0 : i32
      %dma_start3A_170 = tpu.memref_slice %arg2[%dma_start3A_168, %dma_start3A_169] : memref<10000x128xbf16, #tpu.memory_space<hbm>> -> memref<10000x128xbf16, #tpu.memory_space<hbm>>
      %dma_start3A_171 = tpu.memref_slice %arg10[%dma_start3A_160] : memref<8x!tpu.dma_semaphore, #tpu.memory_space<semaphore_mem>> -> memref<1x!tpu.dma_semaphore, #tpu.memory_space<semaphore_mem>>
      %dma_start3A_172 = tpu.memref_squeeze %dma_start3A_171 : memref<1x!tpu.dma_semaphore, #tpu.memory_space<semaphore_mem>> -> memref<!tpu.dma_semaphore, #tpu.memory_space<semaphore_mem>>
      tpu.enqueue_indirect_dma source(%dma_start3A_170 : memref<10000x128xbf16, #tpu.memory_space<hbm>>) target(%dma_start3A_164 : memref<128x128xbf16, #tpu.memory_space<vmem>>) offsets(%dma_start3A_167 : memref<128xi32, #tpu.memory_space<vmem>>) semaphore(%dma_start3A_172 : memref<!tpu.dma_semaphore, #tpu.memory_space<semaphore_mem>>)
      %mul3A_173 = arith.constant 8 : i32
      %mul3A_174 = arith.muli %while3A_152, %mul3A_173 : i32
      %add3A_175 = arith.constant 1 : i32
      %add3A_176 = arith.addi %mul3A_174, %add3A_175 : i32
      %gt3A_177 = arith.constant 0 : i32
      %gt3A_178 = arith.cmpi sgt, %while3A_152, %gt3A_177 : i32
      %convert_element_type3A_179 = arith.extui %gt3A_178 : i1 to i32
      %cond3A_180 = arith.constant 0 : i32
      %cond3A_181 = arith.cmpi ne, %convert_element_type3A_179, %cond3A_180 : i32
      scf.if %cond3A_181 {
        %dma_wait3A_590 = arith.constant 1 : i32
        %dma_wait3A_591 = arith.constant 0 : i32
        %dma_wait3A_592 = arith.constant 1 : i32
        %dma_wait3A_593 = arith.constant 0 : i32
        %dma_wait3A_594 = arith.constant 0 : i32
        %dma_wait3A_595 = tpu.memref_slice %arg9[%dma_wait3A_590, %dma_wait3A_593, %dma_wait3A_594] : memref<8x128x128xbf16, #tpu.memory_space<vmem>> -> memref<1x128x128xbf16, #tpu.memory_space<vmem>>
        %dma_wait3A_596 = tpu.memref_squeeze %dma_wait3A_595 : memref<1x128x128xbf16, #tpu.memory_space<vmem>> -> memref<128x128xbf16, #tpu.memory_space<vmem>>
        %dma_wait3A_597 = arith.constant 0 : i32
        %dma_wait3A_598 = tpu.memref_slice %arg8[%dma_wait3A_591, %dma_wait3A_597] : memref<88x128xi32, #tpu.memory_space<vmem>> -> memref<1x128xi32, #tpu.memory_space<vmem>>
        %dma_wait3A_599 = tpu.memref_squeeze %dma_wait3A_598 : memref<1x128xi32, #tpu.memory_space<vmem>> -> memref<128xi32, #tpu.memory_space<vmem>>
        %dma_wait3A_600 = arith.constant 0 : i32
        %dma_wait3A_601 = arith.constant 0 : i32
        %dma_wait3A_602 = tpu.memref_slice %arg12[%dma_wait3A_600, %dma_wait3A_601] : memref<10016x128xbf16, #tpu.memory_space<vmem_shared>> -> memref<10016x128xbf16, #tpu.memory_space<vmem_shared>>
        %dma_wait3A_603 = tpu.memref_slice %arg11[%dma_wait3A_592] : memref<8x!tpu.dma_semaphore, #tpu.memory_space<semaphore_mem>> -> memref<1x!tpu.dma_semaphore, #tpu.memory_space<semaphore_mem>>
        %dma_wait3A_604 = tpu.memref_squeeze %dma_wait3A_603 : memref<1x!tpu.dma_semaphore, #tpu.memory_space<semaphore_mem>> -> memref<!tpu.dma_semaphore, #tpu.memory_space<semaphore_mem>>
        tpu.wait_indirect_dma semaphore(%dma_wait3A_604 : memref<!tpu.dma_semaphore, #tpu.memory_space<semaphore_mem>>) src(%dma_wait3A_596 : memref<128x128xbf16, #tpu.memory_space<vmem>>) dst(%dma_wait3A_602 : memref<10016x128xbf16, #tpu.memory_space<vmem_shared>>)
      } else {
      }
      %dma_start3A_182 = arith.constant 1 : i32
      %dma_start3A_183 = arith.constant 1 : i32
      %dma_start3A_184 = arith.constant 0 : i32
      %dma_start3A_185 = arith.constant 0 : i32
      %dma_start3A_186 = tpu.memref_slice %arg9[%dma_start3A_182, %dma_start3A_184, %dma_start3A_185] : memref<8x128x128xbf16, #tpu.memory_space<vmem>> -> memref<1x128x128xbf16, #tpu.memory_space<vmem>>
      %dma_start3A_187 = tpu.memref_squeeze %dma_start3A_186 : memref<1x128x128xbf16, #tpu.memory_space<vmem>> -> memref<128x128xbf16, #tpu.memory_space<vmem>>
      %dma_start3A_188 = arith.constant 0 : i32
      %dma_start3A_189 = tpu.memref_slice %arg7[%add3A_176, %dma_start3A_188] : memref<88x128xi32, #tpu.memory_space<vmem>> -> memref<1x128xi32, #tpu.memory_space<vmem>>
      %dma_start3A_190 = tpu.memref_squeeze %dma_start3A_189 : memref<1x128xi32, #tpu.memory_space<vmem>> -> memref<128xi32, #tpu.memory_space<vmem>>
      %dma_start3A_191 = arith.constant 0 : i32
      %dma_start3A_192 = arith.constant 0 : i32
      %dma_start3A_193 = tpu.memref_slice %arg2[%dma_start3A_191, %dma_start3A_192] : memref<10000x128xbf16, #tpu.memory_space<hbm>> -> memref<10000x128xbf16, #tpu.memory_space<hbm>>
      %dma_start3A_194 = tpu.memref_slice %arg10[%dma_start3A_183] : memref<8x!tpu.dma_semaphore, #tpu.memory_space<semaphore_mem>> -> memref<1x!tpu.dma_semaphore, #tpu.memory_space<semaphore_mem>>
      %dma_start3A_195 = tpu.memref_squeeze %dma_start3A_194 : memref<1x!tpu.dma_semaphore, #tpu.memory_space<semaphore_mem>> -> memref<!tpu.dma_semaphore, #tpu.memory_space<semaphore_mem>>
      tpu.enqueue_indirect_dma source(%dma_start3A_193 : memref<10000x128xbf16, #tpu.memory_space<hbm>>) target(%dma_start3A_187 : memref<128x128xbf16, #tpu.memory_space<vmem>>) offsets(%dma_start3A_190 : memref<128xi32, #tpu.memory_space<vmem>>) semaphore(%dma_start3A_195 : memref<!tpu.dma_semaphore, #tpu.memory_space<semaphore_mem>>)
      %mul3A_196 = arith.constant 8 : i32
      %mul3A_197 = arith.muli %while3A_152, %mul3A_196 : i32
      %add3A_198 = arith.constant 2 : i32
      %add3A_199 = arith.addi %mul3A_197, %add3A_198 : i32
      %gt3A_200 = arith.constant 0 : i32
      %gt3A_201 = arith.cmpi sgt, %while3A_152, %gt3A_200 : i32
      %convert_element_type3A_202 = arith.extui %gt3A_201 : i1 to i32
      %cond3A_203 = arith.constant 0 : i32
      %cond3A_204 = arith.cmpi ne, %convert_element_type3A_202, %cond3A_203 : i32
      scf.if %cond3A_204 {
        %dma_wait3A_590 = arith.constant 2 : i32
        %dma_wait3A_591 = arith.constant 0 : i32
        %dma_wait3A_592 = arith.constant 2 : i32
        %dma_wait3A_593 = arith.constant 0 : i32
        %dma_wait3A_594 = arith.constant 0 : i32
        %dma_wait3A_595 = tpu.memref_slice %arg9[%dma_wait3A_590, %dma_wait3A_593, %dma_wait3A_594] : memref<8x128x128xbf16, #tpu.memory_space<vmem>> -> memref<1x128x128xbf16, #tpu.memory_space<vmem>>
        %dma_wait3A_596 = tpu.memref_squeeze %dma_wait3A_595 : memref<1x128x128xbf16, #tpu.memory_space<vmem>> -> memref<128x128xbf16, #tpu.memory_space<vmem>>
        %dma_wait3A_597 = arith.constant 0 : i32
        %dma_wait3A_598 = tpu.memref_slice %arg8[%dma_wait3A_591, %dma_wait3A_597] : memref<88x128xi32, #tpu.memory_space<vmem>> -> memref<1x128xi32, #tpu.memory_space<vmem>>
        %dma_wait3A_599 = tpu.memref_squeeze %dma_wait3A_598 : memref<1x128xi32, #tpu.memory_space<vmem>> -> memref<128xi32, #tpu.memory_space<vmem>>
        %dma_wait3A_600 = arith.constant 0 : i32
        %dma_wait3A_601 = arith.constant 0 : i32
        %dma_wait3A_602 = tpu.memref_slice %arg12[%dma_wait3A_600, %dma_wait3A_601] : memref<10016x128xbf16, #tpu.memory_space<vmem_shared>> -> memref<10016x128xbf16, #tpu.memory_space<vmem_shared>>
        %dma_wait3A_603 = tpu.memref_slice %arg11[%dma_wait3A_592] : memref<8x!tpu.dma_semaphore, #tpu.memory_space<semaphore_mem>> -> memref<1x!tpu.dma_semaphore, #tpu.memory_space<semaphore_mem>>
        %dma_wait3A_604 = tpu.memref_squeeze %dma_wait3A_603 : memref<1x!tpu.dma_semaphore, #tpu.memory_space<semaphore_mem>> -> memref<!tpu.dma_semaphore, #tpu.memory_space<semaphore_mem>>
        tpu.wait_indirect_dma semaphore(%dma_wait3A_604 : memref<!tpu.dma_semaphore, #tpu.memory_space<semaphore_mem>>) src(%dma_wait3A_596 : memref<128x128xbf16, #tpu.memory_space<vmem>>) dst(%dma_wait3A_602 : memref<10016x128xbf16, #tpu.memory_space<vmem_shared>>)
      } else {
      }
      %dma_start3A_205 = arith.constant 2 : i32
      %dma_start3A_206 = arith.constant 2 : i32
      %dma_start3A_207 = arith.constant 0 : i32
      %dma_start3A_208 = arith.constant 0 : i32
      %dma_start3A_209 = tpu.memref_slice %arg9[%dma_start3A_205, %dma_start3A_207, %dma_start3A_208] : memref<8x128x128xbf16, #tpu.memory_space<vmem>> -> memref<1x128x128xbf16, #tpu.memory_space<vmem>>
      %dma_start3A_210 = tpu.memref_squeeze %dma_start3A_209 : memref<1x128x128xbf16, #tpu.memory_space<vmem>> -> memref<128x128xbf16, #tpu.memory_space<vmem>>
      %dma_start3A_211 = arith.constant 0 : i32
      %dma_start3A_212 = tpu.memref_slice %arg7[%add3A_199, %dma_start3A_211] : memref<88x128xi32, #tpu.memory_space<vmem>> -> memref<1x128xi32, #tpu.memory_space<vmem>>
      %dma_start3A_213 = tpu.memref_squeeze %dma_start3A_212 : memref<1x128xi32, #tpu.memory_space<vmem>> -> memref<128xi32, #tpu.memory_space<vmem>>
      %dma_start3A_214 = arith.constant 0 : i32
      %dma_start3A_215 = arith.constant 0 : i32
      %dma_start3A_216 = tpu.memref_slice %arg2[%dma_start3A_214, %dma_start3A_215] : memref<10000x128xbf16, #tpu.memory_space<hbm>> -> memref<10000x128xbf16, #tpu.memory_space<hbm>>
      %dma_start3A_217 = tpu.memref_slice %arg10[%dma_start3A_206] : memref<8x!tpu.dma_semaphore, #tpu.memory_space<semaphore_mem>> -> memref<1x!tpu.dma_semaphore, #tpu.memory_space<semaphore_mem>>
      %dma_start3A_218 = tpu.memref_squeeze %dma_start3A_217 : memref<1x!tpu.dma_semaphore, #tpu.memory_space<semaphore_mem>> -> memref<!tpu.dma_semaphore, #tpu.memory_space<semaphore_mem>>
      tpu.enqueue_indirect_dma source(%dma_start3A_216 : memref<10000x128xbf16, #tpu.memory_space<hbm>>) target(%dma_start3A_210 : memref<128x128xbf16, #tpu.memory_space<vmem>>) offsets(%dma_start3A_213 : memref<128xi32, #tpu.memory_space<vmem>>) semaphore(%dma_start3A_218 : memref<!tpu.dma_semaphore, #tpu.memory_space<semaphore_mem>>)
      %mul3A_219 = arith.constant 8 : i32
      %mul3A_220 = arith.muli %while3A_152, %mul3A_219 : i32
      %add3A_221 = arith.constant 3 : i32
      %add3A_222 = arith.addi %mul3A_220, %add3A_221 : i32
      %gt3A_223 = arith.constant 0 : i32
      %gt3A_224 = arith.cmpi sgt, %while3A_152, %gt3A_223 : i32
      %convert_element_type3A_225 = arith.extui %gt3A_224 : i1 to i32
      %cond3A_226 = arith.constant 0 : i32
      %cond3A_227 = arith.cmpi ne, %convert_element_type3A_225, %cond3A_226 : i32
      scf.if %cond3A_227 {
        %dma_wait3A_590 = arith.constant 3 : i32
        %dma_wait3A_591 = arith.constant 0 : i32
        %dma_wait3A_592 = arith.constant 3 : i32
        %dma_wait3A_593 = arith.constant 0 : i32
        %dma_wait3A_594 = arith.constant 0 : i32
        %dma_wait3A_595 = tpu.memref_slice %arg9[%dma_wait3A_590, %dma_wait3A_593, %dma_wait3A_594] : memref<8x128x128xbf16, #tpu.memory_space<vmem>> -> memref<1x128x128xbf16, #tpu.memory_space<vmem>>
        %dma_wait3A_596 = tpu.memref_squeeze %dma_wait3A_595 : memref<1x128x128xbf16, #tpu.memory_space<vmem>> -> memref<128x128xbf16, #tpu.memory_space<vmem>>
        %dma_wait3A_597 = arith.constant 0 : i32
        %dma_wait3A_598 = tpu.memref_slice %arg8[%dma_wait3A_591, %dma_wait3A_597] : memref<88x128xi32, #tpu.memory_space<vmem>> -> memref<1x128xi32, #tpu.memory_space<vmem>>
        %dma_wait3A_599 = tpu.memref_squeeze %dma_wait3A_598 : memref<1x128xi32, #tpu.memory_space<vmem>> -> memref<128xi32, #tpu.memory_space<vmem>>
        %dma_wait3A_600 = arith.constant 0 : i32
        %dma_wait3A_601 = arith.constant 0 : i32
        %dma_wait3A_602 = tpu.memref_slice %arg12[%dma_wait3A_600, %dma_wait3A_601] : memref<10016x128xbf16, #tpu.memory_space<vmem_shared>> -> memref<10016x128xbf16, #tpu.memory_space<vmem_shared>>
        %dma_wait3A_603 = tpu.memref_slice %arg11[%dma_wait3A_592] : memref<8x!tpu.dma_semaphore, #tpu.memory_space<semaphore_mem>> -> memref<1x!tpu.dma_semaphore, #tpu.memory_space<semaphore_mem>>
        %dma_wait3A_604 = tpu.memref_squeeze %dma_wait3A_603 : memref<1x!tpu.dma_semaphore, #tpu.memory_space<semaphore_mem>> -> memref<!tpu.dma_semaphore, #tpu.memory_space<semaphore_mem>>
        tpu.wait_indirect_dma semaphore(%dma_wait3A_604 : memref<!tpu.dma_semaphore, #tpu.memory_space<semaphore_mem>>) src(%dma_wait3A_596 : memref<128x128xbf16, #tpu.memory_space<vmem>>) dst(%dma_wait3A_602 : memref<10016x128xbf16, #tpu.memory_space<vmem_shared>>)
      } else {
      }
      %dma_start3A_228 = arith.constant 3 : i32
      %dma_start3A_229 = arith.constant 3 : i32
      %dma_start3A_230 = arith.constant 0 : i32
      %dma_start3A_231 = arith.constant 0 : i32
      %dma_start3A_232 = tpu.memref_slice %arg9[%dma_start3A_228, %dma_start3A_230, %dma_start3A_231] : memref<8x128x128xbf16, #tpu.memory_space<vmem>> -> memref<1x128x128xbf16, #tpu.memory_space<vmem>>
      %dma_start3A_233 = tpu.memref_squeeze %dma_start3A_232 : memref<1x128x128xbf16, #tpu.memory_space<vmem>> -> memref<128x128xbf16, #tpu.memory_space<vmem>>
      %dma_start3A_234 = arith.constant 0 : i32
      %dma_start3A_235 = tpu.memref_slice %arg7[%add3A_222, %dma_start3A_234] : memref<88x128xi32, #tpu.memory_space<vmem>> -> memref<1x128xi32, #tpu.memory_space<vmem>>
      %dma_start3A_236 = tpu.memref_squeeze %dma_start3A_235 : memref<1x128xi32, #tpu.memory_space<vmem>> -> memref<128xi32, #tpu.memory_space<vmem>>
      %dma_start3A_237 = arith.constant 0 : i32
      %dma_start3A_238 = arith.constant 0 : i32
      %dma_start3A_239 = tpu.memref_slice %arg2[%dma_start3A_237, %dma_start3A_238] : memref<10000x128xbf16, #tpu.memory_space<hbm>> -> memref<10000x128xbf16, #tpu.memory_space<hbm>>
      %dma_start3A_240 = tpu.memref_slice %arg10[%dma_start3A_229] : memref<8x!tpu.dma_semaphore, #tpu.memory_space<semaphore_mem>> -> memref<1x!tpu.dma_semaphore, #tpu.memory_space<semaphore_mem>>
      %dma_start3A_241 = tpu.memref_squeeze %dma_start3A_240 : memref<1x!tpu.dma_semaphore, #tpu.memory_space<semaphore_mem>> -> memref<!tpu.dma_semaphore, #tpu.memory_space<semaphore_mem>>
      tpu.enqueue_indirect_dma source(%dma_start3A_239 : memref<10000x128xbf16, #tpu.memory_space<hbm>>) target(%dma_start3A_233 : memref<128x128xbf16, #tpu.memory_space<vmem>>) offsets(%dma_start3A_236 : memref<128xi32, #tpu.memory_space<vmem>>) semaphore(%dma_start3A_241 : memref<!tpu.dma_semaphore, #tpu.memory_space<semaphore_mem>>)
      %mul3A_242 = arith.constant 8 : i32
      %mul3A_243 = arith.muli %while3A_152, %mul3A_242 : i32
      %add3A_244 = arith.constant 4 : i32
      %add3A_245 = arith.addi %mul3A_243, %add3A_244 : i32
      %gt3A_246 = arith.constant 0 : i32
      %gt3A_247 = arith.cmpi sgt, %while3A_152, %gt3A_246 : i32
      %convert_element_type3A_248 = arith.extui %gt3A_247 : i1 to i32
      %cond3A_249 = arith.constant 0 : i32
      %cond3A_250 = arith.cmpi ne, %convert_element_type3A_248, %cond3A_249 : i32
      scf.if %cond3A_250 {
        %dma_wait3A_590 = arith.constant 4 : i32
        %dma_wait3A_591 = arith.constant 0 : i32
        %dma_wait3A_592 = arith.constant 4 : i32
        %dma_wait3A_593 = arith.constant 0 : i32
        %dma_wait3A_594 = arith.constant 0 : i32
        %dma_wait3A_595 = tpu.memref_slice %arg9[%dma_wait3A_590, %dma_wait3A_593, %dma_wait3A_594] : memref<8x128x128xbf16, #tpu.memory_space<vmem>> -> memref<1x128x128xbf16, #tpu.memory_space<vmem>>
        %dma_wait3A_596 = tpu.memref_squeeze %dma_wait3A_595 : memref<1x128x128xbf16, #tpu.memory_space<vmem>> -> memref<128x128xbf16, #tpu.memory_space<vmem>>
        %dma_wait3A_597 = arith.constant 0 : i32
        %dma_wait3A_598 = tpu.memref_slice %arg8[%dma_wait3A_591, %dma_wait3A_597] : memref<88x128xi32, #tpu.memory_space<vmem>> -> memref<1x128xi32, #tpu.memory_space<vmem>>
        %dma_wait3A_599 = tpu.memref_squeeze %dma_wait3A_598 : memref<1x128xi32, #tpu.memory_space<vmem>> -> memref<128xi32, #tpu.memory_space<vmem>>
        %dma_wait3A_600 = arith.constant 0 : i32
        %dma_wait3A_601 = arith.constant 0 : i32
        %dma_wait3A_602 = tpu.memref_slice %arg12[%dma_wait3A_600, %dma_wait3A_601] : memref<10016x128xbf16, #tpu.memory_space<vmem_shared>> -> memref<10016x128xbf16, #tpu.memory_space<vmem_shared>>
        %dma_wait3A_603 = tpu.memref_slice %arg11[%dma_wait3A_592] : memref<8x!tpu.dma_semaphore, #tpu.memory_space<semaphore_mem>> -> memref<1x!tpu.dma_semaphore, #tpu.memory_space<semaphore_mem>>
        %dma_wait3A_604 = tpu.memref_squeeze %dma_wait3A_603 : memref<1x!tpu.dma_semaphore, #tpu.memory_space<semaphore_mem>> -> memref<!tpu.dma_semaphore, #tpu.memory_space<semaphore_mem>>
        tpu.wait_indirect_dma semaphore(%dma_wait3A_604 : memref<!tpu.dma_semaphore, #tpu.memory_space<semaphore_mem>>) src(%dma_wait3A_596 : memref<128x128xbf16, #tpu.memory_space<vmem>>) dst(%dma_wait3A_602 : memref<10016x128xbf16, #tpu.memory_space<vmem_shared>>)
      } else {
      }
      %dma_start3A_251 = arith.constant 4 : i32
      %dma_start3A_252 = arith.constant 4 : i32
      %dma_start3A_253 = arith.constant 0 : i32
      %dma_start3A_254 = arith.constant 0 : i32
      %dma_start3A_255 = tpu.memref_slice %arg9[%dma_start3A_251, %dma_start3A_253, %dma_start3A_254] : memref<8x128x128xbf16, #tpu.memory_space<vmem>> -> memref<1x128x128xbf16, #tpu.memory_space<vmem>>
      %dma_start3A_256 = tpu.memref_squeeze %dma_start3A_255 : memref<1x128x128xbf16, #tpu.memory_space<vmem>> -> memref<128x128xbf16, #tpu.memory_space<vmem>>
      %dma_start3A_257 = arith.constant 0 : i32
      %dma_start3A_258 = tpu.memref_slice %arg7[%add3A_245, %dma_start3A_257] : memref<88x128xi32, #tpu.memory_space<vmem>> -> memref<1x128xi32, #tpu.memory_space<vmem>>
      %dma_start3A_259 = tpu.memref_squeeze %dma_start3A_258 : memref<1x128xi32, #tpu.memory_space<vmem>> -> memref<128xi32, #tpu.memory_space<vmem>>
      %dma_start3A_260 = arith.constant 0 : i32
      %dma_start3A_261 = arith.constant 0 : i32
      %dma_start3A_262 = tpu.memref_slice %arg2[%dma_start3A_260, %dma_start3A_261] : memref<10000x128xbf16, #tpu.memory_space<hbm>> -> memref<10000x128xbf16, #tpu.memory_space<hbm>>
      %dma_start3A_263 = tpu.memref_slice %arg10[%dma_start3A_252] : memref<8x!tpu.dma_semaphore, #tpu.memory_space<semaphore_mem>> -> memref<1x!tpu.dma_semaphore, #tpu.memory_space<semaphore_mem>>
      %dma_start3A_264 = tpu.memref_squeeze %dma_start3A_263 : memref<1x!tpu.dma_semaphore, #tpu.memory_space<semaphore_mem>> -> memref<!tpu.dma_semaphore, #tpu.memory_space<semaphore_mem>>
      tpu.enqueue_indirect_dma source(%dma_start3A_262 : memref<10000x128xbf16, #tpu.memory_space<hbm>>) target(%dma_start3A_256 : memref<128x128xbf16, #tpu.memory_space<vmem>>) offsets(%dma_start3A_259 : memref<128xi32, #tpu.memory_space<vmem>>) semaphore(%dma_start3A_264 : memref<!tpu.dma_semaphore, #tpu.memory_space<semaphore_mem>>)
      %mul3A_265 = arith.constant 8 : i32
      %mul3A_266 = arith.muli %while3A_152, %mul3A_265 : i32
      %add3A_267 = arith.constant 5 : i32
      %add3A_268 = arith.addi %mul3A_266, %add3A_267 : i32
      %gt3A_269 = arith.constant 0 : i32
      %gt3A_270 = arith.cmpi sgt, %while3A_152, %gt3A_269 : i32
      %convert_element_type3A_271 = arith.extui %gt3A_270 : i1 to i32
      %cond3A_272 = arith.constant 0 : i32
      %cond3A_273 = arith.cmpi ne, %convert_element_type3A_271, %cond3A_272 : i32
      scf.if %cond3A_273 {
        %dma_wait3A_590 = arith.constant 5 : i32
        %dma_wait3A_591 = arith.constant 0 : i32
        %dma_wait3A_592 = arith.constant 5 : i32
        %dma_wait3A_593 = arith.constant 0 : i32
        %dma_wait3A_594 = arith.constant 0 : i32
        %dma_wait3A_595 = tpu.memref_slice %arg9[%dma_wait3A_590, %dma_wait3A_593, %dma_wait3A_594] : memref<8x128x128xbf16, #tpu.memory_space<vmem>> -> memref<1x128x128xbf16, #tpu.memory_space<vmem>>
        %dma_wait3A_596 = tpu.memref_squeeze %dma_wait3A_595 : memref<1x128x128xbf16, #tpu.memory_space<vmem>> -> memref<128x128xbf16, #tpu.memory_space<vmem>>
        %dma_wait3A_597 = arith.constant 0 : i32
        %dma_wait3A_598 = tpu.memref_slice %arg8[%dma_wait3A_591, %dma_wait3A_597] : memref<88x128xi32, #tpu.memory_space<vmem>> -> memref<1x128xi32, #tpu.memory_space<vmem>>
        %dma_wait3A_599 = tpu.memref_squeeze %dma_wait3A_598 : memref<1x128xi32, #tpu.memory_space<vmem>> -> memref<128xi32, #tpu.memory_space<vmem>>
        %dma_wait3A_600 = arith.constant 0 : i32
        %dma_wait3A_601 = arith.constant 0 : i32
        %dma_wait3A_602 = tpu.memref_slice %arg12[%dma_wait3A_600, %dma_wait3A_601] : memref<10016x128xbf16, #tpu.memory_space<vmem_shared>> -> memref<10016x128xbf16, #tpu.memory_space<vmem_shared>>
        %dma_wait3A_603 = tpu.memref_slice %arg11[%dma_wait3A_592] : memref<8x!tpu.dma_semaphore, #tpu.memory_space<semaphore_mem>> -> memref<1x!tpu.dma_semaphore, #tpu.memory_space<semaphore_mem>>
        %dma_wait3A_604 = tpu.memref_squeeze %dma_wait3A_603 : memref<1x!tpu.dma_semaphore, #tpu.memory_space<semaphore_mem>> -> memref<!tpu.dma_semaphore, #tpu.memory_space<semaphore_mem>>
        tpu.wait_indirect_dma semaphore(%dma_wait3A_604 : memref<!tpu.dma_semaphore, #tpu.memory_space<semaphore_mem>>) src(%dma_wait3A_596 : memref<128x128xbf16, #tpu.memory_space<vmem>>) dst(%dma_wait3A_602 : memref<10016x128xbf16, #tpu.memory_space<vmem_shared>>)
      } else {
      }
      %dma_start3A_274 = arith.constant 5 : i32
      %dma_start3A_275 = arith.constant 5 : i32
      %dma_start3A_276 = arith.constant 0 : i32
      %dma_start3A_277 = arith.constant 0 : i32
      %dma_start3A_278 = tpu.memref_slice %arg9[%dma_start3A_274, %dma_start3A_276, %dma_start3A_277] : memref<8x128x128xbf16, #tpu.memory_space<vmem>> -> memref<1x128x128xbf16, #tpu.memory_space<vmem>>
      %dma_start3A_279 = tpu.memref_squeeze %dma_start3A_278 : memref<1x128x128xbf16, #tpu.memory_space<vmem>> -> memref<128x128xbf16, #tpu.memory_space<vmem>>
      %dma_start3A_280 = arith.constant 0 : i32
      %dma_start3A_281 = tpu.memref_slice %arg7[%add3A_268, %dma_start3A_280] : memref<88x128xi32, #tpu.memory_space<vmem>> -> memref<1x128xi32, #tpu.memory_space<vmem>>
      %dma_start3A_282 = tpu.memref_squeeze %dma_start3A_281 : memref<1x128xi32, #tpu.memory_space<vmem>> -> memref<128xi32, #tpu.memory_space<vmem>>
      %dma_start3A_283 = arith.constant 0 : i32
      %dma_start3A_284 = arith.constant 0 : i32
      %dma_start3A_285 = tpu.memref_slice %arg2[%dma_start3A_283, %dma_start3A_284] : memref<10000x128xbf16, #tpu.memory_space<hbm>> -> memref<10000x128xbf16, #tpu.memory_space<hbm>>
      %dma_start3A_286 = tpu.memref_slice %arg10[%dma_start3A_275] : memref<8x!tpu.dma_semaphore, #tpu.memory_space<semaphore_mem>> -> memref<1x!tpu.dma_semaphore, #tpu.memory_space<semaphore_mem>>
      %dma_start3A_287 = tpu.memref_squeeze %dma_start3A_286 : memref<1x!tpu.dma_semaphore, #tpu.memory_space<semaphore_mem>> -> memref<!tpu.dma_semaphore, #tpu.memory_space<semaphore_mem>>
      tpu.enqueue_indirect_dma source(%dma_start3A_285 : memref<10000x128xbf16, #tpu.memory_space<hbm>>) target(%dma_start3A_279 : memref<128x128xbf16, #tpu.memory_space<vmem>>) offsets(%dma_start3A_282 : memref<128xi32, #tpu.memory_space<vmem>>) semaphore(%dma_start3A_287 : memref<!tpu.dma_semaphore, #tpu.memory_space<semaphore_mem>>)
      %mul3A_288 = arith.constant 8 : i32
      %mul3A_289 = arith.muli %while3A_152, %mul3A_288 : i32
      %add3A_290 = arith.constant 6 : i32
      %add3A_291 = arith.addi %mul3A_289, %add3A_290 : i32
      %gt3A_292 = arith.constant 0 : i32
      %gt3A_293 = arith.cmpi sgt, %while3A_152, %gt3A_292 : i32
      %convert_element_type3A_294 = arith.extui %gt3A_293 : i1 to i32
      %cond3A_295 = arith.constant 0 : i32
      %cond3A_296 = arith.cmpi ne, %convert_element_type3A_294, %cond3A_295 : i32
      scf.if %cond3A_296 {
        %dma_wait3A_590 = arith.constant 6 : i32
        %dma_wait3A_591 = arith.constant 0 : i32
        %dma_wait3A_592 = arith.constant 6 : i32
        %dma_wait3A_593 = arith.constant 0 : i32
        %dma_wait3A_594 = arith.constant 0 : i32
        %dma_wait3A_595 = tpu.memref_slice %arg9[%dma_wait3A_590, %dma_wait3A_593, %dma_wait3A_594] : memref<8x128x128xbf16, #tpu.memory_space<vmem>> -> memref<1x128x128xbf16, #tpu.memory_space<vmem>>
        %dma_wait3A_596 = tpu.memref_squeeze %dma_wait3A_595 : memref<1x128x128xbf16, #tpu.memory_space<vmem>> -> memref<128x128xbf16, #tpu.memory_space<vmem>>
        %dma_wait3A_597 = arith.constant 0 : i32
        %dma_wait3A_598 = tpu.memref_slice %arg8[%dma_wait3A_591, %dma_wait3A_597] : memref<88x128xi32, #tpu.memory_space<vmem>> -> memref<1x128xi32, #tpu.memory_space<vmem>>
        %dma_wait3A_599 = tpu.memref_squeeze %dma_wait3A_598 : memref<1x128xi32, #tpu.memory_space<vmem>> -> memref<128xi32, #tpu.memory_space<vmem>>
        %dma_wait3A_600 = arith.constant 0 : i32
        %dma_wait3A_601 = arith.constant 0 : i32
        %dma_wait3A_602 = tpu.memref_slice %arg12[%dma_wait3A_600, %dma_wait3A_601] : memref<10016x128xbf16, #tpu.memory_space<vmem_shared>> -> memref<10016x128xbf16, #tpu.memory_space<vmem_shared>>
        %dma_wait3A_603 = tpu.memref_slice %arg11[%dma_wait3A_592] : memref<8x!tpu.dma_semaphore, #tpu.memory_space<semaphore_mem>> -> memref<1x!tpu.dma_semaphore, #tpu.memory_space<semaphore_mem>>
        %dma_wait3A_604 = tpu.memref_squeeze %dma_wait3A_603 : memref<1x!tpu.dma_semaphore, #tpu.memory_space<semaphore_mem>> -> memref<!tpu.dma_semaphore, #tpu.memory_space<semaphore_mem>>
        tpu.wait_indirect_dma semaphore(%dma_wait3A_604 : memref<!tpu.dma_semaphore, #tpu.memory_space<semaphore_mem>>) src(%dma_wait3A_596 : memref<128x128xbf16, #tpu.memory_space<vmem>>) dst(%dma_wait3A_602 : memref<10016x128xbf16, #tpu.memory_space<vmem_shared>>)
      } else {
      }
      %dma_start3A_297 = arith.constant 6 : i32
      %dma_start3A_298 = arith.constant 6 : i32
      %dma_start3A_299 = arith.constant 0 : i32
      %dma_start3A_300 = arith.constant 0 : i32
      %dma_start3A_301 = tpu.memref_slice %arg9[%dma_start3A_297, %dma_start3A_299, %dma_start3A_300] : memref<8x128x128xbf16, #tpu.memory_space<vmem>> -> memref<1x128x128xbf16, #tpu.memory_space<vmem>>
      %dma_start3A_302 = tpu.memref_squeeze %dma_start3A_301 : memref<1x128x128xbf16, #tpu.memory_space<vmem>> -> memref<128x128xbf16, #tpu.memory_space<vmem>>
      %dma_start3A_303 = arith.constant 0 : i32
      %dma_start3A_304 = tpu.memref_slice %arg7[%add3A_291, %dma_start3A_303] : memref<88x128xi32, #tpu.memory_space<vmem>> -> memref<1x128xi32, #tpu.memory_space<vmem>>
      %dma_start3A_305 = tpu.memref_squeeze %dma_start3A_304 : memref<1x128xi32, #tpu.memory_space<vmem>> -> memref<128xi32, #tpu.memory_space<vmem>>
      %dma_start3A_306 = arith.constant 0 : i32
      %dma_start3A_307 = arith.constant 0 : i32
      %dma_start3A_308 = tpu.memref_slice %arg2[%dma_start3A_306, %dma_start3A_307] : memref<10000x128xbf16, #tpu.memory_space<hbm>> -> memref<10000x128xbf16, #tpu.memory_space<hbm>>
      %dma_start3A_309 = tpu.memref_slice %arg10[%dma_start3A_298] : memref<8x!tpu.dma_semaphore, #tpu.memory_space<semaphore_mem>> -> memref<1x!tpu.dma_semaphore, #tpu.memory_space<semaphore_mem>>
      %dma_start3A_310 = tpu.memref_squeeze %dma_start3A_309 : memref<1x!tpu.dma_semaphore, #tpu.memory_space<semaphore_mem>> -> memref<!tpu.dma_semaphore, #tpu.memory_space<semaphore_mem>>
      tpu.enqueue_indirect_dma source(%dma_start3A_308 : memref<10000x128xbf16, #tpu.memory_space<hbm>>) target(%dma_start3A_302 : memref<128x128xbf16, #tpu.memory_space<vmem>>) offsets(%dma_start3A_305 : memref<128xi32, #tpu.memory_space<vmem>>) semaphore(%dma_start3A_310 : memref<!tpu.dma_semaphore, #tpu.memory_space<semaphore_mem>>)
      %mul3A_311 = arith.constant 8 : i32
      %mul3A_312 = arith.muli %while3A_152, %mul3A_311 : i32
      %add3A_313 = arith.constant 7 : i32
      %add3A_314 = arith.addi %mul3A_312, %add3A_313 : i32
      %gt3A_315 = arith.constant 0 : i32
      %gt3A_316 = arith.cmpi sgt, %while3A_152, %gt3A_315 : i32
      %convert_element_type3A_317 = arith.extui %gt3A_316 : i1 to i32
      %cond3A_318 = arith.constant 0 : i32
      %cond3A_319 = arith.cmpi ne, %convert_element_type3A_317, %cond3A_318 : i32
      scf.if %cond3A_319 {
        %dma_wait3A_590 = arith.constant 7 : i32
        %dma_wait3A_591 = arith.constant 0 : i32
        %dma_wait3A_592 = arith.constant 7 : i32
        %dma_wait3A_593 = arith.constant 0 : i32
        %dma_wait3A_594 = arith.constant 0 : i32
        %dma_wait3A_595 = tpu.memref_slice %arg9[%dma_wait3A_590, %dma_wait3A_593, %dma_wait3A_594] : memref<8x128x128xbf16, #tpu.memory_space<vmem>> -> memref<1x128x128xbf16, #tpu.memory_space<vmem>>
        %dma_wait3A_596 = tpu.memref_squeeze %dma_wait3A_595 : memref<1x128x128xbf16, #tpu.memory_space<vmem>> -> memref<128x128xbf16, #tpu.memory_space<vmem>>
        %dma_wait3A_597 = arith.constant 0 : i32
        %dma_wait3A_598 = tpu.memref_slice %arg8[%dma_wait3A_591, %dma_wait3A_597] : memref<88x128xi32, #tpu.memory_space<vmem>> -> memref<1x128xi32, #tpu.memory_space<vmem>>
        %dma_wait3A_599 = tpu.memref_squeeze %dma_wait3A_598 : memref<1x128xi32, #tpu.memory_space<vmem>> -> memref<128xi32, #tpu.memory_space<vmem>>
        %dma_wait3A_600 = arith.constant 0 : i32
        %dma_wait3A_601 = arith.constant 0 : i32
        %dma_wait3A_602 = tpu.memref_slice %arg12[%dma_wait3A_600, %dma_wait3A_601] : memref<10016x128xbf16, #tpu.memory_space<vmem_shared>> -> memref<10016x128xbf16, #tpu.memory_space<vmem_shared>>
        %dma_wait3A_603 = tpu.memref_slice %arg11[%dma_wait3A_592] : memref<8x!tpu.dma_semaphore, #tpu.memory_space<semaphore_mem>> -> memref<1x!tpu.dma_semaphore, #tpu.memory_space<semaphore_mem>>
        %dma_wait3A_604 = tpu.memref_squeeze %dma_wait3A_603 : memref<1x!tpu.dma_semaphore, #tpu.memory_space<semaphore_mem>> -> memref<!tpu.dma_semaphore, #tpu.memory_space<semaphore_mem>>
        tpu.wait_indirect_dma semaphore(%dma_wait3A_604 : memref<!tpu.dma_semaphore, #tpu.memory_space<semaphore_mem>>) src(%dma_wait3A_596 : memref<128x128xbf16, #tpu.memory_space<vmem>>) dst(%dma_wait3A_602 : memref<10016x128xbf16, #tpu.memory_space<vmem_shared>>)
      } else {
      }
      %dma_start3A_320 = arith.constant 7 : i32
      %dma_start3A_321 = arith.constant 7 : i32
      %dma_start3A_322 = arith.constant 0 : i32
      %dma_start3A_323 = arith.constant 0 : i32
      %dma_start3A_324 = tpu.memref_slice %arg9[%dma_start3A_320, %dma_start3A_322, %dma_start3A_323] : memref<8x128x128xbf16, #tpu.memory_space<vmem>> -> memref<1x128x128xbf16, #tpu.memory_space<vmem>>
      %dma_start3A_325 = tpu.memref_squeeze %dma_start3A_324 : memref<1x128x128xbf16, #tpu.memory_space<vmem>> -> memref<128x128xbf16, #tpu.memory_space<vmem>>
      %dma_start3A_326 = arith.constant 0 : i32
      %dma_start3A_327 = tpu.memref_slice %arg7[%add3A_314, %dma_start3A_326] : memref<88x128xi32, #tpu.memory_space<vmem>> -> memref<1x128xi32, #tpu.memory_space<vmem>>
      %dma_start3A_328 = tpu.memref_squeeze %dma_start3A_327 : memref<1x128xi32, #tpu.memory_space<vmem>> -> memref<128xi32, #tpu.memory_space<vmem>>
      %dma_start3A_329 = arith.constant 0 : i32
      %dma_start3A_330 = arith.constant 0 : i32
      %dma_start3A_331 = tpu.memref_slice %arg2[%dma_start3A_329, %dma_start3A_330] : memref<10000x128xbf16, #tpu.memory_space<hbm>> -> memref<10000x128xbf16, #tpu.memory_space<hbm>>
      %dma_start3A_332 = tpu.memref_slice %arg10[%dma_start3A_321] : memref<8x!tpu.dma_semaphore, #tpu.memory_space<semaphore_mem>> -> memref<1x!tpu.dma_semaphore, #tpu.memory_space<semaphore_mem>>
      %dma_start3A_333 = tpu.memref_squeeze %dma_start3A_332 : memref<1x!tpu.dma_semaphore, #tpu.memory_space<semaphore_mem>> -> memref<!tpu.dma_semaphore, #tpu.memory_space<semaphore_mem>>
      tpu.enqueue_indirect_dma source(%dma_start3A_331 : memref<10000x128xbf16, #tpu.memory_space<hbm>>) target(%dma_start3A_325 : memref<128x128xbf16, #tpu.memory_space<vmem>>) offsets(%dma_start3A_328 : memref<128xi32, #tpu.memory_space<vmem>>) semaphore(%dma_start3A_333 : memref<!tpu.dma_semaphore, #tpu.memory_space<semaphore_mem>>)
      %mul3A_334 = arith.constant 8 : i32
      %mul3A_335 = arith.muli %while3A_152, %mul3A_334 : i32
      %add3A_336 = arith.constant 0 : i32
      %add3A_337 = arith.addi %mul3A_335, %add3A_336 : i32
      %dma_wait3A_338 = arith.constant 0 : i32
      %dma_wait3A_339 = arith.constant 0 : i32
      %dma_wait3A_340 = arith.constant 0 : i32
      %dma_wait3A_341 = arith.constant 0 : i32
      %dma_wait3A_342 = tpu.memref_slice %arg9[%dma_wait3A_338, %dma_wait3A_340, %dma_wait3A_341] : memref<8x128x128xbf16, #tpu.memory_space<vmem>> -> memref<1x128x128xbf16, #tpu.memory_space<vmem>>
      %dma_wait3A_343 = tpu.memref_squeeze %dma_wait3A_342 : memref<1x128x128xbf16, #tpu.memory_space<vmem>> -> memref<128x128xbf16, #tpu.memory_space<vmem>>
      %dma_wait3A_344 = arith.constant 0 : i32
      %dma_wait3A_345 = tpu.memref_slice %arg7[%add3A_155, %dma_wait3A_344] : memref<88x128xi32, #tpu.memory_space<vmem>> -> memref<1x128xi32, #tpu.memory_space<vmem>>
      %dma_wait3A_346 = tpu.memref_squeeze %dma_wait3A_345 : memref<1x128xi32, #tpu.memory_space<vmem>> -> memref<128xi32, #tpu.memory_space<vmem>>
      %dma_wait3A_347 = arith.constant 0 : i32
      %dma_wait3A_348 = arith.constant 0 : i32
      %dma_wait3A_349 = tpu.memref_slice %arg2[%dma_wait3A_347, %dma_wait3A_348] : memref<10000x128xbf16, #tpu.memory_space<hbm>> -> memref<10000x128xbf16, #tpu.memory_space<hbm>>
      %dma_wait3A_350 = tpu.memref_slice %arg10[%dma_wait3A_339] : memref<8x!tpu.dma_semaphore, #tpu.memory_space<semaphore_mem>> -> memref<1x!tpu.dma_semaphore, #tpu.memory_space<semaphore_mem>>
      %dma_wait3A_351 = tpu.memref_squeeze %dma_wait3A_350 : memref<1x!tpu.dma_semaphore, #tpu.memory_space<semaphore_mem>> -> memref<!tpu.dma_semaphore, #tpu.memory_space<semaphore_mem>>
      tpu.wait_indirect_dma semaphore(%dma_wait3A_351 : memref<!tpu.dma_semaphore, #tpu.memory_space<semaphore_mem>>) src(%dma_wait3A_349 : memref<10000x128xbf16, #tpu.memory_space<hbm>>) dst(%dma_wait3A_343 : memref<128x128xbf16, #tpu.memory_space<vmem>>)
      %dma_start3A_352 = arith.constant 0 : i32
      %dma_start3A_353 = arith.constant 0 : i32
      %dma_start3A_354 = arith.constant 0 : i32
      %dma_start3A_355 = arith.constant 0 : i32
      %dma_start3A_356 = tpu.memref_slice %arg9[%dma_start3A_352, %dma_start3A_354, %dma_start3A_355] : memref<8x128x128xbf16, #tpu.memory_space<vmem>> -> memref<1x128x128xbf16, #tpu.memory_space<vmem>>
      %dma_start3A_357 = tpu.memref_squeeze %dma_start3A_356 : memref<1x128x128xbf16, #tpu.memory_space<vmem>> -> memref<128x128xbf16, #tpu.memory_space<vmem>>
      %dma_start3A_358 = arith.constant 0 : i32
      %dma_start3A_359 = tpu.memref_slice %arg8[%add3A_337, %dma_start3A_358] : memref<88x128xi32, #tpu.memory_space<vmem>> -> memref<1x128xi32, #tpu.memory_space<vmem>>
      %dma_start3A_360 = tpu.memref_squeeze %dma_start3A_359 : memref<1x128xi32, #tpu.memory_space<vmem>> -> memref<128xi32, #tpu.memory_space<vmem>>
      %dma_start3A_361 = arith.constant 0 : i32
      %dma_start3A_362 = arith.constant 0 : i32
      %dma_start3A_363 = tpu.memref_slice %arg12[%dma_start3A_361, %dma_start3A_362] : memref<10016x128xbf16, #tpu.memory_space<vmem_shared>> -> memref<10016x128xbf16, #tpu.memory_space<vmem_shared>>
      %dma_start3A_364 = tpu.memref_slice %arg11[%dma_start3A_353] : memref<8x!tpu.dma_semaphore, #tpu.memory_space<semaphore_mem>> -> memref<1x!tpu.dma_semaphore, #tpu.memory_space<semaphore_mem>>
      %dma_start3A_365 = tpu.memref_squeeze %dma_start3A_364 : memref<1x!tpu.dma_semaphore, #tpu.memory_space<semaphore_mem>> -> memref<!tpu.dma_semaphore, #tpu.memory_space<semaphore_mem>>
      tpu.enqueue_indirect_dma source(%dma_start3A_357 : memref<128x128xbf16, #tpu.memory_space<vmem>>) target(%dma_start3A_363 : memref<10016x128xbf16, #tpu.memory_space<vmem_shared>>) offsets(%dma_start3A_360 : memref<128xi32, #tpu.memory_space<vmem>>) semaphore(%dma_start3A_365 : memref<!tpu.dma_semaphore, #tpu.memory_space<semaphore_mem>>) {add = true}
      %mul3A_366 = arith.constant 8 : i32
      %mul3A_367 = arith.muli %while3A_152, %mul3A_366 : i32
      %add3A_368 = arith.constant 1 : i32
      %add3A_369 = arith.addi %mul3A_367, %add3A_368 : i32
      %dma_wait3A_370 = arith.constant 1 : i32
      %dma_wait3A_371 = arith.constant 1 : i32
      %dma_wait3A_372 = arith.constant 0 : i32
      %dma_wait3A_373 = arith.constant 0 : i32
      %dma_wait3A_374 = tpu.memref_slice %arg9[%dma_wait3A_370, %dma_wait3A_372, %dma_wait3A_373] : memref<8x128x128xbf16, #tpu.memory_space<vmem>> -> memref<1x128x128xbf16, #tpu.memory_space<vmem>>
      %dma_wait3A_375 = tpu.memref_squeeze %dma_wait3A_374 : memref<1x128x128xbf16, #tpu.memory_space<vmem>> -> memref<128x128xbf16, #tpu.memory_space<vmem>>
      %dma_wait3A_376 = arith.constant 0 : i32
      %dma_wait3A_377 = tpu.memref_slice %arg7[%add3A_176, %dma_wait3A_376] : memref<88x128xi32, #tpu.memory_space<vmem>> -> memref<1x128xi32, #tpu.memory_space<vmem>>
      %dma_wait3A_378 = tpu.memref_squeeze %dma_wait3A_377 : memref<1x128xi32, #tpu.memory_space<vmem>> -> memref<128xi32, #tpu.memory_space<vmem>>
      %dma_wait3A_379 = arith.constant 0 : i32
      %dma_wait3A_380 = arith.constant 0 : i32
      %dma_wait3A_381 = tpu.memref_slice %arg2[%dma_wait3A_379, %dma_wait3A_380] : memref<10000x128xbf16, #tpu.memory_space<hbm>> -> memref<10000x128xbf16, #tpu.memory_space<hbm>>
      %dma_wait3A_382 = tpu.memref_slice %arg10[%dma_wait3A_371] : memref<8x!tpu.dma_semaphore, #tpu.memory_space<semaphore_mem>> -> memref<1x!tpu.dma_semaphore, #tpu.memory_space<semaphore_mem>>
      %dma_wait3A_383 = tpu.memref_squeeze %dma_wait3A_382 : memref<1x!tpu.dma_semaphore, #tpu.memory_space<semaphore_mem>> -> memref<!tpu.dma_semaphore, #tpu.memory_space<semaphore_mem>>
      tpu.wait_indirect_dma semaphore(%dma_wait3A_383 : memref<!tpu.dma_semaphore, #tpu.memory_space<semaphore_mem>>) src(%dma_wait3A_381 : memref<10000x128xbf16, #tpu.memory_space<hbm>>) dst(%dma_wait3A_375 : memref<128x128xbf16, #tpu.memory_space<vmem>>)
      %dma_start3A_384 = arith.constant 1 : i32
      %dma_start3A_385 = arith.constant 1 : i32
      %dma_start3A_386 = arith.constant 0 : i32
      %dma_start3A_387 = arith.constant 0 : i32
      %dma_start3A_388 = tpu.memref_slice %arg9[%dma_start3A_384, %dma_start3A_386, %dma_start3A_387] : memref<8x128x128xbf16, #tpu.memory_space<vmem>> -> memref<1x128x128xbf16, #tpu.memory_space<vmem>>
      %dma_start3A_389 = tpu.memref_squeeze %dma_start3A_388 : memref<1x128x128xbf16, #tpu.memory_space<vmem>> -> memref<128x128xbf16, #tpu.memory_space<vmem>>
      %dma_start3A_390 = arith.constant 0 : i32
      %dma_start3A_391 = tpu.memref_slice %arg8[%add3A_369, %dma_start3A_390] : memref<88x128xi32, #tpu.memory_space<vmem>> -> memref<1x128xi32, #tpu.memory_space<vmem>>
      %dma_start3A_392 = tpu.memref_squeeze %dma_start3A_391 : memref<1x128xi32, #tpu.memory_space<vmem>> -> memref<128xi32, #tpu.memory_space<vmem>>
      %dma_start3A_393 = arith.constant 0 : i32
      %dma_start3A_394 = arith.constant 0 : i32
      %dma_start3A_395 = tpu.memref_slice %arg12[%dma_start3A_393, %dma_start3A_394] : memref<10016x128xbf16, #tpu.memory_space<vmem_shared>> -> memref<10016x128xbf16, #tpu.memory_space<vmem_shared>>
      %dma_start3A_396 = tpu.memref_slice %arg11[%dma_start3A_385] : memref<8x!tpu.dma_semaphore, #tpu.memory_space<semaphore_mem>> -> memref<1x!tpu.dma_semaphore, #tpu.memory_space<semaphore_mem>>
      %dma_start3A_397 = tpu.memref_squeeze %dma_start3A_396 : memref<1x!tpu.dma_semaphore, #tpu.memory_space<semaphore_mem>> -> memref<!tpu.dma_semaphore, #tpu.memory_space<semaphore_mem>>
      tpu.enqueue_indirect_dma source(%dma_start3A_389 : memref<128x128xbf16, #tpu.memory_space<vmem>>) target(%dma_start3A_395 : memref<10016x128xbf16, #tpu.memory_space<vmem_shared>>) offsets(%dma_start3A_392 : memref<128xi32, #tpu.memory_space<vmem>>) semaphore(%dma_start3A_397 : memref<!tpu.dma_semaphore, #tpu.memory_space<semaphore_mem>>) {add = true}
      %mul3A_398 = arith.constant 8 : i32
      %mul3A_399 = arith.muli %while3A_152, %mul3A_398 : i32
      %add3A_400 = arith.constant 2 : i32
      %add3A_401 = arith.addi %mul3A_399, %add3A_400 : i32
      %dma_wait3A_402 = arith.constant 2 : i32
      %dma_wait3A_403 = arith.constant 2 : i32
      %dma_wait3A_404 = arith.constant 0 : i32
      %dma_wait3A_405 = arith.constant 0 : i32
      %dma_wait3A_406 = tpu.memref_slice %arg9[%dma_wait3A_402, %dma_wait3A_404, %dma_wait3A_405] : memref<8x128x128xbf16, #tpu.memory_space<vmem>> -> memref<1x128x128xbf16, #tpu.memory_space<vmem>>
      %dma_wait3A_407 = tpu.memref_squeeze %dma_wait3A_406 : memref<1x128x128xbf16, #tpu.memory_space<vmem>> -> memref<128x128xbf16, #tpu.memory_space<vmem>>
      %dma_wait3A_408 = arith.constant 0 : i32
      %dma_wait3A_409 = tpu.memref_slice %arg7[%add3A_199, %dma_wait3A_408] : memref<88x128xi32, #tpu.memory_space<vmem>> -> memref<1x128xi32, #tpu.memory_space<vmem>>
      %dma_wait3A_410 = tpu.memref_squeeze %dma_wait3A_409 : memref<1x128xi32, #tpu.memory_space<vmem>> -> memref<128xi32, #tpu.memory_space<vmem>>
      %dma_wait3A_411 = arith.constant 0 : i32
      %dma_wait3A_412 = arith.constant 0 : i32
      %dma_wait3A_413 = tpu.memref_slice %arg2[%dma_wait3A_411, %dma_wait3A_412] : memref<10000x128xbf16, #tpu.memory_space<hbm>> -> memref<10000x128xbf16, #tpu.memory_space<hbm>>
      %dma_wait3A_414 = tpu.memref_slice %arg10[%dma_wait3A_403] : memref<8x!tpu.dma_semaphore, #tpu.memory_space<semaphore_mem>> -> memref<1x!tpu.dma_semaphore, #tpu.memory_space<semaphore_mem>>
      %dma_wait3A_415 = tpu.memref_squeeze %dma_wait3A_414 : memref<1x!tpu.dma_semaphore, #tpu.memory_space<semaphore_mem>> -> memref<!tpu.dma_semaphore, #tpu.memory_space<semaphore_mem>>
      tpu.wait_indirect_dma semaphore(%dma_wait3A_415 : memref<!tpu.dma_semaphore, #tpu.memory_space<semaphore_mem>>) src(%dma_wait3A_413 : memref<10000x128xbf16, #tpu.memory_space<hbm>>) dst(%dma_wait3A_407 : memref<128x128xbf16, #tpu.memory_space<vmem>>)
      %dma_start3A_416 = arith.constant 2 : i32
      %dma_start3A_417 = arith.constant 2 : i32
      %dma_start3A_418 = arith.constant 0 : i32
      %dma_start3A_419 = arith.constant 0 : i32
      %dma_start3A_420 = tpu.memref_slice %arg9[%dma_start3A_416, %dma_start3A_418, %dma_start3A_419] : memref<8x128x128xbf16, #tpu.memory_space<vmem>> -> memref<1x128x128xbf16, #tpu.memory_space<vmem>>
      %dma_start3A_421 = tpu.memref_squeeze %dma_start3A_420 : memref<1x128x128xbf16, #tpu.memory_space<vmem>> -> memref<128x128xbf16, #tpu.memory_space<vmem>>
      %dma_start3A_422 = arith.constant 0 : i32
      %dma_start3A_423 = tpu.memref_slice %arg8[%add3A_401, %dma_start3A_422] : memref<88x128xi32, #tpu.memory_space<vmem>> -> memref<1x128xi32, #tpu.memory_space<vmem>>
      %dma_start3A_424 = tpu.memref_squeeze %dma_start3A_423 : memref<1x128xi32, #tpu.memory_space<vmem>> -> memref<128xi32, #tpu.memory_space<vmem>>
      %dma_start3A_425 = arith.constant 0 : i32
      %dma_start3A_426 = arith.constant 0 : i32
      %dma_start3A_427 = tpu.memref_slice %arg12[%dma_start3A_425, %dma_start3A_426] : memref<10016x128xbf16, #tpu.memory_space<vmem_shared>> -> memref<10016x128xbf16, #tpu.memory_space<vmem_shared>>
      %dma_start3A_428 = tpu.memref_slice %arg11[%dma_start3A_417] : memref<8x!tpu.dma_semaphore, #tpu.memory_space<semaphore_mem>> -> memref<1x!tpu.dma_semaphore, #tpu.memory_space<semaphore_mem>>
      %dma_start3A_429 = tpu.memref_squeeze %dma_start3A_428 : memref<1x!tpu.dma_semaphore, #tpu.memory_space<semaphore_mem>> -> memref<!tpu.dma_semaphore, #tpu.memory_space<semaphore_mem>>
      tpu.enqueue_indirect_dma source(%dma_start3A_421 : memref<128x128xbf16, #tpu.memory_space<vmem>>) target(%dma_start3A_427 : memref<10016x128xbf16, #tpu.memory_space<vmem_shared>>) offsets(%dma_start3A_424 : memref<128xi32, #tpu.memory_space<vmem>>) semaphore(%dma_start3A_429 : memref<!tpu.dma_semaphore, #tpu.memory_space<semaphore_mem>>) {add = true}
      %mul3A_430 = arith.constant 8 : i32
      %mul3A_431 = arith.muli %while3A_152, %mul3A_430 : i32
      %add3A_432 = arith.constant 3 : i32
      %add3A_433 = arith.addi %mul3A_431, %add3A_432 : i32
      %dma_wait3A_434 = arith.constant 3 : i32
      %dma_wait3A_435 = arith.constant 3 : i32
      %dma_wait3A_436 = arith.constant 0 : i32
      %dma_wait3A_437 = arith.constant 0 : i32
      %dma_wait3A_438 = tpu.memref_slice %arg9[%dma_wait3A_434, %dma_wait3A_436, %dma_wait3A_437] : memref<8x128x128xbf16, #tpu.memory_space<vmem>> -> memref<1x128x128xbf16, #tpu.memory_space<vmem>>
      %dma_wait3A_439 = tpu.memref_squeeze %dma_wait3A_438 : memref<1x128x128xbf16, #tpu.memory_space<vmem>> -> memref<128x128xbf16, #tpu.memory_space<vmem>>
      %dma_wait3A_440 = arith.constant 0 : i32
      %dma_wait3A_441 = tpu.memref_slice %arg7[%add3A_222, %dma_wait3A_440] : memref<88x128xi32, #tpu.memory_space<vmem>> -> memref<1x128xi32, #tpu.memory_space<vmem>>
      %dma_wait3A_442 = tpu.memref_squeeze %dma_wait3A_441 : memref<1x128xi32, #tpu.memory_space<vmem>> -> memref<128xi32, #tpu.memory_space<vmem>>
      %dma_wait3A_443 = arith.constant 0 : i32
      %dma_wait3A_444 = arith.constant 0 : i32
      %dma_wait3A_445 = tpu.memref_slice %arg2[%dma_wait3A_443, %dma_wait3A_444] : memref<10000x128xbf16, #tpu.memory_space<hbm>> -> memref<10000x128xbf16, #tpu.memory_space<hbm>>
      %dma_wait3A_446 = tpu.memref_slice %arg10[%dma_wait3A_435] : memref<8x!tpu.dma_semaphore, #tpu.memory_space<semaphore_mem>> -> memref<1x!tpu.dma_semaphore, #tpu.memory_space<semaphore_mem>>
      %dma_wait3A_447 = tpu.memref_squeeze %dma_wait3A_446 : memref<1x!tpu.dma_semaphore, #tpu.memory_space<semaphore_mem>> -> memref<!tpu.dma_semaphore, #tpu.memory_space<semaphore_mem>>
      tpu.wait_indirect_dma semaphore(%dma_wait3A_447 : memref<!tpu.dma_semaphore, #tpu.memory_space<semaphore_mem>>) src(%dma_wait3A_445 : memref<10000x128xbf16, #tpu.memory_space<hbm>>) dst(%dma_wait3A_439 : memref<128x128xbf16, #tpu.memory_space<vmem>>)
      %dma_start3A_448 = arith.constant 3 : i32
      %dma_start3A_449 = arith.constant 3 : i32
      %dma_start3A_450 = arith.constant 0 : i32
      %dma_start3A_451 = arith.constant 0 : i32
      %dma_start3A_452 = tpu.memref_slice %arg9[%dma_start3A_448, %dma_start3A_450, %dma_start3A_451] : memref<8x128x128xbf16, #tpu.memory_space<vmem>> -> memref<1x128x128xbf16, #tpu.memory_space<vmem>>
      %dma_start3A_453 = tpu.memref_squeeze %dma_start3A_452 : memref<1x128x128xbf16, #tpu.memory_space<vmem>> -> memref<128x128xbf16, #tpu.memory_space<vmem>>
      %dma_start3A_454 = arith.constant 0 : i32
      %dma_start3A_455 = tpu.memref_slice %arg8[%add3A_433, %dma_start3A_454] : memref<88x128xi32, #tpu.memory_space<vmem>> -> memref<1x128xi32, #tpu.memory_space<vmem>>
      %dma_start3A_456 = tpu.memref_squeeze %dma_start3A_455 : memref<1x128xi32, #tpu.memory_space<vmem>> -> memref<128xi32, #tpu.memory_space<vmem>>
      %dma_start3A_457 = arith.constant 0 : i32
      %dma_start3A_458 = arith.constant 0 : i32
      %dma_start3A_459 = tpu.memref_slice %arg12[%dma_start3A_457, %dma_start3A_458] : memref<10016x128xbf16, #tpu.memory_space<vmem_shared>> -> memref<10016x128xbf16, #tpu.memory_space<vmem_shared>>
      %dma_start3A_460 = tpu.memref_slice %arg11[%dma_start3A_449] : memref<8x!tpu.dma_semaphore, #tpu.memory_space<semaphore_mem>> -> memref<1x!tpu.dma_semaphore, #tpu.memory_space<semaphore_mem>>
      %dma_start3A_461 = tpu.memref_squeeze %dma_start3A_460 : memref<1x!tpu.dma_semaphore, #tpu.memory_space<semaphore_mem>> -> memref<!tpu.dma_semaphore, #tpu.memory_space<semaphore_mem>>
      tpu.enqueue_indirect_dma source(%dma_start3A_453 : memref<128x128xbf16, #tpu.memory_space<vmem>>) target(%dma_start3A_459 : memref<10016x128xbf16, #tpu.memory_space<vmem_shared>>) offsets(%dma_start3A_456 : memref<128xi32, #tpu.memory_space<vmem>>) semaphore(%dma_start3A_461 : memref<!tpu.dma_semaphore, #tpu.memory_space<semaphore_mem>>) {add = true}
      %mul3A_462 = arith.constant 8 : i32
      %mul3A_463 = arith.muli %while3A_152, %mul3A_462 : i32
      %add3A_464 = arith.constant 4 : i32
      %add3A_465 = arith.addi %mul3A_463, %add3A_464 : i32
      %dma_wait3A_466 = arith.constant 4 : i32
      %dma_wait3A_467 = arith.constant 4 : i32
      %dma_wait3A_468 = arith.constant 0 : i32
      %dma_wait3A_469 = arith.constant 0 : i32
      %dma_wait3A_470 = tpu.memref_slice %arg9[%dma_wait3A_466, %dma_wait3A_468, %dma_wait3A_469] : memref<8x128x128xbf16, #tpu.memory_space<vmem>> -> memref<1x128x128xbf16, #tpu.memory_space<vmem>>
      %dma_wait3A_471 = tpu.memref_squeeze %dma_wait3A_470 : memref<1x128x128xbf16, #tpu.memory_space<vmem>> -> memref<128x128xbf16, #tpu.memory_space<vmem>>
      %dma_wait3A_472 = arith.constant 0 : i32
      %dma_wait3A_473 = tpu.memref_slice %arg7[%add3A_245, %dma_wait3A_472] : memref<88x128xi32, #tpu.memory_space<vmem>> -> memref<1x128xi32, #tpu.memory_space<vmem>>
      %dma_wait3A_474 = tpu.memref_squeeze %dma_wait3A_473 : memref<1x128xi32, #tpu.memory_space<vmem>> -> memref<128xi32, #tpu.memory_space<vmem>>
      %dma_wait3A_475 = arith.constant 0 : i32
      %dma_wait3A_476 = arith.constant 0 : i32
      %dma_wait3A_477 = tpu.memref_slice %arg2[%dma_wait3A_475, %dma_wait3A_476] : memref<10000x128xbf16, #tpu.memory_space<hbm>> -> memref<10000x128xbf16, #tpu.memory_space<hbm>>
      %dma_wait3A_478 = tpu.memref_slice %arg10[%dma_wait3A_467] : memref<8x!tpu.dma_semaphore, #tpu.memory_space<semaphore_mem>> -> memref<1x!tpu.dma_semaphore, #tpu.memory_space<semaphore_mem>>
      %dma_wait3A_479 = tpu.memref_squeeze %dma_wait3A_478 : memref<1x!tpu.dma_semaphore, #tpu.memory_space<semaphore_mem>> -> memref<!tpu.dma_semaphore, #tpu.memory_space<semaphore_mem>>
      tpu.wait_indirect_dma semaphore(%dma_wait3A_479 : memref<!tpu.dma_semaphore, #tpu.memory_space<semaphore_mem>>) src(%dma_wait3A_477 : memref<10000x128xbf16, #tpu.memory_space<hbm>>) dst(%dma_wait3A_471 : memref<128x128xbf16, #tpu.memory_space<vmem>>)
      %dma_start3A_480 = arith.constant 4 : i32
      %dma_start3A_481 = arith.constant 4 : i32
      %dma_start3A_482 = arith.constant 0 : i32
      %dma_start3A_483 = arith.constant 0 : i32
      %dma_start3A_484 = tpu.memref_slice %arg9[%dma_start3A_480, %dma_start3A_482, %dma_start3A_483] : memref<8x128x128xbf16, #tpu.memory_space<vmem>> -> memref<1x128x128xbf16, #tpu.memory_space<vmem>>
      %dma_start3A_485 = tpu.memref_squeeze %dma_start3A_484 : memref<1x128x128xbf16, #tpu.memory_space<vmem>> -> memref<128x128xbf16, #tpu.memory_space<vmem>>
      %dma_start3A_486 = arith.constant 0 : i32
      %dma_start3A_487 = tpu.memref_slice %arg8[%add3A_465, %dma_start3A_486] : memref<88x128xi32, #tpu.memory_space<vmem>> -> memref<1x128xi32, #tpu.memory_space<vmem>>
      %dma_start3A_488 = tpu.memref_squeeze %dma_start3A_487 : memref<1x128xi32, #tpu.memory_space<vmem>> -> memref<128xi32, #tpu.memory_space<vmem>>
      %dma_start3A_489 = arith.constant 0 : i32
      %dma_start3A_490 = arith.constant 0 : i32
      %dma_start3A_491 = tpu.memref_slice %arg12[%dma_start3A_489, %dma_start3A_490] : memref<10016x128xbf16, #tpu.memory_space<vmem_shared>> -> memref<10016x128xbf16, #tpu.memory_space<vmem_shared>>
      %dma_start3A_492 = tpu.memref_slice %arg11[%dma_start3A_481] : memref<8x!tpu.dma_semaphore, #tpu.memory_space<semaphore_mem>> -> memref<1x!tpu.dma_semaphore, #tpu.memory_space<semaphore_mem>>
      %dma_start3A_493 = tpu.memref_squeeze %dma_start3A_492 : memref<1x!tpu.dma_semaphore, #tpu.memory_space<semaphore_mem>> -> memref<!tpu.dma_semaphore, #tpu.memory_space<semaphore_mem>>
      tpu.enqueue_indirect_dma source(%dma_start3A_485 : memref<128x128xbf16, #tpu.memory_space<vmem>>) target(%dma_start3A_491 : memref<10016x128xbf16, #tpu.memory_space<vmem_shared>>) offsets(%dma_start3A_488 : memref<128xi32, #tpu.memory_space<vmem>>) semaphore(%dma_start3A_493 : memref<!tpu.dma_semaphore, #tpu.memory_space<semaphore_mem>>) {add = true}
      %mul3A_494 = arith.constant 8 : i32
      %mul3A_495 = arith.muli %while3A_152, %mul3A_494 : i32
      %add3A_496 = arith.constant 5 : i32
      %add3A_497 = arith.addi %mul3A_495, %add3A_496 : i32
      %dma_wait3A_498 = arith.constant 5 : i32
      %dma_wait3A_499 = arith.constant 5 : i32
      %dma_wait3A_500 = arith.constant 0 : i32
      %dma_wait3A_501 = arith.constant 0 : i32
      %dma_wait3A_502 = tpu.memref_slice %arg9[%dma_wait3A_498, %dma_wait3A_500, %dma_wait3A_501] : memref<8x128x128xbf16, #tpu.memory_space<vmem>> -> memref<1x128x128xbf16, #tpu.memory_space<vmem>>
      %dma_wait3A_503 = tpu.memref_squeeze %dma_wait3A_502 : memref<1x128x128xbf16, #tpu.memory_space<vmem>> -> memref<128x128xbf16, #tpu.memory_space<vmem>>
      %dma_wait3A_504 = arith.constant 0 : i32
      %dma_wait3A_505 = tpu.memref_slice %arg7[%add3A_268, %dma_wait3A_504] : memref<88x128xi32, #tpu.memory_space<vmem>> -> memref<1x128xi32, #tpu.memory_space<vmem>>
      %dma_wait3A_506 = tpu.memref_squeeze %dma_wait3A_505 : memref<1x128xi32, #tpu.memory_space<vmem>> -> memref<128xi32, #tpu.memory_space<vmem>>
      %dma_wait3A_507 = arith.constant 0 : i32
      %dma_wait3A_508 = arith.constant 0 : i32
      %dma_wait3A_509 = tpu.memref_slice %arg2[%dma_wait3A_507, %dma_wait3A_508] : memref<10000x128xbf16, #tpu.memory_space<hbm>> -> memref<10000x128xbf16, #tpu.memory_space<hbm>>
      %dma_wait3A_510 = tpu.memref_slice %arg10[%dma_wait3A_499] : memref<8x!tpu.dma_semaphore, #tpu.memory_space<semaphore_mem>> -> memref<1x!tpu.dma_semaphore, #tpu.memory_space<semaphore_mem>>
      %dma_wait3A_511 = tpu.memref_squeeze %dma_wait3A_510 : memref<1x!tpu.dma_semaphore, #tpu.memory_space<semaphore_mem>> -> memref<!tpu.dma_semaphore, #tpu.memory_space<semaphore_mem>>
      tpu.wait_indirect_dma semaphore(%dma_wait3A_511 : memref<!tpu.dma_semaphore, #tpu.memory_space<semaphore_mem>>) src(%dma_wait3A_509 : memref<10000x128xbf16, #tpu.memory_space<hbm>>) dst(%dma_wait3A_503 : memref<128x128xbf16, #tpu.memory_space<vmem>>)
      %dma_start3A_512 = arith.constant 5 : i32
      %dma_start3A_513 = arith.constant 5 : i32
      %dma_start3A_514 = arith.constant 0 : i32
      %dma_start3A_515 = arith.constant 0 : i32
      %dma_start3A_516 = tpu.memref_slice %arg9[%dma_start3A_512, %dma_start3A_514, %dma_start3A_515] : memref<8x128x128xbf16, #tpu.memory_space<vmem>> -> memref<1x128x128xbf16, #tpu.memory_space<vmem>>
      %dma_start3A_517 = tpu.memref_squeeze %dma_start3A_516 : memref<1x128x128xbf16, #tpu.memory_space<vmem>> -> memref<128x128xbf16, #tpu.memory_space<vmem>>
      %dma_start3A_518 = arith.constant 0 : i32
      %dma_start3A_519 = tpu.memref_slice %arg8[%add3A_497, %dma_start3A_518] : memref<88x128xi32, #tpu.memory_space<vmem>> -> memref<1x128xi32, #tpu.memory_space<vmem>>
      %dma_start3A_520 = tpu.memref_squeeze %dma_start3A_519 : memref<1x128xi32, #tpu.memory_space<vmem>> -> memref<128xi32, #tpu.memory_space<vmem>>
      %dma_start3A_521 = arith.constant 0 : i32
      %dma_start3A_522 = arith.constant 0 : i32
      %dma_start3A_523 = tpu.memref_slice %arg12[%dma_start3A_521, %dma_start3A_522] : memref<10016x128xbf16, #tpu.memory_space<vmem_shared>> -> memref<10016x128xbf16, #tpu.memory_space<vmem_shared>>
      %dma_start3A_524 = tpu.memref_slice %arg11[%dma_start3A_513] : memref<8x!tpu.dma_semaphore, #tpu.memory_space<semaphore_mem>> -> memref<1x!tpu.dma_semaphore, #tpu.memory_space<semaphore_mem>>
      %dma_start3A_525 = tpu.memref_squeeze %dma_start3A_524 : memref<1x!tpu.dma_semaphore, #tpu.memory_space<semaphore_mem>> -> memref<!tpu.dma_semaphore, #tpu.memory_space<semaphore_mem>>
      tpu.enqueue_indirect_dma source(%dma_start3A_517 : memref<128x128xbf16, #tpu.memory_space<vmem>>) target(%dma_start3A_523 : memref<10016x128xbf16, #tpu.memory_space<vmem_shared>>) offsets(%dma_start3A_520 : memref<128xi32, #tpu.memory_space<vmem>>) semaphore(%dma_start3A_525 : memref<!tpu.dma_semaphore, #tpu.memory_space<semaphore_mem>>) {add = true}
      %mul3A_526 = arith.constant 8 : i32
      %mul3A_527 = arith.muli %while3A_152, %mul3A_526 : i32
      %add3A_528 = arith.constant 6 : i32
      %add3A_529 = arith.addi %mul3A_527, %add3A_528 : i32
      %dma_wait3A_530 = arith.constant 6 : i32
      %dma_wait3A_531 = arith.constant 6 : i32
      %dma_wait3A_532 = arith.constant 0 : i32
      %dma_wait3A_533 = arith.constant 0 : i32
      %dma_wait3A_534 = tpu.memref_slice %arg9[%dma_wait3A_530, %dma_wait3A_532, %dma_wait3A_533] : memref<8x128x128xbf16, #tpu.memory_space<vmem>> -> memref<1x128x128xbf16, #tpu.memory_space<vmem>>
      %dma_wait3A_535 = tpu.memref_squeeze %dma_wait3A_534 : memref<1x128x128xbf16, #tpu.memory_space<vmem>> -> memref<128x128xbf16, #tpu.memory_space<vmem>>
      %dma_wait3A_536 = arith.constant 0 : i32
      %dma_wait3A_537 = tpu.memref_slice %arg7[%add3A_291, %dma_wait3A_536] : memref<88x128xi32, #tpu.memory_space<vmem>> -> memref<1x128xi32, #tpu.memory_space<vmem>>
      %dma_wait3A_538 = tpu.memref_squeeze %dma_wait3A_537 : memref<1x128xi32, #tpu.memory_space<vmem>> -> memref<128xi32, #tpu.memory_space<vmem>>
      %dma_wait3A_539 = arith.constant 0 : i32
      %dma_wait3A_540 = arith.constant 0 : i32
      %dma_wait3A_541 = tpu.memref_slice %arg2[%dma_wait3A_539, %dma_wait3A_540] : memref<10000x128xbf16, #tpu.memory_space<hbm>> -> memref<10000x128xbf16, #tpu.memory_space<hbm>>
      %dma_wait3A_542 = tpu.memref_slice %arg10[%dma_wait3A_531] : memref<8x!tpu.dma_semaphore, #tpu.memory_space<semaphore_mem>> -> memref<1x!tpu.dma_semaphore, #tpu.memory_space<semaphore_mem>>
      %dma_wait3A_543 = tpu.memref_squeeze %dma_wait3A_542 : memref<1x!tpu.dma_semaphore, #tpu.memory_space<semaphore_mem>> -> memref<!tpu.dma_semaphore, #tpu.memory_space<semaphore_mem>>
      tpu.wait_indirect_dma semaphore(%dma_wait3A_543 : memref<!tpu.dma_semaphore, #tpu.memory_space<semaphore_mem>>) src(%dma_wait3A_541 : memref<10000x128xbf16, #tpu.memory_space<hbm>>) dst(%dma_wait3A_535 : memref<128x128xbf16, #tpu.memory_space<vmem>>)
      %dma_start3A_544 = arith.constant 6 : i32
      %dma_start3A_545 = arith.constant 6 : i32
      %dma_start3A_546 = arith.constant 0 : i32
      %dma_start3A_547 = arith.constant 0 : i32
      %dma_start3A_548 = tpu.memref_slice %arg9[%dma_start3A_544, %dma_start3A_546, %dma_start3A_547] : memref<8x128x128xbf16, #tpu.memory_space<vmem>> -> memref<1x128x128xbf16, #tpu.memory_space<vmem>>
      %dma_start3A_549 = tpu.memref_squeeze %dma_start3A_548 : memref<1x128x128xbf16, #tpu.memory_space<vmem>> -> memref<128x128xbf16, #tpu.memory_space<vmem>>
      %dma_start3A_550 = arith.constant 0 : i32
      %dma_start3A_551 = tpu.memref_slice %arg8[%add3A_529, %dma_start3A_550] : memref<88x128xi32, #tpu.memory_space<vmem>> -> memref<1x128xi32, #tpu.memory_space<vmem>>
      %dma_start3A_552 = tpu.memref_squeeze %dma_start3A_551 : memref<1x128xi32, #tpu.memory_space<vmem>> -> memref<128xi32, #tpu.memory_space<vmem>>
      %dma_start3A_553 = arith.constant 0 : i32
      %dma_start3A_554 = arith.constant 0 : i32
      %dma_start3A_555 = tpu.memref_slice %arg12[%dma_start3A_553, %dma_start3A_554] : memref<10016x128xbf16, #tpu.memory_space<vmem_shared>> -> memref<10016x128xbf16, #tpu.memory_space<vmem_shared>>
      %dma_start3A_556 = tpu.memref_slice %arg11[%dma_start3A_545] : memref<8x!tpu.dma_semaphore, #tpu.memory_space<semaphore_mem>> -> memref<1x!tpu.dma_semaphore, #tpu.memory_space<semaphore_mem>>
      %dma_start3A_557 = tpu.memref_squeeze %dma_start3A_556 : memref<1x!tpu.dma_semaphore, #tpu.memory_space<semaphore_mem>> -> memref<!tpu.dma_semaphore, #tpu.memory_space<semaphore_mem>>
      tpu.enqueue_indirect_dma source(%dma_start3A_549 : memref<128x128xbf16, #tpu.memory_space<vmem>>) target(%dma_start3A_555 : memref<10016x128xbf16, #tpu.memory_space<vmem_shared>>) offsets(%dma_start3A_552 : memref<128xi32, #tpu.memory_space<vmem>>) semaphore(%dma_start3A_557 : memref<!tpu.dma_semaphore, #tpu.memory_space<semaphore_mem>>) {add = true}
      %mul3A_558 = arith.constant 8 : i32
      %mul3A_559 = arith.muli %while3A_152, %mul3A_558 : i32
      %add3A_560 = arith.constant 7 : i32
      %add3A_561 = arith.addi %mul3A_559, %add3A_560 : i32
      %dma_wait3A_562 = arith.constant 7 : i32
      %dma_wait3A_563 = arith.constant 7 : i32
      %dma_wait3A_564 = arith.constant 0 : i32
      %dma_wait3A_565 = arith.constant 0 : i32
      %dma_wait3A_566 = tpu.memref_slice %arg9[%dma_wait3A_562, %dma_wait3A_564, %dma_wait3A_565] : memref<8x128x128xbf16, #tpu.memory_space<vmem>> -> memref<1x128x128xbf16, #tpu.memory_space<vmem>>
      %dma_wait3A_567 = tpu.memref_squeeze %dma_wait3A_566 : memref<1x128x128xbf16, #tpu.memory_space<vmem>> -> memref<128x128xbf16, #tpu.memory_space<vmem>>
      %dma_wait3A_568 = arith.constant 0 : i32
      %dma_wait3A_569 = tpu.memref_slice %arg7[%add3A_314, %dma_wait3A_568] : memref<88x128xi32, #tpu.memory_space<vmem>> -> memref<1x128xi32, #tpu.memory_space<vmem>>
      %dma_wait3A_570 = tpu.memref_squeeze %dma_wait3A_569 : memref<1x128xi32, #tpu.memory_space<vmem>> -> memref<128xi32, #tpu.memory_space<vmem>>
      %dma_wait3A_571 = arith.constant 0 : i32
      %dma_wait3A_572 = arith.constant 0 : i32
      %dma_wait3A_573 = tpu.memref_slice %arg2[%dma_wait3A_571, %dma_wait3A_572] : memref<10000x128xbf16, #tpu.memory_space<hbm>> -> memref<10000x128xbf16, #tpu.memory_space<hbm>>
      %dma_wait3A_574 = tpu.memref_slice %arg10[%dma_wait3A_563] : memref<8x!tpu.dma_semaphore, #tpu.memory_space<semaphore_mem>> -> memref<1x!tpu.dma_semaphore, #tpu.memory_space<semaphore_mem>>
      %dma_wait3A_575 = tpu.memref_squeeze %dma_wait3A_574 : memref<1x!tpu.dma_semaphore, #tpu.memory_space<semaphore_mem>> -> memref<!tpu.dma_semaphore, #tpu.memory_space<semaphore_mem>>
      tpu.wait_indirect_dma semaphore(%dma_wait3A_575 : memref<!tpu.dma_semaphore, #tpu.memory_space<semaphore_mem>>) src(%dma_wait3A_573 : memref<10000x128xbf16, #tpu.memory_space<hbm>>) dst(%dma_wait3A_567 : memref<128x128xbf16, #tpu.memory_space<vmem>>)
      %dma_start3A_576 = arith.constant 7 : i32
      %dma_start3A_577 = arith.constant 7 : i32
      %dma_start3A_578 = arith.constant 0 : i32
      %dma_start3A_579 = arith.constant 0 : i32
      %dma_start3A_580 = tpu.memref_slice %arg9[%dma_start3A_576, %dma_start3A_578, %dma_start3A_579] : memref<8x128x128xbf16, #tpu.memory_space<vmem>> -> memref<1x128x128xbf16, #tpu.memory_space<vmem>>
      %dma_start3A_581 = tpu.memref_squeeze %dma_start3A_580 : memref<1x128x128xbf16, #tpu.memory_space<vmem>> -> memref<128x128xbf16, #tpu.memory_space<vmem>>
      %dma_start3A_582 = arith.constant 0 : i32
      %dma_start3A_583 = tpu.memref_slice %arg8[%add3A_561, %dma_start3A_582] : memref<88x128xi32, #tpu.memory_space<vmem>> -> memref<1x128xi32, #tpu.memory_space<vmem>>
      %dma_start3A_584 = tpu.memref_squeeze %dma_start3A_583 : memref<1x128xi32, #tpu.memory_space<vmem>> -> memref<128xi32, #tpu.memory_space<vmem>>
      %dma_start3A_585 = arith.constant 0 : i32
      %dma_start3A_586 = arith.constant 0 : i32
      %dma_start3A_587 = tpu.memref_slice %arg12[%dma_start3A_585, %dma_start3A_586] : memref<10016x128xbf16, #tpu.memory_space<vmem_shared>> -> memref<10016x128xbf16, #tpu.memory_space<vmem_shared>>
      %dma_start3A_588 = tpu.memref_slice %arg11[%dma_start3A_577] : memref<8x!tpu.dma_semaphore, #tpu.memory_space<semaphore_mem>> -> memref<1x!tpu.dma_semaphore, #tpu.memory_space<semaphore_mem>>
      %dma_start3A_589 = tpu.memref_squeeze %dma_start3A_588 : memref<1x!tpu.dma_semaphore, #tpu.memory_space<semaphore_mem>> -> memref<!tpu.dma_semaphore, #tpu.memory_space<semaphore_mem>>
      tpu.enqueue_indirect_dma source(%dma_start3A_581 : memref<128x128xbf16, #tpu.memory_space<vmem>>) target(%dma_start3A_587 : memref<10016x128xbf16, #tpu.memory_space<vmem_shared>>) offsets(%dma_start3A_584 : memref<128xi32, #tpu.memory_space<vmem>>) semaphore(%dma_start3A_589 : memref<!tpu.dma_semaphore, #tpu.memory_space<semaphore_mem>>) {add = true}
    }
    %dma_wait3A = arith.constant 0 : i32
    %dma_wait3A_25 = arith.constant 0 : i32
    %dma_wait3A_26 = arith.constant 0 : i32
    %dma_wait3A_27 = arith.constant 0 : i32
    %dma_wait3A_28 = arith.constant 0 : i32
    %dma_wait3A_29 = tpu.memref_slice %arg9[%dma_wait3A, %dma_wait3A_27, %dma_wait3A_28] : memref<8x128x128xbf16, #tpu.memory_space<vmem>> -> memref<1x128x128xbf16, #tpu.memory_space<vmem>>
    %dma_wait3A_30 = tpu.memref_squeeze %dma_wait3A_29 : memref<1x128x128xbf16, #tpu.memory_space<vmem>> -> memref<128x128xbf16, #tpu.memory_space<vmem>>
    %dma_wait3A_31 = arith.constant 0 : i32
    %dma_wait3A_32 = tpu.memref_slice %arg8[%dma_wait3A_25, %dma_wait3A_31] : memref<88x128xi32, #tpu.memory_space<vmem>> -> memref<1x128xi32, #tpu.memory_space<vmem>>
    %dma_wait3A_33 = tpu.memref_squeeze %dma_wait3A_32 : memref<1x128xi32, #tpu.memory_space<vmem>> -> memref<128xi32, #tpu.memory_space<vmem>>
    %dma_wait3A_34 = arith.constant 0 : i32
    %dma_wait3A_35 = arith.constant 0 : i32
    %dma_wait3A_36 = tpu.memref_slice %arg12[%dma_wait3A_34, %dma_wait3A_35] : memref<10016x128xbf16, #tpu.memory_space<vmem_shared>> -> memref<10016x128xbf16, #tpu.memory_space<vmem_shared>>
    %dma_wait3A_37 = tpu.memref_slice %arg11[%dma_wait3A_26] : memref<8x!tpu.dma_semaphore, #tpu.memory_space<semaphore_mem>> -> memref<1x!tpu.dma_semaphore, #tpu.memory_space<semaphore_mem>>
    %dma_wait3A_38 = tpu.memref_squeeze %dma_wait3A_37 : memref<1x!tpu.dma_semaphore, #tpu.memory_space<semaphore_mem>> -> memref<!tpu.dma_semaphore, #tpu.memory_space<semaphore_mem>>
    tpu.wait_indirect_dma semaphore(%dma_wait3A_38 : memref<!tpu.dma_semaphore, #tpu.memory_space<semaphore_mem>>) src(%dma_wait3A_30 : memref<128x128xbf16, #tpu.memory_space<vmem>>) dst(%dma_wait3A_36 : memref<10016x128xbf16, #tpu.memory_space<vmem_shared>>)
    %dma_wait3A_39 = arith.constant 1 : i32
    %dma_wait3A_40 = arith.constant 0 : i32
    %dma_wait3A_41 = arith.constant 1 : i32
    %dma_wait3A_42 = arith.constant 0 : i32
    %dma_wait3A_43 = arith.constant 0 : i32
    %dma_wait3A_44 = tpu.memref_slice %arg9[%dma_wait3A_39, %dma_wait3A_42, %dma_wait3A_43] : memref<8x128x128xbf16, #tpu.memory_space<vmem>> -> memref<1x128x128xbf16, #tpu.memory_space<vmem>>
    %dma_wait3A_45 = tpu.memref_squeeze %dma_wait3A_44 : memref<1x128x128xbf16, #tpu.memory_space<vmem>> -> memref<128x128xbf16, #tpu.memory_space<vmem>>
    %dma_wait3A_46 = arith.constant 0 : i32
    %dma_wait3A_47 = tpu.memref_slice %arg8[%dma_wait3A_40, %dma_wait3A_46] : memref<88x128xi32, #tpu.memory_space<vmem>> -> memref<1x128xi32, #tpu.memory_space<vmem>>
    %dma_wait3A_48 = tpu.memref_squeeze %dma_wait3A_47 : memref<1x128xi32, #tpu.memory_space<vmem>> -> memref<128xi32, #tpu.memory_space<vmem>>
    %dma_wait3A_49 = arith.constant 0 : i32
    %dma_wait3A_50 = arith.constant 0 : i32
    %dma_wait3A_51 = tpu.memref_slice %arg12[%dma_wait3A_49, %dma_wait3A_50] : memref<10016x128xbf16, #tpu.memory_space<vmem_shared>> -> memref<10016x128xbf16, #tpu.memory_space<vmem_shared>>
    %dma_wait3A_52 = tpu.memref_slice %arg11[%dma_wait3A_41] : memref<8x!tpu.dma_semaphore, #tpu.memory_space<semaphore_mem>> -> memref<1x!tpu.dma_semaphore, #tpu.memory_space<semaphore_mem>>
    %dma_wait3A_53 = tpu.memref_squeeze %dma_wait3A_52 : memref<1x!tpu.dma_semaphore, #tpu.memory_space<semaphore_mem>> -> memref<!tpu.dma_semaphore, #tpu.memory_space<semaphore_mem>>
    tpu.wait_indirect_dma semaphore(%dma_wait3A_53 : memref<!tpu.dma_semaphore, #tpu.memory_space<semaphore_mem>>) src(%dma_wait3A_45 : memref<128x128xbf16, #tpu.memory_space<vmem>>) dst(%dma_wait3A_51 : memref<10016x128xbf16, #tpu.memory_space<vmem_shared>>)
    %dma_wait3A_54 = arith.constant 2 : i32
    %dma_wait3A_55 = arith.constant 0 : i32
    %dma_wait3A_56 = arith.constant 2 : i32
    %dma_wait3A_57 = arith.constant 0 : i32
    %dma_wait3A_58 = arith.constant 0 : i32
    %dma_wait3A_59 = tpu.memref_slice %arg9[%dma_wait3A_54, %dma_wait3A_57, %dma_wait3A_58] : memref<8x128x128xbf16, #tpu.memory_space<vmem>> -> memref<1x128x128xbf16, #tpu.memory_space<vmem>>
    %dma_wait3A_60 = tpu.memref_squeeze %dma_wait3A_59 : memref<1x128x128xbf16, #tpu.memory_space<vmem>> -> memref<128x128xbf16, #tpu.memory_space<vmem>>
    %dma_wait3A_61 = arith.constant 0 : i32
    %dma_wait3A_62 = tpu.memref_slice %arg8[%dma_wait3A_55, %dma_wait3A_61] : memref<88x128xi32, #tpu.memory_space<vmem>> -> memref<1x128xi32, #tpu.memory_space<vmem>>
    %dma_wait3A_63 = tpu.memref_squeeze %dma_wait3A_62 : memref<1x128xi32, #tpu.memory_space<vmem>> -> memref<128xi32, #tpu.memory_space<vmem>>
    %dma_wait3A_64 = arith.constant 0 : i32
    %dma_wait3A_65 = arith.constant 0 : i32
    %dma_wait3A_66 = tpu.memref_slice %arg12[%dma_wait3A_64, %dma_wait3A_65] : memref<10016x128xbf16, #tpu.memory_space<vmem_shared>> -> memref<10016x128xbf16, #tpu.memory_space<vmem_shared>>
    %dma_wait3A_67 = tpu.memref_slice %arg11[%dma_wait3A_56] : memref<8x!tpu.dma_semaphore, #tpu.memory_space<semaphore_mem>> -> memref<1x!tpu.dma_semaphore, #tpu.memory_space<semaphore_mem>>
    %dma_wait3A_68 = tpu.memref_squeeze %dma_wait3A_67 : memref<1x!tpu.dma_semaphore, #tpu.memory_space<semaphore_mem>> -> memref<!tpu.dma_semaphore, #tpu.memory_space<semaphore_mem>>
    tpu.wait_indirect_dma semaphore(%dma_wait3A_68 : memref<!tpu.dma_semaphore, #tpu.memory_space<semaphore_mem>>) src(%dma_wait3A_60 : memref<128x128xbf16, #tpu.memory_space<vmem>>) dst(%dma_wait3A_66 : memref<10016x128xbf16, #tpu.memory_space<vmem_shared>>)
    %dma_wait3A_69 = arith.constant 3 : i32
    %dma_wait3A_70 = arith.constant 0 : i32
    %dma_wait3A_71 = arith.constant 3 : i32
    %dma_wait3A_72 = arith.constant 0 : i32
    %dma_wait3A_73 = arith.constant 0 : i32
    %dma_wait3A_74 = tpu.memref_slice %arg9[%dma_wait3A_69, %dma_wait3A_72, %dma_wait3A_73] : memref<8x128x128xbf16, #tpu.memory_space<vmem>> -> memref<1x128x128xbf16, #tpu.memory_space<vmem>>
    %dma_wait3A_75 = tpu.memref_squeeze %dma_wait3A_74 : memref<1x128x128xbf16, #tpu.memory_space<vmem>> -> memref<128x128xbf16, #tpu.memory_space<vmem>>
    %dma_wait3A_76 = arith.constant 0 : i32
    %dma_wait3A_77 = tpu.memref_slice %arg8[%dma_wait3A_70, %dma_wait3A_76] : memref<88x128xi32, #tpu.memory_space<vmem>> -> memref<1x128xi32, #tpu.memory_space<vmem>>
    %dma_wait3A_78 = tpu.memref_squeeze %dma_wait3A_77 : memref<1x128xi32, #tpu.memory_space<vmem>> -> memref<128xi32, #tpu.memory_space<vmem>>
    %dma_wait3A_79 = arith.constant 0 : i32
    %dma_wait3A_80 = arith.constant 0 : i32
    %dma_wait3A_81 = tpu.memref_slice %arg12[%dma_wait3A_79, %dma_wait3A_80] : memref<10016x128xbf16, #tpu.memory_space<vmem_shared>> -> memref<10016x128xbf16, #tpu.memory_space<vmem_shared>>
    %dma_wait3A_82 = tpu.memref_slice %arg11[%dma_wait3A_71] : memref<8x!tpu.dma_semaphore, #tpu.memory_space<semaphore_mem>> -> memref<1x!tpu.dma_semaphore, #tpu.memory_space<semaphore_mem>>
    %dma_wait3A_83 = tpu.memref_squeeze %dma_wait3A_82 : memref<1x!tpu.dma_semaphore, #tpu.memory_space<semaphore_mem>> -> memref<!tpu.dma_semaphore, #tpu.memory_space<semaphore_mem>>
    tpu.wait_indirect_dma semaphore(%dma_wait3A_83 : memref<!tpu.dma_semaphore, #tpu.memory_space<semaphore_mem>>) src(%dma_wait3A_75 : memref<128x128xbf16, #tpu.memory_space<vmem>>) dst(%dma_wait3A_81 : memref<10016x128xbf16, #tpu.memory_space<vmem_shared>>)
    %dma_wait3A_84 = arith.constant 4 : i32
    %dma_wait3A_85 = arith.constant 0 : i32
    %dma_wait3A_86 = arith.constant 4 : i32
    %dma_wait3A_87 = arith.constant 0 : i32
    %dma_wait3A_88 = arith.constant 0 : i32
    %dma_wait3A_89 = tpu.memref_slice %arg9[%dma_wait3A_84, %dma_wait3A_87, %dma_wait3A_88] : memref<8x128x128xbf16, #tpu.memory_space<vmem>> -> memref<1x128x128xbf16, #tpu.memory_space<vmem>>
    %dma_wait3A_90 = tpu.memref_squeeze %dma_wait3A_89 : memref<1x128x128xbf16, #tpu.memory_space<vmem>> -> memref<128x128xbf16, #tpu.memory_space<vmem>>
    %dma_wait3A_91 = arith.constant 0 : i32
    %dma_wait3A_92 = tpu.memref_slice %arg8[%dma_wait3A_85, %dma_wait3A_91] : memref<88x128xi32, #tpu.memory_space<vmem>> -> memref<1x128xi32, #tpu.memory_space<vmem>>
    %dma_wait3A_93 = tpu.memref_squeeze %dma_wait3A_92 : memref<1x128xi32, #tpu.memory_space<vmem>> -> memref<128xi32, #tpu.memory_space<vmem>>
    %dma_wait3A_94 = arith.constant 0 : i32
    %dma_wait3A_95 = arith.constant 0 : i32
    %dma_wait3A_96 = tpu.memref_slice %arg12[%dma_wait3A_94, %dma_wait3A_95] : memref<10016x128xbf16, #tpu.memory_space<vmem_shared>> -> memref<10016x128xbf16, #tpu.memory_space<vmem_shared>>
    %dma_wait3A_97 = tpu.memref_slice %arg11[%dma_wait3A_86] : memref<8x!tpu.dma_semaphore, #tpu.memory_space<semaphore_mem>> -> memref<1x!tpu.dma_semaphore, #tpu.memory_space<semaphore_mem>>
    %dma_wait3A_98 = tpu.memref_squeeze %dma_wait3A_97 : memref<1x!tpu.dma_semaphore, #tpu.memory_space<semaphore_mem>> -> memref<!tpu.dma_semaphore, #tpu.memory_space<semaphore_mem>>
    tpu.wait_indirect_dma semaphore(%dma_wait3A_98 : memref<!tpu.dma_semaphore, #tpu.memory_space<semaphore_mem>>) src(%dma_wait3A_90 : memref<128x128xbf16, #tpu.memory_space<vmem>>) dst(%dma_wait3A_96 : memref<10016x128xbf16, #tpu.memory_space<vmem_shared>>)
    %dma_wait3A_99 = arith.constant 5 : i32
    %dma_wait3A_100 = arith.constant 0 : i32
    %dma_wait3A_101 = arith.constant 5 : i32
    %dma_wait3A_102 = arith.constant 0 : i32
    %dma_wait3A_103 = arith.constant 0 : i32
    %dma_wait3A_104 = tpu.memref_slice %arg9[%dma_wait3A_99, %dma_wait3A_102, %dma_wait3A_103] : memref<8x128x128xbf16, #tpu.memory_space<vmem>> -> memref<1x128x128xbf16, #tpu.memory_space<vmem>>
    %dma_wait3A_105 = tpu.memref_squeeze %dma_wait3A_104 : memref<1x128x128xbf16, #tpu.memory_space<vmem>> -> memref<128x128xbf16, #tpu.memory_space<vmem>>
    %dma_wait3A_106 = arith.constant 0 : i32
    %dma_wait3A_107 = tpu.memref_slice %arg8[%dma_wait3A_100, %dma_wait3A_106] : memref<88x128xi32, #tpu.memory_space<vmem>> -> memref<1x128xi32, #tpu.memory_space<vmem>>
    %dma_wait3A_108 = tpu.memref_squeeze %dma_wait3A_107 : memref<1x128xi32, #tpu.memory_space<vmem>> -> memref<128xi32, #tpu.memory_space<vmem>>
    %dma_wait3A_109 = arith.constant 0 : i32
    %dma_wait3A_110 = arith.constant 0 : i32
    %dma_wait3A_111 = tpu.memref_slice %arg12[%dma_wait3A_109, %dma_wait3A_110] : memref<10016x128xbf16, #tpu.memory_space<vmem_shared>> -> memref<10016x128xbf16, #tpu.memory_space<vmem_shared>>
    %dma_wait3A_112 = tpu.memref_slice %arg11[%dma_wait3A_101] : memref<8x!tpu.dma_semaphore, #tpu.memory_space<semaphore_mem>> -> memref<1x!tpu.dma_semaphore, #tpu.memory_space<semaphore_mem>>
    %dma_wait3A_113 = tpu.memref_squeeze %dma_wait3A_112 : memref<1x!tpu.dma_semaphore, #tpu.memory_space<semaphore_mem>> -> memref<!tpu.dma_semaphore, #tpu.memory_space<semaphore_mem>>
    tpu.wait_indirect_dma semaphore(%dma_wait3A_113 : memref<!tpu.dma_semaphore, #tpu.memory_space<semaphore_mem>>) src(%dma_wait3A_105 : memref<128x128xbf16, #tpu.memory_space<vmem>>) dst(%dma_wait3A_111 : memref<10016x128xbf16, #tpu.memory_space<vmem_shared>>)
    %dma_wait3A_114 = arith.constant 6 : i32
    %dma_wait3A_115 = arith.constant 0 : i32
    %dma_wait3A_116 = arith.constant 6 : i32
    %dma_wait3A_117 = arith.constant 0 : i32
    %dma_wait3A_118 = arith.constant 0 : i32
    %dma_wait3A_119 = tpu.memref_slice %arg9[%dma_wait3A_114, %dma_wait3A_117, %dma_wait3A_118] : memref<8x128x128xbf16, #tpu.memory_space<vmem>> -> memref<1x128x128xbf16, #tpu.memory_space<vmem>>
    %dma_wait3A_120 = tpu.memref_squeeze %dma_wait3A_119 : memref<1x128x128xbf16, #tpu.memory_space<vmem>> -> memref<128x128xbf16, #tpu.memory_space<vmem>>
    %dma_wait3A_121 = arith.constant 0 : i32
    %dma_wait3A_122 = tpu.memref_slice %arg8[%dma_wait3A_115, %dma_wait3A_121] : memref<88x128xi32, #tpu.memory_space<vmem>> -> memref<1x128xi32, #tpu.memory_space<vmem>>
    %dma_wait3A_123 = tpu.memref_squeeze %dma_wait3A_122 : memref<1x128xi32, #tpu.memory_space<vmem>> -> memref<128xi32, #tpu.memory_space<vmem>>
    %dma_wait3A_124 = arith.constant 0 : i32
    %dma_wait3A_125 = arith.constant 0 : i32
    %dma_wait3A_126 = tpu.memref_slice %arg12[%dma_wait3A_124, %dma_wait3A_125] : memref<10016x128xbf16, #tpu.memory_space<vmem_shared>> -> memref<10016x128xbf16, #tpu.memory_space<vmem_shared>>
    %dma_wait3A_127 = tpu.memref_slice %arg11[%dma_wait3A_116] : memref<8x!tpu.dma_semaphore, #tpu.memory_space<semaphore_mem>> -> memref<1x!tpu.dma_semaphore, #tpu.memory_space<semaphore_mem>>
    %dma_wait3A_128 = tpu.memref_squeeze %dma_wait3A_127 : memref<1x!tpu.dma_semaphore, #tpu.memory_space<semaphore_mem>> -> memref<!tpu.dma_semaphore, #tpu.memory_space<semaphore_mem>>
    tpu.wait_indirect_dma semaphore(%dma_wait3A_128 : memref<!tpu.dma_semaphore, #tpu.memory_space<semaphore_mem>>) src(%dma_wait3A_120 : memref<128x128xbf16, #tpu.memory_space<vmem>>) dst(%dma_wait3A_126 : memref<10016x128xbf16, #tpu.memory_space<vmem_shared>>)
    %dma_wait3A_129 = arith.constant 7 : i32
    %dma_wait3A_130 = arith.constant 0 : i32
    %dma_wait3A_131 = arith.constant 7 : i32
    %dma_wait3A_132 = arith.constant 0 : i32
    %dma_wait3A_133 = arith.constant 0 : i32
    %dma_wait3A_134 = tpu.memref_slice %arg9[%dma_wait3A_129, %dma_wait3A_132, %dma_wait3A_133] : memref<8x128x128xbf16, #tpu.memory_space<vmem>> -> memref<1x128x128xbf16, #tpu.memory_space<vmem>>
    %dma_wait3A_135 = tpu.memref_squeeze %dma_wait3A_134 : memref<1x128x128xbf16, #tpu.memory_space<vmem>> -> memref<128x128xbf16, #tpu.memory_space<vmem>>
    %dma_wait3A_136 = arith.constant 0 : i32
    %dma_wait3A_137 = tpu.memref_slice %arg8[%dma_wait3A_130, %dma_wait3A_136] : memref<88x128xi32, #tpu.memory_space<vmem>> -> memref<1x128xi32, #tpu.memory_space<vmem>>
    %dma_wait3A_138 = tpu.memref_squeeze %dma_wait3A_137 : memref<1x128xi32, #tpu.memory_space<vmem>> -> memref<128xi32, #tpu.memory_space<vmem>>
    %dma_wait3A_139 = arith.constant 0 : i32
    %dma_wait3A_140 = arith.constant 0 : i32
    %dma_wait3A_141 = tpu.memref_slice %arg12[%dma_wait3A_139, %dma_wait3A_140] : memref<10016x128xbf16, #tpu.memory_space<vmem_shared>> -> memref<10016x128xbf16, #tpu.memory_space<vmem_shared>>
    %dma_wait3A_142 = tpu.memref_slice %arg11[%dma_wait3A_131] : memref<8x!tpu.dma_semaphore, #tpu.memory_space<semaphore_mem>> -> memref<1x!tpu.dma_semaphore, #tpu.memory_space<semaphore_mem>>
    %dma_wait3A_143 = tpu.memref_squeeze %dma_wait3A_142 : memref<1x!tpu.dma_semaphore, #tpu.memory_space<semaphore_mem>> -> memref<!tpu.dma_semaphore, #tpu.memory_space<semaphore_mem>>
    tpu.wait_indirect_dma semaphore(%dma_wait3A_143 : memref<!tpu.dma_semaphore, #tpu.memory_space<semaphore_mem>>) src(%dma_wait3A_135 : memref<128x128xbf16, #tpu.memory_space<vmem>>) dst(%dma_wait3A_141 : memref<10016x128xbf16, #tpu.memory_space<vmem_shared>>)
    %barrier3A_144 = arith.constant 0 : index
    tpu.barrier barrier_id(%barrier3A_144)
    %mul3A_145 = arith.constant 624 : i32
    %mul3A_146 = arith.muli %arg1, %mul3A_145 : i32
    "tpu.region"() ({
      %run_scoped3A = tpu.sem_alloc : memref<!tpu.dma_semaphore, #tpu.memory_space<semaphore_mem>>
      %dma_start3A = arith.constant 0 : i32
      %dma_start3A_152 = tpu.memref_slice %arg6[%arg0, %mul3A_146, %dma_start3A] : memref<2x10000x128xbf16, #tpu.memory_space<hbm>> -> memref<1x624x128xbf16, #tpu.memory_space<hbm>>
      %dma_start3A_153 = tpu.memref_squeeze %dma_start3A_152 : memref<1x624x128xbf16, #tpu.memory_space<hbm>> -> memref<624x128xbf16, #tpu.memory_space<hbm>>
      %dma_start3A_154 = arith.constant 0 : i32
      %dma_start3A_155 = tpu.memref_slice %arg12[%mul3A_146, %dma_start3A_154] : memref<10016x128xbf16, #tpu.memory_space<vmem_shared>> -> memref<624x128xbf16, #tpu.memory_space<vmem_shared>>
      tpu.enqueue_dma source(%dma_start3A_155 : memref<624x128xbf16, #tpu.memory_space<vmem_shared>>) target(%dma_start3A_153 : memref<624x128xbf16, #tpu.memory_space<hbm>>) target_semaphore(%run_scoped3A : memref<!tpu.dma_semaphore, #tpu.memory_space<semaphore_mem>>)
      %dma_wait3A_156 = arith.constant 0 : i32
      %dma_wait3A_157 = tpu.memref_slice %arg6[%arg0, %mul3A_146, %dma_wait3A_156] : memref<2x10000x128xbf16, #tpu.memory_space<hbm>> -> memref<1x624x128xbf16, #tpu.memory_space<hbm>>
      %dma_wait3A_158 = tpu.memref_squeeze %dma_wait3A_157 : memref<1x624x128xbf16, #tpu.memory_space<hbm>> -> memref<624x128xbf16, #tpu.memory_space<hbm>>
      %dma_wait3A_159 = arith.constant 0 : i32
      %dma_wait3A_160 = tpu.memref_slice %arg12[%mul3A_146, %dma_wait3A_159] : memref<10016x128xbf16, #tpu.memory_space<vmem_shared>> -> memref<624x128xbf16, #tpu.memory_space<vmem_shared>>
      tpu.wait_dma2 semaphore(%run_scoped3A : memref<!tpu.dma_semaphore, #tpu.memory_space<semaphore_mem>>) src(%dma_wait3A_160 : memref<624x128xbf16, #tpu.memory_space<vmem_shared>>) dst(%dma_wait3A_158 : memref<624x128xbf16, #tpu.memory_space<hbm>>)
      tpu.yield
    }) : () -> ()
    %eq3A_147 = arith.constant 15 : i32
    %eq3A_148 = arith.cmpi eq, %arg1, %eq3A_147 : i32
    %convert_element_type3A_149 = arith.extui %eq3A_148 : i1 to i32
    %cond3A_150 = arith.constant 0 : i32
    %cond3A_151 = arith.cmpi ne, %convert_element_type3A_149, %cond3A_150 : i32
    scf.if %cond3A_151 {
      "tpu.region"() ({
        %run_scoped3A = tpu.sem_alloc : memref<!tpu.dma_semaphore, #tpu.memory_space<semaphore_mem>>
        %dma_start3A = arith.constant 9984 : i32
        %dma_start3A_152 = arith.constant 0 : i32
        %dma_start3A_153 = tpu.memref_slice %arg6[%arg0, %dma_start3A, %dma_start3A_152] : memref<2x10000x128xbf16, #tpu.memory_space<hbm>> -> memref<1x16x128xbf16, #tpu.memory_space<hbm>>
        %dma_start3A_154 = tpu.memref_squeeze %dma_start3A_153 : memref<1x16x128xbf16, #tpu.memory_space<hbm>> -> memref<16x128xbf16, #tpu.memory_space<hbm>>
        %dma_start3A_155 = arith.constant 9984 : i32
        %dma_start3A_156 = arith.constant 0 : i32
        %dma_start3A_157 = tpu.memref_slice %arg12[%dma_start3A_155, %dma_start3A_156] : memref<10016x128xbf16, #tpu.memory_space<vmem_shared>> -> memref<16x128xbf16, #tpu.memory_space<vmem_shared>>
        tpu.enqueue_dma source(%dma_start3A_157 : memref<16x128xbf16, #tpu.memory_space<vmem_shared>>) target(%dma_start3A_154 : memref<16x128xbf16, #tpu.memory_space<hbm>>) target_semaphore(%run_scoped3A : memref<!tpu.dma_semaphore, #tpu.memory_space<semaphore_mem>>)
        %dma_wait3A_158 = arith.constant 9984 : i32
        %dma_wait3A_159 = arith.constant 0 : i32
        %dma_wait3A_160 = tpu.memref_slice %arg6[%arg0, %dma_wait3A_158, %dma_wait3A_159] : memref<2x10000x128xbf16, #tpu.memory_space<hbm>> -> memref<1x16x128xbf16, #tpu.memory_space<hbm>>
        %dma_wait3A_161 = tpu.memref_squeeze %dma_wait3A_160 : memref<1x16x128xbf16, #tpu.memory_space<hbm>> -> memref<16x128xbf16, #tpu.memory_space<hbm>>
        %dma_wait3A_162 = arith.constant 9984 : i32
        %dma_wait3A_163 = arith.constant 0 : i32
        %dma_wait3A_164 = tpu.memref_slice %arg12[%dma_wait3A_162, %dma_wait3A_163] : memref<10016x128xbf16, #tpu.memory_space<vmem_shared>> -> memref<16x128xbf16, #tpu.memory_space<vmem_shared>>
        tpu.wait_dma2 semaphore(%run_scoped3A : memref<!tpu.dma_semaphore, #tpu.memory_space<semaphore_mem>>) src(%dma_wait3A_164 : memref<16x128xbf16, #tpu.memory_space<vmem_shared>>) dst(%dma_wait3A_161 : memref<16x128xbf16, #tpu.memory_space<hbm>>)
        tpu.yield
      }) : () -> ()
    } else {
    }
    return
  }
}

#map = affine_map<(d0, d1) -> (0, 0)>
#map1 = affine_map<(d0, d1) -> (0, 0, 0)>
module attributes {stable_mosaic.version = 14 : i64} {
  func.func @body(%arg0: i32, %arg1: i32, %arg2: memref<10000x48xbf16, #tpu.memory_space<hbm>>, %arg3: memref<32x80x128xi32, #tpu.memory_space<hbm>>, %arg4: memref<32x80x128xi32, #tpu.memory_space<hbm>>, %arg5: memref<10016x48xbf16, #tpu.memory_space<hbm>>, %arg6: memref<2x10000x48xbf16, #tpu.memory_space<hbm>>, %arg7: memref<80x128xi32, #tpu.memory_space<vmem>>, %arg8: memref<80x128xi32, #tpu.memory_space<vmem>>, %arg9: memref<8x128x48xbf16, #tpu.memory_space<vmem>>, %arg10: memref<8x!tpu.dma_semaphore, #tpu.memory_space<semaphore_mem>>, %arg11: memref<8x!tpu.dma_semaphore, #tpu.memory_space<semaphore_mem>>, %arg12: memref<10016x48xbf16, #tpu.memory_space<vmem_shared>>, %arg13: memref<10000x48xbf16, #tpu.memory_space<vmem_shared>>) attributes {dimension_semantics = [#tpu.dimension_semantics<core_parallel>, #tpu.dimension_semantics<subcore_parallel>], iteration_bounds = array<i64: 2, 16>, scalar_prefetch = 0 : i64, scratch_operands = 7 : i64, tpu.core_type = #tpu.core_type<sc_vector_subcore>, window_params = [{transform_indices = #map}, {transform_indices = #map1}, {transform_indices = #map1}, {transform_indices = #map}, {transform_indices = #map1}]} {
    %mul3A = arith.constant 624 : i32
    %mul3A_0 = arith.muli %arg1, %mul3A : i32
    "tpu.region"() ({
      %run_scoped3A = tpu.sem_alloc : memref<!tpu.dma_semaphore, #tpu.memory_space<semaphore_mem>>
      %dma_start3A = arith.constant 0 : i32
      %dma_start3A_144 = tpu.memref_slice %arg12[%mul3A_0, %dma_start3A] : memref<10016x48xbf16, #tpu.memory_space<vmem_shared>> -> memref<624x48xbf16, #tpu.memory_space<vmem_shared>>
      %dma_start3A_145 = arith.constant 0 : i32
      %dma_start3A_146 = tpu.memref_slice %arg5[%mul3A_0, %dma_start3A_145] : memref<10016x48xbf16, #tpu.memory_space<hbm>> -> memref<624x48xbf16, #tpu.memory_space<hbm>>
      tpu.enqueue_dma source(%dma_start3A_146 : memref<624x48xbf16, #tpu.memory_space<hbm>>) target(%dma_start3A_144 : memref<624x48xbf16, #tpu.memory_space<vmem_shared>>) target_semaphore(%run_scoped3A : memref<!tpu.dma_semaphore, #tpu.memory_space<semaphore_mem>>)
      %dma_wait3A_147 = arith.constant 0 : i32
      %dma_wait3A_148 = tpu.memref_slice %arg12[%mul3A_0, %dma_wait3A_147] : memref<10016x48xbf16, #tpu.memory_space<vmem_shared>> -> memref<624x48xbf16, #tpu.memory_space<vmem_shared>>
      %dma_wait3A_149 = arith.constant 0 : i32
      %dma_wait3A_150 = tpu.memref_slice %arg5[%mul3A_0, %dma_wait3A_149] : memref<10016x48xbf16, #tpu.memory_space<hbm>> -> memref<624x48xbf16, #tpu.memory_space<hbm>>
      tpu.wait_dma2 semaphore(%run_scoped3A : memref<!tpu.dma_semaphore, #tpu.memory_space<semaphore_mem>>) src(%dma_wait3A_150 : memref<624x48xbf16, #tpu.memory_space<hbm>>) dst(%dma_wait3A_148 : memref<624x48xbf16, #tpu.memory_space<vmem_shared>>)
      tpu.yield
    }) : () -> ()
    %eq3A = arith.constant 15 : i32
    %eq3A_1 = arith.cmpi eq, %arg1, %eq3A : i32
    %convert_element_type3A = arith.extui %eq3A_1 : i1 to i32
    %cond3A = arith.constant 0 : i32
    %cond3A_2 = arith.cmpi ne, %convert_element_type3A, %cond3A : i32
    scf.if %cond3A_2 {
      "tpu.region"() ({
        %run_scoped3A = tpu.sem_alloc : memref<!tpu.dma_semaphore, #tpu.memory_space<semaphore_mem>>
        %dma_start3A = arith.constant 9984 : i32
        %dma_start3A_144 = arith.constant 0 : i32
        %dma_start3A_145 = tpu.memref_slice %arg12[%dma_start3A, %dma_start3A_144] : memref<10016x48xbf16, #tpu.memory_space<vmem_shared>> -> memref<32x48xbf16, #tpu.memory_space<vmem_shared>>
        %dma_start3A_146 = arith.constant 9984 : i32
        %dma_start3A_147 = arith.constant 0 : i32
        %dma_start3A_148 = tpu.memref_slice %arg5[%dma_start3A_146, %dma_start3A_147] : memref<10016x48xbf16, #tpu.memory_space<hbm>> -> memref<32x48xbf16, #tpu.memory_space<hbm>>
        tpu.enqueue_dma source(%dma_start3A_148 : memref<32x48xbf16, #tpu.memory_space<hbm>>) target(%dma_start3A_145 : memref<32x48xbf16, #tpu.memory_space<vmem_shared>>) target_semaphore(%run_scoped3A : memref<!tpu.dma_semaphore, #tpu.memory_space<semaphore_mem>>)
        %dma_wait3A_149 = arith.constant 9984 : i32
        %dma_wait3A_150 = arith.constant 0 : i32
        %dma_wait3A_151 = tpu.memref_slice %arg12[%dma_wait3A_149, %dma_wait3A_150] : memref<10016x48xbf16, #tpu.memory_space<vmem_shared>> -> memref<32x48xbf16, #tpu.memory_space<vmem_shared>>
        %dma_wait3A_152 = arith.constant 9984 : i32
        %dma_wait3A_153 = arith.constant 0 : i32
        %dma_wait3A_154 = tpu.memref_slice %arg5[%dma_wait3A_152, %dma_wait3A_153] : memref<10016x48xbf16, #tpu.memory_space<hbm>> -> memref<32x48xbf16, #tpu.memory_space<hbm>>
        tpu.wait_dma2 semaphore(%run_scoped3A : memref<!tpu.dma_semaphore, #tpu.memory_space<semaphore_mem>>) src(%dma_wait3A_154 : memref<32x48xbf16, #tpu.memory_space<hbm>>) dst(%dma_wait3A_151 : memref<32x48xbf16, #tpu.memory_space<vmem_shared>>)
        tpu.yield
      }) : () -> ()
    } else {
    }
    %mul3A_3 = arith.constant 2 : i32
    %mul3A_4 = arith.muli %arg1, %mul3A_3 : i32
    %add3A = arith.addi %mul3A_4, %arg0 : i32
    "tpu.region"() ({
      %run_scoped3A = tpu.sem_alloc : memref<!tpu.dma_semaphore, #tpu.memory_space<semaphore_mem>>
      %dma_start3A = arith.constant 0 : i32
      %dma_start3A_144 = arith.constant 0 : i32
      %dma_start3A_145 = tpu.memref_slice %arg3[%add3A, %dma_start3A, %dma_start3A_144] : memref<32x80x128xi32, #tpu.memory_space<hbm>> -> memref<1x80x128xi32, #tpu.memory_space<hbm>>
      %dma_start3A_146 = tpu.memref_squeeze %dma_start3A_145 : memref<1x80x128xi32, #tpu.memory_space<hbm>> -> memref<80x128xi32, #tpu.memory_space<hbm>>
      %dma_start3A_147 = arith.constant 0 : i32
      %dma_start3A_148 = arith.constant 0 : i32
      %dma_start3A_149 = tpu.memref_slice %arg3[%add3A, %dma_start3A_147, %dma_start3A_148] : memref<32x80x128xi32, #tpu.memory_space<hbm>> -> memref<1x80x128xi32, #tpu.memory_space<hbm>>
      %dma_start3A_150 = tpu.memref_squeeze %dma_start3A_149 : memref<1x80x128xi32, #tpu.memory_space<hbm>> -> memref<80x128xi32, #tpu.memory_space<hbm>>
      tpu.enqueue_dma source(%dma_start3A_150 : memref<80x128xi32, #tpu.memory_space<hbm>>) target(%arg7 : memref<80x128xi32, #tpu.memory_space<vmem>>) target_semaphore(%run_scoped3A : memref<!tpu.dma_semaphore, #tpu.memory_space<semaphore_mem>>)
      %dma_wait3A_151 = arith.constant 0 : i32
      %dma_wait3A_152 = arith.constant 0 : i32
      %dma_wait3A_153 = tpu.memref_slice %arg3[%add3A, %dma_wait3A_151, %dma_wait3A_152] : memref<32x80x128xi32, #tpu.memory_space<hbm>> -> memref<1x80x128xi32, #tpu.memory_space<hbm>>
      %dma_wait3A_154 = tpu.memref_squeeze %dma_wait3A_153 : memref<1x80x128xi32, #tpu.memory_space<hbm>> -> memref<80x128xi32, #tpu.memory_space<hbm>>
      %dma_wait3A_155 = arith.constant 0 : i32
      %dma_wait3A_156 = arith.constant 0 : i32
      %dma_wait3A_157 = tpu.memref_slice %arg3[%add3A, %dma_wait3A_155, %dma_wait3A_156] : memref<32x80x128xi32, #tpu.memory_space<hbm>> -> memref<1x80x128xi32, #tpu.memory_space<hbm>>
      %dma_wait3A_158 = tpu.memref_squeeze %dma_wait3A_157 : memref<1x80x128xi32, #tpu.memory_space<hbm>> -> memref<80x128xi32, #tpu.memory_space<hbm>>
      tpu.wait_dma2 semaphore(%run_scoped3A : memref<!tpu.dma_semaphore, #tpu.memory_space<semaphore_mem>>) src(%dma_wait3A_158 : memref<80x128xi32, #tpu.memory_space<hbm>>) dst(%arg7 : memref<80x128xi32, #tpu.memory_space<vmem>>)
      tpu.yield
    }) : () -> ()
    "tpu.region"() ({
      %run_scoped3A = tpu.sem_alloc : memref<!tpu.dma_semaphore, #tpu.memory_space<semaphore_mem>>
      %dma_start3A = arith.constant 0 : i32
      %dma_start3A_144 = arith.constant 0 : i32
      %dma_start3A_145 = tpu.memref_slice %arg4[%add3A, %dma_start3A, %dma_start3A_144] : memref<32x80x128xi32, #tpu.memory_space<hbm>> -> memref<1x80x128xi32, #tpu.memory_space<hbm>>
      %dma_start3A_146 = tpu.memref_squeeze %dma_start3A_145 : memref<1x80x128xi32, #tpu.memory_space<hbm>> -> memref<80x128xi32, #tpu.memory_space<hbm>>
      %dma_start3A_147 = arith.constant 0 : i32
      %dma_start3A_148 = arith.constant 0 : i32
      %dma_start3A_149 = tpu.memref_slice %arg4[%add3A, %dma_start3A_147, %dma_start3A_148] : memref<32x80x128xi32, #tpu.memory_space<hbm>> -> memref<1x80x128xi32, #tpu.memory_space<hbm>>
      %dma_start3A_150 = tpu.memref_squeeze %dma_start3A_149 : memref<1x80x128xi32, #tpu.memory_space<hbm>> -> memref<80x128xi32, #tpu.memory_space<hbm>>
      tpu.enqueue_dma source(%dma_start3A_150 : memref<80x128xi32, #tpu.memory_space<hbm>>) target(%arg8 : memref<80x128xi32, #tpu.memory_space<vmem>>) target_semaphore(%run_scoped3A : memref<!tpu.dma_semaphore, #tpu.memory_space<semaphore_mem>>)
      %dma_wait3A_151 = arith.constant 0 : i32
      %dma_wait3A_152 = arith.constant 0 : i32
      %dma_wait3A_153 = tpu.memref_slice %arg4[%add3A, %dma_wait3A_151, %dma_wait3A_152] : memref<32x80x128xi32, #tpu.memory_space<hbm>> -> memref<1x80x128xi32, #tpu.memory_space<hbm>>
      %dma_wait3A_154 = tpu.memref_squeeze %dma_wait3A_153 : memref<1x80x128xi32, #tpu.memory_space<hbm>> -> memref<80x128xi32, #tpu.memory_space<hbm>>
      %dma_wait3A_155 = arith.constant 0 : i32
      %dma_wait3A_156 = arith.constant 0 : i32
      %dma_wait3A_157 = tpu.memref_slice %arg4[%add3A, %dma_wait3A_155, %dma_wait3A_156] : memref<32x80x128xi32, #tpu.memory_space<hbm>> -> memref<1x80x128xi32, #tpu.memory_space<hbm>>
      %dma_wait3A_158 = tpu.memref_squeeze %dma_wait3A_157 : memref<1x80x128xi32, #tpu.memory_space<hbm>> -> memref<80x128xi32, #tpu.memory_space<hbm>>
      tpu.wait_dma2 semaphore(%run_scoped3A : memref<!tpu.dma_semaphore, #tpu.memory_space<semaphore_mem>>) src(%dma_wait3A_158 : memref<80x128xi32, #tpu.memory_space<hbm>>) dst(%arg8 : memref<80x128xi32, #tpu.memory_space<vmem>>)
      tpu.yield
    }) : () -> ()
    %mul3A_5 = arith.constant 624 : i32
    %mul3A_6 = arith.muli %arg1, %mul3A_5 : i32
    "tpu.region"() ({
      %run_scoped3A = tpu.sem_alloc : memref<!tpu.dma_semaphore, #tpu.memory_space<semaphore_mem>>
      %dma_start3A = arith.constant 0 : i32
      %dma_start3A_144 = tpu.memref_slice %arg13[%mul3A_6, %dma_start3A] : memref<10000x48xbf16, #tpu.memory_space<vmem_shared>> -> memref<624x48xbf16, #tpu.memory_space<vmem_shared>>
      %dma_start3A_145 = arith.constant 0 : i32
      %dma_start3A_146 = tpu.memref_slice %arg2[%mul3A_6, %dma_start3A_145] : memref<10000x48xbf16, #tpu.memory_space<hbm>> -> memref<624x48xbf16, #tpu.memory_space<hbm>>
      tpu.enqueue_dma source(%dma_start3A_146 : memref<624x48xbf16, #tpu.memory_space<hbm>>) target(%dma_start3A_144 : memref<624x48xbf16, #tpu.memory_space<vmem_shared>>) target_semaphore(%run_scoped3A : memref<!tpu.dma_semaphore, #tpu.memory_space<semaphore_mem>>)
      %dma_wait3A_147 = arith.constant 0 : i32
      %dma_wait3A_148 = tpu.memref_slice %arg13[%mul3A_6, %dma_wait3A_147] : memref<10000x48xbf16, #tpu.memory_space<vmem_shared>> -> memref<624x48xbf16, #tpu.memory_space<vmem_shared>>
      %dma_wait3A_149 = arith.constant 0 : i32
      %dma_wait3A_150 = tpu.memref_slice %arg2[%mul3A_6, %dma_wait3A_149] : memref<10000x48xbf16, #tpu.memory_space<hbm>> -> memref<624x48xbf16, #tpu.memory_space<hbm>>
      tpu.wait_dma2 semaphore(%run_scoped3A : memref<!tpu.dma_semaphore, #tpu.memory_space<semaphore_mem>>) src(%dma_wait3A_150 : memref<624x48xbf16, #tpu.memory_space<hbm>>) dst(%dma_wait3A_148 : memref<624x48xbf16, #tpu.memory_space<vmem_shared>>)
      tpu.yield
    }) : () -> ()
    %eq3A_7 = arith.constant 15 : i32
    %eq3A_8 = arith.cmpi eq, %arg1, %eq3A_7 : i32
    %convert_element_type3A_9 = arith.extui %eq3A_8 : i1 to i32
    %cond3A_10 = arith.constant 0 : i32
    %cond3A_11 = arith.cmpi ne, %convert_element_type3A_9, %cond3A_10 : i32
    scf.if %cond3A_11 {
      "tpu.region"() ({
        %run_scoped3A = tpu.sem_alloc : memref<!tpu.dma_semaphore, #tpu.memory_space<semaphore_mem>>
        %dma_start3A = arith.constant 9984 : i32
        %dma_start3A_144 = arith.constant 0 : i32
        %dma_start3A_145 = tpu.memref_slice %arg13[%dma_start3A, %dma_start3A_144] : memref<10000x48xbf16, #tpu.memory_space<vmem_shared>> -> memref<16x48xbf16, #tpu.memory_space<vmem_shared>>
        %dma_start3A_146 = arith.constant 9984 : i32
        %dma_start3A_147 = arith.constant 0 : i32
        %dma_start3A_148 = tpu.memref_slice %arg2[%dma_start3A_146, %dma_start3A_147] : memref<10000x48xbf16, #tpu.memory_space<hbm>> -> memref<16x48xbf16, #tpu.memory_space<hbm>>
        tpu.enqueue_dma source(%dma_start3A_148 : memref<16x48xbf16, #tpu.memory_space<hbm>>) target(%dma_start3A_145 : memref<16x48xbf16, #tpu.memory_space<vmem_shared>>) target_semaphore(%run_scoped3A : memref<!tpu.dma_semaphore, #tpu.memory_space<semaphore_mem>>)
        %dma_wait3A_149 = arith.constant 9984 : i32
        %dma_wait3A_150 = arith.constant 0 : i32
        %dma_wait3A_151 = tpu.memref_slice %arg13[%dma_wait3A_149, %dma_wait3A_150] : memref<10000x48xbf16, #tpu.memory_space<vmem_shared>> -> memref<16x48xbf16, #tpu.memory_space<vmem_shared>>
        %dma_wait3A_152 = arith.constant 9984 : i32
        %dma_wait3A_153 = arith.constant 0 : i32
        %dma_wait3A_154 = tpu.memref_slice %arg2[%dma_wait3A_152, %dma_wait3A_153] : memref<10000x48xbf16, #tpu.memory_space<hbm>> -> memref<16x48xbf16, #tpu.memory_space<hbm>>
        tpu.wait_dma2 semaphore(%run_scoped3A : memref<!tpu.dma_semaphore, #tpu.memory_space<semaphore_mem>>) src(%dma_wait3A_154 : memref<16x48xbf16, #tpu.memory_space<hbm>>) dst(%dma_wait3A_151 : memref<16x48xbf16, #tpu.memory_space<vmem_shared>>)
        tpu.yield
      }) : () -> ()
    } else {
    }
    %barrier3A = arith.constant 0 : index
    tpu.barrier barrier_id(%barrier3A)
    %scan3A = arith.constant 0 : i32
    %scan3A_12 = arith.constant 0 : i32
    %scan3A_13 = arith.constant 10 : i32
    %scan3A_14 = arith.addi %scan3A_12, %scan3A_13 : i32
    %scan3A_15 = arith.constant 1 : i32
    scf.for %scan3A_144 = %scan3A_12 to %scan3A_14 step %scan3A_15  : i32 {
      %mul3A_145 = arith.constant 8 : i32
      %mul3A_146 = arith.muli %scan3A_144, %mul3A_145 : i32
      %add3A_147 = arith.constant 0 : i32
      %add3A_148 = arith.addi %mul3A_146, %add3A_147 : i32
      %gt3A = arith.constant 0 : i32
      %gt3A_149 = arith.cmpi sgt, %scan3A_144, %gt3A : i32
      %convert_element_type3A_150 = arith.extui %gt3A_149 : i1 to i32
      %cond3A_151 = arith.constant 0 : i32
      %cond3A_152 = arith.cmpi ne, %convert_element_type3A_150, %cond3A_151 : i32
      scf.if %cond3A_152 {
        %dma_wait3A_583 = arith.constant 0 : i32
        %dma_wait3A_584 = arith.constant 0 : i32
        %dma_wait3A_585 = arith.constant 0 : i32
        %dma_wait3A_586 = arith.constant 0 : i32
        %dma_wait3A_587 = arith.constant 0 : i32
        %dma_wait3A_588 = tpu.memref_slice %arg9[%dma_wait3A_583, %dma_wait3A_586, %dma_wait3A_587] : memref<8x128x48xbf16, #tpu.memory_space<vmem>> -> memref<1x128x48xbf16, #tpu.memory_space<vmem>>
        %dma_wait3A_589 = tpu.memref_squeeze %dma_wait3A_588 : memref<1x128x48xbf16, #tpu.memory_space<vmem>> -> memref<128x48xbf16, #tpu.memory_space<vmem>>
        %dma_wait3A_590 = arith.constant 0 : i32
        %dma_wait3A_591 = tpu.memref_slice %arg8[%dma_wait3A_584, %dma_wait3A_590] : memref<80x128xi32, #tpu.memory_space<vmem>> -> memref<1x128xi32, #tpu.memory_space<vmem>>
        %dma_wait3A_592 = tpu.memref_squeeze %dma_wait3A_591 : memref<1x128xi32, #tpu.memory_space<vmem>> -> memref<128xi32, #tpu.memory_space<vmem>>
        %dma_wait3A_593 = arith.constant 0 : i32
        %dma_wait3A_594 = arith.constant 0 : i32
        %dma_wait3A_595 = tpu.memref_slice %arg12[%dma_wait3A_593, %dma_wait3A_594] : memref<10016x48xbf16, #tpu.memory_space<vmem_shared>> -> memref<10016x48xbf16, #tpu.memory_space<vmem_shared>>
        %dma_wait3A_596 = tpu.memref_slice %arg11[%dma_wait3A_585] : memref<8x!tpu.dma_semaphore, #tpu.memory_space<semaphore_mem>> -> memref<1x!tpu.dma_semaphore, #tpu.memory_space<semaphore_mem>>
        %dma_wait3A_597 = tpu.memref_squeeze %dma_wait3A_596 : memref<1x!tpu.dma_semaphore, #tpu.memory_space<semaphore_mem>> -> memref<!tpu.dma_semaphore, #tpu.memory_space<semaphore_mem>>
        tpu.wait_indirect_dma semaphore(%dma_wait3A_597 : memref<!tpu.dma_semaphore, #tpu.memory_space<semaphore_mem>>) src(%dma_wait3A_589 : memref<128x48xbf16, #tpu.memory_space<vmem>>) dst(%dma_wait3A_595 : memref<10016x48xbf16, #tpu.memory_space<vmem_shared>>)
      } else {
      }
      %dma_start3A = arith.constant 0 : i32
      %dma_start3A_153 = arith.constant 0 : i32
      %dma_start3A_154 = arith.constant 0 : i32
      %dma_start3A_155 = arith.constant 0 : i32
      %dma_start3A_156 = tpu.memref_slice %arg9[%dma_start3A, %dma_start3A_154, %dma_start3A_155] : memref<8x128x48xbf16, #tpu.memory_space<vmem>> -> memref<1x128x48xbf16, #tpu.memory_space<vmem>>
      %dma_start3A_157 = tpu.memref_squeeze %dma_start3A_156 : memref<1x128x48xbf16, #tpu.memory_space<vmem>> -> memref<128x48xbf16, #tpu.memory_space<vmem>>
      %dma_start3A_158 = arith.constant 0 : i32
      %dma_start3A_159 = tpu.memref_slice %arg7[%add3A_148, %dma_start3A_158] : memref<80x128xi32, #tpu.memory_space<vmem>> -> memref<1x128xi32, #tpu.memory_space<vmem>>
      %dma_start3A_160 = tpu.memref_squeeze %dma_start3A_159 : memref<1x128xi32, #tpu.memory_space<vmem>> -> memref<128xi32, #tpu.memory_space<vmem>>
      %dma_start3A_161 = arith.constant 0 : i32
      %dma_start3A_162 = arith.constant 0 : i32
      %dma_start3A_163 = tpu.memref_slice %arg13[%dma_start3A_161, %dma_start3A_162] : memref<10000x48xbf16, #tpu.memory_space<vmem_shared>> -> memref<10000x48xbf16, #tpu.memory_space<vmem_shared>>
      %dma_start3A_164 = tpu.memref_slice %arg10[%dma_start3A_153] : memref<8x!tpu.dma_semaphore, #tpu.memory_space<semaphore_mem>> -> memref<1x!tpu.dma_semaphore, #tpu.memory_space<semaphore_mem>>
      %dma_start3A_165 = tpu.memref_squeeze %dma_start3A_164 : memref<1x!tpu.dma_semaphore, #tpu.memory_space<semaphore_mem>> -> memref<!tpu.dma_semaphore, #tpu.memory_space<semaphore_mem>>
      tpu.enqueue_indirect_dma source(%dma_start3A_163 : memref<10000x48xbf16, #tpu.memory_space<vmem_shared>>) target(%dma_start3A_157 : memref<128x48xbf16, #tpu.memory_space<vmem>>) offsets(%dma_start3A_160 : memref<128xi32, #tpu.memory_space<vmem>>) semaphore(%dma_start3A_165 : memref<!tpu.dma_semaphore, #tpu.memory_space<semaphore_mem>>)
      %mul3A_166 = arith.constant 8 : i32
      %mul3A_167 = arith.muli %scan3A_144, %mul3A_166 : i32
      %add3A_168 = arith.constant 1 : i32
      %add3A_169 = arith.addi %mul3A_167, %add3A_168 : i32
      %gt3A_170 = arith.constant 0 : i32
      %gt3A_171 = arith.cmpi sgt, %scan3A_144, %gt3A_170 : i32
      %convert_element_type3A_172 = arith.extui %gt3A_171 : i1 to i32
      %cond3A_173 = arith.constant 0 : i32
      %cond3A_174 = arith.cmpi ne, %convert_element_type3A_172, %cond3A_173 : i32
      scf.if %cond3A_174 {
        %dma_wait3A_583 = arith.constant 1 : i32
        %dma_wait3A_584 = arith.constant 0 : i32
        %dma_wait3A_585 = arith.constant 1 : i32
        %dma_wait3A_586 = arith.constant 0 : i32
        %dma_wait3A_587 = arith.constant 0 : i32
        %dma_wait3A_588 = tpu.memref_slice %arg9[%dma_wait3A_583, %dma_wait3A_586, %dma_wait3A_587] : memref<8x128x48xbf16, #tpu.memory_space<vmem>> -> memref<1x128x48xbf16, #tpu.memory_space<vmem>>
        %dma_wait3A_589 = tpu.memref_squeeze %dma_wait3A_588 : memref<1x128x48xbf16, #tpu.memory_space<vmem>> -> memref<128x48xbf16, #tpu.memory_space<vmem>>
        %dma_wait3A_590 = arith.constant 0 : i32
        %dma_wait3A_591 = tpu.memref_slice %arg8[%dma_wait3A_584, %dma_wait3A_590] : memref<80x128xi32, #tpu.memory_space<vmem>> -> memref<1x128xi32, #tpu.memory_space<vmem>>
        %dma_wait3A_592 = tpu.memref_squeeze %dma_wait3A_591 : memref<1x128xi32, #tpu.memory_space<vmem>> -> memref<128xi32, #tpu.memory_space<vmem>>
        %dma_wait3A_593 = arith.constant 0 : i32
        %dma_wait3A_594 = arith.constant 0 : i32
        %dma_wait3A_595 = tpu.memref_slice %arg12[%dma_wait3A_593, %dma_wait3A_594] : memref<10016x48xbf16, #tpu.memory_space<vmem_shared>> -> memref<10016x48xbf16, #tpu.memory_space<vmem_shared>>
        %dma_wait3A_596 = tpu.memref_slice %arg11[%dma_wait3A_585] : memref<8x!tpu.dma_semaphore, #tpu.memory_space<semaphore_mem>> -> memref<1x!tpu.dma_semaphore, #tpu.memory_space<semaphore_mem>>
        %dma_wait3A_597 = tpu.memref_squeeze %dma_wait3A_596 : memref<1x!tpu.dma_semaphore, #tpu.memory_space<semaphore_mem>> -> memref<!tpu.dma_semaphore, #tpu.memory_space<semaphore_mem>>
        tpu.wait_indirect_dma semaphore(%dma_wait3A_597 : memref<!tpu.dma_semaphore, #tpu.memory_space<semaphore_mem>>) src(%dma_wait3A_589 : memref<128x48xbf16, #tpu.memory_space<vmem>>) dst(%dma_wait3A_595 : memref<10016x48xbf16, #tpu.memory_space<vmem_shared>>)
      } else {
      }
      %dma_start3A_175 = arith.constant 1 : i32
      %dma_start3A_176 = arith.constant 1 : i32
      %dma_start3A_177 = arith.constant 0 : i32
      %dma_start3A_178 = arith.constant 0 : i32
      %dma_start3A_179 = tpu.memref_slice %arg9[%dma_start3A_175, %dma_start3A_177, %dma_start3A_178] : memref<8x128x48xbf16, #tpu.memory_space<vmem>> -> memref<1x128x48xbf16, #tpu.memory_space<vmem>>
      %dma_start3A_180 = tpu.memref_squeeze %dma_start3A_179 : memref<1x128x48xbf16, #tpu.memory_space<vmem>> -> memref<128x48xbf16, #tpu.memory_space<vmem>>
      %dma_start3A_181 = arith.constant 0 : i32
      %dma_start3A_182 = tpu.memref_slice %arg7[%add3A_169, %dma_start3A_181] : memref<80x128xi32, #tpu.memory_space<vmem>> -> memref<1x128xi32, #tpu.memory_space<vmem>>
      %dma_start3A_183 = tpu.memref_squeeze %dma_start3A_182 : memref<1x128xi32, #tpu.memory_space<vmem>> -> memref<128xi32, #tpu.memory_space<vmem>>
      %dma_start3A_184 = arith.constant 0 : i32
      %dma_start3A_185 = arith.constant 0 : i32
      %dma_start3A_186 = tpu.memref_slice %arg13[%dma_start3A_184, %dma_start3A_185] : memref<10000x48xbf16, #tpu.memory_space<vmem_shared>> -> memref<10000x48xbf16, #tpu.memory_space<vmem_shared>>
      %dma_start3A_187 = tpu.memref_slice %arg10[%dma_start3A_176] : memref<8x!tpu.dma_semaphore, #tpu.memory_space<semaphore_mem>> -> memref<1x!tpu.dma_semaphore, #tpu.memory_space<semaphore_mem>>
      %dma_start3A_188 = tpu.memref_squeeze %dma_start3A_187 : memref<1x!tpu.dma_semaphore, #tpu.memory_space<semaphore_mem>> -> memref<!tpu.dma_semaphore, #tpu.memory_space<semaphore_mem>>
      tpu.enqueue_indirect_dma source(%dma_start3A_186 : memref<10000x48xbf16, #tpu.memory_space<vmem_shared>>) target(%dma_start3A_180 : memref<128x48xbf16, #tpu.memory_space<vmem>>) offsets(%dma_start3A_183 : memref<128xi32, #tpu.memory_space<vmem>>) semaphore(%dma_start3A_188 : memref<!tpu.dma_semaphore, #tpu.memory_space<semaphore_mem>>)
      %mul3A_189 = arith.constant 8 : i32
      %mul3A_190 = arith.muli %scan3A_144, %mul3A_189 : i32
      %add3A_191 = arith.constant 2 : i32
      %add3A_192 = arith.addi %mul3A_190, %add3A_191 : i32
      %gt3A_193 = arith.constant 0 : i32
      %gt3A_194 = arith.cmpi sgt, %scan3A_144, %gt3A_193 : i32
      %convert_element_type3A_195 = arith.extui %gt3A_194 : i1 to i32
      %cond3A_196 = arith.constant 0 : i32
      %cond3A_197 = arith.cmpi ne, %convert_element_type3A_195, %cond3A_196 : i32
      scf.if %cond3A_197 {
        %dma_wait3A_583 = arith.constant 2 : i32
        %dma_wait3A_584 = arith.constant 0 : i32
        %dma_wait3A_585 = arith.constant 2 : i32
        %dma_wait3A_586 = arith.constant 0 : i32
        %dma_wait3A_587 = arith.constant 0 : i32
        %dma_wait3A_588 = tpu.memref_slice %arg9[%dma_wait3A_583, %dma_wait3A_586, %dma_wait3A_587] : memref<8x128x48xbf16, #tpu.memory_space<vmem>> -> memref<1x128x48xbf16, #tpu.memory_space<vmem>>
        %dma_wait3A_589 = tpu.memref_squeeze %dma_wait3A_588 : memref<1x128x48xbf16, #tpu.memory_space<vmem>> -> memref<128x48xbf16, #tpu.memory_space<vmem>>
        %dma_wait3A_590 = arith.constant 0 : i32
        %dma_wait3A_591 = tpu.memref_slice %arg8[%dma_wait3A_584, %dma_wait3A_590] : memref<80x128xi32, #tpu.memory_space<vmem>> -> memref<1x128xi32, #tpu.memory_space<vmem>>
        %dma_wait3A_592 = tpu.memref_squeeze %dma_wait3A_591 : memref<1x128xi32, #tpu.memory_space<vmem>> -> memref<128xi32, #tpu.memory_space<vmem>>
        %dma_wait3A_593 = arith.constant 0 : i32
        %dma_wait3A_594 = arith.constant 0 : i32
        %dma_wait3A_595 = tpu.memref_slice %arg12[%dma_wait3A_593, %dma_wait3A_594] : memref<10016x48xbf16, #tpu.memory_space<vmem_shared>> -> memref<10016x48xbf16, #tpu.memory_space<vmem_shared>>
        %dma_wait3A_596 = tpu.memref_slice %arg11[%dma_wait3A_585] : memref<8x!tpu.dma_semaphore, #tpu.memory_space<semaphore_mem>> -> memref<1x!tpu.dma_semaphore, #tpu.memory_space<semaphore_mem>>
        %dma_wait3A_597 = tpu.memref_squeeze %dma_wait3A_596 : memref<1x!tpu.dma_semaphore, #tpu.memory_space<semaphore_mem>> -> memref<!tpu.dma_semaphore, #tpu.memory_space<semaphore_mem>>
        tpu.wait_indirect_dma semaphore(%dma_wait3A_597 : memref<!tpu.dma_semaphore, #tpu.memory_space<semaphore_mem>>) src(%dma_wait3A_589 : memref<128x48xbf16, #tpu.memory_space<vmem>>) dst(%dma_wait3A_595 : memref<10016x48xbf16, #tpu.memory_space<vmem_shared>>)
      } else {
      }
      %dma_start3A_198 = arith.constant 2 : i32
      %dma_start3A_199 = arith.constant 2 : i32
      %dma_start3A_200 = arith.constant 0 : i32
      %dma_start3A_201 = arith.constant 0 : i32
      %dma_start3A_202 = tpu.memref_slice %arg9[%dma_start3A_198, %dma_start3A_200, %dma_start3A_201] : memref<8x128x48xbf16, #tpu.memory_space<vmem>> -> memref<1x128x48xbf16, #tpu.memory_space<vmem>>
      %dma_start3A_203 = tpu.memref_squeeze %dma_start3A_202 : memref<1x128x48xbf16, #tpu.memory_space<vmem>> -> memref<128x48xbf16, #tpu.memory_space<vmem>>
      %dma_start3A_204 = arith.constant 0 : i32
      %dma_start3A_205 = tpu.memref_slice %arg7[%add3A_192, %dma_start3A_204] : memref<80x128xi32, #tpu.memory_space<vmem>> -> memref<1x128xi32, #tpu.memory_space<vmem>>
      %dma_start3A_206 = tpu.memref_squeeze %dma_start3A_205 : memref<1x128xi32, #tpu.memory_space<vmem>> -> memref<128xi32, #tpu.memory_space<vmem>>
      %dma_start3A_207 = arith.constant 0 : i32
      %dma_start3A_208 = arith.constant 0 : i32
      %dma_start3A_209 = tpu.memref_slice %arg13[%dma_start3A_207, %dma_start3A_208] : memref<10000x48xbf16, #tpu.memory_space<vmem_shared>> -> memref<10000x48xbf16, #tpu.memory_space<vmem_shared>>
      %dma_start3A_210 = tpu.memref_slice %arg10[%dma_start3A_199] : memref<8x!tpu.dma_semaphore, #tpu.memory_space<semaphore_mem>> -> memref<1x!tpu.dma_semaphore, #tpu.memory_space<semaphore_mem>>
      %dma_start3A_211 = tpu.memref_squeeze %dma_start3A_210 : memref<1x!tpu.dma_semaphore, #tpu.memory_space<semaphore_mem>> -> memref<!tpu.dma_semaphore, #tpu.memory_space<semaphore_mem>>
      tpu.enqueue_indirect_dma source(%dma_start3A_209 : memref<10000x48xbf16, #tpu.memory_space<vmem_shared>>) target(%dma_start3A_203 : memref<128x48xbf16, #tpu.memory_space<vmem>>) offsets(%dma_start3A_206 : memref<128xi32, #tpu.memory_space<vmem>>) semaphore(%dma_start3A_211 : memref<!tpu.dma_semaphore, #tpu.memory_space<semaphore_mem>>)
      %mul3A_212 = arith.constant 8 : i32
      %mul3A_213 = arith.muli %scan3A_144, %mul3A_212 : i32
      %add3A_214 = arith.constant 3 : i32
      %add3A_215 = arith.addi %mul3A_213, %add3A_214 : i32
      %gt3A_216 = arith.constant 0 : i32
      %gt3A_217 = arith.cmpi sgt, %scan3A_144, %gt3A_216 : i32
      %convert_element_type3A_218 = arith.extui %gt3A_217 : i1 to i32
      %cond3A_219 = arith.constant 0 : i32
      %cond3A_220 = arith.cmpi ne, %convert_element_type3A_218, %cond3A_219 : i32
      scf.if %cond3A_220 {
        %dma_wait3A_583 = arith.constant 3 : i32
        %dma_wait3A_584 = arith.constant 0 : i32
        %dma_wait3A_585 = arith.constant 3 : i32
        %dma_wait3A_586 = arith.constant 0 : i32
        %dma_wait3A_587 = arith.constant 0 : i32
        %dma_wait3A_588 = tpu.memref_slice %arg9[%dma_wait3A_583, %dma_wait3A_586, %dma_wait3A_587] : memref<8x128x48xbf16, #tpu.memory_space<vmem>> -> memref<1x128x48xbf16, #tpu.memory_space<vmem>>
        %dma_wait3A_589 = tpu.memref_squeeze %dma_wait3A_588 : memref<1x128x48xbf16, #tpu.memory_space<vmem>> -> memref<128x48xbf16, #tpu.memory_space<vmem>>
        %dma_wait3A_590 = arith.constant 0 : i32
        %dma_wait3A_591 = tpu.memref_slice %arg8[%dma_wait3A_584, %dma_wait3A_590] : memref<80x128xi32, #tpu.memory_space<vmem>> -> memref<1x128xi32, #tpu.memory_space<vmem>>
        %dma_wait3A_592 = tpu.memref_squeeze %dma_wait3A_591 : memref<1x128xi32, #tpu.memory_space<vmem>> -> memref<128xi32, #tpu.memory_space<vmem>>
        %dma_wait3A_593 = arith.constant 0 : i32
        %dma_wait3A_594 = arith.constant 0 : i32
        %dma_wait3A_595 = tpu.memref_slice %arg12[%dma_wait3A_593, %dma_wait3A_594] : memref<10016x48xbf16, #tpu.memory_space<vmem_shared>> -> memref<10016x48xbf16, #tpu.memory_space<vmem_shared>>
        %dma_wait3A_596 = tpu.memref_slice %arg11[%dma_wait3A_585] : memref<8x!tpu.dma_semaphore, #tpu.memory_space<semaphore_mem>> -> memref<1x!tpu.dma_semaphore, #tpu.memory_space<semaphore_mem>>
        %dma_wait3A_597 = tpu.memref_squeeze %dma_wait3A_596 : memref<1x!tpu.dma_semaphore, #tpu.memory_space<semaphore_mem>> -> memref<!tpu.dma_semaphore, #tpu.memory_space<semaphore_mem>>
        tpu.wait_indirect_dma semaphore(%dma_wait3A_597 : memref<!tpu.dma_semaphore, #tpu.memory_space<semaphore_mem>>) src(%dma_wait3A_589 : memref<128x48xbf16, #tpu.memory_space<vmem>>) dst(%dma_wait3A_595 : memref<10016x48xbf16, #tpu.memory_space<vmem_shared>>)
      } else {
      }
      %dma_start3A_221 = arith.constant 3 : i32
      %dma_start3A_222 = arith.constant 3 : i32
      %dma_start3A_223 = arith.constant 0 : i32
      %dma_start3A_224 = arith.constant 0 : i32
      %dma_start3A_225 = tpu.memref_slice %arg9[%dma_start3A_221, %dma_start3A_223, %dma_start3A_224] : memref<8x128x48xbf16, #tpu.memory_space<vmem>> -> memref<1x128x48xbf16, #tpu.memory_space<vmem>>
      %dma_start3A_226 = tpu.memref_squeeze %dma_start3A_225 : memref<1x128x48xbf16, #tpu.memory_space<vmem>> -> memref<128x48xbf16, #tpu.memory_space<vmem>>
      %dma_start3A_227 = arith.constant 0 : i32
      %dma_start3A_228 = tpu.memref_slice %arg7[%add3A_215, %dma_start3A_227] : memref<80x128xi32, #tpu.memory_space<vmem>> -> memref<1x128xi32, #tpu.memory_space<vmem>>
      %dma_start3A_229 = tpu.memref_squeeze %dma_start3A_228 : memref<1x128xi32, #tpu.memory_space<vmem>> -> memref<128xi32, #tpu.memory_space<vmem>>
      %dma_start3A_230 = arith.constant 0 : i32
      %dma_start3A_231 = arith.constant 0 : i32
      %dma_start3A_232 = tpu.memref_slice %arg13[%dma_start3A_230, %dma_start3A_231] : memref<10000x48xbf16, #tpu.memory_space<vmem_shared>> -> memref<10000x48xbf16, #tpu.memory_space<vmem_shared>>
      %dma_start3A_233 = tpu.memref_slice %arg10[%dma_start3A_222] : memref<8x!tpu.dma_semaphore, #tpu.memory_space<semaphore_mem>> -> memref<1x!tpu.dma_semaphore, #tpu.memory_space<semaphore_mem>>
      %dma_start3A_234 = tpu.memref_squeeze %dma_start3A_233 : memref<1x!tpu.dma_semaphore, #tpu.memory_space<semaphore_mem>> -> memref<!tpu.dma_semaphore, #tpu.memory_space<semaphore_mem>>
      tpu.enqueue_indirect_dma source(%dma_start3A_232 : memref<10000x48xbf16, #tpu.memory_space<vmem_shared>>) target(%dma_start3A_226 : memref<128x48xbf16, #tpu.memory_space<vmem>>) offsets(%dma_start3A_229 : memref<128xi32, #tpu.memory_space<vmem>>) semaphore(%dma_start3A_234 : memref<!tpu.dma_semaphore, #tpu.memory_space<semaphore_mem>>)
      %mul3A_235 = arith.constant 8 : i32
      %mul3A_236 = arith.muli %scan3A_144, %mul3A_235 : i32
      %add3A_237 = arith.constant 4 : i32
      %add3A_238 = arith.addi %mul3A_236, %add3A_237 : i32
      %gt3A_239 = arith.constant 0 : i32
      %gt3A_240 = arith.cmpi sgt, %scan3A_144, %gt3A_239 : i32
      %convert_element_type3A_241 = arith.extui %gt3A_240 : i1 to i32
      %cond3A_242 = arith.constant 0 : i32
      %cond3A_243 = arith.cmpi ne, %convert_element_type3A_241, %cond3A_242 : i32
      scf.if %cond3A_243 {
        %dma_wait3A_583 = arith.constant 4 : i32
        %dma_wait3A_584 = arith.constant 0 : i32
        %dma_wait3A_585 = arith.constant 4 : i32
        %dma_wait3A_586 = arith.constant 0 : i32
        %dma_wait3A_587 = arith.constant 0 : i32
        %dma_wait3A_588 = tpu.memref_slice %arg9[%dma_wait3A_583, %dma_wait3A_586, %dma_wait3A_587] : memref<8x128x48xbf16, #tpu.memory_space<vmem>> -> memref<1x128x48xbf16, #tpu.memory_space<vmem>>
        %dma_wait3A_589 = tpu.memref_squeeze %dma_wait3A_588 : memref<1x128x48xbf16, #tpu.memory_space<vmem>> -> memref<128x48xbf16, #tpu.memory_space<vmem>>
        %dma_wait3A_590 = arith.constant 0 : i32
        %dma_wait3A_591 = tpu.memref_slice %arg8[%dma_wait3A_584, %dma_wait3A_590] : memref<80x128xi32, #tpu.memory_space<vmem>> -> memref<1x128xi32, #tpu.memory_space<vmem>>
        %dma_wait3A_592 = tpu.memref_squeeze %dma_wait3A_591 : memref<1x128xi32, #tpu.memory_space<vmem>> -> memref<128xi32, #tpu.memory_space<vmem>>
        %dma_wait3A_593 = arith.constant 0 : i32
        %dma_wait3A_594 = arith.constant 0 : i32
        %dma_wait3A_595 = tpu.memref_slice %arg12[%dma_wait3A_593, %dma_wait3A_594] : memref<10016x48xbf16, #tpu.memory_space<vmem_shared>> -> memref<10016x48xbf16, #tpu.memory_space<vmem_shared>>
        %dma_wait3A_596 = tpu.memref_slice %arg11[%dma_wait3A_585] : memref<8x!tpu.dma_semaphore, #tpu.memory_space<semaphore_mem>> -> memref<1x!tpu.dma_semaphore, #tpu.memory_space<semaphore_mem>>
        %dma_wait3A_597 = tpu.memref_squeeze %dma_wait3A_596 : memref<1x!tpu.dma_semaphore, #tpu.memory_space<semaphore_mem>> -> memref<!tpu.dma_semaphore, #tpu.memory_space<semaphore_mem>>
        tpu.wait_indirect_dma semaphore(%dma_wait3A_597 : memref<!tpu.dma_semaphore, #tpu.memory_space<semaphore_mem>>) src(%dma_wait3A_589 : memref<128x48xbf16, #tpu.memory_space<vmem>>) dst(%dma_wait3A_595 : memref<10016x48xbf16, #tpu.memory_space<vmem_shared>>)
      } else {
      }
      %dma_start3A_244 = arith.constant 4 : i32
      %dma_start3A_245 = arith.constant 4 : i32
      %dma_start3A_246 = arith.constant 0 : i32
      %dma_start3A_247 = arith.constant 0 : i32
      %dma_start3A_248 = tpu.memref_slice %arg9[%dma_start3A_244, %dma_start3A_246, %dma_start3A_247] : memref<8x128x48xbf16, #tpu.memory_space<vmem>> -> memref<1x128x48xbf16, #tpu.memory_space<vmem>>
      %dma_start3A_249 = tpu.memref_squeeze %dma_start3A_248 : memref<1x128x48xbf16, #tpu.memory_space<vmem>> -> memref<128x48xbf16, #tpu.memory_space<vmem>>
      %dma_start3A_250 = arith.constant 0 : i32
      %dma_start3A_251 = tpu.memref_slice %arg7[%add3A_238, %dma_start3A_250] : memref<80x128xi32, #tpu.memory_space<vmem>> -> memref<1x128xi32, #tpu.memory_space<vmem>>
      %dma_start3A_252 = tpu.memref_squeeze %dma_start3A_251 : memref<1x128xi32, #tpu.memory_space<vmem>> -> memref<128xi32, #tpu.memory_space<vmem>>
      %dma_start3A_253 = arith.constant 0 : i32
      %dma_start3A_254 = arith.constant 0 : i32
      %dma_start3A_255 = tpu.memref_slice %arg13[%dma_start3A_253, %dma_start3A_254] : memref<10000x48xbf16, #tpu.memory_space<vmem_shared>> -> memref<10000x48xbf16, #tpu.memory_space<vmem_shared>>
      %dma_start3A_256 = tpu.memref_slice %arg10[%dma_start3A_245] : memref<8x!tpu.dma_semaphore, #tpu.memory_space<semaphore_mem>> -> memref<1x!tpu.dma_semaphore, #tpu.memory_space<semaphore_mem>>
      %dma_start3A_257 = tpu.memref_squeeze %dma_start3A_256 : memref<1x!tpu.dma_semaphore, #tpu.memory_space<semaphore_mem>> -> memref<!tpu.dma_semaphore, #tpu.memory_space<semaphore_mem>>
      tpu.enqueue_indirect_dma source(%dma_start3A_255 : memref<10000x48xbf16, #tpu.memory_space<vmem_shared>>) target(%dma_start3A_249 : memref<128x48xbf16, #tpu.memory_space<vmem>>) offsets(%dma_start3A_252 : memref<128xi32, #tpu.memory_space<vmem>>) semaphore(%dma_start3A_257 : memref<!tpu.dma_semaphore, #tpu.memory_space<semaphore_mem>>)
      %mul3A_258 = arith.constant 8 : i32
      %mul3A_259 = arith.muli %scan3A_144, %mul3A_258 : i32
      %add3A_260 = arith.constant 5 : i32
      %add3A_261 = arith.addi %mul3A_259, %add3A_260 : i32
      %gt3A_262 = arith.constant 0 : i32
      %gt3A_263 = arith.cmpi sgt, %scan3A_144, %gt3A_262 : i32
      %convert_element_type3A_264 = arith.extui %gt3A_263 : i1 to i32
      %cond3A_265 = arith.constant 0 : i32
      %cond3A_266 = arith.cmpi ne, %convert_element_type3A_264, %cond3A_265 : i32
      scf.if %cond3A_266 {
        %dma_wait3A_583 = arith.constant 5 : i32
        %dma_wait3A_584 = arith.constant 0 : i32
        %dma_wait3A_585 = arith.constant 5 : i32
        %dma_wait3A_586 = arith.constant 0 : i32
        %dma_wait3A_587 = arith.constant 0 : i32
        %dma_wait3A_588 = tpu.memref_slice %arg9[%dma_wait3A_583, %dma_wait3A_586, %dma_wait3A_587] : memref<8x128x48xbf16, #tpu.memory_space<vmem>> -> memref<1x128x48xbf16, #tpu.memory_space<vmem>>
        %dma_wait3A_589 = tpu.memref_squeeze %dma_wait3A_588 : memref<1x128x48xbf16, #tpu.memory_space<vmem>> -> memref<128x48xbf16, #tpu.memory_space<vmem>>
        %dma_wait3A_590 = arith.constant 0 : i32
        %dma_wait3A_591 = tpu.memref_slice %arg8[%dma_wait3A_584, %dma_wait3A_590] : memref<80x128xi32, #tpu.memory_space<vmem>> -> memref<1x128xi32, #tpu.memory_space<vmem>>
        %dma_wait3A_592 = tpu.memref_squeeze %dma_wait3A_591 : memref<1x128xi32, #tpu.memory_space<vmem>> -> memref<128xi32, #tpu.memory_space<vmem>>
        %dma_wait3A_593 = arith.constant 0 : i32
        %dma_wait3A_594 = arith.constant 0 : i32
        %dma_wait3A_595 = tpu.memref_slice %arg12[%dma_wait3A_593, %dma_wait3A_594] : memref<10016x48xbf16, #tpu.memory_space<vmem_shared>> -> memref<10016x48xbf16, #tpu.memory_space<vmem_shared>>
        %dma_wait3A_596 = tpu.memref_slice %arg11[%dma_wait3A_585] : memref<8x!tpu.dma_semaphore, #tpu.memory_space<semaphore_mem>> -> memref<1x!tpu.dma_semaphore, #tpu.memory_space<semaphore_mem>>
        %dma_wait3A_597 = tpu.memref_squeeze %dma_wait3A_596 : memref<1x!tpu.dma_semaphore, #tpu.memory_space<semaphore_mem>> -> memref<!tpu.dma_semaphore, #tpu.memory_space<semaphore_mem>>
        tpu.wait_indirect_dma semaphore(%dma_wait3A_597 : memref<!tpu.dma_semaphore, #tpu.memory_space<semaphore_mem>>) src(%dma_wait3A_589 : memref<128x48xbf16, #tpu.memory_space<vmem>>) dst(%dma_wait3A_595 : memref<10016x48xbf16, #tpu.memory_space<vmem_shared>>)
      } else {
      }
      %dma_start3A_267 = arith.constant 5 : i32
      %dma_start3A_268 = arith.constant 5 : i32
      %dma_start3A_269 = arith.constant 0 : i32
      %dma_start3A_270 = arith.constant 0 : i32
      %dma_start3A_271 = tpu.memref_slice %arg9[%dma_start3A_267, %dma_start3A_269, %dma_start3A_270] : memref<8x128x48xbf16, #tpu.memory_space<vmem>> -> memref<1x128x48xbf16, #tpu.memory_space<vmem>>
      %dma_start3A_272 = tpu.memref_squeeze %dma_start3A_271 : memref<1x128x48xbf16, #tpu.memory_space<vmem>> -> memref<128x48xbf16, #tpu.memory_space<vmem>>
      %dma_start3A_273 = arith.constant 0 : i32
      %dma_start3A_274 = tpu.memref_slice %arg7[%add3A_261, %dma_start3A_273] : memref<80x128xi32, #tpu.memory_space<vmem>> -> memref<1x128xi32, #tpu.memory_space<vmem>>
      %dma_start3A_275 = tpu.memref_squeeze %dma_start3A_274 : memref<1x128xi32, #tpu.memory_space<vmem>> -> memref<128xi32, #tpu.memory_space<vmem>>
      %dma_start3A_276 = arith.constant 0 : i32
      %dma_start3A_277 = arith.constant 0 : i32
      %dma_start3A_278 = tpu.memref_slice %arg13[%dma_start3A_276, %dma_start3A_277] : memref<10000x48xbf16, #tpu.memory_space<vmem_shared>> -> memref<10000x48xbf16, #tpu.memory_space<vmem_shared>>
      %dma_start3A_279 = tpu.memref_slice %arg10[%dma_start3A_268] : memref<8x!tpu.dma_semaphore, #tpu.memory_space<semaphore_mem>> -> memref<1x!tpu.dma_semaphore, #tpu.memory_space<semaphore_mem>>
      %dma_start3A_280 = tpu.memref_squeeze %dma_start3A_279 : memref<1x!tpu.dma_semaphore, #tpu.memory_space<semaphore_mem>> -> memref<!tpu.dma_semaphore, #tpu.memory_space<semaphore_mem>>
      tpu.enqueue_indirect_dma source(%dma_start3A_278 : memref<10000x48xbf16, #tpu.memory_space<vmem_shared>>) target(%dma_start3A_272 : memref<128x48xbf16, #tpu.memory_space<vmem>>) offsets(%dma_start3A_275 : memref<128xi32, #tpu.memory_space<vmem>>) semaphore(%dma_start3A_280 : memref<!tpu.dma_semaphore, #tpu.memory_space<semaphore_mem>>)
      %mul3A_281 = arith.constant 8 : i32
      %mul3A_282 = arith.muli %scan3A_144, %mul3A_281 : i32
      %add3A_283 = arith.constant 6 : i32
      %add3A_284 = arith.addi %mul3A_282, %add3A_283 : i32
      %gt3A_285 = arith.constant 0 : i32
      %gt3A_286 = arith.cmpi sgt, %scan3A_144, %gt3A_285 : i32
      %convert_element_type3A_287 = arith.extui %gt3A_286 : i1 to i32
      %cond3A_288 = arith.constant 0 : i32
      %cond3A_289 = arith.cmpi ne, %convert_element_type3A_287, %cond3A_288 : i32
      scf.if %cond3A_289 {
        %dma_wait3A_583 = arith.constant 6 : i32
        %dma_wait3A_584 = arith.constant 0 : i32
        %dma_wait3A_585 = arith.constant 6 : i32
        %dma_wait3A_586 = arith.constant 0 : i32
        %dma_wait3A_587 = arith.constant 0 : i32
        %dma_wait3A_588 = tpu.memref_slice %arg9[%dma_wait3A_583, %dma_wait3A_586, %dma_wait3A_587] : memref<8x128x48xbf16, #tpu.memory_space<vmem>> -> memref<1x128x48xbf16, #tpu.memory_space<vmem>>
        %dma_wait3A_589 = tpu.memref_squeeze %dma_wait3A_588 : memref<1x128x48xbf16, #tpu.memory_space<vmem>> -> memref<128x48xbf16, #tpu.memory_space<vmem>>
        %dma_wait3A_590 = arith.constant 0 : i32
        %dma_wait3A_591 = tpu.memref_slice %arg8[%dma_wait3A_584, %dma_wait3A_590] : memref<80x128xi32, #tpu.memory_space<vmem>> -> memref<1x128xi32, #tpu.memory_space<vmem>>
        %dma_wait3A_592 = tpu.memref_squeeze %dma_wait3A_591 : memref<1x128xi32, #tpu.memory_space<vmem>> -> memref<128xi32, #tpu.memory_space<vmem>>
        %dma_wait3A_593 = arith.constant 0 : i32
        %dma_wait3A_594 = arith.constant 0 : i32
        %dma_wait3A_595 = tpu.memref_slice %arg12[%dma_wait3A_593, %dma_wait3A_594] : memref<10016x48xbf16, #tpu.memory_space<vmem_shared>> -> memref<10016x48xbf16, #tpu.memory_space<vmem_shared>>
        %dma_wait3A_596 = tpu.memref_slice %arg11[%dma_wait3A_585] : memref<8x!tpu.dma_semaphore, #tpu.memory_space<semaphore_mem>> -> memref<1x!tpu.dma_semaphore, #tpu.memory_space<semaphore_mem>>
        %dma_wait3A_597 = tpu.memref_squeeze %dma_wait3A_596 : memref<1x!tpu.dma_semaphore, #tpu.memory_space<semaphore_mem>> -> memref<!tpu.dma_semaphore, #tpu.memory_space<semaphore_mem>>
        tpu.wait_indirect_dma semaphore(%dma_wait3A_597 : memref<!tpu.dma_semaphore, #tpu.memory_space<semaphore_mem>>) src(%dma_wait3A_589 : memref<128x48xbf16, #tpu.memory_space<vmem>>) dst(%dma_wait3A_595 : memref<10016x48xbf16, #tpu.memory_space<vmem_shared>>)
      } else {
      }
      %dma_start3A_290 = arith.constant 6 : i32
      %dma_start3A_291 = arith.constant 6 : i32
      %dma_start3A_292 = arith.constant 0 : i32
      %dma_start3A_293 = arith.constant 0 : i32
      %dma_start3A_294 = tpu.memref_slice %arg9[%dma_start3A_290, %dma_start3A_292, %dma_start3A_293] : memref<8x128x48xbf16, #tpu.memory_space<vmem>> -> memref<1x128x48xbf16, #tpu.memory_space<vmem>>
      %dma_start3A_295 = tpu.memref_squeeze %dma_start3A_294 : memref<1x128x48xbf16, #tpu.memory_space<vmem>> -> memref<128x48xbf16, #tpu.memory_space<vmem>>
      %dma_start3A_296 = arith.constant 0 : i32
      %dma_start3A_297 = tpu.memref_slice %arg7[%add3A_284, %dma_start3A_296] : memref<80x128xi32, #tpu.memory_space<vmem>> -> memref<1x128xi32, #tpu.memory_space<vmem>>
      %dma_start3A_298 = tpu.memref_squeeze %dma_start3A_297 : memref<1x128xi32, #tpu.memory_space<vmem>> -> memref<128xi32, #tpu.memory_space<vmem>>
      %dma_start3A_299 = arith.constant 0 : i32
      %dma_start3A_300 = arith.constant 0 : i32
      %dma_start3A_301 = tpu.memref_slice %arg13[%dma_start3A_299, %dma_start3A_300] : memref<10000x48xbf16, #tpu.memory_space<vmem_shared>> -> memref<10000x48xbf16, #tpu.memory_space<vmem_shared>>
      %dma_start3A_302 = tpu.memref_slice %arg10[%dma_start3A_291] : memref<8x!tpu.dma_semaphore, #tpu.memory_space<semaphore_mem>> -> memref<1x!tpu.dma_semaphore, #tpu.memory_space<semaphore_mem>>
      %dma_start3A_303 = tpu.memref_squeeze %dma_start3A_302 : memref<1x!tpu.dma_semaphore, #tpu.memory_space<semaphore_mem>> -> memref<!tpu.dma_semaphore, #tpu.memory_space<semaphore_mem>>
      tpu.enqueue_indirect_dma source(%dma_start3A_301 : memref<10000x48xbf16, #tpu.memory_space<vmem_shared>>) target(%dma_start3A_295 : memref<128x48xbf16, #tpu.memory_space<vmem>>) offsets(%dma_start3A_298 : memref<128xi32, #tpu.memory_space<vmem>>) semaphore(%dma_start3A_303 : memref<!tpu.dma_semaphore, #tpu.memory_space<semaphore_mem>>)
      %mul3A_304 = arith.constant 8 : i32
      %mul3A_305 = arith.muli %scan3A_144, %mul3A_304 : i32
      %add3A_306 = arith.constant 7 : i32
      %add3A_307 = arith.addi %mul3A_305, %add3A_306 : i32
      %gt3A_308 = arith.constant 0 : i32
      %gt3A_309 = arith.cmpi sgt, %scan3A_144, %gt3A_308 : i32
      %convert_element_type3A_310 = arith.extui %gt3A_309 : i1 to i32
      %cond3A_311 = arith.constant 0 : i32
      %cond3A_312 = arith.cmpi ne, %convert_element_type3A_310, %cond3A_311 : i32
      scf.if %cond3A_312 {
        %dma_wait3A_583 = arith.constant 7 : i32
        %dma_wait3A_584 = arith.constant 0 : i32
        %dma_wait3A_585 = arith.constant 7 : i32
        %dma_wait3A_586 = arith.constant 0 : i32
        %dma_wait3A_587 = arith.constant 0 : i32
        %dma_wait3A_588 = tpu.memref_slice %arg9[%dma_wait3A_583, %dma_wait3A_586, %dma_wait3A_587] : memref<8x128x48xbf16, #tpu.memory_space<vmem>> -> memref<1x128x48xbf16, #tpu.memory_space<vmem>>
        %dma_wait3A_589 = tpu.memref_squeeze %dma_wait3A_588 : memref<1x128x48xbf16, #tpu.memory_space<vmem>> -> memref<128x48xbf16, #tpu.memory_space<vmem>>
        %dma_wait3A_590 = arith.constant 0 : i32
        %dma_wait3A_591 = tpu.memref_slice %arg8[%dma_wait3A_584, %dma_wait3A_590] : memref<80x128xi32, #tpu.memory_space<vmem>> -> memref<1x128xi32, #tpu.memory_space<vmem>>
        %dma_wait3A_592 = tpu.memref_squeeze %dma_wait3A_591 : memref<1x128xi32, #tpu.memory_space<vmem>> -> memref<128xi32, #tpu.memory_space<vmem>>
        %dma_wait3A_593 = arith.constant 0 : i32
        %dma_wait3A_594 = arith.constant 0 : i32
        %dma_wait3A_595 = tpu.memref_slice %arg12[%dma_wait3A_593, %dma_wait3A_594] : memref<10016x48xbf16, #tpu.memory_space<vmem_shared>> -> memref<10016x48xbf16, #tpu.memory_space<vmem_shared>>
        %dma_wait3A_596 = tpu.memref_slice %arg11[%dma_wait3A_585] : memref<8x!tpu.dma_semaphore, #tpu.memory_space<semaphore_mem>> -> memref<1x!tpu.dma_semaphore, #tpu.memory_space<semaphore_mem>>
        %dma_wait3A_597 = tpu.memref_squeeze %dma_wait3A_596 : memref<1x!tpu.dma_semaphore, #tpu.memory_space<semaphore_mem>> -> memref<!tpu.dma_semaphore, #tpu.memory_space<semaphore_mem>>
        tpu.wait_indirect_dma semaphore(%dma_wait3A_597 : memref<!tpu.dma_semaphore, #tpu.memory_space<semaphore_mem>>) src(%dma_wait3A_589 : memref<128x48xbf16, #tpu.memory_space<vmem>>) dst(%dma_wait3A_595 : memref<10016x48xbf16, #tpu.memory_space<vmem_shared>>)
      } else {
      }
      %dma_start3A_313 = arith.constant 7 : i32
      %dma_start3A_314 = arith.constant 7 : i32
      %dma_start3A_315 = arith.constant 0 : i32
      %dma_start3A_316 = arith.constant 0 : i32
      %dma_start3A_317 = tpu.memref_slice %arg9[%dma_start3A_313, %dma_start3A_315, %dma_start3A_316] : memref<8x128x48xbf16, #tpu.memory_space<vmem>> -> memref<1x128x48xbf16, #tpu.memory_space<vmem>>
      %dma_start3A_318 = tpu.memref_squeeze %dma_start3A_317 : memref<1x128x48xbf16, #tpu.memory_space<vmem>> -> memref<128x48xbf16, #tpu.memory_space<vmem>>
      %dma_start3A_319 = arith.constant 0 : i32
      %dma_start3A_320 = tpu.memref_slice %arg7[%add3A_307, %dma_start3A_319] : memref<80x128xi32, #tpu.memory_space<vmem>> -> memref<1x128xi32, #tpu.memory_space<vmem>>
      %dma_start3A_321 = tpu.memref_squeeze %dma_start3A_320 : memref<1x128xi32, #tpu.memory_space<vmem>> -> memref<128xi32, #tpu.memory_space<vmem>>
      %dma_start3A_322 = arith.constant 0 : i32
      %dma_start3A_323 = arith.constant 0 : i32
      %dma_start3A_324 = tpu.memref_slice %arg13[%dma_start3A_322, %dma_start3A_323] : memref<10000x48xbf16, #tpu.memory_space<vmem_shared>> -> memref<10000x48xbf16, #tpu.memory_space<vmem_shared>>
      %dma_start3A_325 = tpu.memref_slice %arg10[%dma_start3A_314] : memref<8x!tpu.dma_semaphore, #tpu.memory_space<semaphore_mem>> -> memref<1x!tpu.dma_semaphore, #tpu.memory_space<semaphore_mem>>
      %dma_start3A_326 = tpu.memref_squeeze %dma_start3A_325 : memref<1x!tpu.dma_semaphore, #tpu.memory_space<semaphore_mem>> -> memref<!tpu.dma_semaphore, #tpu.memory_space<semaphore_mem>>
      tpu.enqueue_indirect_dma source(%dma_start3A_324 : memref<10000x48xbf16, #tpu.memory_space<vmem_shared>>) target(%dma_start3A_318 : memref<128x48xbf16, #tpu.memory_space<vmem>>) offsets(%dma_start3A_321 : memref<128xi32, #tpu.memory_space<vmem>>) semaphore(%dma_start3A_326 : memref<!tpu.dma_semaphore, #tpu.memory_space<semaphore_mem>>)
      %mul3A_327 = arith.constant 8 : i32
      %mul3A_328 = arith.muli %scan3A_144, %mul3A_327 : i32
      %add3A_329 = arith.constant 0 : i32
      %add3A_330 = arith.addi %mul3A_328, %add3A_329 : i32
      %dma_wait3A_331 = arith.constant 0 : i32
      %dma_wait3A_332 = arith.constant 0 : i32
      %dma_wait3A_333 = arith.constant 0 : i32
      %dma_wait3A_334 = arith.constant 0 : i32
      %dma_wait3A_335 = tpu.memref_slice %arg9[%dma_wait3A_331, %dma_wait3A_333, %dma_wait3A_334] : memref<8x128x48xbf16, #tpu.memory_space<vmem>> -> memref<1x128x48xbf16, #tpu.memory_space<vmem>>
      %dma_wait3A_336 = tpu.memref_squeeze %dma_wait3A_335 : memref<1x128x48xbf16, #tpu.memory_space<vmem>> -> memref<128x48xbf16, #tpu.memory_space<vmem>>
      %dma_wait3A_337 = arith.constant 0 : i32
      %dma_wait3A_338 = tpu.memref_slice %arg7[%add3A_148, %dma_wait3A_337] : memref<80x128xi32, #tpu.memory_space<vmem>> -> memref<1x128xi32, #tpu.memory_space<vmem>>
      %dma_wait3A_339 = tpu.memref_squeeze %dma_wait3A_338 : memref<1x128xi32, #tpu.memory_space<vmem>> -> memref<128xi32, #tpu.memory_space<vmem>>
      %dma_wait3A_340 = arith.constant 0 : i32
      %dma_wait3A_341 = arith.constant 0 : i32
      %dma_wait3A_342 = tpu.memref_slice %arg13[%dma_wait3A_340, %dma_wait3A_341] : memref<10000x48xbf16, #tpu.memory_space<vmem_shared>> -> memref<10000x48xbf16, #tpu.memory_space<vmem_shared>>
      %dma_wait3A_343 = tpu.memref_slice %arg10[%dma_wait3A_332] : memref<8x!tpu.dma_semaphore, #tpu.memory_space<semaphore_mem>> -> memref<1x!tpu.dma_semaphore, #tpu.memory_space<semaphore_mem>>
      %dma_wait3A_344 = tpu.memref_squeeze %dma_wait3A_343 : memref<1x!tpu.dma_semaphore, #tpu.memory_space<semaphore_mem>> -> memref<!tpu.dma_semaphore, #tpu.memory_space<semaphore_mem>>
      tpu.wait_indirect_dma semaphore(%dma_wait3A_344 : memref<!tpu.dma_semaphore, #tpu.memory_space<semaphore_mem>>) src(%dma_wait3A_342 : memref<10000x48xbf16, #tpu.memory_space<vmem_shared>>) dst(%dma_wait3A_336 : memref<128x48xbf16, #tpu.memory_space<vmem>>)
      %dma_start3A_345 = arith.constant 0 : i32
      %dma_start3A_346 = arith.constant 0 : i32
      %dma_start3A_347 = arith.constant 0 : i32
      %dma_start3A_348 = arith.constant 0 : i32
      %dma_start3A_349 = tpu.memref_slice %arg9[%dma_start3A_345, %dma_start3A_347, %dma_start3A_348] : memref<8x128x48xbf16, #tpu.memory_space<vmem>> -> memref<1x128x48xbf16, #tpu.memory_space<vmem>>
      %dma_start3A_350 = tpu.memref_squeeze %dma_start3A_349 : memref<1x128x48xbf16, #tpu.memory_space<vmem>> -> memref<128x48xbf16, #tpu.memory_space<vmem>>
      %dma_start3A_351 = arith.constant 0 : i32
      %dma_start3A_352 = tpu.memref_slice %arg8[%add3A_330, %dma_start3A_351] : memref<80x128xi32, #tpu.memory_space<vmem>> -> memref<1x128xi32, #tpu.memory_space<vmem>>
      %dma_start3A_353 = tpu.memref_squeeze %dma_start3A_352 : memref<1x128xi32, #tpu.memory_space<vmem>> -> memref<128xi32, #tpu.memory_space<vmem>>
      %dma_start3A_354 = arith.constant 0 : i32
      %dma_start3A_355 = arith.constant 0 : i32
      %dma_start3A_356 = tpu.memref_slice %arg12[%dma_start3A_354, %dma_start3A_355] : memref<10016x48xbf16, #tpu.memory_space<vmem_shared>> -> memref<10016x48xbf16, #tpu.memory_space<vmem_shared>>
      %dma_start3A_357 = tpu.memref_slice %arg11[%dma_start3A_346] : memref<8x!tpu.dma_semaphore, #tpu.memory_space<semaphore_mem>> -> memref<1x!tpu.dma_semaphore, #tpu.memory_space<semaphore_mem>>
      %dma_start3A_358 = tpu.memref_squeeze %dma_start3A_357 : memref<1x!tpu.dma_semaphore, #tpu.memory_space<semaphore_mem>> -> memref<!tpu.dma_semaphore, #tpu.memory_space<semaphore_mem>>
      tpu.enqueue_indirect_dma source(%dma_start3A_350 : memref<128x48xbf16, #tpu.memory_space<vmem>>) target(%dma_start3A_356 : memref<10016x48xbf16, #tpu.memory_space<vmem_shared>>) offsets(%dma_start3A_353 : memref<128xi32, #tpu.memory_space<vmem>>) semaphore(%dma_start3A_358 : memref<!tpu.dma_semaphore, #tpu.memory_space<semaphore_mem>>) {add = true}
      %mul3A_359 = arith.constant 8 : i32
      %mul3A_360 = arith.muli %scan3A_144, %mul3A_359 : i32
      %add3A_361 = arith.constant 1 : i32
      %add3A_362 = arith.addi %mul3A_360, %add3A_361 : i32
      %dma_wait3A_363 = arith.constant 1 : i32
      %dma_wait3A_364 = arith.constant 1 : i32
      %dma_wait3A_365 = arith.constant 0 : i32
      %dma_wait3A_366 = arith.constant 0 : i32
      %dma_wait3A_367 = tpu.memref_slice %arg9[%dma_wait3A_363, %dma_wait3A_365, %dma_wait3A_366] : memref<8x128x48xbf16, #tpu.memory_space<vmem>> -> memref<1x128x48xbf16, #tpu.memory_space<vmem>>
      %dma_wait3A_368 = tpu.memref_squeeze %dma_wait3A_367 : memref<1x128x48xbf16, #tpu.memory_space<vmem>> -> memref<128x48xbf16, #tpu.memory_space<vmem>>
      %dma_wait3A_369 = arith.constant 0 : i32
      %dma_wait3A_370 = tpu.memref_slice %arg7[%add3A_169, %dma_wait3A_369] : memref<80x128xi32, #tpu.memory_space<vmem>> -> memref<1x128xi32, #tpu.memory_space<vmem>>
      %dma_wait3A_371 = tpu.memref_squeeze %dma_wait3A_370 : memref<1x128xi32, #tpu.memory_space<vmem>> -> memref<128xi32, #tpu.memory_space<vmem>>
      %dma_wait3A_372 = arith.constant 0 : i32
      %dma_wait3A_373 = arith.constant 0 : i32
      %dma_wait3A_374 = tpu.memref_slice %arg13[%dma_wait3A_372, %dma_wait3A_373] : memref<10000x48xbf16, #tpu.memory_space<vmem_shared>> -> memref<10000x48xbf16, #tpu.memory_space<vmem_shared>>
      %dma_wait3A_375 = tpu.memref_slice %arg10[%dma_wait3A_364] : memref<8x!tpu.dma_semaphore, #tpu.memory_space<semaphore_mem>> -> memref<1x!tpu.dma_semaphore, #tpu.memory_space<semaphore_mem>>
      %dma_wait3A_376 = tpu.memref_squeeze %dma_wait3A_375 : memref<1x!tpu.dma_semaphore, #tpu.memory_space<semaphore_mem>> -> memref<!tpu.dma_semaphore, #tpu.memory_space<semaphore_mem>>
      tpu.wait_indirect_dma semaphore(%dma_wait3A_376 : memref<!tpu.dma_semaphore, #tpu.memory_space<semaphore_mem>>) src(%dma_wait3A_374 : memref<10000x48xbf16, #tpu.memory_space<vmem_shared>>) dst(%dma_wait3A_368 : memref<128x48xbf16, #tpu.memory_space<vmem>>)
      %dma_start3A_377 = arith.constant 1 : i32
      %dma_start3A_378 = arith.constant 1 : i32
      %dma_start3A_379 = arith.constant 0 : i32
      %dma_start3A_380 = arith.constant 0 : i32
      %dma_start3A_381 = tpu.memref_slice %arg9[%dma_start3A_377, %dma_start3A_379, %dma_start3A_380] : memref<8x128x48xbf16, #tpu.memory_space<vmem>> -> memref<1x128x48xbf16, #tpu.memory_space<vmem>>
      %dma_start3A_382 = tpu.memref_squeeze %dma_start3A_381 : memref<1x128x48xbf16, #tpu.memory_space<vmem>> -> memref<128x48xbf16, #tpu.memory_space<vmem>>
      %dma_start3A_383 = arith.constant 0 : i32
      %dma_start3A_384 = tpu.memref_slice %arg8[%add3A_362, %dma_start3A_383] : memref<80x128xi32, #tpu.memory_space<vmem>> -> memref<1x128xi32, #tpu.memory_space<vmem>>
      %dma_start3A_385 = tpu.memref_squeeze %dma_start3A_384 : memref<1x128xi32, #tpu.memory_space<vmem>> -> memref<128xi32, #tpu.memory_space<vmem>>
      %dma_start3A_386 = arith.constant 0 : i32
      %dma_start3A_387 = arith.constant 0 : i32
      %dma_start3A_388 = tpu.memref_slice %arg12[%dma_start3A_386, %dma_start3A_387] : memref<10016x48xbf16, #tpu.memory_space<vmem_shared>> -> memref<10016x48xbf16, #tpu.memory_space<vmem_shared>>
      %dma_start3A_389 = tpu.memref_slice %arg11[%dma_start3A_378] : memref<8x!tpu.dma_semaphore, #tpu.memory_space<semaphore_mem>> -> memref<1x!tpu.dma_semaphore, #tpu.memory_space<semaphore_mem>>
      %dma_start3A_390 = tpu.memref_squeeze %dma_start3A_389 : memref<1x!tpu.dma_semaphore, #tpu.memory_space<semaphore_mem>> -> memref<!tpu.dma_semaphore, #tpu.memory_space<semaphore_mem>>
      tpu.enqueue_indirect_dma source(%dma_start3A_382 : memref<128x48xbf16, #tpu.memory_space<vmem>>) target(%dma_start3A_388 : memref<10016x48xbf16, #tpu.memory_space<vmem_shared>>) offsets(%dma_start3A_385 : memref<128xi32, #tpu.memory_space<vmem>>) semaphore(%dma_start3A_390 : memref<!tpu.dma_semaphore, #tpu.memory_space<semaphore_mem>>) {add = true}
      %mul3A_391 = arith.constant 8 : i32
      %mul3A_392 = arith.muli %scan3A_144, %mul3A_391 : i32
      %add3A_393 = arith.constant 2 : i32
      %add3A_394 = arith.addi %mul3A_392, %add3A_393 : i32
      %dma_wait3A_395 = arith.constant 2 : i32
      %dma_wait3A_396 = arith.constant 2 : i32
      %dma_wait3A_397 = arith.constant 0 : i32
      %dma_wait3A_398 = arith.constant 0 : i32
      %dma_wait3A_399 = tpu.memref_slice %arg9[%dma_wait3A_395, %dma_wait3A_397, %dma_wait3A_398] : memref<8x128x48xbf16, #tpu.memory_space<vmem>> -> memref<1x128x48xbf16, #tpu.memory_space<vmem>>
      %dma_wait3A_400 = tpu.memref_squeeze %dma_wait3A_399 : memref<1x128x48xbf16, #tpu.memory_space<vmem>> -> memref<128x48xbf16, #tpu.memory_space<vmem>>
      %dma_wait3A_401 = arith.constant 0 : i32
      %dma_wait3A_402 = tpu.memref_slice %arg7[%add3A_192, %dma_wait3A_401] : memref<80x128xi32, #tpu.memory_space<vmem>> -> memref<1x128xi32, #tpu.memory_space<vmem>>
      %dma_wait3A_403 = tpu.memref_squeeze %dma_wait3A_402 : memref<1x128xi32, #tpu.memory_space<vmem>> -> memref<128xi32, #tpu.memory_space<vmem>>
      %dma_wait3A_404 = arith.constant 0 : i32
      %dma_wait3A_405 = arith.constant 0 : i32
      %dma_wait3A_406 = tpu.memref_slice %arg13[%dma_wait3A_404, %dma_wait3A_405] : memref<10000x48xbf16, #tpu.memory_space<vmem_shared>> -> memref<10000x48xbf16, #tpu.memory_space<vmem_shared>>
      %dma_wait3A_407 = tpu.memref_slice %arg10[%dma_wait3A_396] : memref<8x!tpu.dma_semaphore, #tpu.memory_space<semaphore_mem>> -> memref<1x!tpu.dma_semaphore, #tpu.memory_space<semaphore_mem>>
      %dma_wait3A_408 = tpu.memref_squeeze %dma_wait3A_407 : memref<1x!tpu.dma_semaphore, #tpu.memory_space<semaphore_mem>> -> memref<!tpu.dma_semaphore, #tpu.memory_space<semaphore_mem>>
      tpu.wait_indirect_dma semaphore(%dma_wait3A_408 : memref<!tpu.dma_semaphore, #tpu.memory_space<semaphore_mem>>) src(%dma_wait3A_406 : memref<10000x48xbf16, #tpu.memory_space<vmem_shared>>) dst(%dma_wait3A_400 : memref<128x48xbf16, #tpu.memory_space<vmem>>)
      %dma_start3A_409 = arith.constant 2 : i32
      %dma_start3A_410 = arith.constant 2 : i32
      %dma_start3A_411 = arith.constant 0 : i32
      %dma_start3A_412 = arith.constant 0 : i32
      %dma_start3A_413 = tpu.memref_slice %arg9[%dma_start3A_409, %dma_start3A_411, %dma_start3A_412] : memref<8x128x48xbf16, #tpu.memory_space<vmem>> -> memref<1x128x48xbf16, #tpu.memory_space<vmem>>
      %dma_start3A_414 = tpu.memref_squeeze %dma_start3A_413 : memref<1x128x48xbf16, #tpu.memory_space<vmem>> -> memref<128x48xbf16, #tpu.memory_space<vmem>>
      %dma_start3A_415 = arith.constant 0 : i32
      %dma_start3A_416 = tpu.memref_slice %arg8[%add3A_394, %dma_start3A_415] : memref<80x128xi32, #tpu.memory_space<vmem>> -> memref<1x128xi32, #tpu.memory_space<vmem>>
      %dma_start3A_417 = tpu.memref_squeeze %dma_start3A_416 : memref<1x128xi32, #tpu.memory_space<vmem>> -> memref<128xi32, #tpu.memory_space<vmem>>
      %dma_start3A_418 = arith.constant 0 : i32
      %dma_start3A_419 = arith.constant 0 : i32
      %dma_start3A_420 = tpu.memref_slice %arg12[%dma_start3A_418, %dma_start3A_419] : memref<10016x48xbf16, #tpu.memory_space<vmem_shared>> -> memref<10016x48xbf16, #tpu.memory_space<vmem_shared>>
      %dma_start3A_421 = tpu.memref_slice %arg11[%dma_start3A_410] : memref<8x!tpu.dma_semaphore, #tpu.memory_space<semaphore_mem>> -> memref<1x!tpu.dma_semaphore, #tpu.memory_space<semaphore_mem>>
      %dma_start3A_422 = tpu.memref_squeeze %dma_start3A_421 : memref<1x!tpu.dma_semaphore, #tpu.memory_space<semaphore_mem>> -> memref<!tpu.dma_semaphore, #tpu.memory_space<semaphore_mem>>
      tpu.enqueue_indirect_dma source(%dma_start3A_414 : memref<128x48xbf16, #tpu.memory_space<vmem>>) target(%dma_start3A_420 : memref<10016x48xbf16, #tpu.memory_space<vmem_shared>>) offsets(%dma_start3A_417 : memref<128xi32, #tpu.memory_space<vmem>>) semaphore(%dma_start3A_422 : memref<!tpu.dma_semaphore, #tpu.memory_space<semaphore_mem>>) {add = true}
      %mul3A_423 = arith.constant 8 : i32
      %mul3A_424 = arith.muli %scan3A_144, %mul3A_423 : i32
      %add3A_425 = arith.constant 3 : i32
      %add3A_426 = arith.addi %mul3A_424, %add3A_425 : i32
      %dma_wait3A_427 = arith.constant 3 : i32
      %dma_wait3A_428 = arith.constant 3 : i32
      %dma_wait3A_429 = arith.constant 0 : i32
      %dma_wait3A_430 = arith.constant 0 : i32
      %dma_wait3A_431 = tpu.memref_slice %arg9[%dma_wait3A_427, %dma_wait3A_429, %dma_wait3A_430] : memref<8x128x48xbf16, #tpu.memory_space<vmem>> -> memref<1x128x48xbf16, #tpu.memory_space<vmem>>
      %dma_wait3A_432 = tpu.memref_squeeze %dma_wait3A_431 : memref<1x128x48xbf16, #tpu.memory_space<vmem>> -> memref<128x48xbf16, #tpu.memory_space<vmem>>
      %dma_wait3A_433 = arith.constant 0 : i32
      %dma_wait3A_434 = tpu.memref_slice %arg7[%add3A_215, %dma_wait3A_433] : memref<80x128xi32, #tpu.memory_space<vmem>> -> memref<1x128xi32, #tpu.memory_space<vmem>>
      %dma_wait3A_435 = tpu.memref_squeeze %dma_wait3A_434 : memref<1x128xi32, #tpu.memory_space<vmem>> -> memref<128xi32, #tpu.memory_space<vmem>>
      %dma_wait3A_436 = arith.constant 0 : i32
      %dma_wait3A_437 = arith.constant 0 : i32
      %dma_wait3A_438 = tpu.memref_slice %arg13[%dma_wait3A_436, %dma_wait3A_437] : memref<10000x48xbf16, #tpu.memory_space<vmem_shared>> -> memref<10000x48xbf16, #tpu.memory_space<vmem_shared>>
      %dma_wait3A_439 = tpu.memref_slice %arg10[%dma_wait3A_428] : memref<8x!tpu.dma_semaphore, #tpu.memory_space<semaphore_mem>> -> memref<1x!tpu.dma_semaphore, #tpu.memory_space<semaphore_mem>>
      %dma_wait3A_440 = tpu.memref_squeeze %dma_wait3A_439 : memref<1x!tpu.dma_semaphore, #tpu.memory_space<semaphore_mem>> -> memref<!tpu.dma_semaphore, #tpu.memory_space<semaphore_mem>>
      tpu.wait_indirect_dma semaphore(%dma_wait3A_440 : memref<!tpu.dma_semaphore, #tpu.memory_space<semaphore_mem>>) src(%dma_wait3A_438 : memref<10000x48xbf16, #tpu.memory_space<vmem_shared>>) dst(%dma_wait3A_432 : memref<128x48xbf16, #tpu.memory_space<vmem>>)
      %dma_start3A_441 = arith.constant 3 : i32
      %dma_start3A_442 = arith.constant 3 : i32
      %dma_start3A_443 = arith.constant 0 : i32
      %dma_start3A_444 = arith.constant 0 : i32
      %dma_start3A_445 = tpu.memref_slice %arg9[%dma_start3A_441, %dma_start3A_443, %dma_start3A_444] : memref<8x128x48xbf16, #tpu.memory_space<vmem>> -> memref<1x128x48xbf16, #tpu.memory_space<vmem>>
      %dma_start3A_446 = tpu.memref_squeeze %dma_start3A_445 : memref<1x128x48xbf16, #tpu.memory_space<vmem>> -> memref<128x48xbf16, #tpu.memory_space<vmem>>
      %dma_start3A_447 = arith.constant 0 : i32
      %dma_start3A_448 = tpu.memref_slice %arg8[%add3A_426, %dma_start3A_447] : memref<80x128xi32, #tpu.memory_space<vmem>> -> memref<1x128xi32, #tpu.memory_space<vmem>>
      %dma_start3A_449 = tpu.memref_squeeze %dma_start3A_448 : memref<1x128xi32, #tpu.memory_space<vmem>> -> memref<128xi32, #tpu.memory_space<vmem>>
      %dma_start3A_450 = arith.constant 0 : i32
      %dma_start3A_451 = arith.constant 0 : i32
      %dma_start3A_452 = tpu.memref_slice %arg12[%dma_start3A_450, %dma_start3A_451] : memref<10016x48xbf16, #tpu.memory_space<vmem_shared>> -> memref<10016x48xbf16, #tpu.memory_space<vmem_shared>>
      %dma_start3A_453 = tpu.memref_slice %arg11[%dma_start3A_442] : memref<8x!tpu.dma_semaphore, #tpu.memory_space<semaphore_mem>> -> memref<1x!tpu.dma_semaphore, #tpu.memory_space<semaphore_mem>>
      %dma_start3A_454 = tpu.memref_squeeze %dma_start3A_453 : memref<1x!tpu.dma_semaphore, #tpu.memory_space<semaphore_mem>> -> memref<!tpu.dma_semaphore, #tpu.memory_space<semaphore_mem>>
      tpu.enqueue_indirect_dma source(%dma_start3A_446 : memref<128x48xbf16, #tpu.memory_space<vmem>>) target(%dma_start3A_452 : memref<10016x48xbf16, #tpu.memory_space<vmem_shared>>) offsets(%dma_start3A_449 : memref<128xi32, #tpu.memory_space<vmem>>) semaphore(%dma_start3A_454 : memref<!tpu.dma_semaphore, #tpu.memory_space<semaphore_mem>>) {add = true}
      %mul3A_455 = arith.constant 8 : i32
      %mul3A_456 = arith.muli %scan3A_144, %mul3A_455 : i32
      %add3A_457 = arith.constant 4 : i32
      %add3A_458 = arith.addi %mul3A_456, %add3A_457 : i32
      %dma_wait3A_459 = arith.constant 4 : i32
      %dma_wait3A_460 = arith.constant 4 : i32
      %dma_wait3A_461 = arith.constant 0 : i32
      %dma_wait3A_462 = arith.constant 0 : i32
      %dma_wait3A_463 = tpu.memref_slice %arg9[%dma_wait3A_459, %dma_wait3A_461, %dma_wait3A_462] : memref<8x128x48xbf16, #tpu.memory_space<vmem>> -> memref<1x128x48xbf16, #tpu.memory_space<vmem>>
      %dma_wait3A_464 = tpu.memref_squeeze %dma_wait3A_463 : memref<1x128x48xbf16, #tpu.memory_space<vmem>> -> memref<128x48xbf16, #tpu.memory_space<vmem>>
      %dma_wait3A_465 = arith.constant 0 : i32
      %dma_wait3A_466 = tpu.memref_slice %arg7[%add3A_238, %dma_wait3A_465] : memref<80x128xi32, #tpu.memory_space<vmem>> -> memref<1x128xi32, #tpu.memory_space<vmem>>
      %dma_wait3A_467 = tpu.memref_squeeze %dma_wait3A_466 : memref<1x128xi32, #tpu.memory_space<vmem>> -> memref<128xi32, #tpu.memory_space<vmem>>
      %dma_wait3A_468 = arith.constant 0 : i32
      %dma_wait3A_469 = arith.constant 0 : i32
      %dma_wait3A_470 = tpu.memref_slice %arg13[%dma_wait3A_468, %dma_wait3A_469] : memref<10000x48xbf16, #tpu.memory_space<vmem_shared>> -> memref<10000x48xbf16, #tpu.memory_space<vmem_shared>>
      %dma_wait3A_471 = tpu.memref_slice %arg10[%dma_wait3A_460] : memref<8x!tpu.dma_semaphore, #tpu.memory_space<semaphore_mem>> -> memref<1x!tpu.dma_semaphore, #tpu.memory_space<semaphore_mem>>
      %dma_wait3A_472 = tpu.memref_squeeze %dma_wait3A_471 : memref<1x!tpu.dma_semaphore, #tpu.memory_space<semaphore_mem>> -> memref<!tpu.dma_semaphore, #tpu.memory_space<semaphore_mem>>
      tpu.wait_indirect_dma semaphore(%dma_wait3A_472 : memref<!tpu.dma_semaphore, #tpu.memory_space<semaphore_mem>>) src(%dma_wait3A_470 : memref<10000x48xbf16, #tpu.memory_space<vmem_shared>>) dst(%dma_wait3A_464 : memref<128x48xbf16, #tpu.memory_space<vmem>>)
      %dma_start3A_473 = arith.constant 4 : i32
      %dma_start3A_474 = arith.constant 4 : i32
      %dma_start3A_475 = arith.constant 0 : i32
      %dma_start3A_476 = arith.constant 0 : i32
      %dma_start3A_477 = tpu.memref_slice %arg9[%dma_start3A_473, %dma_start3A_475, %dma_start3A_476] : memref<8x128x48xbf16, #tpu.memory_space<vmem>> -> memref<1x128x48xbf16, #tpu.memory_space<vmem>>
      %dma_start3A_478 = tpu.memref_squeeze %dma_start3A_477 : memref<1x128x48xbf16, #tpu.memory_space<vmem>> -> memref<128x48xbf16, #tpu.memory_space<vmem>>
      %dma_start3A_479 = arith.constant 0 : i32
      %dma_start3A_480 = tpu.memref_slice %arg8[%add3A_458, %dma_start3A_479] : memref<80x128xi32, #tpu.memory_space<vmem>> -> memref<1x128xi32, #tpu.memory_space<vmem>>
      %dma_start3A_481 = tpu.memref_squeeze %dma_start3A_480 : memref<1x128xi32, #tpu.memory_space<vmem>> -> memref<128xi32, #tpu.memory_space<vmem>>
      %dma_start3A_482 = arith.constant 0 : i32
      %dma_start3A_483 = arith.constant 0 : i32
      %dma_start3A_484 = tpu.memref_slice %arg12[%dma_start3A_482, %dma_start3A_483] : memref<10016x48xbf16, #tpu.memory_space<vmem_shared>> -> memref<10016x48xbf16, #tpu.memory_space<vmem_shared>>
      %dma_start3A_485 = tpu.memref_slice %arg11[%dma_start3A_474] : memref<8x!tpu.dma_semaphore, #tpu.memory_space<semaphore_mem>> -> memref<1x!tpu.dma_semaphore, #tpu.memory_space<semaphore_mem>>
      %dma_start3A_486 = tpu.memref_squeeze %dma_start3A_485 : memref<1x!tpu.dma_semaphore, #tpu.memory_space<semaphore_mem>> -> memref<!tpu.dma_semaphore, #tpu.memory_space<semaphore_mem>>
      tpu.enqueue_indirect_dma source(%dma_start3A_478 : memref<128x48xbf16, #tpu.memory_space<vmem>>) target(%dma_start3A_484 : memref<10016x48xbf16, #tpu.memory_space<vmem_shared>>) offsets(%dma_start3A_481 : memref<128xi32, #tpu.memory_space<vmem>>) semaphore(%dma_start3A_486 : memref<!tpu.dma_semaphore, #tpu.memory_space<semaphore_mem>>) {add = true}
      %mul3A_487 = arith.constant 8 : i32
      %mul3A_488 = arith.muli %scan3A_144, %mul3A_487 : i32
      %add3A_489 = arith.constant 5 : i32
      %add3A_490 = arith.addi %mul3A_488, %add3A_489 : i32
      %dma_wait3A_491 = arith.constant 5 : i32
      %dma_wait3A_492 = arith.constant 5 : i32
      %dma_wait3A_493 = arith.constant 0 : i32
      %dma_wait3A_494 = arith.constant 0 : i32
      %dma_wait3A_495 = tpu.memref_slice %arg9[%dma_wait3A_491, %dma_wait3A_493, %dma_wait3A_494] : memref<8x128x48xbf16, #tpu.memory_space<vmem>> -> memref<1x128x48xbf16, #tpu.memory_space<vmem>>
      %dma_wait3A_496 = tpu.memref_squeeze %dma_wait3A_495 : memref<1x128x48xbf16, #tpu.memory_space<vmem>> -> memref<128x48xbf16, #tpu.memory_space<vmem>>
      %dma_wait3A_497 = arith.constant 0 : i32
      %dma_wait3A_498 = tpu.memref_slice %arg7[%add3A_261, %dma_wait3A_497] : memref<80x128xi32, #tpu.memory_space<vmem>> -> memref<1x128xi32, #tpu.memory_space<vmem>>
      %dma_wait3A_499 = tpu.memref_squeeze %dma_wait3A_498 : memref<1x128xi32, #tpu.memory_space<vmem>> -> memref<128xi32, #tpu.memory_space<vmem>>
      %dma_wait3A_500 = arith.constant 0 : i32
      %dma_wait3A_501 = arith.constant 0 : i32
      %dma_wait3A_502 = tpu.memref_slice %arg13[%dma_wait3A_500, %dma_wait3A_501] : memref<10000x48xbf16, #tpu.memory_space<vmem_shared>> -> memref<10000x48xbf16, #tpu.memory_space<vmem_shared>>
      %dma_wait3A_503 = tpu.memref_slice %arg10[%dma_wait3A_492] : memref<8x!tpu.dma_semaphore, #tpu.memory_space<semaphore_mem>> -> memref<1x!tpu.dma_semaphore, #tpu.memory_space<semaphore_mem>>
      %dma_wait3A_504 = tpu.memref_squeeze %dma_wait3A_503 : memref<1x!tpu.dma_semaphore, #tpu.memory_space<semaphore_mem>> -> memref<!tpu.dma_semaphore, #tpu.memory_space<semaphore_mem>>
      tpu.wait_indirect_dma semaphore(%dma_wait3A_504 : memref<!tpu.dma_semaphore, #tpu.memory_space<semaphore_mem>>) src(%dma_wait3A_502 : memref<10000x48xbf16, #tpu.memory_space<vmem_shared>>) dst(%dma_wait3A_496 : memref<128x48xbf16, #tpu.memory_space<vmem>>)
      %dma_start3A_505 = arith.constant 5 : i32
      %dma_start3A_506 = arith.constant 5 : i32
      %dma_start3A_507 = arith.constant 0 : i32
      %dma_start3A_508 = arith.constant 0 : i32
      %dma_start3A_509 = tpu.memref_slice %arg9[%dma_start3A_505, %dma_start3A_507, %dma_start3A_508] : memref<8x128x48xbf16, #tpu.memory_space<vmem>> -> memref<1x128x48xbf16, #tpu.memory_space<vmem>>
      %dma_start3A_510 = tpu.memref_squeeze %dma_start3A_509 : memref<1x128x48xbf16, #tpu.memory_space<vmem>> -> memref<128x48xbf16, #tpu.memory_space<vmem>>
      %dma_start3A_511 = arith.constant 0 : i32
      %dma_start3A_512 = tpu.memref_slice %arg8[%add3A_490, %dma_start3A_511] : memref<80x128xi32, #tpu.memory_space<vmem>> -> memref<1x128xi32, #tpu.memory_space<vmem>>
      %dma_start3A_513 = tpu.memref_squeeze %dma_start3A_512 : memref<1x128xi32, #tpu.memory_space<vmem>> -> memref<128xi32, #tpu.memory_space<vmem>>
      %dma_start3A_514 = arith.constant 0 : i32
      %dma_start3A_515 = arith.constant 0 : i32
      %dma_start3A_516 = tpu.memref_slice %arg12[%dma_start3A_514, %dma_start3A_515] : memref<10016x48xbf16, #tpu.memory_space<vmem_shared>> -> memref<10016x48xbf16, #tpu.memory_space<vmem_shared>>
      %dma_start3A_517 = tpu.memref_slice %arg11[%dma_start3A_506] : memref<8x!tpu.dma_semaphore, #tpu.memory_space<semaphore_mem>> -> memref<1x!tpu.dma_semaphore, #tpu.memory_space<semaphore_mem>>
      %dma_start3A_518 = tpu.memref_squeeze %dma_start3A_517 : memref<1x!tpu.dma_semaphore, #tpu.memory_space<semaphore_mem>> -> memref<!tpu.dma_semaphore, #tpu.memory_space<semaphore_mem>>
      tpu.enqueue_indirect_dma source(%dma_start3A_510 : memref<128x48xbf16, #tpu.memory_space<vmem>>) target(%dma_start3A_516 : memref<10016x48xbf16, #tpu.memory_space<vmem_shared>>) offsets(%dma_start3A_513 : memref<128xi32, #tpu.memory_space<vmem>>) semaphore(%dma_start3A_518 : memref<!tpu.dma_semaphore, #tpu.memory_space<semaphore_mem>>) {add = true}
      %mul3A_519 = arith.constant 8 : i32
      %mul3A_520 = arith.muli %scan3A_144, %mul3A_519 : i32
      %add3A_521 = arith.constant 6 : i32
      %add3A_522 = arith.addi %mul3A_520, %add3A_521 : i32
      %dma_wait3A_523 = arith.constant 6 : i32
      %dma_wait3A_524 = arith.constant 6 : i32
      %dma_wait3A_525 = arith.constant 0 : i32
      %dma_wait3A_526 = arith.constant 0 : i32
      %dma_wait3A_527 = tpu.memref_slice %arg9[%dma_wait3A_523, %dma_wait3A_525, %dma_wait3A_526] : memref<8x128x48xbf16, #tpu.memory_space<vmem>> -> memref<1x128x48xbf16, #tpu.memory_space<vmem>>
      %dma_wait3A_528 = tpu.memref_squeeze %dma_wait3A_527 : memref<1x128x48xbf16, #tpu.memory_space<vmem>> -> memref<128x48xbf16, #tpu.memory_space<vmem>>
      %dma_wait3A_529 = arith.constant 0 : i32
      %dma_wait3A_530 = tpu.memref_slice %arg7[%add3A_284, %dma_wait3A_529] : memref<80x128xi32, #tpu.memory_space<vmem>> -> memref<1x128xi32, #tpu.memory_space<vmem>>
      %dma_wait3A_531 = tpu.memref_squeeze %dma_wait3A_530 : memref<1x128xi32, #tpu.memory_space<vmem>> -> memref<128xi32, #tpu.memory_space<vmem>>
      %dma_wait3A_532 = arith.constant 0 : i32
      %dma_wait3A_533 = arith.constant 0 : i32
      %dma_wait3A_534 = tpu.memref_slice %arg13[%dma_wait3A_532, %dma_wait3A_533] : memref<10000x48xbf16, #tpu.memory_space<vmem_shared>> -> memref<10000x48xbf16, #tpu.memory_space<vmem_shared>>
      %dma_wait3A_535 = tpu.memref_slice %arg10[%dma_wait3A_524] : memref<8x!tpu.dma_semaphore, #tpu.memory_space<semaphore_mem>> -> memref<1x!tpu.dma_semaphore, #tpu.memory_space<semaphore_mem>>
      %dma_wait3A_536 = tpu.memref_squeeze %dma_wait3A_535 : memref<1x!tpu.dma_semaphore, #tpu.memory_space<semaphore_mem>> -> memref<!tpu.dma_semaphore, #tpu.memory_space<semaphore_mem>>
      tpu.wait_indirect_dma semaphore(%dma_wait3A_536 : memref<!tpu.dma_semaphore, #tpu.memory_space<semaphore_mem>>) src(%dma_wait3A_534 : memref<10000x48xbf16, #tpu.memory_space<vmem_shared>>) dst(%dma_wait3A_528 : memref<128x48xbf16, #tpu.memory_space<vmem>>)
      %dma_start3A_537 = arith.constant 6 : i32
      %dma_start3A_538 = arith.constant 6 : i32
      %dma_start3A_539 = arith.constant 0 : i32
      %dma_start3A_540 = arith.constant 0 : i32
      %dma_start3A_541 = tpu.memref_slice %arg9[%dma_start3A_537, %dma_start3A_539, %dma_start3A_540] : memref<8x128x48xbf16, #tpu.memory_space<vmem>> -> memref<1x128x48xbf16, #tpu.memory_space<vmem>>
      %dma_start3A_542 = tpu.memref_squeeze %dma_start3A_541 : memref<1x128x48xbf16, #tpu.memory_space<vmem>> -> memref<128x48xbf16, #tpu.memory_space<vmem>>
      %dma_start3A_543 = arith.constant 0 : i32
      %dma_start3A_544 = tpu.memref_slice %arg8[%add3A_522, %dma_start3A_543] : memref<80x128xi32, #tpu.memory_space<vmem>> -> memref<1x128xi32, #tpu.memory_space<vmem>>
      %dma_start3A_545 = tpu.memref_squeeze %dma_start3A_544 : memref<1x128xi32, #tpu.memory_space<vmem>> -> memref<128xi32, #tpu.memory_space<vmem>>
      %dma_start3A_546 = arith.constant 0 : i32
      %dma_start3A_547 = arith.constant 0 : i32
      %dma_start3A_548 = tpu.memref_slice %arg12[%dma_start3A_546, %dma_start3A_547] : memref<10016x48xbf16, #tpu.memory_space<vmem_shared>> -> memref<10016x48xbf16, #tpu.memory_space<vmem_shared>>
      %dma_start3A_549 = tpu.memref_slice %arg11[%dma_start3A_538] : memref<8x!tpu.dma_semaphore, #tpu.memory_space<semaphore_mem>> -> memref<1x!tpu.dma_semaphore, #tpu.memory_space<semaphore_mem>>
      %dma_start3A_550 = tpu.memref_squeeze %dma_start3A_549 : memref<1x!tpu.dma_semaphore, #tpu.memory_space<semaphore_mem>> -> memref<!tpu.dma_semaphore, #tpu.memory_space<semaphore_mem>>
      tpu.enqueue_indirect_dma source(%dma_start3A_542 : memref<128x48xbf16, #tpu.memory_space<vmem>>) target(%dma_start3A_548 : memref<10016x48xbf16, #tpu.memory_space<vmem_shared>>) offsets(%dma_start3A_545 : memref<128xi32, #tpu.memory_space<vmem>>) semaphore(%dma_start3A_550 : memref<!tpu.dma_semaphore, #tpu.memory_space<semaphore_mem>>) {add = true}
      %mul3A_551 = arith.constant 8 : i32
      %mul3A_552 = arith.muli %scan3A_144, %mul3A_551 : i32
      %add3A_553 = arith.constant 7 : i32
      %add3A_554 = arith.addi %mul3A_552, %add3A_553 : i32
      %dma_wait3A_555 = arith.constant 7 : i32
      %dma_wait3A_556 = arith.constant 7 : i32
      %dma_wait3A_557 = arith.constant 0 : i32
      %dma_wait3A_558 = arith.constant 0 : i32
      %dma_wait3A_559 = tpu.memref_slice %arg9[%dma_wait3A_555, %dma_wait3A_557, %dma_wait3A_558] : memref<8x128x48xbf16, #tpu.memory_space<vmem>> -> memref<1x128x48xbf16, #tpu.memory_space<vmem>>
      %dma_wait3A_560 = tpu.memref_squeeze %dma_wait3A_559 : memref<1x128x48xbf16, #tpu.memory_space<vmem>> -> memref<128x48xbf16, #tpu.memory_space<vmem>>
      %dma_wait3A_561 = arith.constant 0 : i32
      %dma_wait3A_562 = tpu.memref_slice %arg7[%add3A_307, %dma_wait3A_561] : memref<80x128xi32, #tpu.memory_space<vmem>> -> memref<1x128xi32, #tpu.memory_space<vmem>>
      %dma_wait3A_563 = tpu.memref_squeeze %dma_wait3A_562 : memref<1x128xi32, #tpu.memory_space<vmem>> -> memref<128xi32, #tpu.memory_space<vmem>>
      %dma_wait3A_564 = arith.constant 0 : i32
      %dma_wait3A_565 = arith.constant 0 : i32
      %dma_wait3A_566 = tpu.memref_slice %arg13[%dma_wait3A_564, %dma_wait3A_565] : memref<10000x48xbf16, #tpu.memory_space<vmem_shared>> -> memref<10000x48xbf16, #tpu.memory_space<vmem_shared>>
      %dma_wait3A_567 = tpu.memref_slice %arg10[%dma_wait3A_556] : memref<8x!tpu.dma_semaphore, #tpu.memory_space<semaphore_mem>> -> memref<1x!tpu.dma_semaphore, #tpu.memory_space<semaphore_mem>>
      %dma_wait3A_568 = tpu.memref_squeeze %dma_wait3A_567 : memref<1x!tpu.dma_semaphore, #tpu.memory_space<semaphore_mem>> -> memref<!tpu.dma_semaphore, #tpu.memory_space<semaphore_mem>>
      tpu.wait_indirect_dma semaphore(%dma_wait3A_568 : memref<!tpu.dma_semaphore, #tpu.memory_space<semaphore_mem>>) src(%dma_wait3A_566 : memref<10000x48xbf16, #tpu.memory_space<vmem_shared>>) dst(%dma_wait3A_560 : memref<128x48xbf16, #tpu.memory_space<vmem>>)
      %dma_start3A_569 = arith.constant 7 : i32
      %dma_start3A_570 = arith.constant 7 : i32
      %dma_start3A_571 = arith.constant 0 : i32
      %dma_start3A_572 = arith.constant 0 : i32
      %dma_start3A_573 = tpu.memref_slice %arg9[%dma_start3A_569, %dma_start3A_571, %dma_start3A_572] : memref<8x128x48xbf16, #tpu.memory_space<vmem>> -> memref<1x128x48xbf16, #tpu.memory_space<vmem>>
      %dma_start3A_574 = tpu.memref_squeeze %dma_start3A_573 : memref<1x128x48xbf16, #tpu.memory_space<vmem>> -> memref<128x48xbf16, #tpu.memory_space<vmem>>
      %dma_start3A_575 = arith.constant 0 : i32
      %dma_start3A_576 = tpu.memref_slice %arg8[%add3A_554, %dma_start3A_575] : memref<80x128xi32, #tpu.memory_space<vmem>> -> memref<1x128xi32, #tpu.memory_space<vmem>>
      %dma_start3A_577 = tpu.memref_squeeze %dma_start3A_576 : memref<1x128xi32, #tpu.memory_space<vmem>> -> memref<128xi32, #tpu.memory_space<vmem>>
      %dma_start3A_578 = arith.constant 0 : i32
      %dma_start3A_579 = arith.constant 0 : i32
      %dma_start3A_580 = tpu.memref_slice %arg12[%dma_start3A_578, %dma_start3A_579] : memref<10016x48xbf16, #tpu.memory_space<vmem_shared>> -> memref<10016x48xbf16, #tpu.memory_space<vmem_shared>>
      %dma_start3A_581 = tpu.memref_slice %arg11[%dma_start3A_570] : memref<8x!tpu.dma_semaphore, #tpu.memory_space<semaphore_mem>> -> memref<1x!tpu.dma_semaphore, #tpu.memory_space<semaphore_mem>>
      %dma_start3A_582 = tpu.memref_squeeze %dma_start3A_581 : memref<1x!tpu.dma_semaphore, #tpu.memory_space<semaphore_mem>> -> memref<!tpu.dma_semaphore, #tpu.memory_space<semaphore_mem>>
      tpu.enqueue_indirect_dma source(%dma_start3A_574 : memref<128x48xbf16, #tpu.memory_space<vmem>>) target(%dma_start3A_580 : memref<10016x48xbf16, #tpu.memory_space<vmem_shared>>) offsets(%dma_start3A_577 : memref<128xi32, #tpu.memory_space<vmem>>) semaphore(%dma_start3A_582 : memref<!tpu.dma_semaphore, #tpu.memory_space<semaphore_mem>>) {add = true}
    }
    %scan3A_16 = arith.constant 10 : i32
    %dma_wait3A = arith.constant 0 : i32
    %dma_wait3A_17 = arith.constant 0 : i32
    %dma_wait3A_18 = arith.constant 0 : i32
    %dma_wait3A_19 = arith.constant 0 : i32
    %dma_wait3A_20 = arith.constant 0 : i32
    %dma_wait3A_21 = tpu.memref_slice %arg9[%dma_wait3A, %dma_wait3A_19, %dma_wait3A_20] : memref<8x128x48xbf16, #tpu.memory_space<vmem>> -> memref<1x128x48xbf16, #tpu.memory_space<vmem>>
    %dma_wait3A_22 = tpu.memref_squeeze %dma_wait3A_21 : memref<1x128x48xbf16, #tpu.memory_space<vmem>> -> memref<128x48xbf16, #tpu.memory_space<vmem>>
    %dma_wait3A_23 = arith.constant 0 : i32
    %dma_wait3A_24 = tpu.memref_slice %arg8[%dma_wait3A_17, %dma_wait3A_23] : memref<80x128xi32, #tpu.memory_space<vmem>> -> memref<1x128xi32, #tpu.memory_space<vmem>>
    %dma_wait3A_25 = tpu.memref_squeeze %dma_wait3A_24 : memref<1x128xi32, #tpu.memory_space<vmem>> -> memref<128xi32, #tpu.memory_space<vmem>>
    %dma_wait3A_26 = arith.constant 0 : i32
    %dma_wait3A_27 = arith.constant 0 : i32
    %dma_wait3A_28 = tpu.memref_slice %arg12[%dma_wait3A_26, %dma_wait3A_27] : memref<10016x48xbf16, #tpu.memory_space<vmem_shared>> -> memref<10016x48xbf16, #tpu.memory_space<vmem_shared>>
    %dma_wait3A_29 = tpu.memref_slice %arg11[%dma_wait3A_18] : memref<8x!tpu.dma_semaphore, #tpu.memory_space<semaphore_mem>> -> memref<1x!tpu.dma_semaphore, #tpu.memory_space<semaphore_mem>>
    %dma_wait3A_30 = tpu.memref_squeeze %dma_wait3A_29 : memref<1x!tpu.dma_semaphore, #tpu.memory_space<semaphore_mem>> -> memref<!tpu.dma_semaphore, #tpu.memory_space<semaphore_mem>>
    tpu.wait_indirect_dma semaphore(%dma_wait3A_30 : memref<!tpu.dma_semaphore, #tpu.memory_space<semaphore_mem>>) src(%dma_wait3A_22 : memref<128x48xbf16, #tpu.memory_space<vmem>>) dst(%dma_wait3A_28 : memref<10016x48xbf16, #tpu.memory_space<vmem_shared>>)
    %dma_wait3A_31 = arith.constant 1 : i32
    %dma_wait3A_32 = arith.constant 0 : i32
    %dma_wait3A_33 = arith.constant 1 : i32
    %dma_wait3A_34 = arith.constant 0 : i32
    %dma_wait3A_35 = arith.constant 0 : i32
    %dma_wait3A_36 = tpu.memref_slice %arg9[%dma_wait3A_31, %dma_wait3A_34, %dma_wait3A_35] : memref<8x128x48xbf16, #tpu.memory_space<vmem>> -> memref<1x128x48xbf16, #tpu.memory_space<vmem>>
    %dma_wait3A_37 = tpu.memref_squeeze %dma_wait3A_36 : memref<1x128x48xbf16, #tpu.memory_space<vmem>> -> memref<128x48xbf16, #tpu.memory_space<vmem>>
    %dma_wait3A_38 = arith.constant 0 : i32
    %dma_wait3A_39 = tpu.memref_slice %arg8[%dma_wait3A_32, %dma_wait3A_38] : memref<80x128xi32, #tpu.memory_space<vmem>> -> memref<1x128xi32, #tpu.memory_space<vmem>>
    %dma_wait3A_40 = tpu.memref_squeeze %dma_wait3A_39 : memref<1x128xi32, #tpu.memory_space<vmem>> -> memref<128xi32, #tpu.memory_space<vmem>>
    %dma_wait3A_41 = arith.constant 0 : i32
    %dma_wait3A_42 = arith.constant 0 : i32
    %dma_wait3A_43 = tpu.memref_slice %arg12[%dma_wait3A_41, %dma_wait3A_42] : memref<10016x48xbf16, #tpu.memory_space<vmem_shared>> -> memref<10016x48xbf16, #tpu.memory_space<vmem_shared>>
    %dma_wait3A_44 = tpu.memref_slice %arg11[%dma_wait3A_33] : memref<8x!tpu.dma_semaphore, #tpu.memory_space<semaphore_mem>> -> memref<1x!tpu.dma_semaphore, #tpu.memory_space<semaphore_mem>>
    %dma_wait3A_45 = tpu.memref_squeeze %dma_wait3A_44 : memref<1x!tpu.dma_semaphore, #tpu.memory_space<semaphore_mem>> -> memref<!tpu.dma_semaphore, #tpu.memory_space<semaphore_mem>>
    tpu.wait_indirect_dma semaphore(%dma_wait3A_45 : memref<!tpu.dma_semaphore, #tpu.memory_space<semaphore_mem>>) src(%dma_wait3A_37 : memref<128x48xbf16, #tpu.memory_space<vmem>>) dst(%dma_wait3A_43 : memref<10016x48xbf16, #tpu.memory_space<vmem_shared>>)
    %dma_wait3A_46 = arith.constant 2 : i32
    %dma_wait3A_47 = arith.constant 0 : i32
    %dma_wait3A_48 = arith.constant 2 : i32
    %dma_wait3A_49 = arith.constant 0 : i32
    %dma_wait3A_50 = arith.constant 0 : i32
    %dma_wait3A_51 = tpu.memref_slice %arg9[%dma_wait3A_46, %dma_wait3A_49, %dma_wait3A_50] : memref<8x128x48xbf16, #tpu.memory_space<vmem>> -> memref<1x128x48xbf16, #tpu.memory_space<vmem>>
    %dma_wait3A_52 = tpu.memref_squeeze %dma_wait3A_51 : memref<1x128x48xbf16, #tpu.memory_space<vmem>> -> memref<128x48xbf16, #tpu.memory_space<vmem>>
    %dma_wait3A_53 = arith.constant 0 : i32
    %dma_wait3A_54 = tpu.memref_slice %arg8[%dma_wait3A_47, %dma_wait3A_53] : memref<80x128xi32, #tpu.memory_space<vmem>> -> memref<1x128xi32, #tpu.memory_space<vmem>>
    %dma_wait3A_55 = tpu.memref_squeeze %dma_wait3A_54 : memref<1x128xi32, #tpu.memory_space<vmem>> -> memref<128xi32, #tpu.memory_space<vmem>>
    %dma_wait3A_56 = arith.constant 0 : i32
    %dma_wait3A_57 = arith.constant 0 : i32
    %dma_wait3A_58 = tpu.memref_slice %arg12[%dma_wait3A_56, %dma_wait3A_57] : memref<10016x48xbf16, #tpu.memory_space<vmem_shared>> -> memref<10016x48xbf16, #tpu.memory_space<vmem_shared>>
    %dma_wait3A_59 = tpu.memref_slice %arg11[%dma_wait3A_48] : memref<8x!tpu.dma_semaphore, #tpu.memory_space<semaphore_mem>> -> memref<1x!tpu.dma_semaphore, #tpu.memory_space<semaphore_mem>>
    %dma_wait3A_60 = tpu.memref_squeeze %dma_wait3A_59 : memref<1x!tpu.dma_semaphore, #tpu.memory_space<semaphore_mem>> -> memref<!tpu.dma_semaphore, #tpu.memory_space<semaphore_mem>>
    tpu.wait_indirect_dma semaphore(%dma_wait3A_60 : memref<!tpu.dma_semaphore, #tpu.memory_space<semaphore_mem>>) src(%dma_wait3A_52 : memref<128x48xbf16, #tpu.memory_space<vmem>>) dst(%dma_wait3A_58 : memref<10016x48xbf16, #tpu.memory_space<vmem_shared>>)
    %dma_wait3A_61 = arith.constant 3 : i32
    %dma_wait3A_62 = arith.constant 0 : i32
    %dma_wait3A_63 = arith.constant 3 : i32
    %dma_wait3A_64 = arith.constant 0 : i32
    %dma_wait3A_65 = arith.constant 0 : i32
    %dma_wait3A_66 = tpu.memref_slice %arg9[%dma_wait3A_61, %dma_wait3A_64, %dma_wait3A_65] : memref<8x128x48xbf16, #tpu.memory_space<vmem>> -> memref<1x128x48xbf16, #tpu.memory_space<vmem>>
    %dma_wait3A_67 = tpu.memref_squeeze %dma_wait3A_66 : memref<1x128x48xbf16, #tpu.memory_space<vmem>> -> memref<128x48xbf16, #tpu.memory_space<vmem>>
    %dma_wait3A_68 = arith.constant 0 : i32
    %dma_wait3A_69 = tpu.memref_slice %arg8[%dma_wait3A_62, %dma_wait3A_68] : memref<80x128xi32, #tpu.memory_space<vmem>> -> memref<1x128xi32, #tpu.memory_space<vmem>>
    %dma_wait3A_70 = tpu.memref_squeeze %dma_wait3A_69 : memref<1x128xi32, #tpu.memory_space<vmem>> -> memref<128xi32, #tpu.memory_space<vmem>>
    %dma_wait3A_71 = arith.constant 0 : i32
    %dma_wait3A_72 = arith.constant 0 : i32
    %dma_wait3A_73 = tpu.memref_slice %arg12[%dma_wait3A_71, %dma_wait3A_72] : memref<10016x48xbf16, #tpu.memory_space<vmem_shared>> -> memref<10016x48xbf16, #tpu.memory_space<vmem_shared>>
    %dma_wait3A_74 = tpu.memref_slice %arg11[%dma_wait3A_63] : memref<8x!tpu.dma_semaphore, #tpu.memory_space<semaphore_mem>> -> memref<1x!tpu.dma_semaphore, #tpu.memory_space<semaphore_mem>>
    %dma_wait3A_75 = tpu.memref_squeeze %dma_wait3A_74 : memref<1x!tpu.dma_semaphore, #tpu.memory_space<semaphore_mem>> -> memref<!tpu.dma_semaphore, #tpu.memory_space<semaphore_mem>>
    tpu.wait_indirect_dma semaphore(%dma_wait3A_75 : memref<!tpu.dma_semaphore, #tpu.memory_space<semaphore_mem>>) src(%dma_wait3A_67 : memref<128x48xbf16, #tpu.memory_space<vmem>>) dst(%dma_wait3A_73 : memref<10016x48xbf16, #tpu.memory_space<vmem_shared>>)
    %dma_wait3A_76 = arith.constant 4 : i32
    %dma_wait3A_77 = arith.constant 0 : i32
    %dma_wait3A_78 = arith.constant 4 : i32
    %dma_wait3A_79 = arith.constant 0 : i32
    %dma_wait3A_80 = arith.constant 0 : i32
    %dma_wait3A_81 = tpu.memref_slice %arg9[%dma_wait3A_76, %dma_wait3A_79, %dma_wait3A_80] : memref<8x128x48xbf16, #tpu.memory_space<vmem>> -> memref<1x128x48xbf16, #tpu.memory_space<vmem>>
    %dma_wait3A_82 = tpu.memref_squeeze %dma_wait3A_81 : memref<1x128x48xbf16, #tpu.memory_space<vmem>> -> memref<128x48xbf16, #tpu.memory_space<vmem>>
    %dma_wait3A_83 = arith.constant 0 : i32
    %dma_wait3A_84 = tpu.memref_slice %arg8[%dma_wait3A_77, %dma_wait3A_83] : memref<80x128xi32, #tpu.memory_space<vmem>> -> memref<1x128xi32, #tpu.memory_space<vmem>>
    %dma_wait3A_85 = tpu.memref_squeeze %dma_wait3A_84 : memref<1x128xi32, #tpu.memory_space<vmem>> -> memref<128xi32, #tpu.memory_space<vmem>>
    %dma_wait3A_86 = arith.constant 0 : i32
    %dma_wait3A_87 = arith.constant 0 : i32
    %dma_wait3A_88 = tpu.memref_slice %arg12[%dma_wait3A_86, %dma_wait3A_87] : memref<10016x48xbf16, #tpu.memory_space<vmem_shared>> -> memref<10016x48xbf16, #tpu.memory_space<vmem_shared>>
    %dma_wait3A_89 = tpu.memref_slice %arg11[%dma_wait3A_78] : memref<8x!tpu.dma_semaphore, #tpu.memory_space<semaphore_mem>> -> memref<1x!tpu.dma_semaphore, #tpu.memory_space<semaphore_mem>>
    %dma_wait3A_90 = tpu.memref_squeeze %dma_wait3A_89 : memref<1x!tpu.dma_semaphore, #tpu.memory_space<semaphore_mem>> -> memref<!tpu.dma_semaphore, #tpu.memory_space<semaphore_mem>>
    tpu.wait_indirect_dma semaphore(%dma_wait3A_90 : memref<!tpu.dma_semaphore, #tpu.memory_space<semaphore_mem>>) src(%dma_wait3A_82 : memref<128x48xbf16, #tpu.memory_space<vmem>>) dst(%dma_wait3A_88 : memref<10016x48xbf16, #tpu.memory_space<vmem_shared>>)
    %dma_wait3A_91 = arith.constant 5 : i32
    %dma_wait3A_92 = arith.constant 0 : i32
    %dma_wait3A_93 = arith.constant 5 : i32
    %dma_wait3A_94 = arith.constant 0 : i32
    %dma_wait3A_95 = arith.constant 0 : i32
    %dma_wait3A_96 = tpu.memref_slice %arg9[%dma_wait3A_91, %dma_wait3A_94, %dma_wait3A_95] : memref<8x128x48xbf16, #tpu.memory_space<vmem>> -> memref<1x128x48xbf16, #tpu.memory_space<vmem>>
    %dma_wait3A_97 = tpu.memref_squeeze %dma_wait3A_96 : memref<1x128x48xbf16, #tpu.memory_space<vmem>> -> memref<128x48xbf16, #tpu.memory_space<vmem>>
    %dma_wait3A_98 = arith.constant 0 : i32
    %dma_wait3A_99 = tpu.memref_slice %arg8[%dma_wait3A_92, %dma_wait3A_98] : memref<80x128xi32, #tpu.memory_space<vmem>> -> memref<1x128xi32, #tpu.memory_space<vmem>>
    %dma_wait3A_100 = tpu.memref_squeeze %dma_wait3A_99 : memref<1x128xi32, #tpu.memory_space<vmem>> -> memref<128xi32, #tpu.memory_space<vmem>>
    %dma_wait3A_101 = arith.constant 0 : i32
    %dma_wait3A_102 = arith.constant 0 : i32
    %dma_wait3A_103 = tpu.memref_slice %arg12[%dma_wait3A_101, %dma_wait3A_102] : memref<10016x48xbf16, #tpu.memory_space<vmem_shared>> -> memref<10016x48xbf16, #tpu.memory_space<vmem_shared>>
    %dma_wait3A_104 = tpu.memref_slice %arg11[%dma_wait3A_93] : memref<8x!tpu.dma_semaphore, #tpu.memory_space<semaphore_mem>> -> memref<1x!tpu.dma_semaphore, #tpu.memory_space<semaphore_mem>>
    %dma_wait3A_105 = tpu.memref_squeeze %dma_wait3A_104 : memref<1x!tpu.dma_semaphore, #tpu.memory_space<semaphore_mem>> -> memref<!tpu.dma_semaphore, #tpu.memory_space<semaphore_mem>>
    tpu.wait_indirect_dma semaphore(%dma_wait3A_105 : memref<!tpu.dma_semaphore, #tpu.memory_space<semaphore_mem>>) src(%dma_wait3A_97 : memref<128x48xbf16, #tpu.memory_space<vmem>>) dst(%dma_wait3A_103 : memref<10016x48xbf16, #tpu.memory_space<vmem_shared>>)
    %dma_wait3A_106 = arith.constant 6 : i32
    %dma_wait3A_107 = arith.constant 0 : i32
    %dma_wait3A_108 = arith.constant 6 : i32
    %dma_wait3A_109 = arith.constant 0 : i32
    %dma_wait3A_110 = arith.constant 0 : i32
    %dma_wait3A_111 = tpu.memref_slice %arg9[%dma_wait3A_106, %dma_wait3A_109, %dma_wait3A_110] : memref<8x128x48xbf16, #tpu.memory_space<vmem>> -> memref<1x128x48xbf16, #tpu.memory_space<vmem>>
    %dma_wait3A_112 = tpu.memref_squeeze %dma_wait3A_111 : memref<1x128x48xbf16, #tpu.memory_space<vmem>> -> memref<128x48xbf16, #tpu.memory_space<vmem>>
    %dma_wait3A_113 = arith.constant 0 : i32
    %dma_wait3A_114 = tpu.memref_slice %arg8[%dma_wait3A_107, %dma_wait3A_113] : memref<80x128xi32, #tpu.memory_space<vmem>> -> memref<1x128xi32, #tpu.memory_space<vmem>>
    %dma_wait3A_115 = tpu.memref_squeeze %dma_wait3A_114 : memref<1x128xi32, #tpu.memory_space<vmem>> -> memref<128xi32, #tpu.memory_space<vmem>>
    %dma_wait3A_116 = arith.constant 0 : i32
    %dma_wait3A_117 = arith.constant 0 : i32
    %dma_wait3A_118 = tpu.memref_slice %arg12[%dma_wait3A_116, %dma_wait3A_117] : memref<10016x48xbf16, #tpu.memory_space<vmem_shared>> -> memref<10016x48xbf16, #tpu.memory_space<vmem_shared>>
    %dma_wait3A_119 = tpu.memref_slice %arg11[%dma_wait3A_108] : memref<8x!tpu.dma_semaphore, #tpu.memory_space<semaphore_mem>> -> memref<1x!tpu.dma_semaphore, #tpu.memory_space<semaphore_mem>>
    %dma_wait3A_120 = tpu.memref_squeeze %dma_wait3A_119 : memref<1x!tpu.dma_semaphore, #tpu.memory_space<semaphore_mem>> -> memref<!tpu.dma_semaphore, #tpu.memory_space<semaphore_mem>>
    tpu.wait_indirect_dma semaphore(%dma_wait3A_120 : memref<!tpu.dma_semaphore, #tpu.memory_space<semaphore_mem>>) src(%dma_wait3A_112 : memref<128x48xbf16, #tpu.memory_space<vmem>>) dst(%dma_wait3A_118 : memref<10016x48xbf16, #tpu.memory_space<vmem_shared>>)
    %dma_wait3A_121 = arith.constant 7 : i32
    %dma_wait3A_122 = arith.constant 0 : i32
    %dma_wait3A_123 = arith.constant 7 : i32
    %dma_wait3A_124 = arith.constant 0 : i32
    %dma_wait3A_125 = arith.constant 0 : i32
    %dma_wait3A_126 = tpu.memref_slice %arg9[%dma_wait3A_121, %dma_wait3A_124, %dma_wait3A_125] : memref<8x128x48xbf16, #tpu.memory_space<vmem>> -> memref<1x128x48xbf16, #tpu.memory_space<vmem>>
    %dma_wait3A_127 = tpu.memref_squeeze %dma_wait3A_126 : memref<1x128x48xbf16, #tpu.memory_space<vmem>> -> memref<128x48xbf16, #tpu.memory_space<vmem>>
    %dma_wait3A_128 = arith.constant 0 : i32
    %dma_wait3A_129 = tpu.memref_slice %arg8[%dma_wait3A_122, %dma_wait3A_128] : memref<80x128xi32, #tpu.memory_space<vmem>> -> memref<1x128xi32, #tpu.memory_space<vmem>>
    %dma_wait3A_130 = tpu.memref_squeeze %dma_wait3A_129 : memref<1x128xi32, #tpu.memory_space<vmem>> -> memref<128xi32, #tpu.memory_space<vmem>>
    %dma_wait3A_131 = arith.constant 0 : i32
    %dma_wait3A_132 = arith.constant 0 : i32
    %dma_wait3A_133 = tpu.memref_slice %arg12[%dma_wait3A_131, %dma_wait3A_132] : memref<10016x48xbf16, #tpu.memory_space<vmem_shared>> -> memref<10016x48xbf16, #tpu.memory_space<vmem_shared>>
    %dma_wait3A_134 = tpu.memref_slice %arg11[%dma_wait3A_123] : memref<8x!tpu.dma_semaphore, #tpu.memory_space<semaphore_mem>> -> memref<1x!tpu.dma_semaphore, #tpu.memory_space<semaphore_mem>>
    %dma_wait3A_135 = tpu.memref_squeeze %dma_wait3A_134 : memref<1x!tpu.dma_semaphore, #tpu.memory_space<semaphore_mem>> -> memref<!tpu.dma_semaphore, #tpu.memory_space<semaphore_mem>>
    tpu.wait_indirect_dma semaphore(%dma_wait3A_135 : memref<!tpu.dma_semaphore, #tpu.memory_space<semaphore_mem>>) src(%dma_wait3A_127 : memref<128x48xbf16, #tpu.memory_space<vmem>>) dst(%dma_wait3A_133 : memref<10016x48xbf16, #tpu.memory_space<vmem_shared>>)
    %barrier3A_136 = arith.constant 0 : index
    tpu.barrier barrier_id(%barrier3A_136)
    %mul3A_137 = arith.constant 624 : i32
    %mul3A_138 = arith.muli %arg1, %mul3A_137 : i32
    "tpu.region"() ({
      %run_scoped3A = tpu.sem_alloc : memref<!tpu.dma_semaphore, #tpu.memory_space<semaphore_mem>>
      %dma_start3A = arith.constant 0 : i32
      %dma_start3A_144 = tpu.memref_slice %arg6[%arg0, %mul3A_138, %dma_start3A] : memref<2x10000x48xbf16, #tpu.memory_space<hbm>> -> memref<1x624x48xbf16, #tpu.memory_space<hbm>>
      %dma_start3A_145 = tpu.memref_squeeze %dma_start3A_144 : memref<1x624x48xbf16, #tpu.memory_space<hbm>> -> memref<624x48xbf16, #tpu.memory_space<hbm>>
      %dma_start3A_146 = arith.constant 0 : i32
      %dma_start3A_147 = tpu.memref_slice %arg12[%mul3A_138, %dma_start3A_146] : memref<10016x48xbf16, #tpu.memory_space<vmem_shared>> -> memref<624x48xbf16, #tpu.memory_space<vmem_shared>>
      tpu.enqueue_dma source(%dma_start3A_147 : memref<624x48xbf16, #tpu.memory_space<vmem_shared>>) target(%dma_start3A_145 : memref<624x48xbf16, #tpu.memory_space<hbm>>) target_semaphore(%run_scoped3A : memref<!tpu.dma_semaphore, #tpu.memory_space<semaphore_mem>>)
      %dma_wait3A_148 = arith.constant 0 : i32
      %dma_wait3A_149 = tpu.memref_slice %arg6[%arg0, %mul3A_138, %dma_wait3A_148] : memref<2x10000x48xbf16, #tpu.memory_space<hbm>> -> memref<1x624x48xbf16, #tpu.memory_space<hbm>>
      %dma_wait3A_150 = tpu.memref_squeeze %dma_wait3A_149 : memref<1x624x48xbf16, #tpu.memory_space<hbm>> -> memref<624x48xbf16, #tpu.memory_space<hbm>>
      %dma_wait3A_151 = arith.constant 0 : i32
      %dma_wait3A_152 = tpu.memref_slice %arg12[%mul3A_138, %dma_wait3A_151] : memref<10016x48xbf16, #tpu.memory_space<vmem_shared>> -> memref<624x48xbf16, #tpu.memory_space<vmem_shared>>
      tpu.wait_dma2 semaphore(%run_scoped3A : memref<!tpu.dma_semaphore, #tpu.memory_space<semaphore_mem>>) src(%dma_wait3A_152 : memref<624x48xbf16, #tpu.memory_space<vmem_shared>>) dst(%dma_wait3A_150 : memref<624x48xbf16, #tpu.memory_space<hbm>>)
      tpu.yield
    }) : () -> ()
    %eq3A_139 = arith.constant 15 : i32
    %eq3A_140 = arith.cmpi eq, %arg1, %eq3A_139 : i32
    %convert_element_type3A_141 = arith.extui %eq3A_140 : i1 to i32
    %cond3A_142 = arith.constant 0 : i32
    %cond3A_143 = arith.cmpi ne, %convert_element_type3A_141, %cond3A_142 : i32
    scf.if %cond3A_143 {
      "tpu.region"() ({
        %run_scoped3A = tpu.sem_alloc : memref<!tpu.dma_semaphore, #tpu.memory_space<semaphore_mem>>
        %dma_start3A = arith.constant 9984 : i32
        %dma_start3A_144 = arith.constant 0 : i32
        %dma_start3A_145 = tpu.memref_slice %arg6[%arg0, %dma_start3A, %dma_start3A_144] : memref<2x10000x48xbf16, #tpu.memory_space<hbm>> -> memref<1x16x48xbf16, #tpu.memory_space<hbm>>
        %dma_start3A_146 = tpu.memref_squeeze %dma_start3A_145 : memref<1x16x48xbf16, #tpu.memory_space<hbm>> -> memref<16x48xbf16, #tpu.memory_space<hbm>>
        %dma_start3A_147 = arith.constant 9984 : i32
        %dma_start3A_148 = arith.constant 0 : i32
        %dma_start3A_149 = tpu.memref_slice %arg12[%dma_start3A_147, %dma_start3A_148] : memref<10016x48xbf16, #tpu.memory_space<vmem_shared>> -> memref<16x48xbf16, #tpu.memory_space<vmem_shared>>
        tpu.enqueue_dma source(%dma_start3A_149 : memref<16x48xbf16, #tpu.memory_space<vmem_shared>>) target(%dma_start3A_146 : memref<16x48xbf16, #tpu.memory_space<hbm>>) target_semaphore(%run_scoped3A : memref<!tpu.dma_semaphore, #tpu.memory_space<semaphore_mem>>)
        %dma_wait3A_150 = arith.constant 9984 : i32
        %dma_wait3A_151 = arith.constant 0 : i32
        %dma_wait3A_152 = tpu.memref_slice %arg6[%arg0, %dma_wait3A_150, %dma_wait3A_151] : memref<2x10000x48xbf16, #tpu.memory_space<hbm>> -> memref<1x16x48xbf16, #tpu.memory_space<hbm>>
        %dma_wait3A_153 = tpu.memref_squeeze %dma_wait3A_152 : memref<1x16x48xbf16, #tpu.memory_space<hbm>> -> memref<16x48xbf16, #tpu.memory_space<hbm>>
        %dma_wait3A_154 = arith.constant 9984 : i32
        %dma_wait3A_155 = arith.constant 0 : i32
        %dma_wait3A_156 = tpu.memref_slice %arg12[%dma_wait3A_154, %dma_wait3A_155] : memref<10016x48xbf16, #tpu.memory_space<vmem_shared>> -> memref<16x48xbf16, #tpu.memory_space<vmem_shared>>
        tpu.wait_dma2 semaphore(%run_scoped3A : memref<!tpu.dma_semaphore, #tpu.memory_space<semaphore_mem>>) src(%dma_wait3A_156 : memref<16x48xbf16, #tpu.memory_space<vmem_shared>>) dst(%dma_wait3A_153 : memref<16x48xbf16, #tpu.memory_space<hbm>>)
        tpu.yield
      }) : () -> ()
    } else {
    }
    return
  }
}

module attributes {stable_mosaic.version = 14 : i64} {
  func.func @body(%arg0: i32, %arg1: memref<1000x128xf32, #tpu.memory_space<vmem>>, %arg2: memref<128x128xf32, #tpu.memory_space<vmem>>, %arg3: memref<2x1000x8xf32, #tpu.memory_space<vmem>>, %arg4: memref<1000x128xbf16, #tpu.memory_space<vmem>>, %arg5: memref<1000x8xf32, #tpu.memory_space<vmem>>) attributes {dimension_semantics = [#tpu.dimension_semantics<arbitrary>], iteration_bounds = array<i64: 10>, scalar_prefetch = 0 : i64, scratch_operands = 0 : i64, tpu.core_type = #tpu.core_type<tc>, window_params = [{transform_indices = @transform_0, window_bounds = array<i64: 1000, 128>}, {pipeline_mode = #tpu.pipeline_mode<synchronous>, transform_indices = @transform_1, window_bounds = array<i64: 128, 128>}, {transform_indices = @transform_2, window_bounds = array<i64: 2, 1000, 8>}, {transform_indices = @transform_3, window_bounds = array<i64: 1000, 128>}, {transform_indices = @transform_4, window_bounds = array<i64: 1000, 8>}]} {
    %get3A = arith.constant 0 : index
    %get3A_0 = arith.constant 0 : index
    %get3A_1 = arith.constant 0 : index
    %get3A_2 = vector.load %arg3[%get3A, %get3A_0, %get3A_1] : memref<2x1000x8xf32, #tpu.memory_space<vmem>>, vector<2x1000x8xf32>
    %slice3A = vector.extract_strided_slice %get3A_2 {offsets = [0, 0, 0], sizes = [1, 1000, 1], strides = [1, 1, 1]} : vector<2x1000x8xf32> to vector<1x1000x1xf32>
    %squeeze3A = vector.shape_cast %slice3A : vector<1x1000x1xf32> to vector<1000x1xf32>
    %slice3A_3 = vector.extract_strided_slice %get3A_2 {offsets = [1, 0, 0], sizes = [1, 1000, 1], strides = [1, 1, 1]} : vector<2x1000x8xf32> to vector<1x1000x1xf32>
    %squeeze3A_4 = vector.shape_cast %slice3A_3 : vector<1x1000x1xf32> to vector<1000x1xf32>
    %add3A = arith.addf %squeeze3A, %squeeze3A_4 : vector<1000x1xf32>
    %add3A_5 = arith.constant 1.000000e+00 : f32
    %add3A_6 = vector.broadcast %add3A_5 : f32 to vector<1000x1xf32>
    %add3A_7 = arith.addf %add3A, %add3A_6 : vector<1000x1xf32>
    %max3A = arith.constant 1.000000e+00 : f32
    %max3A_8 = vector.broadcast %max3A : f32 to vector<1000x1xf32>
    %max3A_9 = arith.maximumf %add3A_7, %max3A_8 : vector<1000x1xf32>
    %rsqrt3A = math.rsqrt %max3A_9 : vector<1000x1xf32>
    %get3A_10 = arith.constant 0 : index
    %get3A_11 = arith.constant 0 : index
    %get3A_12 = vector.load %arg1[%get3A_10, %get3A_11] : memref<1000x128xf32, #tpu.memory_space<vmem>>, vector<1000x128xf32>
    %get3A_13 = arith.constant 0 : index
    %get3A_14 = arith.constant 0 : index
    %get3A_15 = vector.load %arg2[%get3A_13, %get3A_14] : memref<128x128xf32, #tpu.memory_space<vmem>>, vector<128x128xf32>
    %dot_general3A = arith.constant dense<0.000000e+00> : vector<1000x128xf32>
    %dot_general3A_16 = tpu.matmul %get3A_12, %get3A_15, %dot_general3A {dimension_numbers = #tpu.dot_dimension_numbers<[1], [0], [0], [1], [0, 0, 1, 1], [], []>, transpose_lhs_hint = false} : vector<1000x128xf32>, vector<128x128xf32>, vector<1000x128xf32> -> vector<1000x128xf32>
    %mul3A = vector.broadcast %rsqrt3A : vector<1000x1xf32> to vector<1000x128xf32>
    %mul3A_17 = arith.mulf %dot_general3A_16, %mul3A : vector<1000x128xf32>
    %convert_element_type3A = arith.truncf %mul3A_17 : vector<1000x128xf32> to vector<1000x128xbf16>
    %swap3A = arith.constant 0 : index
    %swap3A_18 = arith.constant 0 : index
    %swap3A_19 = vector.load %arg4[%swap3A, %swap3A_18] : memref<1000x128xbf16, #tpu.memory_space<vmem>>, vector<1000x128xbf16>
    tpu.vector_store %arg4[%swap3A, %swap3A_18], %convert_element_type3A {strides = array<i32>} : memref<1000x128xbf16, #tpu.memory_space<vmem>>, vector<1000x128xbf16>,
    %broadcast_in_dim3A = vector.shape_cast %rsqrt3A : vector<1000x1xf32> to vector<1000x1xf32>
    %broadcast_in_dim3A_20 = vector.broadcast %broadcast_in_dim3A : vector<1000x1xf32> to vector<1000x8xf32>
    %swap3A_21 = arith.constant 0 : index
    %swap3A_22 = arith.constant 0 : index
    %swap3A_23 = vector.load %arg5[%swap3A_21, %swap3A_22] : memref<1000x8xf32, #tpu.memory_space<vmem>>, vector<1000x8xf32>
    tpu.vector_store %arg5[%swap3A_21, %swap3A_22], %broadcast_in_dim3A_20 {strides = array<i32>} : memref<1000x8xf32, #tpu.memory_space<vmem>>, vector<1000x8xf32>,
    return
  }
  func.func @transform_0(%arg0: i32) -> (i32, i32) {
    %c0_i32 = arith.constant 0 : i32
    %c0_i32_0 = arith.constant 0 : i32
    return %arg0, %c0_i32 : i32, i32
  }
  func.func @transform_1(%arg0: i32) -> (i32, i32) {
    %c0_i32 = arith.constant 0 : i32
    %c0_i32_0 = arith.constant 0 : i32
    %c0_i32_1 = arith.constant 0 : i32
    return %c0_i32, %c0_i32_0 : i32, i32
  }
  func.func @transform_2(%arg0: i32) -> (i32, i32, i32) {
    %c0_i32 = arith.constant 0 : i32
    %c0_i32_0 = arith.constant 0 : i32
    %c0_i32_1 = arith.constant 0 : i32
    return %c0_i32, %arg0, %c0_i32_0 : i32, i32, i32
  }
  func.func @transform_3(%arg0: i32) -> (i32, i32) {
    %c0_i32 = arith.constant 0 : i32
    %c0_i32_0 = arith.constant 0 : i32
    return %arg0, %c0_i32 : i32, i32
  }
  func.func @transform_4(%arg0: i32) -> (i32, i32) {
    %c0_i32 = arith.constant 0 : i32
    %c0_i32_0 = arith.constant 0 : i32
    return %arg0, %c0_i32 : i32, i32
  }
}

module attributes {stable_mosaic.version = 14 : i64} {
  func.func @body(%arg0: i32, %arg1: memref<2x1000x128xbf16, #tpu.memory_space<vmem>>, %arg2: memref<1000x128xbf16, #tpu.memory_space<vmem>>, %arg3: memref<1000x8xf32, #tpu.memory_space<vmem>>, %arg4: memref<1x128xf32, #tpu.memory_space<vmem>>, %arg5: memref<128x48xf32, #tpu.memory_space<vmem>>, %arg6: memref<1000x48xbf16, #tpu.memory_space<vmem>>) attributes {dimension_semantics = [#tpu.dimension_semantics<arbitrary>], iteration_bounds = array<i64: 10>, scalar_prefetch = 0 : i64, scratch_operands = 0 : i64, tpu.core_type = #tpu.core_type<tc>, window_params = [{transform_indices = @transform_0, window_bounds = array<i64: 2, 1000, 128>}, {transform_indices = @transform_1, window_bounds = array<i64: 1000, 128>}, {transform_indices = @transform_2, window_bounds = array<i64: 1000, 8>}, {pipeline_mode = #tpu.pipeline_mode<synchronous>, transform_indices = @transform_3, window_bounds = array<i64: 1, 128>}, {pipeline_mode = #tpu.pipeline_mode<synchronous>, transform_indices = @transform_4, window_bounds = array<i64: 128, 48>}, {transform_indices = @transform_5, window_bounds = array<i64: 1000, 48>}]} {
    %get3A = arith.constant 0 : index
    %get3A_0 = arith.constant 0 : index
    %get3A_1 = vector.load %arg3[%get3A, %get3A_0] : memref<1000x8xf32, #tpu.memory_space<vmem>>, vector<1000x8xf32>
    %slice3A = vector.extract_strided_slice %get3A_1 {offsets = [0, 0], sizes = [1000, 1], strides = [1, 1]} : vector<1000x8xf32> to vector<1000x1xf32>
    %get3A_2 = arith.constant 0 : index
    %get3A_3 = arith.constant 0 : index
    %get3A_4 = arith.constant 0 : index
    %get3A_5 = vector.load %arg1[%get3A_2, %get3A_3, %get3A_4] : memref<2x1000x128xbf16, #tpu.memory_space<vmem>>, vector<2x1000x128xbf16>
    %convert_element_type3A = arith.extf %get3A_5 : vector<2x1000x128xbf16> to vector<2x1000x128xf32>
    %get3A_6 = arith.constant 0 : index
    %get3A_7 = arith.constant 0 : index
    %get3A_8 = vector.load %arg2[%get3A_6, %get3A_7] : memref<1000x128xbf16, #tpu.memory_space<vmem>>, vector<1000x128xbf16>
    %convert_element_type3A_9 = arith.extf %get3A_8 : vector<1000x128xbf16> to vector<1000x128xf32>
    %slice3A_10 = vector.extract_strided_slice %convert_element_type3A {offsets = [0, 0, 0], sizes = [1, 1000, 128], strides = [1, 1, 1]} : vector<2x1000x128xf32> to vector<1x1000x128xf32>
    %squeeze3A = vector.shape_cast %slice3A_10 : vector<1x1000x128xf32> to vector<1000x128xf32>
    %slice3A_11 = vector.extract_strided_slice %convert_element_type3A {offsets = [1, 0, 0], sizes = [1, 1000, 128], strides = [1, 1, 1]} : vector<2x1000x128xf32> to vector<1x1000x128xf32>
    %squeeze3A_12 = vector.shape_cast %slice3A_11 : vector<1x1000x128xf32> to vector<1000x128xf32>
    %add3A = arith.addf %squeeze3A, %squeeze3A_12 : vector<1000x128xf32>
    %add3A_13 = arith.addf %add3A, %convert_element_type3A_9 : vector<1000x128xf32>
    %mul3A = vector.broadcast %slice3A : vector<1000x1xf32> to vector<1000x128xf32>
    %mul3A_14 = arith.mulf %mul3A, %add3A_13 : vector<1000x128xf32>
    %get3A_15 = arith.constant 0 : index
    %get3A_16 = arith.constant 0 : index
    %get3A_17 = vector.load %arg4[%get3A_15, %get3A_16] : memref<1x128xf32, #tpu.memory_space<vmem>>, vector<1x128xf32>
    %add3A_18 = vector.broadcast %get3A_17 : vector<1x128xf32> to vector<1000x128xf32>
    %add3A_19 = arith.addf %mul3A_14, %add3A_18 : vector<1000x128xf32>
    %max3A = arith.constant 0.000000e+00 : f32
    %max3A_20 = vector.broadcast %max3A : f32 to vector<1000x128xf32>
    %max3A_21 = arith.maximumf %add3A_19, %max3A_20 : vector<1000x128xf32>
    %get3A_22 = arith.constant 0 : index
    %get3A_23 = arith.constant 0 : index
    %get3A_24 = vector.load %arg5[%get3A_22, %get3A_23] : memref<128x48xf32, #tpu.memory_space<vmem>>, vector<128x48xf32>
    %dot_general3A = arith.constant dense<0.000000e+00> : vector<1000x48xf32>
    %dot_general3A_25 = tpu.matmul %max3A_21, %get3A_24, %dot_general3A {dimension_numbers = #tpu.dot_dimension_numbers<[1], [0], [0], [1], [0, 0, 1, 1], [], []>, transpose_lhs_hint = false} : vector<1000x128xf32>, vector<128x48xf32>, vector<1000x48xf32> -> vector<1000x48xf32>
    %mul3A_26 = vector.broadcast %slice3A : vector<1000x1xf32> to vector<1000x48xf32>
    %mul3A_27 = arith.mulf %dot_general3A_25, %mul3A_26 : vector<1000x48xf32>
    %convert_element_type3A_28 = arith.truncf %mul3A_27 : vector<1000x48xf32> to vector<1000x48xbf16>
    %swap3A = arith.constant 0 : index
    %swap3A_29 = arith.constant 0 : index
    %swap3A_30 = vector.load %arg6[%swap3A, %swap3A_29] : memref<1000x48xbf16, #tpu.memory_space<vmem>>, vector<1000x48xbf16>
    tpu.vector_store %arg6[%swap3A, %swap3A_29], %convert_element_type3A_28 {strides = array<i32>} : memref<1000x48xbf16, #tpu.memory_space<vmem>>, vector<1000x48xbf16>,
    return
  }
  func.func @transform_0(%arg0: i32) -> (i32, i32, i32) {
    %c0_i32 = arith.constant 0 : i32
    %c0_i32_0 = arith.constant 0 : i32
    %c0_i32_1 = arith.constant 0 : i32
    return %c0_i32, %arg0, %c0_i32_0 : i32, i32, i32
  }
  func.func @transform_1(%arg0: i32) -> (i32, i32) {
    %c0_i32 = arith.constant 0 : i32
    %c0_i32_0 = arith.constant 0 : i32
    return %arg0, %c0_i32 : i32, i32
  }
  func.func @transform_2(%arg0: i32) -> (i32, i32) {
    %c0_i32 = arith.constant 0 : i32
    %c0_i32_0 = arith.constant 0 : i32
    return %arg0, %c0_i32 : i32, i32
  }
  func.func @transform_3(%arg0: i32) -> (i32, i32) {
    %c0_i32 = arith.constant 0 : i32
    %c0_i32_0 = arith.constant 0 : i32
    %c0_i32_1 = arith.constant 0 : i32
    return %c0_i32, %c0_i32_0 : i32, i32
  }
  func.func @transform_4(%arg0: i32) -> (i32, i32) {
    %c0_i32 = arith.constant 0 : i32
    %c0_i32_0 = arith.constant 0 : i32
    %c0_i32_1 = arith.constant 0 : i32
    return %c0_i32, %c0_i32_0 : i32, i32
  }
  func.func @transform_5(%arg0: i32) -> (i32, i32) {
    %c0_i32 = arith.constant 0 : i32
    %c0_i32_0 = arith.constant 0 : i32
    return %arg0, %c0_i32 : i32, i32
  }
}

module attributes {stable_mosaic.version = 14 : i64} {
  func.func @body(%arg0: i32, %arg1: memref<2x1000x48xbf16, #tpu.memory_space<vmem>>, %arg2: memref<1000x48xbf16, #tpu.memory_space<vmem>>, %arg3: memref<1000x8xf32, #tpu.memory_space<vmem>>, %arg4: memref<1x48xf32, #tpu.memory_space<vmem>>, %arg5: memref<1000x40xf32, #tpu.memory_space<vmem>>) attributes {dimension_semantics = [#tpu.dimension_semantics<arbitrary>], iteration_bounds = array<i64: 10>, scalar_prefetch = 0 : i64, scratch_operands = 0 : i64, tpu.core_type = #tpu.core_type<tc>, window_params = [{transform_indices = @transform_0, window_bounds = array<i64: 2, 1000, 48>}, {transform_indices = @transform_1, window_bounds = array<i64: 1000, 48>}, {transform_indices = @transform_2, window_bounds = array<i64: 1000, 8>}, {pipeline_mode = #tpu.pipeline_mode<synchronous>, transform_indices = @transform_3, window_bounds = array<i64: 1, 48>}, {transform_indices = @transform_4, window_bounds = array<i64: 1000, 40>}]} {
    %get3A = arith.constant 0 : index
    %get3A_0 = arith.constant 0 : index
    %get3A_1 = vector.load %arg3[%get3A, %get3A_0] : memref<1000x8xf32, #tpu.memory_space<vmem>>, vector<1000x8xf32>
    %slice3A = vector.extract_strided_slice %get3A_1 {offsets = [0, 0], sizes = [1000, 1], strides = [1, 1]} : vector<1000x8xf32> to vector<1000x1xf32>
    %get3A_2 = arith.constant 0 : index
    %get3A_3 = arith.constant 0 : index
    %get3A_4 = arith.constant 0 : index
    %get3A_5 = vector.load %arg1[%get3A_2, %get3A_3, %get3A_4] : memref<2x1000x48xbf16, #tpu.memory_space<vmem>>, vector<2x1000x48xbf16>
    %convert_element_type3A = arith.extf %get3A_5 : vector<2x1000x48xbf16> to vector<2x1000x48xf32>
    %get3A_6 = arith.constant 0 : index
    %get3A_7 = arith.constant 0 : index
    %get3A_8 = vector.load %arg2[%get3A_6, %get3A_7] : memref<1000x48xbf16, #tpu.memory_space<vmem>>, vector<1000x48xbf16>
    %convert_element_type3A_9 = arith.extf %get3A_8 : vector<1000x48xbf16> to vector<1000x48xf32>
    %slice3A_10 = vector.extract_strided_slice %convert_element_type3A {offsets = [0, 0, 0], sizes = [1, 1000, 48], strides = [1, 1, 1]} : vector<2x1000x48xf32> to vector<1x1000x48xf32>
    %squeeze3A = vector.shape_cast %slice3A_10 : vector<1x1000x48xf32> to vector<1000x48xf32>
    %slice3A_11 = vector.extract_strided_slice %convert_element_type3A {offsets = [1, 0, 0], sizes = [1, 1000, 48], strides = [1, 1, 1]} : vector<2x1000x48xf32> to vector<1x1000x48xf32>
    %squeeze3A_12 = vector.shape_cast %slice3A_11 : vector<1x1000x48xf32> to vector<1000x48xf32>
    %add3A = arith.addf %squeeze3A, %squeeze3A_12 : vector<1000x48xf32>
    %add3A_13 = arith.addf %add3A, %convert_element_type3A_9 : vector<1000x48xf32>
    %mul3A = vector.broadcast %slice3A : vector<1000x1xf32> to vector<1000x48xf32>
    %mul3A_14 = arith.mulf %mul3A, %add3A_13 : vector<1000x48xf32>
    %get3A_15 = arith.constant 0 : index
    %get3A_16 = arith.constant 0 : index
    %get3A_17 = vector.load %arg4[%get3A_15, %get3A_16] : memref<1x48xf32, #tpu.memory_space<vmem>>, vector<1x48xf32>
    %add3A_18 = vector.broadcast %get3A_17 : vector<1x48xf32> to vector<1000x48xf32>
    %add3A_19 = arith.addf %mul3A_14, %add3A_18 : vector<1000x48xf32>
    %iota3A = tpu.iota {dimensions = array<i32: 1>} : vector<1000x48xi32>
    %lt3A = arith.constant 40 : i32
    %lt3A_20 = vector.broadcast %lt3A : i32 to vector<1000x48xi32>
    %lt3A_21 = arith.cmpi slt, %iota3A, %lt3A_20 : vector<1000x48xi32>
    %jit3A = arith.constant 0xFF800000 : f32
    %broadcast_in_dim3A = vector.broadcast %jit3A : f32 to vector<1000x48xf32>
    %select_n3A = arith.select %lt3A_21, %add3A_19, %broadcast_in_dim3A : vector<1000x48xi1>, vector<1000x48xf32>
    %reduce_max3A = arith.constant dense<0xFF800000> : vector<1000xf32>
    %reduce_max3A_22 = vector.multi_reduction <maximumf>, %select_n3A, %reduce_max3A [1] : vector<1000x48xf32> to vector<1000xf32>
    %broadcast_in_dim3A_23 = vector.shape_cast %reduce_max3A_22 : vector<1000xf32> to vector<1000x1xf32>
    %sub3A = vector.broadcast %broadcast_in_dim3A_23 : vector<1000x1xf32> to vector<1000x48xf32>
    %sub3A_24 = arith.subf %add3A_19, %sub3A : vector<1000x48xf32>
    %exp3A = math.exp %sub3A_24 : vector<1000x48xf32>
    %jit3A_25 = arith.constant 0.000000e+00 : f32
    %broadcast_in_dim3A_26 = vector.broadcast %jit3A_25 : f32 to vector<1000x48xf32>
    %select_n3A_27 = arith.select %lt3A_21, %exp3A, %broadcast_in_dim3A_26 : vector<1000x48xi1>, vector<1000x48xf32>
    %reduce_sum3A = arith.constant dense<0.000000e+00> : vector<1000xf32>
    %reduce_sum3A_28 = vector.multi_reduction <add>, %select_n3A_27, %reduce_sum3A [1] : vector<1000x48xf32> to vector<1000xf32>
    %broadcast_in_dim3A_29 = vector.shape_cast %reduce_sum3A_28 : vector<1000xf32> to vector<1000x1xf32>
    %sub3A_30 = vector.broadcast %broadcast_in_dim3A_23 : vector<1000x1xf32> to vector<1000x48xf32>
    %sub3A_31 = arith.subf %add3A_19, %sub3A_30 : vector<1000x48xf32>
    %log3A = math.log %broadcast_in_dim3A_29 : vector<1000x1xf32>
    %sub3A_32 = vector.broadcast %log3A : vector<1000x1xf32> to vector<1000x48xf32>
    %sub3A_33 = arith.subf %sub3A_31, %sub3A_32 : vector<1000x48xf32>
    %slice3A_34 = vector.extract_strided_slice %sub3A_33 {offsets = [0, 0], sizes = [1000, 40], strides = [1, 1]} : vector<1000x48xf32> to vector<1000x40xf32>
    %swap3A = arith.constant 0 : index
    %swap3A_35 = arith.constant 0 : index
    %swap3A_36 = vector.load %arg5[%swap3A, %swap3A_35] : memref<1000x40xf32, #tpu.memory_space<vmem>>, vector<1000x40xf32>
    tpu.vector_store %arg5[%swap3A, %swap3A_35], %slice3A_34 {strides = array<i32>} : memref<1000x40xf32, #tpu.memory_space<vmem>>, vector<1000x40xf32>,
    return
  }
  func.func @transform_0(%arg0: i32) -> (i32, i32, i32) {
    %c0_i32 = arith.constant 0 : i32
    %c0_i32_0 = arith.constant 0 : i32
    %c0_i32_1 = arith.constant 0 : i32
    return %c0_i32, %arg0, %c0_i32_0 : i32, i32, i32
  }
  func.func @transform_1(%arg0: i32) -> (i32, i32) {
    %c0_i32 = arith.constant 0 : i32
    %c0_i32_0 = arith.constant 0 : i32
    return %arg0, %c0_i32 : i32, i32
  }
  func.func @transform_2(%arg0: i32) -> (i32, i32) {
    %c0_i32 = arith.constant 0 : i32
    %c0_i32_0 = arith.constant 0 : i32
    return %arg0, %c0_i32 : i32, i32
  }
  func.func @transform_3(%arg0: i32) -> (i32, i32) {
    %c0_i32 = arith.constant 0 : i32
    %c0_i32_0 = arith.constant 0 : i32
    %c0_i32_1 = arith.constant 0 : i32
    return %c0_i32, %c0_i32_0 : i32, i32
  }
  func.func @transform_4(%arg0: i32) -> (i32, i32) {
    %c0_i32 = arith.constant 0 : i32
    %c0_i32_0 = arith.constant 0 : i32
    return %arg0, %c0_i32 : i32, i32
  }
}

</mosaic_0001>

<sc_bundles>
// kernel: kernel.11.cloned.1.call-start
scs
__scs_entry_jumppad:
0x0: {  	(pc) =	sbr.rel $0x88, $3  }
0x1: {  	(tag) =	ssettag $0x0;
	lr =	simm.s32 $0x1  }
0x2: {  	[smem:$0x3F9B] =	sst lr;
	_ =	strace $0xD0000000  }
0x3: {  	_ = 	snop  }
0x4: {  	_ = 	snop  }
0x5: {  	_ = 	snop  }
0x6: {  	_ = 	snop  }
0x7: {  	_ = 	snop  }
__scs_overlays_trampoline_lowered:
0x8: {  	[smem:$0x3FAA] =	sst s0  }
0x9: {  	[smem:$0x3FAB] =	sst s1  }
0xa: {  	[smem:$0x3FAC] =	sst s2  }
0xb: {  	[smem:$0x3FAD] =	sst s3  }
0xc: {  	[smem:$0x3FAE] =	sst s4  }
0xd: {  	[smem:$0x3FAF] =	sst s5  }
0xe: {  	[smem:$0x3FB0] =	sst s6  }
0xf: {  	[smem:$0x3FB1] =	sst s7  }
0x10: {  	[smem:$0x3FB2] =	sst s8  }
0x11: {  	[smem:$0x3FB3] =	sst s9;
	s0 =	simm.s32 @!p0 $0x0  }
0x12: {  	s1 =	sld [smem:$0x3F99];
	s0 =	simm.s32 @p0 $0x1  }
0x13: {  	[smem:$0x3FB4] =	sst s0;
	s0 =	simm.s32 @!p1 $0x0  }
0x14: {  	s2 =	sld [smem:$0x3F98];
	s0 =	simm.s32 @p1 $0x1  }
0x15: {  	[smem:$0x3FB5] =	sst s0;
	s0 =	simm.s32 @!p2 $0x0  }
0x16: {  	s3 =	sld [smem:$0x3FDB];
	s0 =	simm.s32 @p2 $0x1  }
0x17: {  	s4 =	simm.s32 $0x1BF5;
	[smem:$0x3FB7] =	sst s0  }
0x18: {  	s0 =	sld [smem:$0x3F9A];
	_ =	swait.ge [sflag:s4], $0x0  }
0x19: {  	s7 =	sld [smem:$0x3F9B]  }
0x1a: {  	s8 =	sadd.s32 $0xFFFFE003, lr  }
0x1b: {  	s9 =	sadd.s32 $0xFFFFFEF7, lr;
	s5 =	simm.s32 $0xFFFFFFFF;
	p2 =	slt.u32 s8, $0xFFFFF086  }
0x1c: {  	p1 =	slt.u32 s9, $0xF7A;
	s5 =	simm.s32 @!p2 $0x0  }
0x1d: {  	s5 =	simm.s32 @p1 $0x1;
	p0 =	seq.s32 s7, s2  }
0x1e: {  	s7 =	smul.u32 @!p0 $0xF7A, s2;
	p2 =	seq.s32 @!p0 s5, $0x0  }
0x1f: {  	s9 =	smul.u32 $0xF7A, s1;
	s8 =	simm.s32 @!p0 $0x1BF5;
	p2 =	por !p2, p0  }
0x20: {  	[sflag:s8] =	ssyncset.s32 @!p0 $0xFFFFF086;
	s6 =	sadd.s32 @!p0 s3, s7;
	s7 =	simm.s32 @!p0 $0x108  }
0x21: {  	s3 =	sadd.s32 s3, s9;
	s6 =	sadd.s32 @!p0 $0x88, s6;
	s7 =	simm.s32 @p2 $0x1082  }
0x22: {  	[simem:s7], [sflag:s8] =	dma.local @!p0 [hbm:s6], $0xF7A  }
0x23: {  	s9 =	sor.u32 $0xD0000000, s2;
	s6 =	simm.s32 $0x108;
	_ =	swait.ge @!p0 [sflag:s8], $0x0  }
0x24: {  	s3 =	sadd.s32 $0x88, s3;
	s6 =	simm.s32 @!p1 $0x1082;
	[sflag:s4] =	ssyncset.s32 $0xFFFFF086  }
0x25: {  	[simem:s6], [sflag:s4] =	dma.local [hbm:s3], $0xF7A  }
0x26: {  	[smem:$0x3F9B] =	sst s1;
	(tag) =	ssettag s2;
	_ =	strace s9  }
0x27: {  	s1 =	sld [smem:$0x3FAB]  }
0x28: {  	s2 =	sld [smem:$0x3FAC]  }
0x29: {  	s4 =	sld [smem:$0x3FAE]  }
0x2a: {  	p0 =	seq.s32 s5, $0x0;
	s5 =	sld [smem:$0x3FAF]  }
0x2b: {  	s6 =	sld [smem:$0x3FB0]  }
0x2c: {  	s7 =	sld [smem:$0x3FB1]  }
0x2d: {  	s3 =	simm.s32 $0x108;
	s8 =	sld [smem:$0x3FB2]  }
0x2e: {  	s3 =	simm.s32 @!p0 $0x1082;
	s9 =	sld [smem:$0x3FB3]  }
0x2f: {  	lr =	sadd.s32 s0, s3;
	s0 =	sld [smem:$0x3FAA]  }
0x30: {  	s3 =	sld [smem:$0x3FAD]  }
0x31: {  	[smem:$0x3FB6] =	sst s10  }
0x32: {  	s10 =	sld [smem:$0x3FB4];
	_ =	sdelay $0x3  }
0x33: {  	p0 =	seq.s32 s10, $0x1;
	s10 =	sld [smem:$0x3FB6];
	_ =	sdelay $0x3  }
0x34: {  	[smem:$0x3FB6] =	sst s10  }
0x35: {  	s10 =	sld [smem:$0x3FB5];
	_ =	sdelay $0x3  }
0x36: {  	p1 =	seq.s32 s10, $0x1;
	s10 =	sld [smem:$0x3FB6];
	_ =	sdelay $0x3  }
0x37: {  	[smem:$0x3FB6] =	sst s10  }
0x38: {  	s10 =	sld [smem:$0x3FB7]  }
0x39: {  	_ = 	snop;
	(pc) =	sbr.ind lr, $3  }
0x3a: {  	_ = 	snop  }
0x3b: {  	_ = 	snop  }
0x3c: {  	p2 =	seq.s32 s10, $0x1;
	s10 =	sld [smem:$0x3FB6]  }
0x3d: {  	_ =	shalt  }
0x3e: {  	_ =	shalt  }
0x3f: {  	_ =	shalt  }
0x40: {  	_ =	shalt  }
0x41: {  	_ =	shalt  }
0x42: {  	_ =	shalt  }
0x43: {  	_ =	shalt  }
0x44: {  	_ =	shalt  }
0x45: {  	_ =	shalt  }
0x46: {  	_ =	shalt  }
0x47: {  	_ =	shalt  }
0x48: {  	_ =	shalt  }
0x49: {  	_ =	shalt  }
0x4a: {  	_ =	shalt  }
0x4b: {  	_ =	shalt  }
0x4c: {  	_ =	shalt  }
0x4d: {  	_ =	shalt  }
0x4e: {  	_ =	shalt  }
0x4f: {  	_ =	shalt  }
0x50: {  	_ =	shalt  }
0x51: {  	_ =	shalt  }
0x52: {  	_ =	shalt  }
0x53: {  	_ =	shalt  }
0x54: {  	_ =	shalt  }
0x55: {  	_ =	shalt  }
0x56: {  	_ =	shalt  }
0x57: {  	_ =	shalt  }
0x58: {  	_ =	shalt  }
0x59: {  	_ =	shalt  }
0x5a: {  	_ =	shalt  }
0x5b: {  	_ =	shalt  }
0x5c: {  	_ =	shalt  }
0x5d: {  	_ =	shalt  }
0x5e: {  	_ =	shalt  }
0x5f: {  	_ =	shalt  }
0x60: {  	_ =	shalt  }
0x61: {  	_ =	shalt  }
0x62: {  	_ =	shalt  }
0x63: {  	_ =	shalt  }
0x64: {  	_ =	shalt  }
0x65: {  	_ =	shalt  }
0x66: {  	_ =	shalt  }
0x67: {  	_ =	shalt  }
0x68: {  	_ =	shalt  }
0x69: {  	_ =	shalt  }
0x6a: {  	_ =	shalt  }
0x6b: {  	_ =	shalt  }
0x6c: {  	_ =	shalt  }
0x6d: {  	_ =	shalt  }
0x6e: {  	_ =	shalt  }
0x6f: {  	_ =	shalt  }
0x70: {  	_ =	shalt  }
0x71: {  	_ =	shalt  }
0x72: {  	_ =	shalt  }
0x73: {  	_ =	shalt  }
0x74: {  	_ =	shalt  }
0x75: {  	_ =	shalt  }
0x76: {  	_ =	shalt  }
0x77: {  	_ =	shalt  }
0x78: {  	_ =	shalt  }
0x79: {  	_ =	shalt  }
0x7a: {  	_ =	shalt  }
0x7b: {  	_ =	shalt  }
0x7c: {  	_ =	shalt  }
0x7d: {  	_ =	shalt  }
0x7e: {  	_ =	shalt  }
0x7f: {  	_ =	shalt  }
0x80: {  	_ =	shalt  }
0x81: {  	_ =	shalt  }
0x82: {  	_ =	shalt  }
0x83: {  	_ =	shalt  }
0x84: {  	_ =	shalt  }
0x85: {  	_ =	shalt  }
0x86: {  	_ =	shalt  }
0x87: {  	_ =	shalt  }
.Lfunc_end0:
.L_simem_size_0:
called_computation.1_lowered:
.L_overlay_start_0:
0x88: {  	s2 =	sld [smem:$0x3FD9]  }
0x89: {  	s3 =	sld [smem:$0x3FFE];
	_ =	sdelay $0x1  }
0x8a: {  	s1 =	srdreg.scid  }
0x8b: {  	s0 =	sand.u32 $0x1, s1  }
0x8c: {  	s17 =	sshll.u32 s0, $0xA;
	s2 =	sadd.s32 s3, s2  }
0x8d: {  	s2 =	sadd.s32 s2, s17  }
0x8e: {  	[smem:$0x3FC2] =	sst s2  }
0x8f: {  	_ = 	snop  }
0x90: {  	s2 =	sld [smem:$0x3FD0];
	(tm) =	ssettm $0x1  }
0x91: {  	s18 =	sld [smem:$0x3FFB];
	_ =	sdelay $0x3  }
0x92: {  	_ =	strace s18  }
0x93: {  	s3 =	sld [smem:$0x3FFC];
	_ =	sdelay $0x3  }
0x94: {  	_ =	strace s3  }
0x95: {  	s3 =	sld [smem:$0x3FFD];
	_ =	sdelay $0x3  }
0x96: {  	_ =	strace s3  }
0x97: {  	_ =	strace $0x8FFFFFFF  }
0x98: {  	s19 =	sld [smem:$0x3FDB];
	_ =	sdelay $0x1  }
0x99: {  	s4 =	simm.s32 $_scs_section_size  }
0x9a: {  	s5 =	simm.s32 $_size__tile_overlayer_lowered;
	s6 =	simm.s32 $_tile_overlayer_lowered  }
0x9b: {  	s22 =	simm.s32 $0x1BFF;
	s21 =	sshll.u32 s6, $0x1;
	s3 =	sadd.s32 s4, s19  }
0x9c: {  	s7 =	simm.s32 $0x0;
	s20 =	sshll.u32 s5, $0x1;
	s5 =	sadd.s32 s21, s3  }
0x9d: {  	[timem:s7], [sflag:s22] =	dma.local [hbm:s5], s20  }
0x9e: {  	_ =	swait.ge [sflag:s22], s20  }
0x9f: {  	s4 =	ssub.s32 $0x0, s20;
	[sflag:s22] =	ssyncset.done $0x0  }
0xa0: {  	[sflag:s22] =	ssyncadd.s32 s4;
	_ =	sdelay $0x1  }
0xa1: {  	s23 =	simm.s32 $0x1B8B  }
0xa2: {  	_ =	swait.ge [sflag:s23], $0x1  }
0xa3: {  	[sflag:s23] =	ssyncset.done $0x0  }
0xa4: {  	s25 =	simm.s32 $0x1B8E;
	s24 =	sld [smem:$0x3FFE];
	[sflag:s23] =	ssyncadd.s32 $0xFFFFFFFF  }
0xa5: {  	s26 =	simm.s32 $execute0_lowered;
	[smem:$0x3FD2] =	sst s25  }
0xa6: {  	s5 =	sshll.u32 s26, $0x1;
	_ =	strace $0x80000049;
	[dreg:$0x1] =	wrdreg $0xFFFFFFFF  }
0xa7: {  	s28 =	simm.s32 $_size_execute0_lowered;
	s3 =	sadd.s32 s3, s5;
	[dreg:$0x0] =	wrdreg $0x0  }
0xa8: {  	s5 =	sshll.u32 s28, $0x1;
	[dreg:$0x2] =	wrdreg s3  }
0xa9: {  	[dreg:$0x3] =	wrdreg s5  }
0xaa: {  	[dreg:$0x4] =	wrdreg $0xC0  }
0xab: {  	_ =	task [dreg:s7], $0x5FFFF  }
0xac: {  	[dreg:$0x1] =	wrdreg $0xFFFFFFFF  }
0xad: {  	[dreg:$0x0] =	wrdreg $0x60  }
0xae: {  	[dreg:$0x2] =	wrdreg s24  }
0xaf: {  	[dreg:$0x3] =	wrdreg s2  }
0xb0: {  	[dreg:$0x4] =	wrdreg $0x158000  }
0xb1: {  	[dreg:$0x5] =	wrdreg $0x9  }
0xb2: {  	_ =	task.clear_ibuf [dreg:s7], $0x6FFFF;
	_ =	strace $0x90000049  }
0xb3: {  	s29 =	simm.s32 $0x9;
	_ =	strace $0x8000004B  }
0xb4: {  	_ =	swait.ge [sflag:s29], $0x1  }
0xb5: {  	[sflag:s29] =	ssyncadd.s32 $0xFFFFFFFF  }
0xb6: {  	_ =	strace $0x9000004B  }
0xb7: {  	_ =	sfence  }
0xb8: {  	s30 =	sld [smem:$0x0];
	_ =	sdelay $0x2  }
0xb9: {  	s31 =	sshll.u32 s1, $0xD;
	s1 =	sshrl.u32 s1, $0x2  }
0xba: {  	s3 =	sand.u32 $0x4000, s31;
	s1 =	sadd.s32 s1, s30  }
0xbb: {  	s0 =	sor.u32 s3, s0;
	s1 =	sshll.u32 s1, $0x11  }
0xbc: {  	s0 =	sor.u32 s1, s0  }
0xbd: {  	s0 =	sadd.s32 $0x8F2B, s0  }
0xbe: {  	[sflag:s0] =	ssyncadd.remote.s32 $0x1  }
0xbf: {  	_ =	sfence.sel $0xFFFF  }
0xc0: {  	[dreg:$0x0] =	wrdreg $0xFFFFFFFF;
	(pc) =	sbr.abs _section_cstart, $3  }
0xc1: {  	[dreg:$0x1] =	wrdreg $0xFFFFFFFF  }
0xc2: {  	_ =	task.clear_ibuf [dreg:s7], $0x2FFFF;
	_ =	strace $0x9FFFFFFF  }
0xc3: {  	(tm) =	ssettm $0x7FFFFFFF  }
tec
execute0_lowered:
.L_overlay_start_1:
0x0: {  	(tag) =	ssettag $0x1  }
0x1: {  	s0 =	rddreg [dreg:$0x0]  }
0x2: {  	s1 =	rddreg [dreg:$0x1]  }
0x3: {  	s2 =	rddreg [dreg:$0x2]  }
0x4: {  	s3 =	simm.s32 $0x0;
	s14 =	stileid.u32;
	s4 =	srdreg.scid  }
0x5: {  	s28 =	simm.s32 $0x8;
	s29 =	simm.s32 $0x9;
	s30 =	simm.s32 $0xA  }
0x6: {  	s31 =	simm.s32 $0xB;
	[smem:$0x7FF] =	sst s3;
	s5 =	smul.u32 $0x13800, s14  }
0x7: {  	s7 =	sand.u32 $0x1, s4;
	s4 =	sadd.s32 $0x26C00, s0;
	s8 =	sadd.s32 $0x1800, s0  }
0x8: {  	s13 =	sadd.s32 $0x3A600, s0;
	s11 =	sshll.u32 s14, $0x6;
	s12 =	smul.u32 $0x2400, s14  }
0x9: {  	s25 =	smul.u32 $0x580, s14;
	p0 =	sne.s32 s14, $0xF;
	_ =	strace $0x8000004A  }
0xa: {  	s6 =	ssub.s32 $0x2, s7;
	s23 =	smul.u32 $0x138800, s7;
	p1 =	sne.s32 s7, $0x0  }
0xb: {  	s7 =	simm.s32 $0xF;
	s9 =	sshrl.u32 s5, $0x4;
	s10 =	sshrl.u32 s6, $0x1  }
0xc: {  	s20 =	sshrl.u32 s5, $0x1;
	s22 =	sshrl.u32 s12, $0x3;
	s9 =	sadd.s32 s9, s0  }
0xd: {  	s10 =	ssub.s32 s6, s10;
	s15 =	sadd.s32 s20, s2;
	s6 =	sor.u32 $0x1C11, s11  }
0xe: {  	s0 =	sadd.s32 $0x26A00, s0;
	s24 =	sadd.s32 $0x5800, s22;
	s26 =	sadd.s32 s5, s23  }
0xf: {  	s17 =	sshrl.u32 s23, $0x4;
	s20 =	simm.s32 $0x5800;
	s22 =	simm.s32 $0x9800  }
0x10: {  	s23 =	simm.s32 $0xB800;
	s5 =	simm.s32 $0xE;
	[dreg:$0xd] =	wrdreg s0  }
0x11: {  	s21 =	sadd.s32 $0x13200, s9;
	s9 =	sadd.s32 $0x9C000, s2;
	[dreg:$0x5] =	wrdreg s20  }
0x12: {  	s16 =	sadd.s32 s8, s24;
	s0 =	sadd.s32 s1, s24;
	[dreg:$0x7] =	wrdreg s22  }
0x13: {  	s1 =	sadd.s32 s1, s25;
	s18 =	sadd.s32 s13, s17;
	[dreg:$0x8] =	wrdreg s23  }
0x14: {  	s19 =	smax.u32 s10, $0x1;
	s15 =	sshrl.u32 s15, $0x3;
	[dreg:$0xc] =	wrdreg s21  }
0x15: {  	s20 =	simm.s32 $0x1;
	s22 =	simm.s32 $0x3;
	[dreg:$0xe] =	wrdreg s16  }
0x16: {  	s24 =	simm.s32 $0xD800;
	s23 =	simm.s32 $0x4;
	[dreg:$0xf] =	wrdreg s0  }
0x17: {  	s16 =	sadd.s32 s8, s25;
	s0 =	sshrl.u32 s26, $0x4;
	[dreg:$0x11] =	wrdreg s1  }
0x18: {  	[dreg:$0x14] =	wrdreg s19;
	s17 =	sshrl.u32 @!p0 s9, $0x3;
	s19 =	simm.s32 $0x13800  }
0x19: {  	s21 =	simm.s32 $0x7800;
	[dreg:$0x9] =	wrdreg s24;
	s25 =	simm.s32 $0xF800  }
0x1a: {  	s24 =	simm.s32 $0x5;
	s26 =	simm.s32 $0x11800;
	[dreg:$0x10] =	wrdreg s16  }
0x1b: {  	s1 =	simm.s32 $0xD;
	s8 =	simm.s32 $0x10;
	[dreg:$0x6] =	wrdreg s21  }
0x1c: {  	s0 =	sadd.s32 s13, s0;
	s16 =	simm.s32 $0x11;
	[dreg:$0xa] =	wrdreg s25  }
0x1d: {  	s21 =	simm.s32 $0x2;
	[dreg:$0xb] =	wrdreg s26;
	s25 =	simm.s32 $0x6  }
0x1e: {  	s26 =	simm.s32 $0x7;
	[dreg:$0x12] =	wrdreg s0;
	s0 =	sadd.s32 $0x13800, s18  }
0x1f: {  	s18 =	simm.s32 $0x80;
	[dreg:$0x13] =	wrdreg s0;
	s0 =	simm.s32 $0xC  }
.LBB2_1:
0x20: {  	s9 =	rddreg [dreg:$0xc]  }
0x21: {  	[spmem:s15], [sflag:s6] =	dma.local [hbm:s9], $0x1380  }
0x22: {  	_ =	swait.ge [sflag:s16], $0x1380  }
0x23: {  	[sflag:s16] =	ssyncset.done $0x0  }
0x24: {  	s9 =	rddreg [dreg:$0xd];
	[sflag:s16] =	ssyncadd.s32 $0xFFFFEC80  }
0x25: {  	[spmem:s17], [sflag:s6] =	dma.local @!p0 [hbm:s9], $0x100  }
0x26: {  	s9 =	simm.s32 @!p0 $0x11  }
0x27: {  	_ =	swait.ge @!p0 [sflag:s9], $0x100  }
0x28: {  	[sflag:s9] =	ssyncset.done @!p0 $0x0  }
0x29: {  	s10 =	rddreg [dreg:$0xe];
	[sflag:s9] =	ssyncadd.s32 @!p0 $0xFFFFFF00;
	s9 =	simm.s32 @p1 $0x0  }
0x2a: {  	[tilespmem:s9], [sflag:$0x11] =	stream.linear.gather @p1 [hbm4b:s10+s9], $0x2400, $0x38;
	[tilespmem:$0x1F480] =	vst v63  }
0x2b: {  	s10 =	simm.s32 @p1 $0x11  }
0x2c: {  	_ =	swait.ge @p1 [sflag:s10], $0x2400  }
0x2d: {  	[sflag:s10] =	ssyncset.done @p1 $0x0  }
0x2e: {  	s11 =	simm.s32 @p1 $0x2C00;
	s12 =	rddreg [dreg:$0xf];
	[sflag:s10] =	ssyncadd.s32 @p1 $0xFFFFDC00  }
0x2f: {  	[tilespmem:s11], [sflag:$0x11] =	stream.linear.gather @p1 [hbm4b:s12+s9], $0x2400, $0x38;
	[tilespmem:$0x1F480] =	vst v63  }
0x30: {  	_ =	swait.ge @p1 [sflag:s10], $0x2400  }
0x31: {  	[sflag:s10] =	ssyncset.done @p1 $0x0  }
0x32: {  	s9 =	simm.s32 @!p1 $0x0;
	[sflag:s10] =	ssyncadd.s32 @p1 $0xFFFFDC00;
	s10 =	rddreg [dreg:$0x10]  }
0x33: {  	[tilespmem:s9], [sflag:$0x11] =	stream.linear.gather @!p1 [hbm4b:s10+s9], $0x2C00, $0x38;
	[tilespmem:$0x1F480] =	vst v63  }
0x34: {  	s10 =	simm.s32 @!p1 $0x11  }
0x35: {  	_ =	swait.ge @!p1 [sflag:s10], $0x2C00  }
0x36: {  	[sflag:s10] =	ssyncset.done @!p1 $0x0  }
0x37: {  	s11 =	simm.s32 @!p1 $0x2C00;
	s12 =	rddreg [dreg:$0x11];
	[sflag:s10] =	ssyncadd.s32 @!p1 $0xFFFFD400  }
0x38: {  	[tilespmem:s11], [sflag:$0x11] =	stream.linear.gather @!p1 [hbm4b:s12+s9], $0x2C00, $0x38;
	[tilespmem:$0x1F480] =	vst v63  }
0x39: {  	_ =	swait.ge @!p1 [sflag:s10], $0x2C00  }
0x3a: {  	s9 =	simm.s32 @!p1 $0xB;
	[sflag:s10] =	ssyncset.done @!p1 $0x0  }
0x3b: {  	s9 =	simm.s32 @p1 $0x9;
	[sflag:s10] =	ssyncadd.s32 @!p1 $0xFFFFD400  }
0x3c: {  	s9 =	sshll.u32 s9, $0xC;
	[bflag:$0x0] =	sbarrier.arrive $0xFFFF  }
0x3d: {  	s10 =	simm.s32 $0x0;
	[dreg:$0x4] =	wrdreg s9;
	s9 =	simm.s32 $0x380  }
.LBB2_2:
0x3e: {  	p2 =	sne.s32 s10, $0x0  }
0x3f: {  	s11 =	simm.s32 @p2 $0x9  }
0x40: {  	_ =	swait.ge @p2 [sflag:s11], $0x2000  }
0x41: {  	s12 =	simm.s32 @p2 $0x80;
	[sflag:s11] =	ssyncset.done @p2 $0x0  }
0x42: {  	s13 =	simm.s32 @p2 $0x5800;
	[sflag:s11] =	ssyncadd.s32 @p2 $0xFFFFE000;
	s11 =	sshra.s32 @p2 s10, $0x2  }
0x43: {  	[tilespmem:s13], [sflag:$0x1] =	stream.indirect.gather @p2 [hbm4b:s4+s12], $0x40, s11, s12, $0xb8;
	[tilespmem:$0x1F480] =	vst v63  }
0x44: {  	s13 =	simm.s32 @p2 $0xA  }
0x45: {  	_ =	swait.ge @p2 [sflag:s13], $0x2000  }
0x46: {  	[sflag:s13] =	ssyncset.done @p2 $0x0  }
0x47: {  	s14 =	simm.s32 @p2 $0x7800;
	[sflag:s13] =	ssyncadd.s32 @p2 $0xFFFFE000;
	s13 =	sadd.s32 @p2 $0x80, s11  }
0x48: {  	[tilespmem:s14], [sflag:$0x2] =	stream.indirect.gather @p2 [hbm4b:s4+s12], $0x40, s13, s12, $0xb8;
	[tilespmem:$0x1F480] =	vst v63  }
0x49: {  	s13 =	simm.s32 @p2 $0xB  }
0x4a: {  	_ =	swait.ge @p2 [sflag:s13], $0x2000  }
0x4b: {  	[sflag:s13] =	ssyncset.done @p2 $0x0  }
0x4c: {  	s14 =	simm.s32 @p2 $0x9800;
	[sflag:s13] =	ssyncadd.s32 @p2 $0xFFFFE000;
	s13 =	sadd.s32 @p2 $0x100, s11  }
0x4d: {  	[tilespmem:s14], [sflag:$0x3] =	stream.indirect.gather @p2 [hbm4b:s4+s12], $0x40, s13, s12, $0xb8;
	[tilespmem:$0x1F480] =	vst v63  }
0x4e: {  	s13 =	simm.s32 @p2 $0xC  }
0x4f: {  	_ =	swait.ge @p2 [sflag:s13], $0x2000  }
0x50: {  	[sflag:s13] =	ssyncset.done @p2 $0x0  }
0x51: {  	s14 =	simm.s32 @p2 $0xB800;
	[sflag:s13] =	ssyncadd.s32 @p2 $0xFFFFE000;
	s13 =	sadd.s32 @p2 $0x180, s11  }
0x52: {  	[tilespmem:s14], [sflag:$0x4] =	stream.indirect.gather @p2 [hbm4b:s4+s12], $0x40, s13, s12, $0xb8;
	[tilespmem:$0x1F480] =	vst v63  }
0x53: {  	s13 =	simm.s32 @p2 $0xD  }
0x54: {  	_ =	swait.ge @p2 [sflag:s13], $0x2000  }
0x55: {  	[sflag:s13] =	ssyncset.done @p2 $0x0  }
0x56: {  	s14 =	simm.s32 @p2 $0xD800;
	[sflag:s13] =	ssyncadd.s32 @p2 $0xFFFFE000;
	s13 =	sadd.s32 @p2 $0x200, s11  }
0x57: {  	[tilespmem:s14], [sflag:$0x5] =	stream.indirect.gather @p2 [hbm4b:s4+s12], $0x40, s13, s12, $0xb8;
	[tilespmem:$0x1F480] =	vst v63  }
0x58: {  	s13 =	simm.s32 @p2 $0xE  }
0x59: {  	_ =	swait.ge @p2 [sflag:s13], $0x2000  }
0x5a: {  	[sflag:s13] =	ssyncset.done @p2 $0x0  }
0x5b: {  	s14 =	simm.s32 @p2 $0xF800;
	[sflag:s13] =	ssyncadd.s32 @p2 $0xFFFFE000;
	s13 =	sadd.s32 @p2 $0x280, s11  }
0x5c: {  	[tilespmem:s14], [sflag:$0x6] =	stream.indirect.gather @p2 [hbm4b:s4+s12], $0x40, s13, s12, $0xb8;
	[tilespmem:$0x1F480] =	vst v63  }
0x5d: {  	s13 =	simm.s32 @p2 $0xF  }
0x5e: {  	_ =	swait.ge @p2 [sflag:s13], $0x2000  }
0x5f: {  	[sflag:s13] =	ssyncset.done @p2 $0x0  }
0x60: {  	s11 =	sadd.s32 @p2 $0x300, s11;
	[sflag:s13] =	ssyncadd.s32 @p2 $0xFFFFE000;
	s13 =	simm.s32 @p2 $0x11800  }
0x61: {  	[tilespmem:s13], [sflag:$0x7] =	stream.indirect.gather @p2 [hbm4b:s4+s12], $0x40, s11, s12, $0xb8;
	[tilespmem:$0x1F480] =	vst v63  }
0x62: {  	s11 =	simm.s32 @p2 $0x10  }
0x63: {  	_ =	swait.ge @p2 [sflag:s11], $0x2000  }
0x64: {  	s12 =	simm.s32 @!p2 $0x80;
	[sflag:s11] =	ssyncset.done @p2 $0x0  }
0x65: {  	s13 =	simm.s32 @!p2 $0x5800;
	[sflag:s11] =	ssyncadd.s32 @p2 $0xFFFFE000;
	s11 =	sshra.s32 @!p2 s10, $0x2  }
0x66: {  	[tilespmem:s13], [sflag:$0x1] =	stream.indirect.gather @!p2 [hbm4b:s4+s12], $0x40, s11, s12, $0xb8;
	[tilespmem:$0x1F480] =	vst v63  }
0x67: {  	s11 =	simm.s32 @!p2 $0x7800  }
0x68: {  	[tilespmem:s11], [sflag:$0x2] =	stream.indirect.gather @!p2 [hbm4b:s4+s12], $0x40, s12, s12, $0xb8;
	[tilespmem:$0x1F480] =	vst v63  }
0x69: {  	s13 =	simm.s32 @!p2 $0x9800;
	s11 =	simm.s32 @!p2 $0x100  }
0x6a: {  	[tilespmem:s13], [sflag:$0x3] =	stream.indirect.gather @!p2 [hbm4b:s4+s12], $0x40, s11, s12, $0xb8;
	[tilespmem:$0x1F480] =	vst v63  }
0x6b: {  	s11 =	simm.s32 @!p2 $0x180;
	s13 =	simm.s32 @!p2 $0xB800  }
0x6c: {  	[tilespmem:s13], [sflag:$0x4] =	stream.indirect.gather @!p2 [hbm4b:s4+s12], $0x40, s11, s12, $0xb8;
	[tilespmem:$0x1F480] =	vst v63  }
0x6d: {  	s11 =	simm.s32 @!p2 $0x200;
	s13 =	simm.s32 @!p2 $0xD800  }
0x6e: {  	[tilespmem:s13], [sflag:$0x5] =	stream.indirect.gather @!p2 [hbm4b:s4+s12], $0x40, s11, s12, $0xb8;
	[tilespmem:$0x1F480] =	vst v63  }
0x6f: {  	s11 =	simm.s32 @!p2 $0x280;
	s13 =	simm.s32 @!p2 $0xF800  }
0x70: {  	[tilespmem:s13], [sflag:$0x6] =	stream.indirect.gather @!p2 [hbm4b:s4+s12], $0x40, s11, s12, $0xb8;
	[tilespmem:$0x1F480] =	vst v63  }
0x71: {  	s11 =	simm.s32 @!p2 $0x300;
	s13 =	simm.s32 @!p2 $0x11800  }
0x72: {  	[tilespmem:s13], [sflag:$0x7] =	stream.indirect.gather @!p2 [hbm4b:s4+s12], $0x40, s11, s12, $0xb8;
	[tilespmem:$0x1F480] =	vst v63  }
0x73: {  	s11 =	smov.u32 s9  }
0x74: {  	s11 =	simm.s32 @!p2 $0x380  }
0x75: {  	[tilespmem:s19], [sflag:$0x8] =	stream.indirect.gather [hbm4b:s4+s18], $0x40, s11, s18, $0xb8;
	[tilespmem:$0x1F480] =	vst v63  }
0x76: {  	_ =	swait.ge [sflag:s20], $0x2000  }
0x77: {  	s14 =	sshra.s32 s10, $0x2;
	[sflag:s20] =	ssyncset.done $0x0  }
0x78: {  	s13 =	sadd.s32 $0x2C00, s14;
	s12 =	rddreg [dreg:$0x5];
	[sflag:s20] =	ssyncadd.s32 $0xFFFFE000  }
0x79: {  	[spmem:s2] =	stream.indirect.scatter.add.bf16 [tilespmem:s12], [sflag:$0x9], $0x40, s13, s18, $0xb8;
	[tilespmem:$0x1F480] =	vst v63  }
0x7a: {  	s12 =	sadd.s32 @p2 $0xFFFFFD00, s9;
	_ =	swait.ge [sflag:s21], $0x2000  }
0x7b: {  	s12 =	simm.s32 @!p2 $0x80;
	[sflag:s21] =	ssyncset.done $0x0  }
0x7c: {  	s14 =	rddreg [dreg:$0x6];
	s12 =	sadd.s32 $0x2C00, s12;
	[sflag:s21] =	ssyncadd.s32 $0xFFFFE000  }
0x7d: {  	[spmem:s2] =	stream.indirect.scatter.add.bf16 [tilespmem:s14], [sflag:$0xA], $0x40, s12, s18, $0xb8;
	[tilespmem:$0x1F480] =	vst v63  }
0x7e: {  	s12 =	sadd.s32 @p2 $0xFFFFFD80, s9;
	_ =	swait.ge [sflag:s22], $0x2000  }
0x7f: {  	s12 =	simm.s32 @!p2 $0x100;
	[sflag:s22] =	ssyncset.done $0x0  }
0x80: {  	s14 =	rddreg [dreg:$0x7];
	s12 =	sadd.s32 $0x2C00, s12;
	[sflag:s22] =	ssyncadd.s32 $0xFFFFE000  }
0x81: {  	[spmem:s2] =	stream.indirect.scatter.add.bf16 [tilespmem:s14], [sflag:$0xB], $0x40, s12, s18, $0xb8;
	[tilespmem:$0x1F480] =	vst v63  }
0x82: {  	s12 =	sadd.s32 @p2 $0xFFFFFE00, s9;
	_ =	swait.ge [sflag:s23], $0x2000  }
0x83: {  	s12 =	simm.s32 @!p2 $0x180;
	[sflag:s23] =	ssyncset.done $0x0  }
0x84: {  	s14 =	rddreg [dreg:$0x8];
	s12 =	sadd.s32 $0x2C00, s12;
	[sflag:s23] =	ssyncadd.s32 $0xFFFFE000  }
0x85: {  	[spmem:s2] =	stream.indirect.scatter.add.bf16 [tilespmem:s14], [sflag:$0xC], $0x40, s12, s18, $0xb8;
	[tilespmem:$0x1F480] =	vst v63  }
0x86: {  	s12 =	sadd.s32 @p2 $0xFFFFFE80, s9;
	_ =	swait.ge [sflag:s24], $0x2000  }
0x87: {  	s12 =	simm.s32 @!p2 $0x200;
	[sflag:s24] =	ssyncset.done $0x0  }
0x88: {  	s14 =	rddreg [dreg:$0x9];
	s12 =	sadd.s32 $0x2C00, s12;
	[sflag:s24] =	ssyncadd.s32 $0xFFFFE000  }
0x89: {  	[spmem:s2] =	stream.indirect.scatter.add.bf16 [tilespmem:s14], [sflag:$0xD], $0x40, s12, s18, $0xb8;
	[tilespmem:$0x1F480] =	vst v63  }
0x8a: {  	s12 =	sadd.s32 @p2 $0xFFFFFF00, s9;
	_ =	swait.ge [sflag:s25], $0x2000  }
0x8b: {  	s12 =	simm.s32 @!p2 $0x280;
	[sflag:s25] =	ssyncset.done $0x0  }
0x8c: {  	s14 =	rddreg [dreg:$0xa];
	s12 =	sadd.s32 $0x2C00, s12;
	[sflag:s25] =	ssyncadd.s32 $0xFFFFE000  }
0x8d: {  	[spmem:s2] =	stream.indirect.scatter.add.bf16 [tilespmem:s14], [sflag:$0xE], $0x40, s12, s18, $0xb8;
	[tilespmem:$0x1F480] =	vst v63  }
0x8e: {  	s12 =	sadd.s32 @p2 $0xFFFFFF80, s9;
	_ =	swait.ge [sflag:s26], $0x2000  }
0x8f: {  	s12 =	simm.s32 @!p2 $0x300;
	[sflag:s26] =	ssyncset.done $0x0  }
0x90: {  	s14 =	rddreg [dreg:$0xb];
	s12 =	sadd.s32 $0x2C00, s12;
	[sflag:s26] =	ssyncadd.s32 $0xFFFFE000  }
0x91: {  	[spmem:s2] =	stream.indirect.scatter.add.bf16 [tilespmem:s14], [sflag:$0xF], $0x40, s12, s18, $0xb8;
	[tilespmem:$0x1F480] =	vst v63  }
0x92: {  	_ =	swait.ge [sflag:s28], $0x2000  }
0x93: {  	s10 =	sadd.s32 $0x1000, s10;
	s14 =	rddreg [dreg:$0x4]  }
0x94: {  	p2 =	sne.s32 s14, s10  }
.Ltmp0:
0x95: {  	_ = 	snop;
	(pc) =	sbr.rel @p2 .LBB2_2-.Ltmp0, $4  }
0x96: {  	_ = 	snop  }
0x97: {  	[sflag:s28] =	ssyncset.done $0x0  }
0x98: {  	s11 =	sadd.s32 $0x2C00, s11;
	s9 =	sadd.s32 $0x400, s9;
	[sflag:s28] =	ssyncadd.s32 $0xFFFFE000  }
0x99: {  	[spmem:s2] =	stream.indirect.scatter.add.bf16 [tilespmem:s19], [sflag:$0x10], $0x40, s11, s18, $0xb8;
	[tilespmem:$0x1F480] =	vst v63  }
0x9a: {  	_ =	swait.ge [sflag:s29], $0x2000  }
0x9b: {  	[sflag:s29] =	ssyncset.done $0x0  }
0x9c: {  	[sflag:s29] =	ssyncadd.s32 $0xFFFFE000  }
0x9d: {  	_ =	swait.ge [sflag:s30], $0x2000  }
0x9e: {  	[sflag:s30] =	ssyncset.done $0x0  }
0x9f: {  	[sflag:s30] =	ssyncadd.s32 $0xFFFFE000  }
0xa0: {  	_ =	swait.ge [sflag:s31], $0x2000  }
0xa1: {  	[sflag:s31] =	ssyncset.done $0x0  }
0xa2: {  	[sflag:s31] =	ssyncadd.s32 $0xFFFFE000  }
0xa3: {  	_ =	swait.ge [sflag:s0], $0x2000  }
0xa4: {  	[sflag:s0] =	ssyncset.done $0x0  }
0xa5: {  	[sflag:s0] =	ssyncadd.s32 $0xFFFFE000  }
0xa6: {  	_ =	swait.ge [sflag:s1], $0x2000  }
0xa7: {  	[sflag:s1] =	ssyncset.done $0x0  }
0xa8: {  	[sflag:s1] =	ssyncadd.s32 $0xFFFFE000  }
0xa9: {  	_ =	swait.ge [sflag:s5], $0x2000  }
0xaa: {  	[sflag:s5] =	ssyncset.done $0x0  }
0xab: {  	[sflag:s5] =	ssyncadd.s32 $0xFFFFE000  }
0xac: {  	_ =	swait.ge [sflag:s7], $0x2000  }
0xad: {  	[sflag:s7] =	ssyncset.done $0x0  }
0xae: {  	[sflag:s7] =	ssyncadd.s32 $0xFFFFE000  }
0xaf: {  	_ =	swait.ge [sflag:s8], $0x2000  }
0xb0: {  	[sflag:s8] =	ssyncset.done $0x0  }
0xb1: {  	[sflag:s8] =	ssyncadd.s32 $0xFFFFE000  }
0xb2: {  	[bflag:$0x0] =	sbarrier.arrive $0xFFFF  }
0xb3: {  	s9 =	rddreg [dreg:$0x12]  }
0xb4: {  	[hbm:s9], [sflag:s6] =	dma.local [spmem:s15], $0x1380  }
0xb5: {  	_ =	swait.ge [sflag:s16], $0x1380  }
0xb6: {  	[sflag:s16] =	ssyncset.done $0x0  }
0xb7: {  	s9 =	rddreg [dreg:$0x13];
	[sflag:s16] =	ssyncadd.s32 $0xFFFFEC80  }
0xb8: {  	[hbm:s9], [sflag:s6] =	dma.local @!p0 [spmem:s17], $0x80  }
0xb9: {  	s9 =	simm.s32 @!p0 $0x11  }
0xba: {  	_ =	swait.ge @!p0 [sflag:s9], $0x80  }
0xbb: {  	s3 =	sadd.s32 $0x1, s3;
	s10 =	rddreg [dreg:$0x14]  }
0xbc: {  	p2 =	sne.s32 s3, s10  }
.Ltmp1:
0xbd: {  	_ = 	snop;
	(pc) =	sbr.rel @p2 .LBB2_1-.Ltmp1, $3  }
0xbe: {  	_ =	sdelay $0x1  }
0xbf: {  	[sflag:s9] =	ssyncset.done @!p0 $0x0  }
0xc0: {  	[sflag:s9] =	ssyncadd.s32 @!p0 $0xFFFFFF80  }
0xc1: {  	_ =	sfence.sel $0x180000  }
0xc2: {  	[bflag:$0x0] =	sbarrier.arrive $0xFFFF  }
0xc3: {  	_ =	strace $0x9000004A  }
0xc4: {  	s0 =	stileid.u32;
	[bflag:$0x2] =	sbarrier.arrive $0xFFFF  }
0xc5: {  	p0 =	sne.s32 s0, $0x0;
	s0 =	rddreg [dreg:$0x3]  }
0xc6: {  	s0 =	sadd.s32 @!p0 $0x100000, s0  }
0xc7: {  	[sflag:s0] =	ssyncadd.tile.s32 @!p0 $0x1;
	_ =	shalt  }
.Lfunc_end2:
_tile_overlayer_lowered:
.L_overlay_start_2:
0xc8: {  	(tag) =	ssettag $0x2  }
0xc9: {  	s0 =	rddreg [dreg:$0x0];
	s2 =	stileid.u32  }
0xca: {  	s1 =	rddreg [dreg:$0x1];
	p0 =	sne.s32 s2, $0x0  }
0xcb: {  	s3 =	rddreg [dreg:$0x2];
	[bflag:$0x3] =	sbarrier.arrive $0xFFFF;
	s2 =	simm.s32 @!p0 $0x1C11  }
0xcc: {  	[timem:s3], [sflag:s2] =	dma.local @!p0 [hbm:s0], s1  }
0xcd: {  	s0 =	simm.s32 @!p0 $0x11  }
0xce: {  	_ =	swait.ge @!p0 [sflag:s0], s1  }
0xcf: {  	s1 =	ssub.s32 @!p0 $0x0, s1;
	[sflag:s0] =	ssyncset.done @!p0 $0x0  }
0xd0: {  	[sflag:s0] =	ssyncadd.s32 @!p0 s1  }
0xd1: {  	[bflag:$0x3] =	sbarrier.arrive $0xFFFF  }
0xd2: {  	_ =	shalt  }

// kernel: kernel.14.cloned.1.call-start
scs
__scs_entry_jumppad:
0x0: {  	(pc) =	sbr.rel $0x88, $3  }
0x1: {  	(tag) =	ssettag $0x0;
	lr =	simm.s32 $0x1  }
0x2: {  	[smem:$0x3F9B] =	sst lr;
	_ =	strace $0xD0000000  }
0x3: {  	_ = 	snop  }
0x4: {  	_ = 	snop  }
0x5: {  	_ = 	snop  }
0x6: {  	_ = 	snop  }
0x7: {  	_ = 	snop  }
__scs_overlays_trampoline_lowered:
0x8: {  	[smem:$0x3FAA] =	sst s0  }
0x9: {  	[smem:$0x3FAB] =	sst s1  }
0xa: {  	[smem:$0x3FAC] =	sst s2  }
0xb: {  	[smem:$0x3FAD] =	sst s3  }
0xc: {  	[smem:$0x3FAE] =	sst s4  }
0xd: {  	[smem:$0x3FAF] =	sst s5  }
0xe: {  	[smem:$0x3FB0] =	sst s6  }
0xf: {  	[smem:$0x3FB1] =	sst s7  }
0x10: {  	[smem:$0x3FB2] =	sst s8  }
0x11: {  	[smem:$0x3FB3] =	sst s9;
	s0 =	simm.s32 @!p0 $0x0  }
0x12: {  	s1 =	sld [smem:$0x3F99];
	s0 =	simm.s32 @p0 $0x1  }
0x13: {  	[smem:$0x3FB4] =	sst s0;
	s0 =	simm.s32 @!p1 $0x0  }
0x14: {  	s2 =	sld [smem:$0x3F98];
	s0 =	simm.s32 @p1 $0x1  }
0x15: {  	[smem:$0x3FB5] =	sst s0;
	s0 =	simm.s32 @!p2 $0x0  }
0x16: {  	s3 =	sld [smem:$0x3FDB];
	s0 =	simm.s32 @p2 $0x1  }
0x17: {  	s4 =	simm.s32 $0x1BF5;
	[smem:$0x3FB7] =	sst s0  }
0x18: {  	s0 =	sld [smem:$0x3F9A];
	_ =	swait.ge [sflag:s4], $0x0  }
0x19: {  	s7 =	sld [smem:$0x3F9B]  }
0x1a: {  	s8 =	sadd.s32 $0xFFFFE003, lr  }
0x1b: {  	s9 =	sadd.s32 $0xFFFFFEF7, lr;
	s5 =	simm.s32 $0xFFFFFFFF;
	p2 =	slt.u32 s8, $0xFFFFF086  }
0x1c: {  	p1 =	slt.u32 s9, $0xF7A;
	s5 =	simm.s32 @!p2 $0x0  }
0x1d: {  	s5 =	simm.s32 @p1 $0x1;
	p0 =	seq.s32 s7, s2  }
0x1e: {  	s7 =	smul.u32 @!p0 $0xF7A, s2;
	p2 =	seq.s32 @!p0 s5, $0x0  }
0x1f: {  	s9 =	smul.u32 $0xF7A, s1;
	s8 =	simm.s32 @!p0 $0x1BF5;
	p2 =	por !p2, p0  }
0x20: {  	[sflag:s8] =	ssyncset.s32 @!p0 $0xFFFFF086;
	s6 =	sadd.s32 @!p0 s3, s7;
	s7 =	simm.s32 @!p0 $0x108  }
0x21: {  	s3 =	sadd.s32 s3, s9;
	s6 =	sadd.s32 @!p0 $0x88, s6;
	s7 =	simm.s32 @p2 $0x1082  }
0x22: {  	[simem:s7], [sflag:s8] =	dma.local @!p0 [hbm:s6], $0xF7A  }
0x23: {  	s9 =	sor.u32 $0xD0000000, s2;
	s6 =	simm.s32 $0x108;
	_ =	swait.ge @!p0 [sflag:s8], $0x0  }
0x24: {  	s3 =	sadd.s32 $0x88, s3;
	s6 =	simm.s32 @!p1 $0x1082;
	[sflag:s4] =	ssyncset.s32 $0xFFFFF086  }
0x25: {  	[simem:s6], [sflag:s4] =	dma.local [hbm:s3], $0xF7A  }
0x26: {  	[smem:$0x3F9B] =	sst s1;
	(tag) =	ssettag s2;
	_ =	strace s9  }
0x27: {  	s1 =	sld [smem:$0x3FAB]  }
0x28: {  	s2 =	sld [smem:$0x3FAC]  }
0x29: {  	s4 =	sld [smem:$0x3FAE]  }
0x2a: {  	p0 =	seq.s32 s5, $0x0;
	s5 =	sld [smem:$0x3FAF]  }
0x2b: {  	s6 =	sld [smem:$0x3FB0]  }
0x2c: {  	s7 =	sld [smem:$0x3FB1]  }
0x2d: {  	s3 =	simm.s32 $0x108;
	s8 =	sld [smem:$0x3FB2]  }
0x2e: {  	s3 =	simm.s32 @!p0 $0x1082;
	s9 =	sld [smem:$0x3FB3]  }
0x2f: {  	lr =	sadd.s32 s0, s3;
	s0 =	sld [smem:$0x3FAA]  }
0x30: {  	s3 =	sld [smem:$0x3FAD]  }
0x31: {  	[smem:$0x3FB6] =	sst s10  }
0x32: {  	s10 =	sld [smem:$0x3FB4];
	_ =	sdelay $0x3  }
0x33: {  	p0 =	seq.s32 s10, $0x1;
	s10 =	sld [smem:$0x3FB6];
	_ =	sdelay $0x3  }
0x34: {  	[smem:$0x3FB6] =	sst s10  }
0x35: {  	s10 =	sld [smem:$0x3FB5];
	_ =	sdelay $0x3  }
0x36: {  	p1 =	seq.s32 s10, $0x1;
	s10 =	sld [smem:$0x3FB6];
	_ =	sdelay $0x3  }
0x37: {  	[smem:$0x3FB6] =	sst s10  }
0x38: {  	s10 =	sld [smem:$0x3FB7]  }
0x39: {  	_ = 	snop;
	(pc) =	sbr.ind lr, $3  }
0x3a: {  	_ = 	snop  }
0x3b: {  	_ = 	snop  }
0x3c: {  	p2 =	seq.s32 s10, $0x1;
	s10 =	sld [smem:$0x3FB6]  }
0x3d: {  	_ =	shalt  }
0x3e: {  	_ =	shalt  }
0x3f: {  	_ =	shalt  }
0x40: {  	_ =	shalt  }
0x41: {  	_ =	shalt  }
0x42: {  	_ =	shalt  }
0x43: {  	_ =	shalt  }
0x44: {  	_ =	shalt  }
0x45: {  	_ =	shalt  }
0x46: {  	_ =	shalt  }
0x47: {  	_ =	shalt  }
0x48: {  	_ =	shalt  }
0x49: {  	_ =	shalt  }
0x4a: {  	_ =	shalt  }
0x4b: {  	_ =	shalt  }
0x4c: {  	_ =	shalt  }
0x4d: {  	_ =	shalt  }
0x4e: {  	_ =	shalt  }
0x4f: {  	_ =	shalt  }
0x50: {  	_ =	shalt  }
0x51: {  	_ =	shalt  }
0x52: {  	_ =	shalt  }
0x53: {  	_ =	shalt  }
0x54: {  	_ =	shalt  }
0x55: {  	_ =	shalt  }
0x56: {  	_ =	shalt  }
0x57: {  	_ =	shalt  }
0x58: {  	_ =	shalt  }
0x59: {  	_ =	shalt  }
0x5a: {  	_ =	shalt  }
0x5b: {  	_ =	shalt  }
0x5c: {  	_ =	shalt  }
0x5d: {  	_ =	shalt  }
0x5e: {  	_ =	shalt  }
0x5f: {  	_ =	shalt  }
0x60: {  	_ =	shalt  }
0x61: {  	_ =	shalt  }
0x62: {  	_ =	shalt  }
0x63: {  	_ =	shalt  }
0x64: {  	_ =	shalt  }
0x65: {  	_ =	shalt  }
0x66: {  	_ =	shalt  }
0x67: {  	_ =	shalt  }
0x68: {  	_ =	shalt  }
0x69: {  	_ =	shalt  }
0x6a: {  	_ =	shalt  }
0x6b: {  	_ =	shalt  }
0x6c: {  	_ =	shalt  }
0x6d: {  	_ =	shalt  }
0x6e: {  	_ =	shalt  }
0x6f: {  	_ =	shalt  }
0x70: {  	_ =	shalt  }
0x71: {  	_ =	shalt  }
0x72: {  	_ =	shalt  }
0x73: {  	_ =	shalt  }
0x74: {  	_ =	shalt  }
0x75: {  	_ =	shalt  }
0x76: {  	_ =	shalt  }
0x77: {  	_ =	shalt  }
0x78: {  	_ =	shalt  }
0x79: {  	_ =	shalt  }
0x7a: {  	_ =	shalt  }
0x7b: {  	_ =	shalt  }
0x7c: {  	_ =	shalt  }
0x7d: {  	_ =	shalt  }
0x7e: {  	_ =	shalt  }
0x7f: {  	_ =	shalt  }
0x80: {  	_ =	shalt  }
0x81: {  	_ =	shalt  }
0x82: {  	_ =	shalt  }
0x83: {  	_ =	shalt  }
0x84: {  	_ =	shalt  }
0x85: {  	_ =	shalt  }
0x86: {  	_ =	shalt  }
0x87: {  	_ =	shalt  }
.Lfunc_end0:
.L_simem_size_0:
called_computation.2_lowered:
.L_overlay_start_0:
0x88: {  	s2 =	sld [smem:$0x3FD9]  }
0x89: {  	s3 =	sld [smem:$0x3FFE];
	_ =	sdelay $0x1  }
0x8a: {  	s1 =	srdreg.scid  }
0x8b: {  	s0 =	sand.u32 $0x1, s1  }
0x8c: {  	s17 =	sshll.u32 s0, $0xA;
	s2 =	sadd.s32 s3, s2  }
0x8d: {  	s2 =	sadd.s32 s2, s17  }
0x8e: {  	[smem:$0x3FC2] =	sst s2  }
0x8f: {  	_ = 	snop  }
0x90: {  	s2 =	sld [smem:$0x3FD0];
	(tm) =	ssettm $0x1  }
0x91: {  	s18 =	sld [smem:$0x3FFB];
	_ =	sdelay $0x3  }
0x92: {  	_ =	strace s18  }
0x93: {  	s3 =	sld [smem:$0x3FFC];
	_ =	sdelay $0x3  }
0x94: {  	_ =	strace s3  }
0x95: {  	s3 =	sld [smem:$0x3FFD];
	_ =	sdelay $0x3  }
0x96: {  	_ =	strace s3  }
0x97: {  	_ =	strace $0x8FFFFFFF  }
0x98: {  	s19 =	sld [smem:$0x3FDB];
	_ =	sdelay $0x1  }
0x99: {  	s4 =	simm.s32 $_scs_section_size  }
0x9a: {  	s5 =	simm.s32 $_size__tile_overlayer_lowered;
	s6 =	simm.s32 $_tile_overlayer_lowered  }
0x9b: {  	s22 =	simm.s32 $0x1BFF;
	s21 =	sshll.u32 s6, $0x1;
	s3 =	sadd.s32 s4, s19  }
0x9c: {  	s7 =	simm.s32 $0x0;
	s20 =	sshll.u32 s5, $0x1;
	s5 =	sadd.s32 s21, s3  }
0x9d: {  	[timem:s7], [sflag:s22] =	dma.local [hbm:s5], s20  }
0x9e: {  	_ =	swait.ge [sflag:s22], s20  }
0x9f: {  	s4 =	ssub.s32 $0x0, s20;
	[sflag:s22] =	ssyncset.done $0x0  }
0xa0: {  	[sflag:s22] =	ssyncadd.s32 s4;
	_ =	sdelay $0x1  }
0xa1: {  	s23 =	simm.s32 $0x1B8B  }
0xa2: {  	_ =	swait.ge [sflag:s23], $0x1  }
0xa3: {  	[sflag:s23] =	ssyncset.done $0x0  }
0xa4: {  	s25 =	simm.s32 $0x1B8E;
	s24 =	sld [smem:$0x3FFE];
	[sflag:s23] =	ssyncadd.s32 $0xFFFFFFFF  }
0xa5: {  	s26 =	simm.s32 $execute0_lowered;
	[smem:$0x3FD2] =	sst s25  }
0xa6: {  	s5 =	sshll.u32 s26, $0x1;
	_ =	strace $0x8000004C;
	[dreg:$0x1] =	wrdreg $0xFFFFFFFF  }
0xa7: {  	s28 =	simm.s32 $_size_execute0_lowered;
	s3 =	sadd.s32 s3, s5;
	[dreg:$0x0] =	wrdreg $0x0  }
0xa8: {  	s5 =	sshll.u32 s28, $0x1;
	[dreg:$0x2] =	wrdreg s3  }
0xa9: {  	[dreg:$0x3] =	wrdreg s5  }
0xaa: {  	[dreg:$0x4] =	wrdreg $0xC0  }
0xab: {  	_ =	task [dreg:s7], $0x5FFFF  }
0xac: {  	[dreg:$0x1] =	wrdreg $0xFFFFFFFF  }
0xad: {  	[dreg:$0x0] =	wrdreg $0x60  }
0xae: {  	[dreg:$0x2] =	wrdreg s24  }
0xaf: {  	[dreg:$0x3] =	wrdreg s2  }
0xb0: {  	[dreg:$0x4] =	wrdreg $0xB0000  }
0xb1: {  	[dreg:$0x5] =	wrdreg $0xEAB00  }
0xb2: {  	[dreg:$0x6] =	wrdreg $0x9  }
0xb3: {  	_ =	task.clear_ibuf [dreg:s7], $0x7FFFF;
	_ =	strace $0x9000004C  }
0xb4: {  	s29 =	simm.s32 $0x9;
	_ =	strace $0x8000004E  }
0xb5: {  	_ =	swait.ge [sflag:s29], $0x1  }
0xb6: {  	[sflag:s29] =	ssyncadd.s32 $0xFFFFFFFF  }
0xb7: {  	_ =	strace $0x9000004E  }
0xb8: {  	_ =	sfence  }
0xb9: {  	s30 =	sld [smem:$0x0];
	_ =	sdelay $0x2  }
0xba: {  	s31 =	sshll.u32 s1, $0xD;
	s1 =	sshrl.u32 s1, $0x2  }
0xbb: {  	s3 =	sand.u32 $0x4000, s31;
	s1 =	sadd.s32 s1, s30  }
0xbc: {  	s0 =	sor.u32 s3, s0;
	s1 =	sshll.u32 s1, $0x11  }
0xbd: {  	s0 =	sor.u32 s1, s0  }
0xbe: {  	s0 =	sadd.s32 $0x8F2B, s0  }
0xbf: {  	[sflag:s0] =	ssyncadd.remote.s32 $0x1  }
0xc0: {  	_ =	sfence.sel $0xFFFF  }
0xc1: {  	[dreg:$0x0] =	wrdreg $0xFFFFFFFF;
	(pc) =	sbr.abs _section_cstart, $3  }
0xc2: {  	[dreg:$0x1] =	wrdreg $0xFFFFFFFF  }
0xc3: {  	_ =	task.clear_ibuf [dreg:s7], $0x2FFFF;
	_ =	strace $0x9FFFFFFF  }
0xc4: {  	(tm) =	ssettm $0x7FFFFFFF  }
0xc5: {  	_ =	shalt  }
tec
execute0_lowered:
.L_overlay_start_1:
0x0: {  	(tag) =	ssettag $0x1  }
0x1: {  	s0 =	rddreg [dreg:$0x0]  }
0x2: {  	s1 =	rddreg [dreg:$0x1]  }
0x3: {  	s2 =	rddreg [dreg:$0x2]  }
0x4: {  	s3 =	rddreg [dreg:$0x3];
	s15 =	stileid.u32  }
0x5: {  	s4 =	srdreg.scid;
	s6 =	simm.s32 $0x0;
	s20 =	simm.s32 $0x5000  }
0x6: {  	s21 =	simm.s32 $0x5C00;
	s22 =	simm.s32 $0x6800;
	s28 =	simm.s32 $0x5  }
0x7: {  	s29 =	simm.s32 $0x6;
	s30 =	simm.s32 $0x7;
	s31 =	simm.s32 $0x8  }
0x8: {  	s4 =	sand.u32 $0x1, s4;
	s5 =	sshll.u32 s15, $0x1;
	s7 =	smul.u32 $0x7500, s15  }
0x9: {  	[smem:$0x7FF] =	sst s6;
	s11 =	sadd.s32 $0x1A400, s0;
	s16 =	sadd.s32 $0x12D00, s0  }
0xa: {  	s26 =	sshll.u32 s15, $0x6;
	_ =	strace $0x8000004D;
	[dreg:$0xd] =	wrdreg s16  }
0xb: {  	s14 =	sadd.s32 $0x3A800, s2;
	p0 =	sne.s32 s15, $0xF;
	[dreg:$0x5] =	wrdreg s20  }
0xc: {  	s5 =	sor.u32 s4, s5;
	s8 =	ssub.s32 $0x2, s4;
	[dreg:$0x6] =	wrdreg s21  }
0xd: {  	s6 =	sor.u32 $0x1C11, s26;
	s4 =	smul.u32 $0x75300, s4;
	[dreg:$0x7] =	wrdreg s22  }
0xe: {  	s21 =	simm.s32 $0x80;
	s22 =	simm.s32 $0xA400;
	s26 =	simm.s32 $0x9800  }
0xf: {  	s5 =	smul.u32 $0x500, s5;
	s23 =	sshrl.u32 s7, $0x4;
	s24 =	sshrl.u32 s8, $0x1  }
0x10: {  	s12 =	sshrl.u32 s7, $0x1;
	[dreg:$0xb] =	wrdreg s26;
	s26 =	simm.s32 $0x4  }
0x11: {  	s9 =	sadd.s32 s23, s0;
	s8 =	ssub.s32 s8, s24;
	s13 =	sadd.s32 s12, s2  }
0x12: {  	s16 =	sadd.s32 s7, s4;
	s7 =	sadd.s32 $0x3A800, s3;
	s23 =	simm.s32 $0x7400  }
0x13: {  	s4 =	sshrl.u32 s4, $0x4;
	s24 =	simm.s32 $0x8000;
	[dreg:$0x8] =	wrdreg s23  }
0x14: {  	s10 =	sadd.s32 s5, s0;
	s25 =	sadd.s32 $0xB800, s9;
	[dreg:$0x9] =	wrdreg s24  }
0x15: {  	s1 =	sadd.s32 s1, s5;
	s5 =	sshrl.u32 s16, $0x4;
	[dreg:$0xc] =	wrdreg s25  }
0x16: {  	s0 =	sadd.s32 $0x1A300, s0;
	s18 =	sadd.s32 s11, s4;
	[dreg:$0xf] =	wrdreg s1  }
0x17: {  	s19 =	smax.u32 s8, $0x1;
	s15 =	sshrl.u32 s13, $0x3;
	[dreg:$0x11] =	wrdreg s0  }
0x18: {  	s16 =	simm.s32 $0x11;
	s10 =	sadd.s32 $0x1800, s10;
	[dreg:$0x14] =	wrdreg s19  }
0x19: {  	s23 =	simm.s32 $0x1;
	s17 =	sadd.s32 s11, s5;
	[dreg:$0xe] =	wrdreg s10  }
0x1a: {  	s24 =	simm.s32 $0x2;
	s0 =	sadd.s32 $0x7500, s18;
	[dreg:$0x12] =	wrdreg s17  }
0x1b: {  	s8 =	simm.s32 $0xF;
	s25 =	simm.s32 $0x8C00;
	[dreg:$0x13] =	wrdreg s0  }
0x1c: {  	s10 =	sadd.s32 s12, s3;
	s12 =	sadd.s32 $0x12E00, s9;
	[dreg:$0xa] =	wrdreg s25  }
0x1d: {  	s17 =	sshrl.u32 @!p0 s14, $0x3;
	[dreg:$0x10] =	wrdreg s12;
	s1 =	sshrl.u32 s10, $0x3  }
0x1e: {  	s25 =	simm.s32 $0x3;
	[dreg:$0x15] =	wrdreg s1;
	s1 =	sshrl.u32 @!p0 s7, $0x3  }
0x1f: {  	s9 =	simm.s32 $0x10;
	s10 =	simm.s32 $0x0;
	[dreg:$0x16] =	wrdreg s1  }
.LBB2_1:
0x20: {  	s0 =	rddreg [dreg:$0xc]  }
0x21: {  	[spmem:s15], [sflag:s6] =	dma.local [hbm:s0], $0x750  }
0x22: {  	_ =	swait.ge [sflag:s16], $0x750  }
0x23: {  	[sflag:s16] =	ssyncset.done $0x0  }
0x24: {  	s11 =	simm.s32 @!p0 $0x11;
	s0 =	rddreg [dreg:$0xd];
	[sflag:s16] =	ssyncadd.s32 $0xFFFFF8B0  }
0x25: {  	[spmem:s17], [sflag:s6] =	dma.local @!p0 [hbm:s0], $0x60  }
0x26: {  	_ =	swait.ge @!p0 [sflag:s11], $0x60  }
0x27: {  	[sflag:s11] =	ssyncset.done @!p0 $0x0  }
0x28: {  	s14 =	simm.s32 $0x0;
	s1 =	rddreg [dreg:$0xe];
	[sflag:s11] =	ssyncadd.s32 @!p0 $0xFFFFFFA0  }
0x29: {  	[tilespmem:s14], [sflag:$0x11] =	stream.linear.gather [hbm4b:s1+s14], $0x2800, $0x38;
	[tilespmem:$0x12548] =	vst v63  }
0x2a: {  	_ =	swait.ge [sflag:s16], $0x2800  }
0x2b: {  	[sflag:s16] =	ssyncset.done $0x0  }
0x2c: {  	s4 =	simm.s32 $0x2800;
	s18 =	rddreg [dreg:$0xf];
	[sflag:s16] =	ssyncadd.s32 $0xFFFFD800  }
0x2d: {  	[tilespmem:s4], [sflag:$0x11] =	stream.linear.gather [hbm4b:s18+s14], $0x2800, $0x38;
	[tilespmem:$0x12548] =	vst v63  }
0x2e: {  	_ =	swait.ge [sflag:s16], $0x2800  }
0x2f: {  	[sflag:s16] =	ssyncset.done $0x0;
	s19 =	rddreg [dreg:$0x10]  }
0x30: {  	s20 =	rddreg [dreg:$0x15];
	[sflag:s16] =	ssyncadd.s32 $0xFFFFD800  }
0x31: {  	[spmem:s20], [sflag:s6] =	dma.local [hbm:s19], $0x750  }
0x32: {  	_ =	swait.ge [sflag:s16], $0x750  }
0x33: {  	[sflag:s16] =	ssyncset.done $0x0;
	s0 =	rddreg [dreg:$0x11]  }
0x34: {  	s1 =	rddreg [dreg:$0x16];
	[sflag:s16] =	ssyncadd.s32 $0xFFFFF8B0  }
0x35: {  	[spmem:s1], [sflag:s6] =	dma.local @!p0 [hbm:s0], $0x30  }
0x36: {  	_ =	swait.ge @!p0 [sflag:s11], $0x30  }
0x37: {  	[sflag:s11] =	ssyncset.done @!p0 $0x0  }
0x38: {  	p1 =	por $0x0, $0x0;
	[sflag:s11] =	ssyncadd.s32 @!p0 $0xFFFFFFD0  }
0x39: {  	s11 =	simm.s32 @p1 $0x9;
	[bflag:$0x0] =	sbarrier.arrive $0xFFFF  }
0x3a: {  	_ =	swait.ge @p1 [sflag:s11], $0xC00  }
0x3b: {  	s12 =	simm.s32 @p1 $0x5000;
	s13 =	simm.s32 @p1 $0xA;
	[sflag:s11] =	ssyncset.done @p1 $0x0  }
0x3c: {  	s14 =	simm.s32 @p1 $0x80;
	[sflag:s11] =	ssyncadd.s32 @p1 $0xFFFFF400;
	s11 =	simm.s32 @p1 $0x0  }
0x3d: {  	[tilespmem:s12], [sflag:$0x1] =	stream.indirect.gather @p1 [spmem:s3], $0x18, s11, s14, $0xb8;
	[tilespmem:$0x12548] =	vst v63  }
0x3e: {  	_ =	swait.ge @p1 [sflag:s13], $0xC00  }
0x3f: {  	s11 =	simm.s32 @p1 $0x80;
	[sflag:s13] =	ssyncset.done @p1 $0x0  }
0x40: {  	s12 =	simm.s32 @p1 $0x5C00;
	[sflag:s13] =	ssyncadd.s32 @p1 $0xFFFFF400;
	s13 =	simm.s32 @p1 $0xB  }
0x41: {  	[tilespmem:s12], [sflag:$0x2] =	stream.indirect.gather @p1 [spmem:s3], $0x18, s11, s14, $0xb8;
	[tilespmem:$0x12548] =	vst v63  }
0x42: {  	_ =	swait.ge @p1 [sflag:s13], $0xC00  }
0x43: {  	s11 =	simm.s32 @p1 $0x100;
	[sflag:s13] =	ssyncset.done @p1 $0x0  }
0x44: {  	s12 =	simm.s32 @p1 $0x6800;
	[sflag:s13] =	ssyncadd.s32 @p1 $0xFFFFF400;
	s13 =	simm.s32 @p1 $0xC  }
0x45: {  	[tilespmem:s12], [sflag:$0x3] =	stream.indirect.gather @p1 [spmem:s3], $0x18, s11, s14, $0xb8;
	[tilespmem:$0x12548] =	vst v63  }
0x46: {  	_ =	swait.ge @p1 [sflag:s13], $0xC00  }
0x47: {  	s11 =	simm.s32 @p1 $0x180;
	[sflag:s13] =	ssyncset.done @p1 $0x0  }
0x48: {  	s12 =	simm.s32 @p1 $0x7400;
	[sflag:s13] =	ssyncadd.s32 @p1 $0xFFFFF400;
	s13 =	simm.s32 @p1 $0xD  }
0x49: {  	[tilespmem:s12], [sflag:$0x4] =	stream.indirect.gather @p1 [spmem:s3], $0x18, s11, s14, $0xb8;
	[tilespmem:$0x12548] =	vst v63  }
0x4a: {  	_ =	swait.ge @p1 [sflag:s13], $0xC00  }
0x4b: {  	s11 =	simm.s32 @p1 $0x200;
	[sflag:s13] =	ssyncset.done @p1 $0x0  }
0x4c: {  	s12 =	simm.s32 @p1 $0x8000;
	[sflag:s13] =	ssyncadd.s32 @p1 $0xFFFFF400;
	s13 =	simm.s32 @p1 $0xE  }
0x4d: {  	[tilespmem:s12], [sflag:$0x5] =	stream.indirect.gather @p1 [spmem:s3], $0x18, s11, s14, $0xb8;
	[tilespmem:$0x12548] =	vst v63  }
0x4e: {  	_ =	swait.ge @p1 [sflag:s13], $0xC00  }
0x4f: {  	s11 =	simm.s32 @p1 $0x280;
	[sflag:s13] =	ssyncset.done @p1 $0x0  }
0x50: {  	s12 =	simm.s32 @p1 $0x8C00;
	[sflag:s13] =	ssyncadd.s32 @p1 $0xFFFFF400;
	s13 =	simm.s32 @p1 $0xF  }
0x51: {  	[tilespmem:s12], [sflag:$0x6] =	stream.indirect.gather @p1 [spmem:s3], $0x18, s11, s14, $0xb8;
	[tilespmem:$0x12548] =	vst v63  }
0x52: {  	_ =	swait.ge @p1 [sflag:s13], $0xC00  }
0x53: {  	s11 =	simm.s32 @p1 $0x300;
	[sflag:s13] =	ssyncset.done @p1 $0x0  }
0x54: {  	s12 =	simm.s32 @p1 $0x9800;
	[sflag:s13] =	ssyncadd.s32 @p1 $0xFFFFF400;
	s13 =	simm.s32 @p1 $0x10  }
0x55: {  	[tilespmem:s12], [sflag:$0x7] =	stream.indirect.gather @p1 [spmem:s3], $0x18, s11, s14, $0xb8;
	[tilespmem:$0x12548] =	vst v63  }
0x56: {  	_ =	swait.ge @p1 [sflag:s13], $0xC00  }
0x57: {  	s11 =	simm.s32 @!p1 $0x5000;
	[sflag:s13] =	ssyncset.done @p1 $0x0  }
0x58: {  	s12 =	simm.s32 @!p1 $0x0;
	[sflag:s13] =	ssyncadd.s32 @p1 $0xFFFFF400;
	s13 =	simm.s32 @!p1 $0x80  }
0x59: {  	[tilespmem:s11], [sflag:$0x1] =	stream.indirect.gather @!p1 [spmem:s3], $0x18, s12, s13, $0xb8;
	[tilespmem:$0x12548] =	vst v63  }
0x5a: {  	s11 =	simm.s32 @!p1 $0x5C00  }
0x5b: {  	[tilespmem:s11], [sflag:$0x2] =	stream.indirect.gather @!p1 [spmem:s3], $0x18, s13, s13, $0xb8;
	[tilespmem:$0x12548] =	vst v63  }
0x5c: {  	s12 =	simm.s32 @!p1 $0x6800;
	s11 =	simm.s32 @!p1 $0x100  }
0x5d: {  	[tilespmem:s12], [sflag:$0x3] =	stream.indirect.gather @!p1 [spmem:s3], $0x18, s11, s13, $0xb8;
	[tilespmem:$0x12548] =	vst v63  }
0x5e: {  	s11 =	simm.s32 @!p1 $0x180;
	s12 =	simm.s32 @!p1 $0x7400  }
0x5f: {  	[tilespmem:s12], [sflag:$0x4] =	stream.indirect.gather @!p1 [spmem:s3], $0x18, s11, s13, $0xb8;
	[tilespmem:$0x12548] =	vst v63  }
0x60: {  	s11 =	simm.s32 @!p1 $0x200;
	s12 =	simm.s32 @!p1 $0x8000  }
0x61: {  	[tilespmem:s12], [sflag:$0x5] =	stream.indirect.gather @!p1 [spmem:s3], $0x18, s11, s13, $0xb8;
	[tilespmem:$0x12548] =	vst v63  }
0x62: {  	s11 =	simm.s32 @!p1 $0x280;
	s12 =	simm.s32 @!p1 $0x8C00  }
0x63: {  	[tilespmem:s12], [sflag:$0x6] =	stream.indirect.gather @!p1 [spmem:s3], $0x18, s11, s13, $0xb8;
	[tilespmem:$0x12548] =	vst v63  }
0x64: {  	s14 =	simm.s32 @!p1 $0x9800;
	s11 =	simm.s32 $0x380;
	s12 =	simm.s32 @!p1 $0x300  }
0x65: {  	[tilespmem:s14], [sflag:$0x7] =	stream.indirect.gather @!p1 [spmem:s3], $0x18, s12, s13, $0xb8;
	[tilespmem:$0x12548] =	vst v63  }
0x66: {  	s11 =	simm.s32 @!p1 $0x380  }
0x67: {  	[tilespmem:s22], [sflag:$0x8] =	stream.indirect.gather [spmem:s3], $0x18, s11, s21, $0xb8;
	[tilespmem:$0x12548] =	vst v63  }
0x68: {  	_ =	swait.ge [sflag:s23], $0xC00  }
0x69: {  	[sflag:s23] =	ssyncset.done $0x0  }
0x6a: {  	s4 =	simm.s32 $0x2800;
	s1 =	rddreg [dreg:$0x5];
	[sflag:s23] =	ssyncadd.s32 $0xFFFFF400  }
0x6b: {  	[spmem:s2] =	stream.indirect.scatter.add.bf16 [tilespmem:s1], [sflag:$0x9], $0x18, s4, s21, $0xb8;
	[tilespmem:$0x12548] =	vst v63  }
0x6c: {  	s12 =	simm.s32 @p1 $0x80;
	_ =	swait.ge [sflag:s24], $0xC00  }
0x6d: {  	s12 =	simm.s32 @!p1 $0x80;
	[sflag:s24] =	ssyncset.done $0x0  }
0x6e: {  	s12 =	sadd.s32 $0x2800, s12;
	s5 =	rddreg [dreg:$0x6];
	[sflag:s24] =	ssyncadd.s32 $0xFFFFF400  }
0x6f: {  	[spmem:s2] =	stream.indirect.scatter.add.bf16 [tilespmem:s5], [sflag:$0xA], $0x18, s12, s21, $0xb8;
	[tilespmem:$0x12548] =	vst v63  }
0x70: {  	s12 =	simm.s32 @p1 $0x100;
	_ =	swait.ge [sflag:s25], $0xC00  }
0x71: {  	s12 =	simm.s32 @!p1 $0x100;
	[sflag:s25] =	ssyncset.done $0x0  }
0x72: {  	s7 =	rddreg [dreg:$0x7];
	s12 =	sadd.s32 $0x2800, s12;
	[sflag:s25] =	ssyncadd.s32 $0xFFFFF400  }
0x73: {  	[spmem:s2] =	stream.indirect.scatter.add.bf16 [tilespmem:s7], [sflag:$0xB], $0x18, s12, s21, $0xb8;
	[tilespmem:$0x12548] =	vst v63  }
0x74: {  	s12 =	simm.s32 @p1 $0x180;
	_ =	swait.ge [sflag:s26], $0xC00  }
0x75: {  	s12 =	simm.s32 @!p1 $0x180;
	[sflag:s26] =	ssyncset.done $0x0  }
0x76: {  	s14 =	rddreg [dreg:$0x8];
	s12 =	sadd.s32 $0x2800, s12;
	[sflag:s26] =	ssyncadd.s32 $0xFFFFF400  }
0x77: {  	[spmem:s2] =	stream.indirect.scatter.add.bf16 [tilespmem:s14], [sflag:$0xC], $0x18, s12, s21, $0xb8;
	[tilespmem:$0x12548] =	vst v63  }
0x78: {  	s12 =	simm.s32 @p1 $0x200;
	_ =	swait.ge [sflag:s28], $0xC00  }
0x79: {  	s12 =	simm.s32 @!p1 $0x200;
	[sflag:s28] =	ssyncset.done $0x0  }
0x7a: {  	s18 =	rddreg [dreg:$0x9];
	s12 =	sadd.s32 $0x2800, s12;
	[sflag:s28] =	ssyncadd.s32 $0xFFFFF400  }
0x7b: {  	[spmem:s2] =	stream.indirect.scatter.add.bf16 [tilespmem:s18], [sflag:$0xD], $0x18, s12, s21, $0xb8;
	[tilespmem:$0x12548] =	vst v63  }
0x7c: {  	s12 =	simm.s32 @p1 $0x280;
	_ =	swait.ge [sflag:s29], $0xC00  }
0x7d: {  	s13 =	simm.s32 @p1 $0x300;
	s12 =	simm.s32 @!p1 $0x280;
	[sflag:s29] =	ssyncset.done $0x0  }
0x7e: {  	s19 =	rddreg [dreg:$0xa];
	s12 =	sadd.s32 $0x2800, s12;
	[sflag:s29] =	ssyncadd.s32 $0xFFFFF400  }
0x7f: {  	[spmem:s2] =	stream.indirect.scatter.add.bf16 [tilespmem:s19], [sflag:$0xE], $0x18, s12, s21, $0xb8;
	[tilespmem:$0x12548] =	vst v63  }
0x80: {  	s13 =	simm.s32 @!p1 $0x300;
	_ =	swait.ge [sflag:s30], $0xC00  }
0x81: {  	s13 =	sadd.s32 $0x2800, s13;
	[sflag:s30] =	ssyncset.done $0x0  }
0x82: {  	s11 =	sadd.s32 $0x2800, s11;
	s20 =	rddreg [dreg:$0xb];
	[sflag:s30] =	ssyncadd.s32 $0xFFFFF400  }
0x83: {  	[spmem:s2] =	stream.indirect.scatter.add.bf16 [tilespmem:s20], [sflag:$0xF], $0x18, s13, s21, $0xb8;
	[tilespmem:$0x12548] =	vst v63  }
0x84: {  	p1 =	por $0x1, $0x1;
	s12 =	simm.s32 $0x1000;
	_ =	swait.ge [sflag:s31], $0xC00  }
0x85: {  	s19 =	simm.s32 $0x780;
	s13 =	simm.s32 $0x2000;
	[sflag:s31] =	ssyncset.done $0x0  }
.LBB2_2:
0x86: {  	s20 =	simm.s32 @p1 $0x9;
	[sflag:s31] =	ssyncadd.s32 $0xFFFFF400  }
0x87: {  	[spmem:s2] =	stream.indirect.scatter.add.bf16 [tilespmem:s22], [sflag:$0x10], $0x18, s11, s21, $0xb8;
	[tilespmem:$0x12548] =	vst v63  }
0x88: {  	_ =	swait.ge @p1 [sflag:s20], $0xC00  }
0x89: {  	s0 =	simm.s32 @p1 $0x5000;
	s1 =	simm.s32 @p1 $0xA;
	[sflag:s20] =	ssyncset.done @p1 $0x0  }
0x8a: {  	s11 =	simm.s32 @p1 $0x80;
	[sflag:s20] =	ssyncadd.s32 @p1 $0xFFFFF400;
	s20 =	sshra.s32 @p1 s12, $0x2  }
0x8b: {  	[tilespmem:s0], [sflag:$0x1] =	stream.indirect.gather @p1 [spmem:s3], $0x18, s20, s11, $0xb8;
	[tilespmem:$0x12548] =	vst v63  }
0x8c: {  	_ =	swait.ge @p1 [sflag:s1], $0xC00  }
0x8d: {  	s7 =	simm.s32 @p1 $0xB;
	s0 =	sadd.s32 @p1 $0x80, s20;
	[sflag:s1] =	ssyncset.done @p1 $0x0  }
0x8e: {  	s18 =	sadd.s32 @p1 $0x100, s20;
	[sflag:s1] =	ssyncadd.s32 @p1 $0xFFFFF400;
	s1 =	simm.s32 @p1 $0x5C00  }
0x8f: {  	[tilespmem:s1], [sflag:$0x2] =	stream.indirect.gather @p1 [spmem:s3], $0x18, s0, s11, $0xb8;
	[tilespmem:$0x12548] =	vst v63  }
0x90: {  	s4 =	sadd.s32 @p1 $0x180, s20;
	s5 =	sadd.s32 @p1 $0x200, s20;
	_ =	swait.ge @p1 [sflag:s7], $0xC00  }
0x91: {  	s0 =	sadd.s32 @p1 $0x280, s20;
	s1 =	sadd.s32 @p1 $0x300, s20;
	[sflag:s7] =	ssyncset.done @p1 $0x0  }
0x92: {  	s20 =	simm.s32 @p1 $0xC;
	[sflag:s7] =	ssyncadd.s32 @p1 $0xFFFFF400;
	s7 =	simm.s32 @p1 $0x6800  }
0x93: {  	[tilespmem:s7], [sflag:$0x3] =	stream.indirect.gather @p1 [spmem:s3], $0x18, s18, s11, $0xb8;
	[tilespmem:$0x12548] =	vst v63  }
0x94: {  	_ =	swait.ge @p1 [sflag:s20], $0xC00  }
0x95: {  	[sflag:s20] =	ssyncset.done @p1 $0x0  }
0x96: {  	s7 =	simm.s32 @p1 $0x7400;
	s18 =	simm.s32 @p1 $0xD;
	[sflag:s20] =	ssyncadd.s32 @p1 $0xFFFFF400  }
0x97: {  	[tilespmem:s7], [sflag:$0x4] =	stream.indirect.gather @p1 [spmem:s3], $0x18, s4, s11, $0xb8;
	[tilespmem:$0x12548] =	vst v63  }
0x98: {  	_ =	swait.ge @p1 [sflag:s18], $0xC00  }
0x99: {  	[sflag:s18] =	ssyncset.done @p1 $0x0  }
0x9a: {  	s4 =	simm.s32 @p1 $0x8000;
	s7 =	simm.s32 @p1 $0xE;
	[sflag:s18] =	ssyncadd.s32 @p1 $0xFFFFF400  }
0x9b: {  	[tilespmem:s4], [sflag:$0x5] =	stream.indirect.gather @p1 [spmem:s3], $0x18, s5, s11, $0xb8;
	[tilespmem:$0x12548] =	vst v63  }
0x9c: {  	_ =	swait.ge @p1 [sflag:s7], $0xC00  }
0x9d: {  	[sflag:s7] =	ssyncset.done @p1 $0x0  }
0x9e: {  	s4 =	simm.s32 @p1 $0x8C00;
	s5 =	simm.s32 @p1 $0xF;
	[sflag:s7] =	ssyncadd.s32 @p1 $0xFFFFF400  }
0x9f: {  	[tilespmem:s4], [sflag:$0x6] =	stream.indirect.gather @p1 [spmem:s3], $0x18, s0, s11, $0xb8;
	[tilespmem:$0x12548] =	vst v63  }
0xa0: {  	_ =	swait.ge @p1 [sflag:s5], $0xC00  }
0xa1: {  	[sflag:s5] =	ssyncset.done @p1 $0x0  }
0xa2: {  	s0 =	simm.s32 @p1 $0x9800;
	s4 =	simm.s32 @p1 $0x10;
	[sflag:s5] =	ssyncadd.s32 @p1 $0xFFFFF400  }
0xa3: {  	[tilespmem:s0], [sflag:$0x7] =	stream.indirect.gather @p1 [spmem:s3], $0x18, s1, s11, $0xb8;
	[tilespmem:$0x12548] =	vst v63  }
0xa4: {  	_ =	swait.ge @p1 [sflag:s4], $0xC00  }
0xa5: {  	s0 =	simm.s32 @!p1 $0x5000;
	[sflag:s4] =	ssyncset.done @p1 $0x0  }
0xa6: {  	s1 =	sshra.s32 @!p1 s12, $0x2;
	[sflag:s4] =	ssyncadd.s32 @p1 $0xFFFFF400;
	s4 =	simm.s32 @!p1 $0x80  }
0xa7: {  	[tilespmem:s0], [sflag:$0x1] =	stream.indirect.gather @!p1 [spmem:s3], $0x18, s1, s4, $0xb8;
	[tilespmem:$0x12548] =	vst v63  }
0xa8: {  	s0 =	simm.s32 @!p1 $0x5C00  }
0xa9: {  	[tilespmem:s0], [sflag:$0x2] =	stream.indirect.gather @!p1 [spmem:s3], $0x18, s4, s4, $0xb8;
	[tilespmem:$0x12548] =	vst v63  }
0xaa: {  	s1 =	simm.s32 @!p1 $0x6800;
	s0 =	simm.s32 @!p1 $0x100  }
0xab: {  	[tilespmem:s1], [sflag:$0x3] =	stream.indirect.gather @!p1 [spmem:s3], $0x18, s0, s4, $0xb8;
	[tilespmem:$0x12548] =	vst v63  }
0xac: {  	s0 =	simm.s32 @!p1 $0x180;
	s1 =	simm.s32 @!p1 $0x7400  }
0xad: {  	[tilespmem:s1], [sflag:$0x4] =	stream.indirect.gather @!p1 [spmem:s3], $0x18, s0, s4, $0xb8;
	[tilespmem:$0x12548] =	vst v63  }
0xae: {  	s0 =	simm.s32 @!p1 $0x200;
	s1 =	simm.s32 @!p1 $0x8000  }
0xaf: {  	[tilespmem:s1], [sflag:$0x5] =	stream.indirect.gather @!p1 [spmem:s3], $0x18, s0, s4, $0xb8;
	[tilespmem:$0x12548] =	vst v63  }
0xb0: {  	s0 =	simm.s32 @!p1 $0x280;
	s1 =	simm.s32 @!p1 $0x8C00  }
0xb1: {  	[tilespmem:s1], [sflag:$0x6] =	stream.indirect.gather @!p1 [spmem:s3], $0x18, s0, s4, $0xb8;
	[tilespmem:$0x12548] =	vst v63  }
0xb2: {  	s11 =	smov.u32 s19;
	s0 =	simm.s32 @!p1 $0x300;
	s1 =	simm.s32 @!p1 $0x9800  }
0xb3: {  	[tilespmem:s1], [sflag:$0x7] =	stream.indirect.gather @!p1 [spmem:s3], $0x18, s0, s4, $0xb8;
	[tilespmem:$0x12548] =	vst v63  }
0xb4: {  	s11 =	simm.s32 @!p1 $0x380  }
0xb5: {  	[tilespmem:s22], [sflag:$0x8] =	stream.indirect.gather [spmem:s3], $0x18, s11, s21, $0xb8;
	[tilespmem:$0x12548] =	vst v63  }
0xb6: {  	_ =	swait.ge [sflag:s23], $0xC00  }
0xb7: {  	s20 =	sshra.s32 s12, $0x2;
	[sflag:s23] =	ssyncset.done $0x0  }
0xb8: {  	s1 =	sadd.s32 $0x2800, s20;
	s18 =	rddreg [dreg:$0x5];
	[sflag:s23] =	ssyncadd.s32 $0xFFFFF400  }
0xb9: {  	[spmem:s2] =	stream.indirect.scatter.add.bf16 [tilespmem:s18], [sflag:$0x9], $0x18, s1, s21, $0xb8;
	[tilespmem:$0x12548] =	vst v63  }
0xba: {  	s0 =	sadd.s32 @p1 $0xFFFFFD00, s19;
	_ =	swait.ge [sflag:s24], $0xC00  }
0xbb: {  	s0 =	simm.s32 @!p1 $0x80;
	[sflag:s24] =	ssyncset.done $0x0  }
0xbc: {  	s0 =	sadd.s32 $0x2800, s0;
	s4 =	rddreg [dreg:$0x6];
	[sflag:s24] =	ssyncadd.s32 $0xFFFFF400  }
0xbd: {  	[spmem:s2] =	stream.indirect.scatter.add.bf16 [tilespmem:s4], [sflag:$0xA], $0x18, s0, s21, $0xb8;
	[tilespmem:$0x12548] =	vst v63  }
0xbe: {  	s0 =	sadd.s32 @p1 $0xFFFFFD80, s19;
	_ =	swait.ge [sflag:s25], $0xC00  }
0xbf: {  	s0 =	simm.s32 @!p1 $0x100;
	[sflag:s25] =	ssyncset.done $0x0  }
0xc0: {  	s5 =	rddreg [dreg:$0x7];
	s0 =	sadd.s32 $0x2800, s0;
	[sflag:s25] =	ssyncadd.s32 $0xFFFFF400  }
0xc1: {  	[spmem:s2] =	stream.indirect.scatter.add.bf16 [tilespmem:s5], [sflag:$0xB], $0x18, s0, s21, $0xb8;
	[tilespmem:$0x12548] =	vst v63  }
0xc2: {  	s0 =	sadd.s32 @p1 $0xFFFFFE00, s19;
	_ =	swait.ge [sflag:s26], $0xC00  }
0xc3: {  	s0 =	simm.s32 @!p1 $0x180;
	[sflag:s26] =	ssyncset.done $0x0  }
0xc4: {  	s7 =	rddreg [dreg:$0x8];
	s0 =	sadd.s32 $0x2800, s0;
	[sflag:s26] =	ssyncadd.s32 $0xFFFFF400  }
0xc5: {  	[spmem:s2] =	stream.indirect.scatter.add.bf16 [tilespmem:s7], [sflag:$0xC], $0x18, s0, s21, $0xb8;
	[tilespmem:$0x12548] =	vst v63  }
0xc6: {  	s14 =	smov.u32 s13;
	s0 =	sadd.s32 @p1 $0xFFFFFE80, s19;
	_ =	swait.ge [sflag:s28], $0xC00  }
0xc7: {  	s12 =	smov.u32 s14;
	s0 =	simm.s32 @!p1 $0x200;
	[sflag:s28] =	ssyncset.done $0x0  }
0xc8: {  	s14 =	rddreg [dreg:$0x9];
	s0 =	sadd.s32 $0x2800, s0;
	[sflag:s28] =	ssyncadd.s32 $0xFFFFF400  }
0xc9: {  	[spmem:s2] =	stream.indirect.scatter.add.bf16 [tilespmem:s14], [sflag:$0xD], $0x18, s0, s21, $0xb8;
	[tilespmem:$0x12548] =	vst v63  }
0xca: {  	s0 =	sadd.s32 @p1 $0xFFFFFF00, s19;
	_ =	swait.ge [sflag:s29], $0xC00  }
0xcb: {  	s13 =	sadd.s32 $0x1000, s13;
	s0 =	simm.s32 @!p1 $0x280;
	[sflag:s29] =	ssyncset.done $0x0  }
0xcc: {  	s18 =	rddreg [dreg:$0xa];
	s0 =	sadd.s32 $0x2800, s0;
	[sflag:s29] =	ssyncadd.s32 $0xFFFFF400  }
0xcd: {  	[spmem:s2] =	stream.indirect.scatter.add.bf16 [tilespmem:s18], [sflag:$0xE], $0x18, s0, s21, $0xb8;
	[tilespmem:$0x12548] =	vst v63  }
0xce: {  	p2 =	sne.s32 s13, $0xA000;
	s0 =	sadd.s32 @p1 $0xFFFFFF80, s19;
	_ =	swait.ge [sflag:s30], $0xC00  }
.Ltmp0:
0xcf: {  	s0 =	simm.s32 @!p1 $0x300;
	[sflag:s30] =	ssyncset.done $0x0;
	(pc) =	sbr.rel @p2 .LBB2_2-.Ltmp0, $4  }
0xd0: {  	s20 =	rddreg [dreg:$0xb];
	s0 =	sadd.s32 $0x2800, s0;
	[sflag:s30] =	ssyncadd.s32 $0xFFFFF400  }
0xd1: {  	[spmem:s2] =	stream.indirect.scatter.add.bf16 [tilespmem:s20], [sflag:$0xF], $0x18, s0, s21, $0xb8;
	[tilespmem:$0x12548] =	vst v63  }
0xd2: {  	s11 =	sadd.s32 $0x2800, s11;
	_ =	swait.ge [sflag:s31], $0xC00  }
0xd3: {  	s19 =	sadd.s32 $0x400, s19;
	p1 =	sne.s32 s12, $0x0;
	[sflag:s31] =	ssyncset.done $0x0  }
0xd4: {  	s0 =	simm.s32 @p1 $0x9;
	[sflag:s31] =	ssyncadd.s32 $0xFFFFF400  }
0xd5: {  	[spmem:s2] =	stream.indirect.scatter.add.bf16 [tilespmem:s22], [sflag:$0x10], $0x18, s11, s21, $0xb8;
	[tilespmem:$0x12548] =	vst v63  }
0xd6: {  	_ =	swait.ge @p1 [sflag:s0], $0xC00  }
0xd7: {  	s1 =	simm.s32 @p1 $0x5000;
	s4 =	simm.s32 @p1 $0xA;
	[sflag:s0] =	ssyncset.done @p1 $0x0  }
0xd8: {  	s5 =	simm.s32 @p1 $0x80;
	[sflag:s0] =	ssyncadd.s32 @p1 $0xFFFFF400;
	s0 =	sshra.s32 @p1 s12, $0x2  }
0xd9: {  	[tilespmem:s1], [sflag:$0x1] =	stream.indirect.gather @p1 [spmem:s3], $0x18, s0, s5, $0xb8;
	[tilespmem:$0x12548] =	vst v63  }
0xda: {  	_ =	swait.ge @p1 [sflag:s4], $0xC00  }
0xdb: {  	[sflag:s4] =	ssyncset.done @p1 $0x0  }
0xdc: {  	s1 =	sadd.s32 @p1 $0x80, s0;
	[sflag:s4] =	ssyncadd.s32 @p1 $0xFFFFF400;
	s4 =	simm.s32 @p1 $0x5C00  }
0xdd: {  	[tilespmem:s4], [sflag:$0x2] =	stream.indirect.gather @p1 [spmem:s3], $0x18, s1, s5, $0xb8;
	[tilespmem:$0x12548] =	vst v63  }
0xde: {  	s1 =	simm.s32 @p1 $0xB  }
0xdf: {  	_ =	swait.ge @p1 [sflag:s1], $0xC00  }
0xe0: {  	[sflag:s1] =	ssyncset.done @p1 $0x0  }
0xe1: {  	s4 =	sadd.s32 @p1 $0x100, s0;
	[sflag:s1] =	ssyncadd.s32 @p1 $0xFFFFF400;
	s1 =	simm.s32 @p1 $0x6800  }
0xe2: {  	[tilespmem:s1], [sflag:$0x3] =	stream.indirect.gather @p1 [spmem:s3], $0x18, s4, s5, $0xb8;
	[tilespmem:$0x12548] =	vst v63  }
0xe3: {  	s1 =	simm.s32 @p1 $0xC  }
0xe4: {  	_ =	swait.ge @p1 [sflag:s1], $0xC00  }
0xe5: {  	[sflag:s1] =	ssyncset.done @p1 $0x0  }
0xe6: {  	s4 =	sadd.s32 @p1 $0x180, s0;
	[sflag:s1] =	ssyncadd.s32 @p1 $0xFFFFF400;
	s1 =	simm.s32 @p1 $0x7400  }
0xe7: {  	[tilespmem:s1], [sflag:$0x4] =	stream.indirect.gather @p1 [spmem:s3], $0x18, s4, s5, $0xb8;
	[tilespmem:$0x12548] =	vst v63  }
0xe8: {  	s1 =	simm.s32 @p1 $0xD  }
0xe9: {  	_ =	swait.ge @p1 [sflag:s1], $0xC00  }
0xea: {  	[sflag:s1] =	ssyncset.done @p1 $0x0  }
0xeb: {  	s4 =	sadd.s32 @p1 $0x200, s0;
	[sflag:s1] =	ssyncadd.s32 @p1 $0xFFFFF400;
	s1 =	simm.s32 @p1 $0x8000  }
0xec: {  	[tilespmem:s1], [sflag:$0x5] =	stream.indirect.gather @p1 [spmem:s3], $0x18, s4, s5, $0xb8;
	[tilespmem:$0x12548] =	vst v63  }
0xed: {  	s1 =	simm.s32 @p1 $0xE  }
0xee: {  	_ =	swait.ge @p1 [sflag:s1], $0xC00  }
0xef: {  	[sflag:s1] =	ssyncset.done @p1 $0x0  }
0xf0: {  	s4 =	sadd.s32 @p1 $0x280, s0;
	[sflag:s1] =	ssyncadd.s32 @p1 $0xFFFFF400;
	s1 =	simm.s32 @p1 $0x8C00  }
0xf1: {  	[tilespmem:s1], [sflag:$0x6] =	stream.indirect.gather @p1 [spmem:s3], $0x18, s4, s5, $0xb8;
	[tilespmem:$0x12548] =	vst v63  }
0xf2: {  	s1 =	simm.s32 @p1 $0xF  }
0xf3: {  	_ =	swait.ge @p1 [sflag:s1], $0xC00  }
0xf4: {  	[sflag:s1] =	ssyncset.done @p1 $0x0  }
0xf5: {  	s0 =	sadd.s32 @p1 $0x300, s0;
	[sflag:s1] =	ssyncadd.s32 @p1 $0xFFFFF400;
	s1 =	simm.s32 @p1 $0x9800  }
0xf6: {  	[tilespmem:s1], [sflag:$0x7] =	stream.indirect.gather @p1 [spmem:s3], $0x18, s0, s5, $0xb8;
	[tilespmem:$0x12548] =	vst v63  }
0xf7: {  	s0 =	simm.s32 @p1 $0x10  }
0xf8: {  	_ =	swait.ge @p1 [sflag:s0], $0xC00  }
0xf9: {  	s4 =	simm.s32 @!p1 $0x80;
	[sflag:s0] =	ssyncset.done @p1 $0x0  }
0xfa: {  	s1 =	simm.s32 @!p1 $0x5000;
	[sflag:s0] =	ssyncadd.s32 @p1 $0xFFFFF400;
	s0 =	sshra.s32 @!p1 s12, $0x2  }
0xfb: {  	[tilespmem:s1], [sflag:$0x1] =	stream.indirect.gather @!p1 [spmem:s3], $0x18, s0, s4, $0xb8;
	[tilespmem:$0x12548] =	vst v63  }
0xfc: {  	s0 =	simm.s32 @!p1 $0x5C00  }
0xfd: {  	[tilespmem:s0], [sflag:$0x2] =	stream.indirect.gather @!p1 [spmem:s3], $0x18, s4, s4, $0xb8;
	[tilespmem:$0x12548] =	vst v63  }
0xfe: {  	s1 =	simm.s32 @!p1 $0x6800;
	s0 =	simm.s32 @!p1 $0x100  }
0xff: {  	[tilespmem:s1], [sflag:$0x3] =	stream.indirect.gather @!p1 [spmem:s3], $0x18, s0, s4, $0xb8;
	[tilespmem:$0x12548] =	vst v63  }
0x100: {  	s0 =	simm.s32 @!p1 $0x180;
	s1 =	simm.s32 @!p1 $0x7400  }
0x101: {  	[tilespmem:s1], [sflag:$0x4] =	stream.indirect.gather @!p1 [spmem:s3], $0x18, s0, s4, $0xb8;
	[tilespmem:$0x12548] =	vst v63  }
0x102: {  	s0 =	simm.s32 @!p1 $0x200;
	s1 =	simm.s32 @!p1 $0x8000  }
0x103: {  	[tilespmem:s1], [sflag:$0x5] =	stream.indirect.gather @!p1 [spmem:s3], $0x18, s0, s4, $0xb8;
	[tilespmem:$0x12548] =	vst v63  }
0x104: {  	s0 =	simm.s32 @!p1 $0x280;
	s1 =	simm.s32 @!p1 $0x8C00  }
0x105: {  	[tilespmem:s1], [sflag:$0x6] =	stream.indirect.gather @!p1 [spmem:s3], $0x18, s0, s4, $0xb8;
	[tilespmem:$0x12548] =	vst v63  }
0x106: {  	s0 =	simm.s32 @!p1 $0x300;
	s1 =	simm.s32 @!p1 $0x9800  }
0x107: {  	[tilespmem:s1], [sflag:$0x7] =	stream.indirect.gather @!p1 [spmem:s3], $0x18, s0, s4, $0xb8;
	[tilespmem:$0x12548] =	vst v63  }
0x108: {  	s0 =	smov.u32 s19  }
0x109: {  	s0 =	simm.s32 @!p1 $0x380  }
0x10a: {  	[tilespmem:s22], [sflag:$0x8] =	stream.indirect.gather [spmem:s3], $0x18, s0, s21, $0xb8;
	[tilespmem:$0x12548] =	vst v63  }
0x10b: {  	_ =	swait.ge [sflag:s23], $0xC00  }
0x10c: {  	s11 =	sshra.s32 s12, $0x2;
	[sflag:s23] =	ssyncset.done $0x0  }
0x10d: {  	s4 =	sadd.s32 $0x2800, s11;
	s7 =	rddreg [dreg:$0x5];
	[sflag:s23] =	ssyncadd.s32 $0xFFFFF400  }
0x10e: {  	[spmem:s2] =	stream.indirect.scatter.add.bf16 [tilespmem:s7], [sflag:$0x9], $0x18, s4, s21, $0xb8;
	[tilespmem:$0x12548] =	vst v63  }
0x10f: {  	s1 =	sadd.s32 @p1 $0xFFFFFD00, s19;
	_ =	swait.ge [sflag:s24], $0xC00  }
0x110: {  	s1 =	simm.s32 @!p1 $0x80;
	[sflag:s24] =	ssyncset.done $0x0  }
0x111: {  	s1 =	sadd.s32 $0x2800, s1;
	s12 =	rddreg [dreg:$0x6];
	[sflag:s24] =	ssyncadd.s32 $0xFFFFF400  }
0x112: {  	[spmem:s2] =	stream.indirect.scatter.add.bf16 [tilespmem:s12], [sflag:$0xA], $0x18, s1, s21, $0xb8;
	[tilespmem:$0x12548] =	vst v63  }
0x113: {  	s1 =	sadd.s32 @p1 $0xFFFFFD80, s19;
	_ =	swait.ge [sflag:s25], $0xC00  }
0x114: {  	s1 =	simm.s32 @!p1 $0x100;
	[sflag:s25] =	ssyncset.done $0x0  }
0x115: {  	s13 =	rddreg [dreg:$0x7];
	s1 =	sadd.s32 $0x2800, s1;
	[sflag:s25] =	ssyncadd.s32 $0xFFFFF400  }
0x116: {  	[spmem:s2] =	stream.indirect.scatter.add.bf16 [tilespmem:s13], [sflag:$0xB], $0x18, s1, s21, $0xb8;
	[tilespmem:$0x12548] =	vst v63  }
0x117: {  	s1 =	sadd.s32 @p1 $0xFFFFFE00, s19;
	_ =	swait.ge [sflag:s26], $0xC00  }
0x118: {  	s1 =	simm.s32 @!p1 $0x180;
	[sflag:s26] =	ssyncset.done $0x0  }
0x119: {  	s14 =	rddreg [dreg:$0x8];
	s1 =	sadd.s32 $0x2800, s1;
	[sflag:s26] =	ssyncadd.s32 $0xFFFFF400  }
0x11a: {  	[spmem:s2] =	stream.indirect.scatter.add.bf16 [tilespmem:s14], [sflag:$0xC], $0x18, s1, s21, $0xb8;
	[tilespmem:$0x12548] =	vst v63  }
0x11b: {  	s1 =	sadd.s32 @p1 $0xFFFFFE80, s19;
	_ =	swait.ge [sflag:s28], $0xC00  }
0x11c: {  	s1 =	simm.s32 @!p1 $0x200;
	[sflag:s28] =	ssyncset.done $0x0  }
0x11d: {  	s18 =	rddreg [dreg:$0x9];
	s1 =	sadd.s32 $0x2800, s1;
	[sflag:s28] =	ssyncadd.s32 $0xFFFFF400  }
0x11e: {  	[spmem:s2] =	stream.indirect.scatter.add.bf16 [tilespmem:s18], [sflag:$0xD], $0x18, s1, s21, $0xb8;
	[tilespmem:$0x12548] =	vst v63  }
0x11f: {  	s1 =	sadd.s32 @p1 $0xFFFFFF00, s19;
	_ =	swait.ge [sflag:s29], $0xC00  }
0x120: {  	s1 =	simm.s32 @!p1 $0x280;
	[sflag:s29] =	ssyncset.done $0x0  }
0x121: {  	s20 =	rddreg [dreg:$0xa];
	s1 =	sadd.s32 $0x2800, s1;
	[sflag:s29] =	ssyncadd.s32 $0xFFFFF400  }
0x122: {  	[spmem:s2] =	stream.indirect.scatter.add.bf16 [tilespmem:s20], [sflag:$0xE], $0x18, s1, s21, $0xb8;
	[tilespmem:$0x12548] =	vst v63  }
0x123: {  	s1 =	sadd.s32 @p1 $0xFFFFFF80, s19;
	_ =	swait.ge [sflag:s30], $0xC00  }
0x124: {  	s1 =	simm.s32 @!p1 $0x300;
	[sflag:s30] =	ssyncset.done $0x0  }
0x125: {  	s5 =	rddreg [dreg:$0xb];
	s1 =	sadd.s32 $0x2800, s1;
	[sflag:s30] =	ssyncadd.s32 $0xFFFFF400  }
0x126: {  	[spmem:s2] =	stream.indirect.scatter.add.bf16 [tilespmem:s5], [sflag:$0xF], $0x18, s1, s21, $0xb8;
	[tilespmem:$0x12548] =	vst v63  }
0x127: {  	_ =	swait.ge [sflag:s31], $0xC00  }
0x128: {  	[sflag:s31] =	ssyncset.done $0x0  }
0x129: {  	s0 =	sadd.s32 $0x2800, s0;
	s7 =	simm.s32 $0x9;
	[sflag:s31] =	ssyncadd.s32 $0xFFFFF400  }
0x12a: {  	[spmem:s2] =	stream.indirect.scatter.add.bf16 [tilespmem:s22], [sflag:$0x10], $0x18, s0, s21, $0xb8;
	[tilespmem:$0x12548] =	vst v63  }
0x12b: {  	_ =	swait.ge [sflag:s7], $0xC00  }
0x12c: {  	[sflag:s7] =	ssyncset.done $0x0  }
0x12d: {  	s11 =	simm.s32 $0xA;
	[sflag:s7] =	ssyncadd.s32 $0xFFFFF400  }
0x12e: {  	_ =	swait.ge [sflag:s11], $0xC00  }
0x12f: {  	[sflag:s11] =	ssyncset.done $0x0  }
0x130: {  	s12 =	simm.s32 $0xB;
	[sflag:s11] =	ssyncadd.s32 $0xFFFFF400  }
0x131: {  	_ =	swait.ge [sflag:s12], $0xC00  }
0x132: {  	[sflag:s12] =	ssyncset.done $0x0  }
0x133: {  	s13 =	simm.s32 $0xC;
	[sflag:s12] =	ssyncadd.s32 $0xFFFFF400  }
0x134: {  	_ =	swait.ge [sflag:s13], $0xC00  }
0x135: {  	[sflag:s13] =	ssyncset.done $0x0  }
0x136: {  	s14 =	simm.s32 $0xD;
	[sflag:s13] =	ssyncadd.s32 $0xFFFFF400  }
0x137: {  	_ =	swait.ge [sflag:s14], $0xC00  }
0x138: {  	[sflag:s14] =	ssyncset.done $0x0  }
0x139: {  	s18 =	simm.s32 $0xE;
	[sflag:s14] =	ssyncadd.s32 $0xFFFFF400  }
0x13a: {  	_ =	swait.ge [sflag:s18], $0xC00  }
0x13b: {  	[sflag:s18] =	ssyncset.done $0x0  }
0x13c: {  	[sflag:s18] =	ssyncadd.s32 $0xFFFFF400  }
0x13d: {  	_ =	swait.ge [sflag:s8], $0xC00  }
0x13e: {  	[sflag:s8] =	ssyncset.done $0x0  }
0x13f: {  	[sflag:s8] =	ssyncadd.s32 $0xFFFFF400  }
0x140: {  	_ =	swait.ge [sflag:s9], $0xC00  }
0x141: {  	[sflag:s9] =	ssyncset.done $0x0  }
0x142: {  	[sflag:s9] =	ssyncadd.s32 $0xFFFFF400  }
0x143: {  	[bflag:$0x0] =	sbarrier.arrive $0xFFFF  }
0x144: {  	s19 =	rddreg [dreg:$0x12]  }
0x145: {  	[hbm:s19], [sflag:s6] =	dma.local [spmem:s15], $0x750  }
0x146: {  	_ =	swait.ge [sflag:s16], $0x750  }
0x147: {  	[sflag:s16] =	ssyncset.done $0x0  }
0x148: {  	s0 =	rddreg [dreg:$0x13];
	[sflag:s16] =	ssyncadd.s32 $0xFFFFF8B0  }
0x149: {  	[hbm:s0], [sflag:s6] =	dma.local @!p0 [spmem:s17], $0x30  }
0x14a: {  	s0 =	simm.s32 @!p0 $0x11  }
0x14b: {  	_ =	swait.ge @!p0 [sflag:s0], $0x30  }
0x14c: {  	s10 =	sadd.s32 $0x1, s10;
	s20 =	rddreg [dreg:$0x14]  }
0x14d: {  	p1 =	sne.s32 s10, s20  }
.Ltmp1:
0x14e: {  	_ = 	snop;
	(pc) =	sbr.rel @p1 .LBB2_1-.Ltmp1, $3  }
0x14f: {  	_ =	sdelay $0x1  }
0x150: {  	[sflag:s0] =	ssyncset.done @!p0 $0x0  }
0x151: {  	[sflag:s0] =	ssyncadd.s32 @!p0 $0xFFFFFFD0  }
0x152: {  	_ =	sfence.sel $0x180000  }
0x153: {  	[bflag:$0x0] =	sbarrier.arrive $0xFFFF  }
0x154: {  	_ =	strace $0x9000004D  }
0x155: {  	s0 =	stileid.u32;
	[bflag:$0x2] =	sbarrier.arrive $0xFFFF  }
0x156: {  	p0 =	sne.s32 s0, $0x0;
	s0 =	rddreg [dreg:$0x4]  }
0x157: {  	s0 =	sadd.s32 @!p0 $0x100000, s0  }
0x158: {  	[sflag:s0] =	ssyncadd.tile.s32 @!p0 $0x1;
	_ =	shalt  }
.Lfunc_end2:
_tile_overlayer_lowered:
.L_overlay_start_2:
0x159: {  	(tag) =	ssettag $0x2  }
0x15a: {  	s0 =	rddreg [dreg:$0x0];
	s2 =	stileid.u32  }
0x15b: {  	s1 =	rddreg [dreg:$0x1];
	p0 =	sne.s32 s2, $0x0  }
0x15c: {  	s3 =	rddreg [dreg:$0x2];
	[bflag:$0x3] =	sbarrier.arrive $0xFFFF;
	s2 =	simm.s32 @!p0 $0x1C11  }
0x15d: {  	[timem:s3], [sflag:s2] =	dma.local @!p0 [hbm:s0], s1  }
0x15e: {  	s0 =	simm.s32 @!p0 $0x11  }
0x15f: {  	_ =	swait.ge @!p0 [sflag:s0], s1  }
0x160: {  	s1 =	ssub.s32 @!p0 $0x0, s1;
	[sflag:s0] =	ssyncset.done @!p0 $0x0  }
0x161: {  	[sflag:s0] =	ssyncadd.s32 @!p0 s1  }
0x162: {  	[bflag:$0x3] =	sbarrier.arrive $0xFFFF  }
0x163: {  	_ =	shalt  }

// kernel: kernel.8.cloned.1.call-start
scs
__scs_entry_jumppad:
0x0: {  	(pc) =	sbr.rel $0x88, $3  }
0x1: {  	(tag) =	ssettag $0x0;
	lr =	simm.s32 $0x1  }
0x2: {  	[smem:$0x3F9B] =	sst lr;
	_ =	strace $0xD0000000  }
0x3: {  	_ = 	snop  }
0x4: {  	_ = 	snop  }
0x5: {  	_ = 	snop  }
0x6: {  	_ = 	snop  }
0x7: {  	_ = 	snop  }
__scs_overlays_trampoline_lowered:
0x8: {  	[smem:$0x3FAA] =	sst s0  }
0x9: {  	[smem:$0x3FAB] =	sst s1  }
0xa: {  	[smem:$0x3FAC] =	sst s2  }
0xb: {  	[smem:$0x3FAD] =	sst s3  }
0xc: {  	[smem:$0x3FAE] =	sst s4  }
0xd: {  	[smem:$0x3FAF] =	sst s5  }
0xe: {  	[smem:$0x3FB0] =	sst s6  }
0xf: {  	[smem:$0x3FB1] =	sst s7  }
0x10: {  	[smem:$0x3FB2] =	sst s8  }
0x11: {  	[smem:$0x3FB3] =	sst s9;
	s0 =	simm.s32 @!p0 $0x0  }
0x12: {  	s1 =	sld [smem:$0x3F99];
	s0 =	simm.s32 @p0 $0x1  }
0x13: {  	[smem:$0x3FB4] =	sst s0;
	s0 =	simm.s32 @!p1 $0x0  }
0x14: {  	s2 =	sld [smem:$0x3F98];
	s0 =	simm.s32 @p1 $0x1  }
0x15: {  	[smem:$0x3FB5] =	sst s0;
	s0 =	simm.s32 @!p2 $0x0  }
0x16: {  	s3 =	sld [smem:$0x3FDB];
	s0 =	simm.s32 @p2 $0x1  }
0x17: {  	s4 =	simm.s32 $0x1BF5;
	[smem:$0x3FB7] =	sst s0  }
0x18: {  	s0 =	sld [smem:$0x3F9A];
	_ =	swait.ge [sflag:s4], $0x0  }
0x19: {  	s7 =	sld [smem:$0x3F9B]  }
0x1a: {  	s8 =	sadd.s32 $0xFFFFE003, lr  }
0x1b: {  	s9 =	sadd.s32 $0xFFFFFEF7, lr;
	s5 =	simm.s32 $0xFFFFFFFF;
	p2 =	slt.u32 s8, $0xFFFFF086  }
0x1c: {  	p1 =	slt.u32 s9, $0xF7A;
	s5 =	simm.s32 @!p2 $0x0  }
0x1d: {  	s5 =	simm.s32 @p1 $0x1;
	p0 =	seq.s32 s7, s2  }
0x1e: {  	s7 =	smul.u32 @!p0 $0xF7A, s2;
	p2 =	seq.s32 @!p0 s5, $0x0  }
0x1f: {  	s9 =	smul.u32 $0xF7A, s1;
	s8 =	simm.s32 @!p0 $0x1BF5;
	p2 =	por !p2, p0  }
0x20: {  	[sflag:s8] =	ssyncset.s32 @!p0 $0xFFFFF086;
	s6 =	sadd.s32 @!p0 s3, s7;
	s7 =	simm.s32 @!p0 $0x108  }
0x21: {  	s3 =	sadd.s32 s3, s9;
	s6 =	sadd.s32 @!p0 $0x88, s6;
	s7 =	simm.s32 @p2 $0x1082  }
0x22: {  	[simem:s7], [sflag:s8] =	dma.local @!p0 [hbm:s6], $0xF7A  }
0x23: {  	s9 =	sor.u32 $0xD0000000, s2;
	s6 =	simm.s32 $0x108;
	_ =	swait.ge @!p0 [sflag:s8], $0x0  }
0x24: {  	s3 =	sadd.s32 $0x88, s3;
	s6 =	simm.s32 @!p1 $0x1082;
	[sflag:s4] =	ssyncset.s32 $0xFFFFF086  }
0x25: {  	[simem:s6], [sflag:s4] =	dma.local [hbm:s3], $0xF7A  }
0x26: {  	[smem:$0x3F9B] =	sst s1;
	(tag) =	ssettag s2;
	_ =	strace s9  }
0x27: {  	s1 =	sld [smem:$0x3FAB]  }
0x28: {  	s2 =	sld [smem:$0x3FAC]  }
0x29: {  	s4 =	sld [smem:$0x3FAE]  }
0x2a: {  	p0 =	seq.s32 s5, $0x0;
	s5 =	sld [smem:$0x3FAF]  }
0x2b: {  	s6 =	sld [smem:$0x3FB0]  }
0x2c: {  	s7 =	sld [smem:$0x3FB1]  }
0x2d: {  	s3 =	simm.s32 $0x108;
	s8 =	sld [smem:$0x3FB2]  }
0x2e: {  	s3 =	simm.s32 @!p0 $0x1082;
	s9 =	sld [smem:$0x3FB3]  }
0x2f: {  	lr =	sadd.s32 s0, s3;
	s0 =	sld [smem:$0x3FAA]  }
0x30: {  	s3 =	sld [smem:$0x3FAD]  }
0x31: {  	[smem:$0x3FB6] =	sst s10  }
0x32: {  	s10 =	sld [smem:$0x3FB4];
	_ =	sdelay $0x3  }
0x33: {  	p0 =	seq.s32 s10, $0x1;
	s10 =	sld [smem:$0x3FB6];
	_ =	sdelay $0x3  }
0x34: {  	[smem:$0x3FB6] =	sst s10  }
0x35: {  	s10 =	sld [smem:$0x3FB5];
	_ =	sdelay $0x3  }
0x36: {  	p1 =	seq.s32 s10, $0x1;
	s10 =	sld [smem:$0x3FB6];
	_ =	sdelay $0x3  }
0x37: {  	[smem:$0x3FB6] =	sst s10  }
0x38: {  	s10 =	sld [smem:$0x3FB7]  }
0x39: {  	_ = 	snop;
	(pc) =	sbr.ind lr, $3  }
0x3a: {  	_ = 	snop  }
0x3b: {  	_ = 	snop  }
0x3c: {  	p2 =	seq.s32 s10, $0x1;
	s10 =	sld [smem:$0x3FB6]  }
0x3d: {  	_ =	shalt  }
0x3e: {  	_ =	shalt  }
0x3f: {  	_ =	shalt  }
0x40: {  	_ =	shalt  }
0x41: {  	_ =	shalt  }
0x42: {  	_ =	shalt  }
0x43: {  	_ =	shalt  }
0x44: {  	_ =	shalt  }
0x45: {  	_ =	shalt  }
0x46: {  	_ =	shalt  }
0x47: {  	_ =	shalt  }
0x48: {  	_ =	shalt  }
0x49: {  	_ =	shalt  }
0x4a: {  	_ =	shalt  }
0x4b: {  	_ =	shalt  }
0x4c: {  	_ =	shalt  }
0x4d: {  	_ =	shalt  }
0x4e: {  	_ =	shalt  }
0x4f: {  	_ =	shalt  }
0x50: {  	_ =	shalt  }
0x51: {  	_ =	shalt  }
0x52: {  	_ =	shalt  }
0x53: {  	_ =	shalt  }
0x54: {  	_ =	shalt  }
0x55: {  	_ =	shalt  }
0x56: {  	_ =	shalt  }
0x57: {  	_ =	shalt  }
0x58: {  	_ =	shalt  }
0x59: {  	_ =	shalt  }
0x5a: {  	_ =	shalt  }
0x5b: {  	_ =	shalt  }
0x5c: {  	_ =	shalt  }
0x5d: {  	_ =	shalt  }
0x5e: {  	_ =	shalt  }
0x5f: {  	_ =	shalt  }
0x60: {  	_ =	shalt  }
0x61: {  	_ =	shalt  }
0x62: {  	_ =	shalt  }
0x63: {  	_ =	shalt  }
0x64: {  	_ =	shalt  }
0x65: {  	_ =	shalt  }
0x66: {  	_ =	shalt  }
0x67: {  	_ =	shalt  }
0x68: {  	_ =	shalt  }
0x69: {  	_ =	shalt  }
0x6a: {  	_ =	shalt  }
0x6b: {  	_ =	shalt  }
0x6c: {  	_ =	shalt  }
0x6d: {  	_ =	shalt  }
0x6e: {  	_ =	shalt  }
0x6f: {  	_ =	shalt  }
0x70: {  	_ =	shalt  }
0x71: {  	_ =	shalt  }
0x72: {  	_ =	shalt  }
0x73: {  	_ =	shalt  }
0x74: {  	_ =	shalt  }
0x75: {  	_ =	shalt  }
0x76: {  	_ =	shalt  }
0x77: {  	_ =	shalt  }
0x78: {  	_ =	shalt  }
0x79: {  	_ =	shalt  }
0x7a: {  	_ =	shalt  }
0x7b: {  	_ =	shalt  }
0x7c: {  	_ =	shalt  }
0x7d: {  	_ =	shalt  }
0x7e: {  	_ =	shalt  }
0x7f: {  	_ =	shalt  }
0x80: {  	_ =	shalt  }
0x81: {  	_ =	shalt  }
0x82: {  	_ =	shalt  }
0x83: {  	_ =	shalt  }
0x84: {  	_ =	shalt  }
0x85: {  	_ =	shalt  }
0x86: {  	_ =	shalt  }
0x87: {  	_ =	shalt  }
.Lfunc_end0:
.L_simem_size_0:
called_computation_lowered:
.L_overlay_start_0:
0x88: {  	s2 =	sld [smem:$0x3FD9]  }
0x89: {  	s3 =	sld [smem:$0x3FFE];
	_ =	sdelay $0x1  }
0x8a: {  	s1 =	srdreg.scid  }
0x8b: {  	s0 =	sand.u32 $0x1, s1  }
0x8c: {  	s17 =	sshll.u32 s0, $0xA;
	s2 =	sadd.s32 s3, s2  }
0x8d: {  	s2 =	sadd.s32 s2, s17  }
0x8e: {  	[smem:$0x3FC2] =	sst s2  }
0x8f: {  	_ = 	snop  }
0x90: {  	s2 =	sld [smem:$0x3FD0];
	(tm) =	ssettm $0x1  }
0x91: {  	s18 =	sld [smem:$0x3FFB];
	_ =	sdelay $0x3  }
0x92: {  	_ =	strace s18  }
0x93: {  	s3 =	sld [smem:$0x3FFC];
	_ =	sdelay $0x3  }
0x94: {  	_ =	strace s3  }
0x95: {  	s3 =	sld [smem:$0x3FFD];
	_ =	sdelay $0x3  }
0x96: {  	_ =	strace s3  }
0x97: {  	_ =	strace $0x8FFFFFFF  }
0x98: {  	s19 =	sld [smem:$0x3FDB];
	_ =	sdelay $0x1  }
0x99: {  	s4 =	simm.s32 $_scs_section_size  }
0x9a: {  	s5 =	simm.s32 $_size__tile_overlayer_lowered;
	s6 =	simm.s32 $_tile_overlayer_lowered  }
0x9b: {  	s22 =	simm.s32 $0x1BFF;
	s21 =	sshll.u32 s6, $0x1;
	s3 =	sadd.s32 s4, s19  }
0x9c: {  	s7 =	simm.s32 $0x0;
	s20 =	sshll.u32 s5, $0x1;
	s5 =	sadd.s32 s21, s3  }
0x9d: {  	[timem:s7], [sflag:s22] =	dma.local [hbm:s5], s20  }
0x9e: {  	_ =	swait.ge [sflag:s22], s20  }
0x9f: {  	s4 =	ssub.s32 $0x0, s20;
	[sflag:s22] =	ssyncset.done $0x0  }
0xa0: {  	[sflag:s22] =	ssyncadd.s32 s4;
	_ =	sdelay $0x1  }
0xa1: {  	s23 =	simm.s32 $0x1B8B  }
0xa2: {  	_ =	swait.ge [sflag:s23], $0x1  }
0xa3: {  	[sflag:s23] =	ssyncset.done $0x0  }
0xa4: {  	s25 =	simm.s32 $0x1B8E;
	s24 =	sld [smem:$0x3FFE];
	[sflag:s23] =	ssyncadd.s32 $0xFFFFFFFF  }
0xa5: {  	s26 =	simm.s32 $execute0_lowered;
	[smem:$0x3FD2] =	sst s25  }
0xa6: {  	s5 =	sshll.u32 s26, $0x1;
	_ =	strace $0x80000046;
	[dreg:$0x1] =	wrdreg $0xFFFFFFFF  }
0xa7: {  	s28 =	simm.s32 $_size_execute0_lowered;
	s3 =	sadd.s32 s3, s5;
	[dreg:$0x0] =	wrdreg $0x0  }
0xa8: {  	s5 =	sshll.u32 s28, $0x1;
	[dreg:$0x2] =	wrdreg s3  }
0xa9: {  	[dreg:$0x3] =	wrdreg s5  }
0xaa: {  	[dreg:$0x4] =	wrdreg $0xC0  }
0xab: {  	_ =	task [dreg:s7], $0x5FFFF  }
0xac: {  	[dreg:$0x1] =	wrdreg $0xFFFFFFFF  }
0xad: {  	[dreg:$0x0] =	wrdreg $0x60  }
0xae: {  	[dreg:$0x2] =	wrdreg s24  }
0xaf: {  	[dreg:$0x3] =	wrdreg s2  }
0xb0: {  	[dreg:$0x4] =	wrdreg $0x2C000  }
0xb1: {  	[dreg:$0x5] =	wrdreg $0x9  }
0xb2: {  	_ =	task.clear_ibuf [dreg:s7], $0x6FFFF;
	_ =	strace $0x90000046  }
0xb3: {  	s29 =	simm.s32 $0x9;
	_ =	strace $0x80000048  }
0xb4: {  	_ =	swait.ge [sflag:s29], $0x1  }
0xb5: {  	[sflag:s29] =	ssyncadd.s32 $0xFFFFFFFF  }
0xb6: {  	_ =	strace $0x90000048  }
0xb7: {  	_ =	sfence  }
0xb8: {  	s30 =	sld [smem:$0x0];
	_ =	sdelay $0x2  }
0xb9: {  	s31 =	sshll.u32 s1, $0xD;
	s1 =	sshrl.u32 s1, $0x2  }
0xba: {  	s3 =	sand.u32 $0x4000, s31;
	s1 =	sadd.s32 s1, s30  }
0xbb: {  	s0 =	sor.u32 s3, s0;
	s1 =	sshll.u32 s1, $0x11  }
0xbc: {  	s0 =	sor.u32 s1, s0  }
0xbd: {  	s0 =	sadd.s32 $0x8F2B, s0  }
0xbe: {  	[sflag:s0] =	ssyncadd.remote.s32 $0x1  }
0xbf: {  	_ =	sfence.sel $0xFFFF  }
0xc0: {  	[dreg:$0x0] =	wrdreg $0xFFFFFFFF;
	(pc) =	sbr.abs _section_cstart, $3  }
0xc1: {  	[dreg:$0x1] =	wrdreg $0xFFFFFFFF  }
0xc2: {  	_ =	task.clear_ibuf [dreg:s7], $0x2FFFF;
	_ =	strace $0x9FFFFFFF  }
0xc3: {  	(tm) =	ssettm $0x7FFFFFFF  }
tec
execute0_lowered:
.L_overlay_start_1:
0x0: {  	(tag) =	ssettag $0x1  }
0x1: {  	s7 =	rddreg [dreg:$0x0]  }
0x2: {  	s8 =	rddreg [dreg:$0x1]  }
0x3: {  	s2 =	rddreg [dreg:$0x2]  }
0x4: {  	s0 =	rddreg [dreg:$0x3];
	s3 =	simm.s32 $0x0  }
0x5: {  	s1 =	stileid.u32;
	s4 =	srdreg.scid;
	s16 =	simm.s32 $0x80  }
0x6: {  	s17 =	simm.s32 $0x1;
	s18 =	simm.s32 $0x0;
	[smem:$0x7FF] =	sst s3  }
0x7: {  	s9 =	smul.u32 $0x1380, s1;
	s5 =	sand.u32 $0x1, s4;
	s4 =	sadd.s32 $0xE000, s7  }
0x8: {  	s12 =	sshll.u32 s1, $0x1;
	s13 =	sadd.s32 $0xE200, s7;
	s14 =	sshll.u32 s1, $0x6  }
0x9: {  	p0 =	sne.s32 s1, $0xF;
	_ =	strace $0x80000047;
	s10 =	ssub.s32 $0x2, s5  }
0xa: {  	s30 =	sor.u32 s5, s12;
	s15 =	smul.u32 $0x13880, s5;
	s6 =	sshrl.u32 s9, $0x3  }
0xb: {  	s11 =	sshrl.u32 s10, $0x1;
	s31 =	sadd.s32 s9, s2;
	s6 =	sadd.s32 s6, s7  }
0xc: {  	s11 =	ssub.s32 s10, s11;
	s10 =	smul.u32 $0x500, s30;
	s9 =	sadd.s32 s9, s15  }
0xd: {  	s15 =	sshrl.u32 s15, $0x3;
	s7 =	sadd.s32 $0xDF00, s7;
	s12 =	sshrl.u32 s31, $0x3  }
0xe: {  	s5 =	sadd.s32 $0xB800, s6;
	s6 =	sor.u32 $0x1C02, s14;
	s14 =	sadd.s32 $0x13800, s2  }
0xf: {  	s9 =	sshrl.u32 s9, $0x3;
	s15 =	sadd.s32 s13, s15;
	s11 =	smax.u32 s11, $0x1  }
0x10: {  	s8 =	sadd.s32 s8, s10;
	s9 =	sadd.s32 s13, s9;
	s10 =	sadd.s32 $0x2700, s15  }
0x11: {  	s13 =	simm.s32 $0x2;
	s14 =	sshrl.u32 @!p0 s14, $0x3;
	s15 =	simm.s32 $0x2800  }
.LBB2_1:
0x12: {  	[spmem:s12], [sflag:s6] =	dma.local [hbm:s5], $0x270  }
0x13: {  	_ =	swait.ge [sflag:s13], $0x270  }
0x14: {  	[sflag:s13] =	ssyncset.done $0x0  }
0x15: {  	s19 =	simm.s32 @!p0 $0x2;
	[sflag:s13] =	ssyncadd.s32 $0xFFFFFD90  }
0x16: {  	[spmem:s14], [sflag:s6] =	dma.local @!p0 [hbm:s7], $0x20  }
0x17: {  	_ =	swait.ge @!p0 [sflag:s19], $0x20  }
0x18: {  	[sflag:s19] =	ssyncset.done @!p0 $0x0  }
0x19: {  	[sflag:s19] =	ssyncadd.s32 @!p0 $0xFFFFFFE0  }
0x1a: {  	[tilespmem:s15], [sflag:$0x2] =	stream.linear.gather [hbm4b:s4+s3], $0x400, $0x38;
	[tilespmem:$0x3F90] =	vst v63  }
0x1b: {  	_ =	swait.ge [sflag:s13], $0x400  }
0x1c: {  	[sflag:s13] =	ssyncset.done $0x0  }
0x1d: {  	[sflag:s13] =	ssyncadd.s32 $0xFFFFFC00  }
0x1e: {  	[tilespmem:s3], [sflag:$0x2] =	stream.linear.gather [hbm4b:s8+s3], $0x2800, $0x38;
	[tilespmem:$0x3F90] =	vst v63  }
0x1f: {  	_ =	swait.ge [sflag:s13], $0x2800  }
0x20: {  	[sflag:s13] =	ssyncset.done $0x0  }
0x21: {  	[sflag:s13] =	ssyncadd.s32 $0xFFFFD800  }
0x22: {  	s19 =	simm.s32 $0x0;
	[bflag:$0x0] =	sbarrier.arrive $0xFFFF  }
.LBB2_2:
0x23: {  	p1 =	sne.s32 s19, $0x9E00  }
.Ltmp0:
0x24: {  	_ = 	snop;
	(pc) =	sbr.rel @p1 .LBB2_2-.Ltmp0, $3  }
0x25: {  	_ =	sdelay $0x1  }
0x26: {  	s20 =	sshra.s32 s19, $0x2;
	s19 =	sadd.s32 $0x200, s19  }
0x27: {  	[spmem:s2] =	stream.indirect.scatter.add.f32 [tilespmem:s15], [sflag:$0x1], $0x8, s20, s16, $0xb8;
	[tilespmem:$0x3F90] =	vst v63  }
0x28: {  	_ =	swait.ge [sflag:s17], $0x400  }
0x29: {  	s19 =	simm.s32 $0x4F;
	[sflag:s17] =	ssyncset.done $0x0  }
.LBB2_4:
0x2a: {  	p1 =	sne.s32 s19, $0x1;
	s19 =	sadd.s32 $0xFFFFFFFF, s19;
	[sflag:s17] =	ssyncadd.s32 $0xFFFFFC00  }
.Ltmp1:
0x2b: {  	(pc) =	sbr.rel @p1 .LBB2_4-.Ltmp1, $3  }
0x2c: {  	_ =	sdelay $0x1  }
0x2d: {  	_ =	swait.ge [sflag:s17], $0x400  }
0x2e: {  	[sflag:s17] =	ssyncset.done $0x0  }
0x2f: {  	[sflag:s17] =	ssyncadd.s32 $0xFFFFFC00  }
0x30: {  	[bflag:$0x0] =	sbarrier.arrive $0xFFFF  }
0x31: {  	[hbm:s9], [sflag:s6] =	dma.local [spmem:s12], $0x270  }
0x32: {  	s18 =	sadd.s32 $0x1, s18;
	_ =	swait.ge [sflag:s13], $0x270  }
0x33: {  	p1 =	sne.s32 s18, s11;
	[sflag:s13] =	ssyncset.done $0x0  }
.Ltmp2:
0x34: {  	s19 =	simm.s32 @!p0 $0x2;
	[sflag:s13] =	ssyncadd.s32 $0xFFFFFD90;
	(pc) =	sbr.rel @p1 .LBB2_1-.Ltmp2, $4  }
0x35: {  	[hbm:s10], [sflag:s6] =	dma.local @!p0 [spmem:s14], $0x10  }
0x36: {  	_ =	swait.ge @!p0 [sflag:s19], $0x10  }
0x37: {  	[sflag:s19] =	ssyncset.done @!p0 $0x0  }
0x38: {  	[sflag:s19] =	ssyncadd.s32 @!p0 $0xFFFFFFF0  }
0x39: {  	_ =	sfence.sel $0x180000  }
0x3a: {  	[bflag:$0x0] =	sbarrier.arrive $0xFFFF  }
0x3b: {  	p0 =	sne.s32 s1, $0x0;
	_ =	strace $0x90000047  }
0x3c: {  	s0 =	sadd.s32 @!p0 $0x100000, s0;
	[bflag:$0x2] =	sbarrier.arrive $0xFFFF  }
0x3d: {  	[sflag:s0] =	ssyncadd.tile.s32 @!p0 $0x1;
	_ =	shalt  }
.Lfunc_end2:
_tile_overlayer_lowered:
.L_overlay_start_2:
0x3e: {  	(tag) =	ssettag $0x2  }
0x3f: {  	s0 =	rddreg [dreg:$0x0];
	s2 =	stileid.u32  }
0x40: {  	s1 =	rddreg [dreg:$0x1];
	p0 =	sne.s32 s2, $0x0  }
0x41: {  	s3 =	rddreg [dreg:$0x2];
	[bflag:$0x3] =	sbarrier.arrive $0xFFFF;
	s2 =	simm.s32 @!p0 $0x1C02  }
0x42: {  	[timem:s3], [sflag:s2] =	dma.local @!p0 [hbm:s0], s1  }
0x43: {  	s0 =	simm.s32 @!p0 $0x2  }
0x44: {  	_ =	swait.ge @!p0 [sflag:s0], s1  }
0x45: {  	s1 =	ssub.s32 @!p0 $0x0, s1;
	[sflag:s0] =	ssyncset.done @!p0 $0x0  }
0x46: {  	[sflag:s0] =	ssyncadd.s32 @!p0 s1  }
0x47: {  	[bflag:$0x3] =	sbarrier.arrive $0xFFFF  }
0x48: {  	_ =	shalt  }

</sc_bundles>
